<compile_context>
chip_gen: v7x
topology: tpu7x:2x2x1
jax: 0.10.2.dev20260603
libtpu: 0.0.44.dev20260713+nightly
codegen_flags: <defaults>
</compile_context>

<pallas_src>
import jax
import jax.numpy as jnp
from jax import lax
from jax.experimental import pallas as pl
from jax.experimental.pallas import tpu as pltpu
from jax.experimental.pallas import tpu_sc as plsc

VOCAB = 1000000
EMB = 32
BATCH = 4096
HIST = 200

NC = 2
NS = 16
NW = NC * NS

BW = BATCH // NW
LANES = 16
NG = 2
TROWS = VOCAB // 4

TCOLS = VOCAB // 128
TREM = VOCAB - TCOLS * 128


def _transpose_block(src, dst, jmax):
    lane = lax.iota(jnp.int32, LANES)
    lane32 = lane * EMB

    def diag4(d4, carry):
        for dd in range(4):
            d = d4 * 4 + dd
            emod = jnp.bitwise_and(lane + d, LANES - 1)
            base = lane32 + emod
            for eg in (0, LANES):
                for j0 in range(0, jmax, LANES):
                    jv = lane + j0
                    v = plsc.load_gather(src, [emod + eg, jv])
                    addr = base + (j0 * EMB + eg)
                    plsc.store_scatter(
                        dst, [lax.shift_right_logical(addr, 7),
                              jnp.bitwise_and(addr, 127)], v)
        return carry

    lax.fori_loop(0, LANES // 4, diag4, 0)


def _relayout_body(tbl_t, out_hbm, ibufs, obufs, isems, osems):
    wid = lax.axis_index("s") * NC + lax.axis_index("c")
    nblk = (TCOLS + NW - 1) // NW

    def fire_read(i, p):
        c0 = pl.multiple_of((wid + NW * i) * 128, 128)
        pltpu.async_copy(tbl_t.at[:, pl.ds(c0, 128)], ibufs[p], isems[p])

    def wait_read(p):
        pltpu.make_async_copy(tbl_t.at[:, pl.ds(0, 128)], ibufs[p],
                              isems[p]).wait()

    def fire_write(i, p):
        r0 = pl.multiple_of((wid + NW * i) * EMB, EMB)
        pltpu.async_copy(obufs[p], out_hbm.at[pl.ds(r0, EMB)], osems[p])

    def wait_write(p):
        pltpu.make_async_copy(obufs[p], out_hbm.at[pl.ds(0, EMB)],
                              osems[p]).wait()

    fire_read(0, 0)

    def step(i2, carry):
        for k in range(2):
            i = 2 * i2 + k
            p = k

            @pl.when(wid + NW * i < TCOLS)
            def _():
                @pl.when(wid + NW * (i + 1) < TCOLS)
                def _():
                    fire_read(i + 1, 1 - p)

                wait_read(p)

                @pl.when(i >= 2)
                def _():
                    wait_write(p)

                _transpose_block(ibufs[p], obufs[p], 128)
                fire_write(i, p)

        return carry

    lax.fori_loop(0, (nblk + 1) // 2, step, 0)
    wait_write(0)
    wait_write(1)

    @pl.when(wid == 0)
    def _():
        cstart = pl.multiple_of(jnp.int32(TCOLS) * 128, 128)
        pltpu.async_copy(tbl_t.at[:, pl.ds(cstart, 128)], ibufs[0], isems[0])
        pltpu.make_async_copy(tbl_t.at[:, pl.ds(0, 128)], ibufs[0],
                              isems[0]).wait()
        _transpose_block(ibufs[0], obufs[0], TREM)
        nrow = (TREM * EMB) // 128
        pltpu.sync_copy(obufs[0].at[pl.ds(0, nrow)],
                        out_hbm.at[pl.ds(TCOLS * EMB, nrow)])


def _gather_body(table_hbm, idx_hbm, out_hbm, idx_v, gbufs, tbufs, rbufs,
                 gsems, wsems):
    wid = lax.axis_index("s") * NC + lax.axis_index("c")
    b0 = wid * BW
    pltpu.sync_copy(idx_hbm.at[:, pl.ds(b0, BW)], idx_v)

    def fire_gather(h, g):
        r = rbufs[g]
        for j0 in range(0, BW, LANES):
            v = idx_v[h, pl.ds(j0, LANES)]
            r[pl.ds(j0, LANES)] = lax.shift_right_logical(v, 2)
        pltpu.async_copy(table_hbm.at[r], gbufs[g], gsems[g])

    def wait_gather(g):
        pltpu.make_async_copy(table_hbm.at[rbufs[0]], gbufs[g],
                              gsems[g]).wait()

    def fire_write(h, p):
        pltpu.async_copy(tbufs[p], out_hbm.at[h, :, pl.ds(b0, BW)], wsems[p])

    def wait_write(p):
        pltpu.make_async_copy(tbufs[p], out_hbm.at[0, :, pl.ds(b0, BW)],
                              wsems[p]).wait()

    def transpose(h, g, p):
        src, dst = gbufs[g], tbufs[p]
        lane = lax.iota(jnp.int32, LANES)
        qs = [lax.shift_left(jnp.bitwise_and(idx_v[h, pl.ds(j0, LANES)], 3),
                             5)
              for j0 in range(0, BW, LANES)]
        rows = [lane + j0 for j0 in range(0, BW, LANES)]

        def diag(d, carry):
            emod = jnp.bitwise_and(lane + d, LANES - 1)
            for eg in (0, LANES):
                erow = emod + eg
                for i in range(BW // LANES):
                    v = plsc.load_gather(src, [rows[i], qs[i] + erow])
                    plsc.store_scatter(dst, [erow, rows[i]], v)
            return carry

        lax.fori_loop(0, LANES, diag, 0)

    for g in range(NG):
        fire_gather(g, g)

    def step(i, carry):
        h = NG * i
        for k in range(NG):
            p = k % 2
            wait_gather(k)

            @pl.when(i > 0)
            def _():
                wait_write(p)

            transpose(h + k, k, p)

            @pl.when(h + k + NG < HIST)
            def _():
                fire_gather(h + k + NG, k)

            fire_write(h + k, p)
        return carry

    lax.fori_loop(0, HIST // NG, step, 0)
    wait_write(0)
    wait_write(1)


@jax.jit
def _run(token_table_t, idx_t):
    mesh = plsc.VectorSubcoreMesh(core_axis_name="c", subcore_axis_name="s")
    relayout = pl.kernel(
        _relayout_body,
        out_type=jax.ShapeDtypeStruct((TROWS, 128), jnp.float32),
        mesh=mesh,
        scratch_types=[
            [pltpu.VMEM((EMB, 128), jnp.float32) for _ in range(2)],
            [pltpu.VMEM((EMB, 128), jnp.float32) for _ in range(2)],
            [pltpu.SemaphoreType.DMA for _ in range(2)],
            [pltpu.SemaphoreType.DMA for _ in range(2)],
        ],
        compiler_params=pltpu.CompilerParams(use_tc_tiling_on_sc=True,
                                             needs_layout_passes=False,
                                             disable_bounds_checks=True),
    )
    table128 = relayout(token_table_t)

    gather = pl.kernel(
        _gather_body,
        out_type=jax.ShapeDtypeStruct((HIST, EMB, BATCH), jnp.float32),
        mesh=mesh,
        scratch_types=[
            pltpu.VMEM((HIST, BW), jnp.int32),
            [pltpu.VMEM((BW, 128), jnp.float32) for _ in range(NG)],
            [pltpu.VMEM((EMB, BW), jnp.float32) for _ in range(2)],
            [pltpu.VMEM((BW,), jnp.int32) for _ in range(NG)],
            [pltpu.SemaphoreType.DMA for _ in range(NG)],
            [pltpu.SemaphoreType.DMA for _ in range(2)],
        ],
        compiler_params=pltpu.CompilerParams(use_tc_tiling_on_sc=True,
                                             needs_layout_passes=False),
    )
    return gather(table128, idx_t)


def kernel(node_feats, node_lens, token_table):
    del node_lens
    idx_t = node_feats.T.astype(jnp.int32)
    out_t = _run(token_table.T, idx_t)
    return out_t.transpose(2, 0, 1)

# --- scband reference (transcript-rebuilt; emitter-appended) ---
"""Pipeline reference for scband-single-embed-node-37469294691130 (READ-ONLY COPY).

The authoritative reference and input builder live on the scoring server;
editing this copy changes nothing except your own understanding.
"""

import jax, jax.numpy as jnp
import numpy as np

VOCAB = 1000000
EMB = 32
BATCH = 4096
HIST = 200
PAD_IDX = 3


def setup_inputs(seed: int = 0) -> dict:
    key = jax.random.key(seed)
    k1, k2, k3 = jax.random.split(key, 3)
    node_feats = jax.random.randint(k1, (BATCH, HIST), 0, VOCAB, dtype=jnp.int64 if jax.config.jax_enable_x64 else jnp.int32)
    node_lens = jax.random.randint(k2, (BATCH,), 0, HIST, dtype=jnp.int64 if jax.config.jax_enable_x64 else jnp.int32)
    token_table = jax.random.normal(k3, (VOCAB, EMB), dtype=jnp.float32)
    # nn.Embedding with padding_idx=3 zero-initializes that row
    token_table = token_table.at[PAD_IDX].set(0.0)
    return {"node_feats": node_feats, "node_lens": node_lens, "token_table": token_table}


def reference(node_feats, node_lens, token_table):
    # SingleEmbedNode.forward: embed_feats = self.token_embedding(node_feats)
    # node_lens is accepted but unused in forward.
    # padding_idx=3 row is forced to zero (matches torch Embedding semantics).
    tbl = token_table.at[PAD_IDX].set(0.0)
    embed_feats = jnp.take(tbl, node_feats, axis=0)
    return embed_feats

if __name__ == "__main__":
    import jax
    _d = setup_inputs()
    print(jax.jit(kernel)(*tuple(_d.values())))

</pallas_src>

<mosaic_0001>
#map = affine_map<(d0, d1) -> (0, 0)>
#map1 = affine_map<(d0, d1) -> (0, 0, 0)>
module attributes {stable_mosaic.version = 14 : i64} {
  func.func @_gather_body(%arg0: i32, %arg1: i32, %arg2: memref<250000x128xf32, #tpu.memory_space<hbm>>, %arg3: memref<200x4096xi32, #tpu.memory_space<hbm>>, %arg4: memref<200x32x4096xf32, #tpu.memory_space<hbm>>, %arg5: memref<200x128xi32, #tpu.memory_space<vmem>>, %arg6: memref<128x128xf32, #tpu.memory_space<vmem>>, %arg7: memref<128x128xf32, #tpu.memory_space<vmem>>, %arg8: memref<32x128xf32, #tpu.memory_space<vmem>>, %arg9: memref<32x128xf32, #tpu.memory_space<vmem>>, %arg10: memref<128xi32, #tpu.memory_space<vmem>>, %arg11: memref<128xi32, #tpu.memory_space<vmem>>, %arg12: memref<!tpu.dma_semaphore, #tpu.memory_space<semaphore_mem>>, %arg13: memref<!tpu.dma_semaphore, #tpu.memory_space<semaphore_mem>>, %arg14: memref<!tpu.dma_semaphore, #tpu.memory_space<semaphore_mem>>, %arg15: memref<!tpu.dma_semaphore, #tpu.memory_space<semaphore_mem>>) attributes {dimension_semantics = [#tpu.dimension_semantics<core_parallel>, #tpu.dimension_semantics<subcore_parallel>], iteration_bounds = array<i64: 2, 16>, scalar_prefetch = 0 : i64, scratch_operands = 11 : i64, tpu.core_type = #tpu.core_type<sc_vector_subcore>, window_params = [{transform_indices = #map}, {transform_indices = #map}, {transform_indices = #map1}]} {
    %mul3A = arith.constant 2 : i32
    %mul3A_0 = arith.muli %arg1, %mul3A : i32
    %add3A = arith.addi %mul3A_0, %arg0 : i32
    %mul3A_1 = arith.constant 128 : i32
    %mul3A_2 = arith.muli %add3A, %mul3A_1 : i32
    "tpu.region"() ({
      %run_scoped3A = tpu.sem_alloc : memref<!tpu.dma_semaphore, #tpu.memory_space<semaphore_mem>>
      %dma_start3A_167 = arith.constant 0 : i32
      %dma_start3A_168 = tpu.memref_slice %arg3[%dma_start3A_167, %mul3A_2] : memref<200x4096xi32, #tpu.memory_space<hbm>> -> memref<200x128xi32, #tpu.memory_space<hbm>>
      %dma_start3A_169 = arith.constant 0 : i32
      %dma_start3A_170 = tpu.memref_slice %arg3[%dma_start3A_169, %mul3A_2] : memref<200x4096xi32, #tpu.memory_space<hbm>> -> memref<200x128xi32, #tpu.memory_space<hbm>>
      tpu.enqueue_dma source(%dma_start3A_170 : memref<200x128xi32, #tpu.memory_space<hbm>>) target(%arg5 : memref<200x128xi32, #tpu.memory_space<vmem>>) target_semaphore(%run_scoped3A : memref<!tpu.dma_semaphore, #tpu.memory_space<semaphore_mem>>)
      %dma_wait3A_171 = arith.constant 0 : i32
      %dma_wait3A_172 = tpu.memref_slice %arg3[%dma_wait3A_171, %mul3A_2] : memref<200x4096xi32, #tpu.memory_space<hbm>> -> memref<200x128xi32, #tpu.memory_space<hbm>>
      %dma_wait3A_173 = arith.constant 0 : i32
      %dma_wait3A_174 = tpu.memref_slice %arg3[%dma_wait3A_173, %mul3A_2] : memref<200x4096xi32, #tpu.memory_space<hbm>> -> memref<200x128xi32, #tpu.memory_space<hbm>>
      tpu.wait_dma2 semaphore(%run_scoped3A : memref<!tpu.dma_semaphore, #tpu.memory_space<semaphore_mem>>) src(%dma_wait3A_174 : memref<200x128xi32, #tpu.memory_space<hbm>>) dst(%arg5 : memref<200x128xi32, #tpu.memory_space<vmem>>)
      tpu.yield
    }) : () -> ()
    %get3A = arith.constant 0 : i32
    %get3A_3 = arith.index_cast %get3A : i32 to index
    %get3A_4 = arith.constant 0 : index
    %get3A_5 = tpu.vector_load %arg5[%get3A_3, %get3A_4] {strides = array<i32>} : memref<200x128xi32, #tpu.memory_space<vmem>>, vector<16xi32>,
    %shift_right_logical3A = arith.constant 2 : i32
    %shift_right_logical3A_6 = vector.broadcast %shift_right_logical3A : i32 to vector<16xi32>
    %shift_right_logical3A_7 = arith.shrui %get3A_5, %shift_right_logical3A_6 : vector<16xi32>
    %swap3A = arith.constant 0 : index
    %swap3A_8 = tpu.vector_load %arg10[%swap3A] {strides = array<i32>} : memref<128xi32, #tpu.memory_space<vmem>>, vector<16xi32>,
    tpu.vector_store %arg10[%swap3A], %shift_right_logical3A_7 {strides = array<i32>} : memref<128xi32, #tpu.memory_space<vmem>>, vector<16xi32>,
    %get3A_9 = arith.constant 0 : i32
    %get3A_10 = arith.index_cast %get3A_9 : i32 to index
    %get3A_11 = arith.constant 16 : index
    %get3A_12 = tpu.vector_load %arg5[%get3A_10, %get3A_11] {strides = array<i32>} : memref<200x128xi32, #tpu.memory_space<vmem>>, vector<16xi32>,
    %shift_right_logical3A_13 = arith.constant 2 : i32
    %shift_right_logical3A_14 = vector.broadcast %shift_right_logical3A_13 : i32 to vector<16xi32>
    %shift_right_logical3A_15 = arith.shrui %get3A_12, %shift_right_logical3A_14 : vector<16xi32>
    %swap3A_16 = arith.constant 16 : index
    %swap3A_17 = tpu.vector_load %arg10[%swap3A_16] {strides = array<i32>} : memref<128xi32, #tpu.memory_space<vmem>>, vector<16xi32>,
    tpu.vector_store %arg10[%swap3A_16], %shift_right_logical3A_15 {strides = array<i32>} : memref<128xi32, #tpu.memory_space<vmem>>, vector<16xi32>,
    %get3A_18 = arith.constant 0 : i32
    %get3A_19 = arith.index_cast %get3A_18 : i32 to index
    %get3A_20 = arith.constant 32 : index
    %get3A_21 = tpu.vector_load %arg5[%get3A_19, %get3A_20] {strides = array<i32>} : memref<200x128xi32, #tpu.memory_space<vmem>>, vector<16xi32>,
    %shift_right_logical3A_22 = arith.constant 2 : i32
    %shift_right_logical3A_23 = vector.broadcast %shift_right_logical3A_22 : i32 to vector<16xi32>
    %shift_right_logical3A_24 = arith.shrui %get3A_21, %shift_right_logical3A_23 : vector<16xi32>
    %swap3A_25 = arith.constant 32 : index
    %swap3A_26 = tpu.vector_load %arg10[%swap3A_25] {strides = array<i32>} : memref<128xi32, #tpu.memory_space<vmem>>, vector<16xi32>,
    tpu.vector_store %arg10[%swap3A_25], %shift_right_logical3A_24 {strides = array<i32>} : memref<128xi32, #tpu.memory_space<vmem>>, vector<16xi32>,
    %get3A_27 = arith.constant 0 : i32
    %get3A_28 = arith.index_cast %get3A_27 : i32 to index
    %get3A_29 = arith.constant 48 : index
    %get3A_30 = tpu.vector_load %arg5[%get3A_28, %get3A_29] {strides = array<i32>} : memref<200x128xi32, #tpu.memory_space<vmem>>, vector<16xi32>,
    %shift_right_logical3A_31 = arith.constant 2 : i32
    %shift_right_logical3A_32 = vector.broadcast %shift_right_logical3A_31 : i32 to vector<16xi32>
    %shift_right_logical3A_33 = arith.shrui %get3A_30, %shift_right_logical3A_32 : vector<16xi32>
    %swap3A_34 = arith.constant 48 : index
    %swap3A_35 = tpu.vector_load %arg10[%swap3A_34] {strides = array<i32>} : memref<128xi32, #tpu.memory_space<vmem>>, vector<16xi32>,
    tpu.vector_store %arg10[%swap3A_34], %shift_right_logical3A_33 {strides = array<i32>} : memref<128xi32, #tpu.memory_space<vmem>>, vector<16xi32>,
    %get3A_36 = arith.constant 0 : i32
    %get3A_37 = arith.index_cast %get3A_36 : i32 to index
    %get3A_38 = arith.constant 64 : index
    %get3A_39 = tpu.vector_load %arg5[%get3A_37, %get3A_38] {strides = array<i32>} : memref<200x128xi32, #tpu.memory_space<vmem>>, vector<16xi32>,
    %shift_right_logical3A_40 = arith.constant 2 : i32
    %shift_right_logical3A_41 = vector.broadcast %shift_right_logical3A_40 : i32 to vector<16xi32>
    %shift_right_logical3A_42 = arith.shrui %get3A_39, %shift_right_logical3A_41 : vector<16xi32>
    %swap3A_43 = arith.constant 64 : index
    %swap3A_44 = tpu.vector_load %arg10[%swap3A_43] {strides = array<i32>} : memref<128xi32, #tpu.memory_space<vmem>>, vector<16xi32>,
    tpu.vector_store %arg10[%swap3A_43], %shift_right_logical3A_42 {strides = array<i32>} : memref<128xi32, #tpu.memory_space<vmem>>, vector<16xi32>,
    %get3A_45 = arith.constant 0 : i32
    %get3A_46 = arith.index_cast %get3A_45 : i32 to index
    %get3A_47 = arith.constant 80 : index
    %get3A_48 = tpu.vector_load %arg5[%get3A_46, %get3A_47] {strides = array<i32>} : memref<200x128xi32, #tpu.memory_space<vmem>>, vector<16xi32>,
    %shift_right_logical3A_49 = arith.constant 2 : i32
    %shift_right_logical3A_50 = vector.broadcast %shift_right_logical3A_49 : i32 to vector<16xi32>
    %shift_right_logical3A_51 = arith.shrui %get3A_48, %shift_right_logical3A_50 : vector<16xi32>
    %swap3A_52 = arith.constant 80 : index
    %swap3A_53 = tpu.vector_load %arg10[%swap3A_52] {strides = array<i32>} : memref<128xi32, #tpu.memory_space<vmem>>, vector<16xi32>,
    tpu.vector_store %arg10[%swap3A_52], %shift_right_logical3A_51 {strides = array<i32>} : memref<128xi32, #tpu.memory_space<vmem>>, vector<16xi32>,
    %get3A_54 = arith.constant 0 : i32
    %get3A_55 = arith.index_cast %get3A_54 : i32 to index
    %get3A_56 = arith.constant 96 : index
    %get3A_57 = tpu.vector_load %arg5[%get3A_55, %get3A_56] {strides = array<i32>} : memref<200x128xi32, #tpu.memory_space<vmem>>, vector<16xi32>,
    %shift_right_logical3A_58 = arith.constant 2 : i32
    %shift_right_logical3A_59 = vector.broadcast %shift_right_logical3A_58 : i32 to vector<16xi32>
    %shift_right_logical3A_60 = arith.shrui %get3A_57, %shift_right_logical3A_59 : vector<16xi32>
    %swap3A_61 = arith.constant 96 : index
    %swap3A_62 = tpu.vector_load %arg10[%swap3A_61] {strides = array<i32>} : memref<128xi32, #tpu.memory_space<vmem>>, vector<16xi32>,
    tpu.vector_store %arg10[%swap3A_61], %shift_right_logical3A_60 {strides = array<i32>} : memref<128xi32, #tpu.memory_space<vmem>>, vector<16xi32>,
    %get3A_63 = arith.constant 0 : i32
    %get3A_64 = arith.index_cast %get3A_63 : i32 to index
    %get3A_65 = arith.constant 112 : index
    %get3A_66 = tpu.vector_load %arg5[%get3A_64, %get3A_65] {strides = array<i32>} : memref<200x128xi32, #tpu.memory_space<vmem>>, vector<16xi32>,
    %shift_right_logical3A_67 = arith.constant 2 : i32
    %shift_right_logical3A_68 = vector.broadcast %shift_right_logical3A_67 : i32 to vector<16xi32>
    %shift_right_logical3A_69 = arith.shrui %get3A_66, %shift_right_logical3A_68 : vector<16xi32>
    %swap3A_70 = arith.constant 112 : index
    %swap3A_71 = tpu.vector_load %arg10[%swap3A_70] {strides = array<i32>} : memref<128xi32, #tpu.memory_space<vmem>>, vector<16xi32>,
    tpu.vector_store %arg10[%swap3A_70], %shift_right_logical3A_69 {strides = array<i32>} : memref<128xi32, #tpu.memory_space<vmem>>, vector<16xi32>,
    %dma_start3A = arith.constant 0 : i32
    %dma_start3A_72 = arith.constant 0 : i32
    %dma_start3A_73 = tpu.memref_slice %arg2[%dma_start3A, %dma_start3A_72] : memref<250000x128xf32, #tpu.memory_space<hbm>> -> memref<250000x128xf32, #tpu.memory_space<hbm>>
    tpu.enqueue_indirect_dma source(%dma_start3A_73 : memref<250000x128xf32, #tpu.memory_space<hbm>>) target(%arg6 : memref<128x128xf32, #tpu.memory_space<vmem>>) offsets(%arg10 : memref<128xi32, #tpu.memory_space<vmem>>) semaphore(%arg12 : memref<!tpu.dma_semaphore, #tpu.memory_space<semaphore_mem>>)
    %get3A_74 = arith.constant 1 : i32
    %get3A_75 = arith.index_cast %get3A_74 : i32 to index
    %get3A_76 = arith.constant 0 : index
    %get3A_77 = tpu.vector_load %arg5[%get3A_75, %get3A_76] {strides = array<i32>} : memref<200x128xi32, #tpu.memory_space<vmem>>, vector<16xi32>,
    %shift_right_logical3A_78 = arith.constant 2 : i32
    %shift_right_logical3A_79 = vector.broadcast %shift_right_logical3A_78 : i32 to vector<16xi32>
    %shift_right_logical3A_80 = arith.shrui %get3A_77, %shift_right_logical3A_79 : vector<16xi32>
    %swap3A_81 = arith.constant 0 : index
    %swap3A_82 = tpu.vector_load %arg11[%swap3A_81] {strides = array<i32>} : memref<128xi32, #tpu.memory_space<vmem>>, vector<16xi32>,
    tpu.vector_store %arg11[%swap3A_81], %shift_right_logical3A_80 {strides = array<i32>} : memref<128xi32, #tpu.memory_space<vmem>>, vector<16xi32>,
    %get3A_83 = arith.constant 1 : i32
    %get3A_84 = arith.index_cast %get3A_83 : i32 to index
    %get3A_85 = arith.constant 16 : index
    %get3A_86 = tpu.vector_load %arg5[%get3A_84, %get3A_85] {strides = array<i32>} : memref<200x128xi32, #tpu.memory_space<vmem>>, vector<16xi32>,
    %shift_right_logical3A_87 = arith.constant 2 : i32
    %shift_right_logical3A_88 = vector.broadcast %shift_right_logical3A_87 : i32 to vector<16xi32>
    %shift_right_logical3A_89 = arith.shrui %get3A_86, %shift_right_logical3A_88 : vector<16xi32>
    %swap3A_90 = arith.constant 16 : index
    %swap3A_91 = tpu.vector_load %arg11[%swap3A_90] {strides = array<i32>} : memref<128xi32, #tpu.memory_space<vmem>>, vector<16xi32>,
    tpu.vector_store %arg11[%swap3A_90], %shift_right_logical3A_89 {strides = array<i32>} : memref<128xi32, #tpu.memory_space<vmem>>, vector<16xi32>,
    %get3A_92 = arith.constant 1 : i32
    %get3A_93 = arith.index_cast %get3A_92 : i32 to index
    %get3A_94 = arith.constant 32 : index
    %get3A_95 = tpu.vector_load %arg5[%get3A_93, %get3A_94] {strides = array<i32>} : memref<200x128xi32, #tpu.memory_space<vmem>>, vector<16xi32>,
    %shift_right_logical3A_96 = arith.constant 2 : i32
    %shift_right_logical3A_97 = vector.broadcast %shift_right_logical3A_96 : i32 to vector<16xi32>
    %shift_right_logical3A_98 = arith.shrui %get3A_95, %shift_right_logical3A_97 : vector<16xi32>
    %swap3A_99 = arith.constant 32 : index
    %swap3A_100 = tpu.vector_load %arg11[%swap3A_99] {strides = array<i32>} : memref<128xi32, #tpu.memory_space<vmem>>, vector<16xi32>,
    tpu.vector_store %arg11[%swap3A_99], %shift_right_logical3A_98 {strides = array<i32>} : memref<128xi32, #tpu.memory_space<vmem>>, vector<16xi32>,
    %get3A_101 = arith.constant 1 : i32
    %get3A_102 = arith.index_cast %get3A_101 : i32 to index
    %get3A_103 = arith.constant 48 : index
    %get3A_104 = tpu.vector_load %arg5[%get3A_102, %get3A_103] {strides = array<i32>} : memref<200x128xi32, #tpu.memory_space<vmem>>, vector<16xi32>,
    %shift_right_logical3A_105 = arith.constant 2 : i32
    %shift_right_logical3A_106 = vector.broadcast %shift_right_logical3A_105 : i32 to vector<16xi32>
    %shift_right_logical3A_107 = arith.shrui %get3A_104, %shift_right_logical3A_106 : vector<16xi32>
    %swap3A_108 = arith.constant 48 : index
    %swap3A_109 = tpu.vector_load %arg11[%swap3A_108] {strides = array<i32>} : memref<128xi32, #tpu.memory_space<vmem>>, vector<16xi32>,
    tpu.vector_store %arg11[%swap3A_108], %shift_right_logical3A_107 {strides = array<i32>} : memref<128xi32, #tpu.memory_space<vmem>>, vector<16xi32>,
    %get3A_110 = arith.constant 1 : i32
    %get3A_111 = arith.index_cast %get3A_110 : i32 to index
    %get3A_112 = arith.constant 64 : index
    %get3A_113 = tpu.vector_load %arg5[%get3A_111, %get3A_112] {strides = array<i32>} : memref<200x128xi32, #tpu.memory_space<vmem>>, vector<16xi32>,
    %shift_right_logical3A_114 = arith.constant 2 : i32
    %shift_right_logical3A_115 = vector.broadcast %shift_right_logical3A_114 : i32 to vector<16xi32>
    %shift_right_logical3A_116 = arith.shrui %get3A_113, %shift_right_logical3A_115 : vector<16xi32>
    %swap3A_117 = arith.constant 64 : index
    %swap3A_118 = tpu.vector_load %arg11[%swap3A_117] {strides = array<i32>} : memref<128xi32, #tpu.memory_space<vmem>>, vector<16xi32>,
    tpu.vector_store %arg11[%swap3A_117], %shift_right_logical3A_116 {strides = array<i32>} : memref<128xi32, #tpu.memory_space<vmem>>, vector<16xi32>,
    %get3A_119 = arith.constant 1 : i32
    %get3A_120 = arith.index_cast %get3A_119 : i32 to index
    %get3A_121 = arith.constant 80 : index
    %get3A_122 = tpu.vector_load %arg5[%get3A_120, %get3A_121] {strides = array<i32>} : memref<200x128xi32, #tpu.memory_space<vmem>>, vector<16xi32>,
    %shift_right_logical3A_123 = arith.constant 2 : i32
    %shift_right_logical3A_124 = vector.broadcast %shift_right_logical3A_123 : i32 to vector<16xi32>
    %shift_right_logical3A_125 = arith.shrui %get3A_122, %shift_right_logical3A_124 : vector<16xi32>
    %swap3A_126 = arith.constant 80 : index
    %swap3A_127 = tpu.vector_load %arg11[%swap3A_126] {strides = array<i32>} : memref<128xi32, #tpu.memory_space<vmem>>, vector<16xi32>,
    tpu.vector_store %arg11[%swap3A_126], %shift_right_logical3A_125 {strides = array<i32>} : memref<128xi32, #tpu.memory_space<vmem>>, vector<16xi32>,
    %get3A_128 = arith.constant 1 : i32
    %get3A_129 = arith.index_cast %get3A_128 : i32 to index
    %get3A_130 = arith.constant 96 : index
    %get3A_131 = tpu.vector_load %arg5[%get3A_129, %get3A_130] {strides = array<i32>} : memref<200x128xi32, #tpu.memory_space<vmem>>, vector<16xi32>,
    %shift_right_logical3A_132 = arith.constant 2 : i32
    %shift_right_logical3A_133 = vector.broadcast %shift_right_logical3A_132 : i32 to vector<16xi32>
    %shift_right_logical3A_134 = arith.shrui %get3A_131, %shift_right_logical3A_133 : vector<16xi32>
    %swap3A_135 = arith.constant 96 : index
    %swap3A_136 = tpu.vector_load %arg11[%swap3A_135] {strides = array<i32>} : memref<128xi32, #tpu.memory_space<vmem>>, vector<16xi32>,
    tpu.vector_store %arg11[%swap3A_135], %shift_right_logical3A_134 {strides = array<i32>} : memref<128xi32, #tpu.memory_space<vmem>>, vector<16xi32>,
    %get3A_137 = arith.constant 1 : i32
    %get3A_138 = arith.index_cast %get3A_137 : i32 to index
    %get3A_139 = arith.constant 112 : index
    %get3A_140 = tpu.vector_load %arg5[%get3A_138, %get3A_139] {strides = array<i32>} : memref<200x128xi32, #tpu.memory_space<vmem>>, vector<16xi32>,
    %shift_right_logical3A_141 = arith.constant 2 : i32
    %shift_right_logical3A_142 = vector.broadcast %shift_right_logical3A_141 : i32 to vector<16xi32>
    %shift_right_logical3A_143 = arith.shrui %get3A_140, %shift_right_logical3A_142 : vector<16xi32>
    %swap3A_144 = arith.constant 112 : index
    %swap3A_145 = tpu.vector_load %arg11[%swap3A_144] {strides = array<i32>} : memref<128xi32, #tpu.memory_space<vmem>>, vector<16xi32>,
    tpu.vector_store %arg11[%swap3A_144], %shift_right_logical3A_143 {strides = array<i32>} : memref<128xi32, #tpu.memory_space<vmem>>, vector<16xi32>,
    %dma_start3A_146 = arith.constant 0 : i32
    %dma_start3A_147 = arith.constant 0 : i32
    %dma_start3A_148 = tpu.memref_slice %arg2[%dma_start3A_146, %dma_start3A_147] : memref<250000x128xf32, #tpu.memory_space<hbm>> -> memref<250000x128xf32, #tpu.memory_space<hbm>>
    tpu.enqueue_indirect_dma source(%dma_start3A_148 : memref<250000x128xf32, #tpu.memory_space<hbm>>) target(%arg7 : memref<128x128xf32, #tpu.memory_space<vmem>>) offsets(%arg11 : memref<128xi32, #tpu.memory_space<vmem>>) semaphore(%arg13 : memref<!tpu.dma_semaphore, #tpu.memory_space<semaphore_mem>>)
    %scan3A = arith.constant 0 : i32
    %scan3A_149 = arith.constant 0 : i32
    %scan3A_150 = arith.constant 100 : i32
    %scan3A_151 = arith.addi %scan3A_149, %scan3A_150 : i32
    %scan3A_152 = arith.constant 1 : i32
    scf.for %scan3A_167 = %scan3A_149 to %scan3A_151 step %scan3A_152  : i32 {
      %mul3A_168 = arith.constant 2 : i32
      %mul3A_169 = arith.muli %mul3A_168, %scan3A_167 : i32
      %dma_wait3A_170 = arith.constant 0 : i32
      %dma_wait3A_171 = arith.constant 0 : i32
      %dma_wait3A_172 = tpu.memref_slice %arg2[%dma_wait3A_170, %dma_wait3A_171] : memref<250000x128xf32, #tpu.memory_space<hbm>> -> memref<250000x128xf32, #tpu.memory_space<hbm>>
      tpu.wait_indirect_dma semaphore(%arg12 : memref<!tpu.dma_semaphore, #tpu.memory_space<semaphore_mem>>) src(%dma_wait3A_172 : memref<250000x128xf32, #tpu.memory_space<hbm>>) dst(%arg6 : memref<128x128xf32, #tpu.memory_space<vmem>>)
      %gt3A = arith.constant 0 : i32
      %gt3A_173 = arith.cmpi sgt, %scan3A_167, %gt3A : i32
      %convert_element_type3A = arith.extui %gt3A_173 : i1 to i32
      %cond3A = arith.constant 0 : i32
      %cond3A_174 = arith.cmpi ne, %convert_element_type3A, %cond3A : i32
      scf.if %cond3A_174 {
        %dma_wait3A_423 = arith.constant 0 : i32
        %dma_wait3A_424 = arith.constant 0 : i32
        %dma_wait3A_425 = tpu.memref_slice %arg4[%dma_wait3A_423, %dma_wait3A_424, %mul3A_2] : memref<200x32x4096xf32, #tpu.memory_space<hbm>> -> memref<1x32x128xf32, #tpu.memory_space<hbm>>
        %dma_wait3A_426 = tpu.memref_squeeze %dma_wait3A_425 : memref<1x32x128xf32, #tpu.memory_space<hbm>> -> memref<32x128xf32, #tpu.memory_space<hbm>>
        %dma_wait3A_427 = arith.constant 0 : i32
        %dma_wait3A_428 = tpu.memref_slice %arg4[%dma_wait3A_423, %dma_wait3A_427, %mul3A_2] : memref<200x32x4096xf32, #tpu.memory_space<hbm>> -> memref<1x32x128xf32, #tpu.memory_space<hbm>>
        %dma_wait3A_429 = tpu.memref_squeeze %dma_wait3A_428 : memref<1x32x128xf32, #tpu.memory_space<hbm>> -> memref<32x128xf32, #tpu.memory_space<hbm>>
        tpu.wait_dma2 semaphore(%arg14 : memref<!tpu.dma_semaphore, #tpu.memory_space<semaphore_mem>>) src(%arg8 : memref<32x128xf32, #tpu.memory_space<vmem>>) dst(%dma_wait3A_429 : memref<32x128xf32, #tpu.memory_space<hbm>>)
      } else {
      }
      %add3A_175 = arith.constant 0 : i32
      %add3A_176 = arith.addi %mul3A_169, %add3A_175 : i32
      %iota3A = tpu.iota {dimensions = array<i32: 0>} : vector<16xi32>
      %get3A_177 = arith.index_cast %add3A_176 : i32 to index
      %get3A_178 = arith.constant 0 : index
      %get3A_179 = tpu.vector_load %arg5[%get3A_177, %get3A_178] {strides = array<i32>} : memref<200x128xi32, #tpu.memory_space<vmem>>, vector<16xi32>,
      %and3A = arith.constant 3 : i32
      %and3A_180 = vector.broadcast %and3A : i32 to vector<16xi32>
      %and3A_181 = arith.andi %get3A_179, %and3A_180 : vector<16xi32>
      %shift_left3A = arith.constant 5 : i32
      %shift_left3A_182 = vector.broadcast %shift_left3A : i32 to vector<16xi32>
      %shift_left3A_183 = arith.shli %and3A_181, %shift_left3A_182 : vector<16xi32>
      %get3A_184 = arith.index_cast %add3A_176 : i32 to index
      %get3A_185 = arith.constant 16 : index
      %get3A_186 = tpu.vector_load %arg5[%get3A_184, %get3A_185] {strides = array<i32>} : memref<200x128xi32, #tpu.memory_space<vmem>>, vector<16xi32>,
      %and3A_187 = arith.constant 3 : i32
      %and3A_188 = vector.broadcast %and3A_187 : i32 to vector<16xi32>
      %and3A_189 = arith.andi %get3A_186, %and3A_188 : vector<16xi32>
      %shift_left3A_190 = arith.constant 5 : i32
      %shift_left3A_191 = vector.broadcast %shift_left3A_190 : i32 to vector<16xi32>
      %shift_left3A_192 = arith.shli %and3A_189, %shift_left3A_191 : vector<16xi32>
      %get3A_193 = arith.index_cast %add3A_176 : i32 to index
      %get3A_194 = arith.constant 32 : index
      %get3A_195 = tpu.vector_load %arg5[%get3A_193, %get3A_194] {strides = array<i32>} : memref<200x128xi32, #tpu.memory_space<vmem>>, vector<16xi32>,
      %and3A_196 = arith.constant 3 : i32
      %and3A_197 = vector.broadcast %and3A_196 : i32 to vector<16xi32>
      %and3A_198 = arith.andi %get3A_195, %and3A_197 : vector<16xi32>
      %shift_left3A_199 = arith.constant 5 : i32
      %shift_left3A_200 = vector.broadcast %shift_left3A_199 : i32 to vector<16xi32>
      %shift_left3A_201 = arith.shli %and3A_198, %shift_left3A_200 : vector<16xi32>
      %get3A_202 = arith.index_cast %add3A_176 : i32 to index
      %get3A_203 = arith.constant 48 : index
      %get3A_204 = tpu.vector_load %arg5[%get3A_202, %get3A_203] {strides = array<i32>} : memref<200x128xi32, #tpu.memory_space<vmem>>, vector<16xi32>,
      %and3A_205 = arith.constant 3 : i32
      %and3A_206 = vector.broadcast %and3A_205 : i32 to vector<16xi32>
      %and3A_207 = arith.andi %get3A_204, %and3A_206 : vector<16xi32>
      %shift_left3A_208 = arith.constant 5 : i32
      %shift_left3A_209 = vector.broadcast %shift_left3A_208 : i32 to vector<16xi32>
      %shift_left3A_210 = arith.shli %and3A_207, %shift_left3A_209 : vector<16xi32>
      %get3A_211 = arith.index_cast %add3A_176 : i32 to index
      %get3A_212 = arith.constant 64 : index
      %get3A_213 = tpu.vector_load %arg5[%get3A_211, %get3A_212] {strides = array<i32>} : memref<200x128xi32, #tpu.memory_space<vmem>>, vector<16xi32>,
      %and3A_214 = arith.constant 3 : i32
      %and3A_215 = vector.broadcast %and3A_214 : i32 to vector<16xi32>
      %and3A_216 = arith.andi %get3A_213, %and3A_215 : vector<16xi32>
      %shift_left3A_217 = arith.constant 5 : i32
      %shift_left3A_218 = vector.broadcast %shift_left3A_217 : i32 to vector<16xi32>
      %shift_left3A_219 = arith.shli %and3A_216, %shift_left3A_218 : vector<16xi32>
      %get3A_220 = arith.index_cast %add3A_176 : i32 to index
      %get3A_221 = arith.constant 80 : index
      %get3A_222 = tpu.vector_load %arg5[%get3A_220, %get3A_221] {strides = array<i32>} : memref<200x128xi32, #tpu.memory_space<vmem>>, vector<16xi32>,
      %and3A_223 = arith.constant 3 : i32
      %and3A_224 = vector.broadcast %and3A_223 : i32 to vector<16xi32>
      %and3A_225 = arith.andi %get3A_222, %and3A_224 : vector<16xi32>
      %shift_left3A_226 = arith.constant 5 : i32
      %shift_left3A_227 = vector.broadcast %shift_left3A_226 : i32 to vector<16xi32>
      %shift_left3A_228 = arith.shli %and3A_225, %shift_left3A_227 : vector<16xi32>
      %get3A_229 = arith.index_cast %add3A_176 : i32 to index
      %get3A_230 = arith.constant 96 : index
      %get3A_231 = tpu.vector_load %arg5[%get3A_229, %get3A_230] {strides = array<i32>} : memref<200x128xi32, #tpu.memory_space<vmem>>, vector<16xi32>,
      %and3A_232 = arith.constant 3 : i32
      %and3A_233 = vector.broadcast %and3A_232 : i32 to vector<16xi32>
      %and3A_234 = arith.andi %get3A_231, %and3A_233 : vector<16xi32>
      %shift_left3A_235 = arith.constant 5 : i32
      %shift_left3A_236 = vector.broadcast %shift_left3A_235 : i32 to vector<16xi32>
      %shift_left3A_237 = arith.shli %and3A_234, %shift_left3A_236 : vector<16xi32>
      %get3A_238 = arith.index_cast %add3A_176 : i32 to index
      %get3A_239 = arith.constant 112 : index
      %get3A_240 = tpu.vector_load %arg5[%get3A_238, %get3A_239] {strides = array<i32>} : memref<200x128xi32, #tpu.memory_space<vmem>>, vector<16xi32>,
      %and3A_241 = arith.constant 3 : i32
      %and3A_242 = vector.broadcast %and3A_241 : i32 to vector<16xi32>
      %and3A_243 = arith.andi %get3A_240, %and3A_242 : vector<16xi32>
      %shift_left3A_244 = arith.constant 5 : i32
      %shift_left3A_245 = vector.broadcast %shift_left3A_244 : i32 to vector<16xi32>
      %shift_left3A_246 = arith.shli %and3A_243, %shift_left3A_245 : vector<16xi32>
      %add3A_247 = arith.constant 0 : i32
      %add3A_248 = vector.broadcast %add3A_247 : i32 to vector<16xi32>
      %add3A_249 = arith.addi %iota3A, %add3A_248 : vector<16xi32>
      %add3A_250 = arith.constant 16 : i32
      %add3A_251 = vector.broadcast %add3A_250 : i32 to vector<16xi32>
      %add3A_252 = arith.addi %iota3A, %add3A_251 : vector<16xi32>
      %add3A_253 = arith.constant 32 : i32
      %add3A_254 = vector.broadcast %add3A_253 : i32 to vector<16xi32>
      %add3A_255 = arith.addi %iota3A, %add3A_254 : vector<16xi32>
      %add3A_256 = arith.constant 48 : i32
      %add3A_257 = vector.broadcast %add3A_256 : i32 to vector<16xi32>
      %add3A_258 = arith.addi %iota3A, %add3A_257 : vector<16xi32>
      %add3A_259 = arith.constant 64 : i32
      %add3A_260 = vector.broadcast %add3A_259 : i32 to vector<16xi32>
      %add3A_261 = arith.addi %iota3A, %add3A_260 : vector<16xi32>
      %add3A_262 = arith.constant 80 : i32
      %add3A_263 = vector.broadcast %add3A_262 : i32 to vector<16xi32>
      %add3A_264 = arith.addi %iota3A, %add3A_263 : vector<16xi32>
      %add3A_265 = arith.constant 96 : i32
      %add3A_266 = vector.broadcast %add3A_265 : i32 to vector<16xi32>
      %add3A_267 = arith.addi %iota3A, %add3A_266 : vector<16xi32>
      %add3A_268 = arith.constant 112 : i32
      %add3A_269 = vector.broadcast %add3A_268 : i32 to vector<16xi32>
      %add3A_270 = arith.addi %iota3A, %add3A_269 : vector<16xi32>
      %scan3A_271 = arith.constant 0 : i32
      %scan3A_272 = arith.constant 0 : i32
      %scan3A_273 = arith.constant 16 : i32
      %scan3A_274 = arith.addi %scan3A_272, %scan3A_273 : i32
      %scan3A_275 = arith.constant 1 : i32
      scf.for %scan3A_423 = %scan3A_272 to %scan3A_274 step %scan3A_275  : i32 {
        %add3A_424 = vector.broadcast %scan3A_423 : i32 to vector<16xi32>
        %add3A_425 = arith.addi %iota3A, %add3A_424 : vector<16xi32>
        %and3A_426 = arith.constant 15 : i32
        %and3A_427 = vector.broadcast %and3A_426 : i32 to vector<16xi32>
        %and3A_428 = arith.andi %add3A_425, %and3A_427 : vector<16xi32>
        %add3A_429 = arith.constant 0 : i32
        %add3A_430 = vector.broadcast %add3A_429 : i32 to vector<16xi32>
        %add3A_431 = arith.addi %and3A_428, %add3A_430 : vector<16xi32>
        %add3A_432 = arith.addi %shift_left3A_183, %add3A_431 : vector<16xi32>
        %gather3A = tpu.vector_load_idx %arg6[%add3A_249, %add3A_432] : memref<128x128xf32, #tpu.memory_space<vmem>>[vector<16xi32>, vector<16xi32>], vector<16xf32>,
        tpu.vector_store_idx %arg8[%add3A_431, %add3A_249], %gather3A : memref<32x128xf32, #tpu.memory_space<vmem>>[vector<16xi32>, vector<16xi32>], vector<16xf32>,
        %add3A_433 = arith.addi %shift_left3A_192, %add3A_431 : vector<16xi32>
        %gather3A_434 = tpu.vector_load_idx %arg6[%add3A_252, %add3A_433] : memref<128x128xf32, #tpu.memory_space<vmem>>[vector<16xi32>, vector<16xi32>], vector<16xf32>,
        tpu.vector_store_idx %arg8[%add3A_431, %add3A_252], %gather3A_434 : memref<32x128xf32, #tpu.memory_space<vmem>>[vector<16xi32>, vector<16xi32>], vector<16xf32>,
        %add3A_435 = arith.addi %shift_left3A_201, %add3A_431 : vector<16xi32>
        %gather3A_436 = tpu.vector_load_idx %arg6[%add3A_255, %add3A_435] : memref<128x128xf32, #tpu.memory_space<vmem>>[vector<16xi32>, vector<16xi32>], vector<16xf32>,
        tpu.vector_store_idx %arg8[%add3A_431, %add3A_255], %gather3A_436 : memref<32x128xf32, #tpu.memory_space<vmem>>[vector<16xi32>, vector<16xi32>], vector<16xf32>,
        %add3A_437 = arith.addi %shift_left3A_210, %add3A_431 : vector<16xi32>
        %gather3A_438 = tpu.vector_load_idx %arg6[%add3A_258, %add3A_437] : memref<128x128xf32, #tpu.memory_space<vmem>>[vector<16xi32>, vector<16xi32>], vector<16xf32>,
        tpu.vector_store_idx %arg8[%add3A_431, %add3A_258], %gather3A_438 : memref<32x128xf32, #tpu.memory_space<vmem>>[vector<16xi32>, vector<16xi32>], vector<16xf32>,
        %add3A_439 = arith.addi %shift_left3A_219, %add3A_431 : vector<16xi32>
        %gather3A_440 = tpu.vector_load_idx %arg6[%add3A_261, %add3A_439] : memref<128x128xf32, #tpu.memory_space<vmem>>[vector<16xi32>, vector<16xi32>], vector<16xf32>,
        tpu.vector_store_idx %arg8[%add3A_431, %add3A_261], %gather3A_440 : memref<32x128xf32, #tpu.memory_space<vmem>>[vector<16xi32>, vector<16xi32>], vector<16xf32>,
        %add3A_441 = arith.addi %shift_left3A_228, %add3A_431 : vector<16xi32>
        %gather3A_442 = tpu.vector_load_idx %arg6[%add3A_264, %add3A_441] : memref<128x128xf32, #tpu.memory_space<vmem>>[vector<16xi32>, vector<16xi32>], vector<16xf32>,
        tpu.vector_store_idx %arg8[%add3A_431, %add3A_264], %gather3A_442 : memref<32x128xf32, #tpu.memory_space<vmem>>[vector<16xi32>, vector<16xi32>], vector<16xf32>,
        %add3A_443 = arith.addi %shift_left3A_237, %add3A_431 : vector<16xi32>
        %gather3A_444 = tpu.vector_load_idx %arg6[%add3A_267, %add3A_443] : memref<128x128xf32, #tpu.memory_space<vmem>>[vector<16xi32>, vector<16xi32>], vector<16xf32>,
        tpu.vector_store_idx %arg8[%add3A_431, %add3A_267], %gather3A_444 : memref<32x128xf32, #tpu.memory_space<vmem>>[vector<16xi32>, vector<16xi32>], vector<16xf32>,
        %add3A_445 = arith.addi %shift_left3A_246, %add3A_431 : vector<16xi32>
        %gather3A_446 = tpu.vector_load_idx %arg6[%add3A_270, %add3A_445] : memref<128x128xf32, #tpu.memory_space<vmem>>[vector<16xi32>, vector<16xi32>], vector<16xf32>,
        tpu.vector_store_idx %arg8[%add3A_431, %add3A_270], %gather3A_446 : memref<32x128xf32, #tpu.memory_space<vmem>>[vector<16xi32>, vector<16xi32>], vector<16xf32>,
        %add3A_447 = arith.constant 16 : i32
        %add3A_448 = vector.broadcast %add3A_447 : i32 to vector<16xi32>
        %add3A_449 = arith.addi %and3A_428, %add3A_448 : vector<16xi32>
        %add3A_450 = arith.addi %shift_left3A_183, %add3A_449 : vector<16xi32>
        %gather3A_451 = tpu.vector_load_idx %arg6[%add3A_249, %add3A_450] : memref<128x128xf32, #tpu.memory_space<vmem>>[vector<16xi32>, vector<16xi32>], vector<16xf32>,
        tpu.vector_store_idx %arg8[%add3A_449, %add3A_249], %gather3A_451 : memref<32x128xf32, #tpu.memory_space<vmem>>[vector<16xi32>, vector<16xi32>], vector<16xf32>,
        %add3A_452 = arith.addi %shift_left3A_192, %add3A_449 : vector<16xi32>
        %gather3A_453 = tpu.vector_load_idx %arg6[%add3A_252, %add3A_452] : memref<128x128xf32, #tpu.memory_space<vmem>>[vector<16xi32>, vector<16xi32>], vector<16xf32>,
        tpu.vector_store_idx %arg8[%add3A_449, %add3A_252], %gather3A_453 : memref<32x128xf32, #tpu.memory_space<vmem>>[vector<16xi32>, vector<16xi32>], vector<16xf32>,
        %add3A_454 = arith.addi %shift_left3A_201, %add3A_449 : vector<16xi32>
        %gather3A_455 = tpu.vector_load_idx %arg6[%add3A_255, %add3A_454] : memref<128x128xf32, #tpu.memory_space<vmem>>[vector<16xi32>, vector<16xi32>], vector<16xf32>,
        tpu.vector_store_idx %arg8[%add3A_449, %add3A_255], %gather3A_455 : memref<32x128xf32, #tpu.memory_space<vmem>>[vector<16xi32>, vector<16xi32>], vector<16xf32>,
        %add3A_456 = arith.addi %shift_left3A_210, %add3A_449 : vector<16xi32>
        %gather3A_457 = tpu.vector_load_idx %arg6[%add3A_258, %add3A_456] : memref<128x128xf32, #tpu.memory_space<vmem>>[vector<16xi32>, vector<16xi32>], vector<16xf32>,
        tpu.vector_store_idx %arg8[%add3A_449, %add3A_258], %gather3A_457 : memref<32x128xf32, #tpu.memory_space<vmem>>[vector<16xi32>, vector<16xi32>], vector<16xf32>,
        %add3A_458 = arith.addi %shift_left3A_219, %add3A_449 : vector<16xi32>
        %gather3A_459 = tpu.vector_load_idx %arg6[%add3A_261, %add3A_458] : memref<128x128xf32, #tpu.memory_space<vmem>>[vector<16xi32>, vector<16xi32>], vector<16xf32>,
        tpu.vector_store_idx %arg8[%add3A_449, %add3A_261], %gather3A_459 : memref<32x128xf32, #tpu.memory_space<vmem>>[vector<16xi32>, vector<16xi32>], vector<16xf32>,
        %add3A_460 = arith.addi %shift_left3A_228, %add3A_449 : vector<16xi32>
        %gather3A_461 = tpu.vector_load_idx %arg6[%add3A_264, %add3A_460] : memref<128x128xf32, #tpu.memory_space<vmem>>[vector<16xi32>, vector<16xi32>], vector<16xf32>,
        tpu.vector_store_idx %arg8[%add3A_449, %add3A_264], %gather3A_461 : memref<32x128xf32, #tpu.memory_space<vmem>>[vector<16xi32>, vector<16xi32>], vector<16xf32>,
        %add3A_462 = arith.addi %shift_left3A_237, %add3A_449 : vector<16xi32>
        %gather3A_463 = tpu.vector_load_idx %arg6[%add3A_267, %add3A_462] : memref<128x128xf32, #tpu.memory_space<vmem>>[vector<16xi32>, vector<16xi32>], vector<16xf32>,
        tpu.vector_store_idx %arg8[%add3A_449, %add3A_267], %gather3A_463 : memref<32x128xf32, #tpu.memory_space<vmem>>[vector<16xi32>, vector<16xi32>], vector<16xf32>,
        %add3A_464 = arith.addi %shift_left3A_246, %add3A_449 : vector<16xi32>
        %gather3A_465 = tpu.vector_load_idx %arg6[%add3A_270, %add3A_464] : memref<128x128xf32, #tpu.memory_space<vmem>>[vector<16xi32>, vector<16xi32>], vector<16xf32>,
        tpu.vector_store_idx %arg8[%add3A_449, %add3A_270], %gather3A_465 : memref<32x128xf32, #tpu.memory_space<vmem>>[vector<16xi32>, vector<16xi32>], vector<16xf32>,
      }
      %scan3A_276 = arith.constant 16 : i32
      %add3A_277 = arith.constant 0 : i32
      %add3A_278 = arith.addi %mul3A_169, %add3A_277 : i32
      %add3A_279 = arith.constant 2 : i32
      %add3A_280 = arith.addi %add3A_278, %add3A_279 : i32
      %lt3A = arith.constant 200 : i32
      %lt3A_281 = arith.cmpi slt, %add3A_280, %lt3A : i32
      %convert_element_type3A_282 = arith.extui %lt3A_281 : i1 to i32
      %cond3A_283 = arith.constant 0 : i32
      %cond3A_284 = arith.cmpi ne, %convert_element_type3A_282, %cond3A_283 : i32
      scf.if %cond3A_284 {
        %add3A_423 = arith.constant 0 : i32
        %add3A_424 = arith.addi %mul3A_169, %add3A_423 : i32
        %add3A_425 = arith.constant 2 : i32
        %add3A_426 = arith.addi %add3A_424, %add3A_425 : i32
        %get3A_427 = arith.index_cast %add3A_426 : i32 to index
        %get3A_428 = arith.constant 0 : index
        %get3A_429 = tpu.vector_load %arg5[%get3A_427, %get3A_428] {strides = array<i32>} : memref<200x128xi32, #tpu.memory_space<vmem>>, vector<16xi32>,
        %shift_right_logical3A_430 = arith.constant 2 : i32
        %shift_right_logical3A_431 = vector.broadcast %shift_right_logical3A_430 : i32 to vector<16xi32>
        %shift_right_logical3A_432 = arith.shrui %get3A_429, %shift_right_logical3A_431 : vector<16xi32>
        %swap3A_433 = arith.constant 0 : index
        %swap3A_434 = tpu.vector_load %arg10[%swap3A_433] {strides = array<i32>} : memref<128xi32, #tpu.memory_space<vmem>>, vector<16xi32>,
        tpu.vector_store %arg10[%swap3A_433], %shift_right_logical3A_432 {strides = array<i32>} : memref<128xi32, #tpu.memory_space<vmem>>, vector<16xi32>,
        %get3A_435 = arith.index_cast %add3A_426 : i32 to index
        %get3A_436 = arith.constant 16 : index
        %get3A_437 = tpu.vector_load %arg5[%get3A_435, %get3A_436] {strides = array<i32>} : memref<200x128xi32, #tpu.memory_space<vmem>>, vector<16xi32>,
        %shift_right_logical3A_438 = arith.constant 2 : i32
        %shift_right_logical3A_439 = vector.broadcast %shift_right_logical3A_438 : i32 to vector<16xi32>
        %shift_right_logical3A_440 = arith.shrui %get3A_437, %shift_right_logical3A_439 : vector<16xi32>
        %swap3A_441 = arith.constant 16 : index
        %swap3A_442 = tpu.vector_load %arg10[%swap3A_441] {strides = array<i32>} : memref<128xi32, #tpu.memory_space<vmem>>, vector<16xi32>,
        tpu.vector_store %arg10[%swap3A_441], %shift_right_logical3A_440 {strides = array<i32>} : memref<128xi32, #tpu.memory_space<vmem>>, vector<16xi32>,
        %get3A_443 = arith.index_cast %add3A_426 : i32 to index
        %get3A_444 = arith.constant 32 : index
        %get3A_445 = tpu.vector_load %arg5[%get3A_443, %get3A_444] {strides = array<i32>} : memref<200x128xi32, #tpu.memory_space<vmem>>, vector<16xi32>,
        %shift_right_logical3A_446 = arith.constant 2 : i32
        %shift_right_logical3A_447 = vector.broadcast %shift_right_logical3A_446 : i32 to vector<16xi32>
        %shift_right_logical3A_448 = arith.shrui %get3A_445, %shift_right_logical3A_447 : vector<16xi32>
        %swap3A_449 = arith.constant 32 : index
        %swap3A_450 = tpu.vector_load %arg10[%swap3A_449] {strides = array<i32>} : memref<128xi32, #tpu.memory_space<vmem>>, vector<16xi32>,
        tpu.vector_store %arg10[%swap3A_449], %shift_right_logical3A_448 {strides = array<i32>} : memref<128xi32, #tpu.memory_space<vmem>>, vector<16xi32>,
        %get3A_451 = arith.index_cast %add3A_426 : i32 to index
        %get3A_452 = arith.constant 48 : index
        %get3A_453 = tpu.vector_load %arg5[%get3A_451, %get3A_452] {strides = array<i32>} : memref<200x128xi32, #tpu.memory_space<vmem>>, vector<16xi32>,
        %shift_right_logical3A_454 = arith.constant 2 : i32
        %shift_right_logical3A_455 = vector.broadcast %shift_right_logical3A_454 : i32 to vector<16xi32>
        %shift_right_logical3A_456 = arith.shrui %get3A_453, %shift_right_logical3A_455 : vector<16xi32>
        %swap3A_457 = arith.constant 48 : index
        %swap3A_458 = tpu.vector_load %arg10[%swap3A_457] {strides = array<i32>} : memref<128xi32, #tpu.memory_space<vmem>>, vector<16xi32>,
        tpu.vector_store %arg10[%swap3A_457], %shift_right_logical3A_456 {strides = array<i32>} : memref<128xi32, #tpu.memory_space<vmem>>, vector<16xi32>,
        %get3A_459 = arith.index_cast %add3A_426 : i32 to index
        %get3A_460 = arith.constant 64 : index
        %get3A_461 = tpu.vector_load %arg5[%get3A_459, %get3A_460] {strides = array<i32>} : memref<200x128xi32, #tpu.memory_space<vmem>>, vector<16xi32>,
        %shift_right_logical3A_462 = arith.constant 2 : i32
        %shift_right_logical3A_463 = vector.broadcast %shift_right_logical3A_462 : i32 to vector<16xi32>
        %shift_right_logical3A_464 = arith.shrui %get3A_461, %shift_right_logical3A_463 : vector<16xi32>
        %swap3A_465 = arith.constant 64 : index
        %swap3A_466 = tpu.vector_load %arg10[%swap3A_465] {strides = array<i32>} : memref<128xi32, #tpu.memory_space<vmem>>, vector<16xi32>,
        tpu.vector_store %arg10[%swap3A_465], %shift_right_logical3A_464 {strides = array<i32>} : memref<128xi32, #tpu.memory_space<vmem>>, vector<16xi32>,
        %get3A_467 = arith.index_cast %add3A_426 : i32 to index
        %get3A_468 = arith.constant 80 : index
        %get3A_469 = tpu.vector_load %arg5[%get3A_467, %get3A_468] {strides = array<i32>} : memref<200x128xi32, #tpu.memory_space<vmem>>, vector<16xi32>,
        %shift_right_logical3A_470 = arith.constant 2 : i32
        %shift_right_logical3A_471 = vector.broadcast %shift_right_logical3A_470 : i32 to vector<16xi32>
        %shift_right_logical3A_472 = arith.shrui %get3A_469, %shift_right_logical3A_471 : vector<16xi32>
        %swap3A_473 = arith.constant 80 : index
        %swap3A_474 = tpu.vector_load %arg10[%swap3A_473] {strides = array<i32>} : memref<128xi32, #tpu.memory_space<vmem>>, vector<16xi32>,
        tpu.vector_store %arg10[%swap3A_473], %shift_right_logical3A_472 {strides = array<i32>} : memref<128xi32, #tpu.memory_space<vmem>>, vector<16xi32>,
        %get3A_475 = arith.index_cast %add3A_426 : i32 to index
        %get3A_476 = arith.constant 96 : index
        %get3A_477 = tpu.vector_load %arg5[%get3A_475, %get3A_476] {strides = array<i32>} : memref<200x128xi32, #tpu.memory_space<vmem>>, vector<16xi32>,
        %shift_right_logical3A_478 = arith.constant 2 : i32
        %shift_right_logical3A_479 = vector.broadcast %shift_right_logical3A_478 : i32 to vector<16xi32>
        %shift_right_logical3A_480 = arith.shrui %get3A_477, %shift_right_logical3A_479 : vector<16xi32>
        %swap3A_481 = arith.constant 96 : index
        %swap3A_482 = tpu.vector_load %arg10[%swap3A_481] {strides = array<i32>} : memref<128xi32, #tpu.memory_space<vmem>>, vector<16xi32>,
        tpu.vector_store %arg10[%swap3A_481], %shift_right_logical3A_480 {strides = array<i32>} : memref<128xi32, #tpu.memory_space<vmem>>, vector<16xi32>,
        %get3A_483 = arith.index_cast %add3A_426 : i32 to index
        %get3A_484 = arith.constant 112 : index
        %get3A_485 = tpu.vector_load %arg5[%get3A_483, %get3A_484] {strides = array<i32>} : memref<200x128xi32, #tpu.memory_space<vmem>>, vector<16xi32>,
        %shift_right_logical3A_486 = arith.constant 2 : i32
        %shift_right_logical3A_487 = vector.broadcast %shift_right_logical3A_486 : i32 to vector<16xi32>
        %shift_right_logical3A_488 = arith.shrui %get3A_485, %shift_right_logical3A_487 : vector<16xi32>
        %swap3A_489 = arith.constant 112 : index
        %swap3A_490 = tpu.vector_load %arg10[%swap3A_489] {strides = array<i32>} : memref<128xi32, #tpu.memory_space<vmem>>, vector<16xi32>,
        tpu.vector_store %arg10[%swap3A_489], %shift_right_logical3A_488 {strides = array<i32>} : memref<128xi32, #tpu.memory_space<vmem>>, vector<16xi32>,
        %dma_start3A_491 = arith.constant 0 : i32
        %dma_start3A_492 = arith.constant 0 : i32
        %dma_start3A_493 = tpu.memref_slice %arg2[%dma_start3A_491, %dma_start3A_492] : memref<250000x128xf32, #tpu.memory_space<hbm>> -> memref<250000x128xf32, #tpu.memory_space<hbm>>
        tpu.enqueue_indirect_dma source(%dma_start3A_493 : memref<250000x128xf32, #tpu.memory_space<hbm>>) target(%arg6 : memref<128x128xf32, #tpu.memory_space<vmem>>) offsets(%arg10 : memref<128xi32, #tpu.memory_space<vmem>>) semaphore(%arg12 : memref<!tpu.dma_semaphore, #tpu.memory_space<semaphore_mem>>)
      } else {
      }
      %add3A_285 = arith.constant 0 : i32
      %add3A_286 = arith.addi %mul3A_169, %add3A_285 : i32
      %dma_start3A_287 = arith.constant 0 : i32
      %dma_start3A_288 = tpu.memref_slice %arg4[%add3A_286, %dma_start3A_287, %mul3A_2] : memref<200x32x4096xf32, #tpu.memory_space<hbm>> -> memref<1x32x128xf32, #tpu.memory_space<hbm>>
      %dma_start3A_289 = tpu.memref_squeeze %dma_start3A_288 : memref<1x32x128xf32, #tpu.memory_space<hbm>> -> memref<32x128xf32, #tpu.memory_space<hbm>>
      %dma_start3A_290 = arith.constant 0 : i32
      %dma_start3A_291 = tpu.memref_slice %arg4[%add3A_286, %dma_start3A_290, %mul3A_2] : memref<200x32x4096xf32, #tpu.memory_space<hbm>> -> memref<1x32x128xf32, #tpu.memory_space<hbm>>
      %dma_start3A_292 = tpu.memref_squeeze %dma_start3A_291 : memref<1x32x128xf32, #tpu.memory_space<hbm>> -> memref<32x128xf32, #tpu.memory_space<hbm>>
      tpu.enqueue_dma source(%arg8 : memref<32x128xf32, #tpu.memory_space<vmem>>) target(%dma_start3A_292 : memref<32x128xf32, #tpu.memory_space<hbm>>) target_semaphore(%arg14 : memref<!tpu.dma_semaphore, #tpu.memory_space<semaphore_mem>>)
      %dma_wait3A_293 = arith.constant 0 : i32
      %dma_wait3A_294 = arith.constant 0 : i32
      %dma_wait3A_295 = tpu.memref_slice %arg2[%dma_wait3A_293, %dma_wait3A_294] : memref<250000x128xf32, #tpu.memory_space<hbm>> -> memref<250000x128xf32, #tpu.memory_space<hbm>>
      tpu.wait_indirect_dma semaphore(%arg13 : memref<!tpu.dma_semaphore, #tpu.memory_space<semaphore_mem>>) src(%dma_wait3A_295 : memref<250000x128xf32, #tpu.memory_space<hbm>>) dst(%arg7 : memref<128x128xf32, #tpu.memory_space<vmem>>)
      %gt3A_296 = arith.constant 0 : i32
      %gt3A_297 = arith.cmpi sgt, %scan3A_167, %gt3A_296 : i32
      %convert_element_type3A_298 = arith.extui %gt3A_297 : i1 to i32
      %cond3A_299 = arith.constant 0 : i32
      %cond3A_300 = arith.cmpi ne, %convert_element_type3A_298, %cond3A_299 : i32
      scf.if %cond3A_300 {
        %dma_wait3A_423 = arith.constant 0 : i32
        %dma_wait3A_424 = arith.constant 0 : i32
        %dma_wait3A_425 = tpu.memref_slice %arg4[%dma_wait3A_423, %dma_wait3A_424, %mul3A_2] : memref<200x32x4096xf32, #tpu.memory_space<hbm>> -> memref<1x32x128xf32, #tpu.memory_space<hbm>>
        %dma_wait3A_426 = tpu.memref_squeeze %dma_wait3A_425 : memref<1x32x128xf32, #tpu.memory_space<hbm>> -> memref<32x128xf32, #tpu.memory_space<hbm>>
        %dma_wait3A_427 = arith.constant 0 : i32
        %dma_wait3A_428 = tpu.memref_slice %arg4[%dma_wait3A_423, %dma_wait3A_427, %mul3A_2] : memref<200x32x4096xf32, #tpu.memory_space<hbm>> -> memref<1x32x128xf32, #tpu.memory_space<hbm>>
        %dma_wait3A_429 = tpu.memref_squeeze %dma_wait3A_428 : memref<1x32x128xf32, #tpu.memory_space<hbm>> -> memref<32x128xf32, #tpu.memory_space<hbm>>
        tpu.wait_dma2 semaphore(%arg15 : memref<!tpu.dma_semaphore, #tpu.memory_space<semaphore_mem>>) src(%arg9 : memref<32x128xf32, #tpu.memory_space<vmem>>) dst(%dma_wait3A_429 : memref<32x128xf32, #tpu.memory_space<hbm>>)
      } else {
      }
      %add3A_301 = arith.constant 1 : i32
      %add3A_302 = arith.addi %mul3A_169, %add3A_301 : i32
      %iota3A_303 = tpu.iota {dimensions = array<i32: 0>} : vector<16xi32>
      %get3A_304 = arith.index_cast %add3A_302 : i32 to index
      %get3A_305 = arith.constant 0 : index
      %get3A_306 = tpu.vector_load %arg5[%get3A_304, %get3A_305] {strides = array<i32>} : memref<200x128xi32, #tpu.memory_space<vmem>>, vector<16xi32>,
      %and3A_307 = arith.constant 3 : i32
      %and3A_308 = vector.broadcast %and3A_307 : i32 to vector<16xi32>
      %and3A_309 = arith.andi %get3A_306, %and3A_308 : vector<16xi32>
      %shift_left3A_310 = arith.constant 5 : i32
      %shift_left3A_311 = vector.broadcast %shift_left3A_310 : i32 to vector<16xi32>
      %shift_left3A_312 = arith.shli %and3A_309, %shift_left3A_311 : vector<16xi32>
      %get3A_313 = arith.index_cast %add3A_302 : i32 to index
      %get3A_314 = arith.constant 16 : index
      %get3A_315 = tpu.vector_load %arg5[%get3A_313, %get3A_314] {strides = array<i32>} : memref<200x128xi32, #tpu.memory_space<vmem>>, vector<16xi32>,
      %and3A_316 = arith.constant 3 : i32
      %and3A_317 = vector.broadcast %and3A_316 : i32 to vector<16xi32>
      %and3A_318 = arith.andi %get3A_315, %and3A_317 : vector<16xi32>
      %shift_left3A_319 = arith.constant 5 : i32
      %shift_left3A_320 = vector.broadcast %shift_left3A_319 : i32 to vector<16xi32>
      %shift_left3A_321 = arith.shli %and3A_318, %shift_left3A_320 : vector<16xi32>
      %get3A_322 = arith.index_cast %add3A_302 : i32 to index
      %get3A_323 = arith.constant 32 : index
      %get3A_324 = tpu.vector_load %arg5[%get3A_322, %get3A_323] {strides = array<i32>} : memref<200x128xi32, #tpu.memory_space<vmem>>, vector<16xi32>,
      %and3A_325 = arith.constant 3 : i32
      %and3A_326 = vector.broadcast %and3A_325 : i32 to vector<16xi32>
      %and3A_327 = arith.andi %get3A_324, %and3A_326 : vector<16xi32>
      %shift_left3A_328 = arith.constant 5 : i32
      %shift_left3A_329 = vector.broadcast %shift_left3A_328 : i32 to vector<16xi32>
      %shift_left3A_330 = arith.shli %and3A_327, %shift_left3A_329 : vector<16xi32>
      %get3A_331 = arith.index_cast %add3A_302 : i32 to index
      %get3A_332 = arith.constant 48 : index
      %get3A_333 = tpu.vector_load %arg5[%get3A_331, %get3A_332] {strides = array<i32>} : memref<200x128xi32, #tpu.memory_space<vmem>>, vector<16xi32>,
      %and3A_334 = arith.constant 3 : i32
      %and3A_335 = vector.broadcast %and3A_334 : i32 to vector<16xi32>
      %and3A_336 = arith.andi %get3A_333, %and3A_335 : vector<16xi32>
      %shift_left3A_337 = arith.constant 5 : i32
      %shift_left3A_338 = vector.broadcast %shift_left3A_337 : i32 to vector<16xi32>
      %shift_left3A_339 = arith.shli %and3A_336, %shift_left3A_338 : vector<16xi32>
      %get3A_340 = arith.index_cast %add3A_302 : i32 to index
      %get3A_341 = arith.constant 64 : index
      %get3A_342 = tpu.vector_load %arg5[%get3A_340, %get3A_341] {strides = array<i32>} : memref<200x128xi32, #tpu.memory_space<vmem>>, vector<16xi32>,
      %and3A_343 = arith.constant 3 : i32
      %and3A_344 = vector.broadcast %and3A_343 : i32 to vector<16xi32>
      %and3A_345 = arith.andi %get3A_342, %and3A_344 : vector<16xi32>
      %shift_left3A_346 = arith.constant 5 : i32
      %shift_left3A_347 = vector.broadcast %shift_left3A_346 : i32 to vector<16xi32>
      %shift_left3A_348 = arith.shli %and3A_345, %shift_left3A_347 : vector<16xi32>
      %get3A_349 = arith.index_cast %add3A_302 : i32 to index
      %get3A_350 = arith.constant 80 : index
      %get3A_351 = tpu.vector_load %arg5[%get3A_349, %get3A_350] {strides = array<i32>} : memref<200x128xi32, #tpu.memory_space<vmem>>, vector<16xi32>,
      %and3A_352 = arith.constant 3 : i32
      %and3A_353 = vector.broadcast %and3A_352 : i32 to vector<16xi32>
      %and3A_354 = arith.andi %get3A_351, %and3A_353 : vector<16xi32>
      %shift_left3A_355 = arith.constant 5 : i32
      %shift_left3A_356 = vector.broadcast %shift_left3A_355 : i32 to vector<16xi32>
      %shift_left3A_357 = arith.shli %and3A_354, %shift_left3A_356 : vector<16xi32>
      %get3A_358 = arith.index_cast %add3A_302 : i32 to index
      %get3A_359 = arith.constant 96 : index
      %get3A_360 = tpu.vector_load %arg5[%get3A_358, %get3A_359] {strides = array<i32>} : memref<200x128xi32, #tpu.memory_space<vmem>>, vector<16xi32>,
      %and3A_361 = arith.constant 3 : i32
      %and3A_362 = vector.broadcast %and3A_361 : i32 to vector<16xi32>
      %and3A_363 = arith.andi %get3A_360, %and3A_362 : vector<16xi32>
      %shift_left3A_364 = arith.constant 5 : i32
      %shift_left3A_365 = vector.broadcast %shift_left3A_364 : i32 to vector<16xi32>
      %shift_left3A_366 = arith.shli %and3A_363, %shift_left3A_365 : vector<16xi32>
      %get3A_367 = arith.index_cast %add3A_302 : i32 to index
      %get3A_368 = arith.constant 112 : index
      %get3A_369 = tpu.vector_load %arg5[%get3A_367, %get3A_368] {strides = array<i32>} : memref<200x128xi32, #tpu.memory_space<vmem>>, vector<16xi32>,
      %and3A_370 = arith.constant 3 : i32
      %and3A_371 = vector.broadcast %and3A_370 : i32 to vector<16xi32>
      %and3A_372 = arith.andi %get3A_369, %and3A_371 : vector<16xi32>
      %shift_left3A_373 = arith.constant 5 : i32
      %shift_left3A_374 = vector.broadcast %shift_left3A_373 : i32 to vector<16xi32>
      %shift_left3A_375 = arith.shli %and3A_372, %shift_left3A_374 : vector<16xi32>
      %add3A_376 = arith.constant 0 : i32
      %add3A_377 = vector.broadcast %add3A_376 : i32 to vector<16xi32>
      %add3A_378 = arith.addi %iota3A_303, %add3A_377 : vector<16xi32>
      %add3A_379 = arith.constant 16 : i32
      %add3A_380 = vector.broadcast %add3A_379 : i32 to vector<16xi32>
      %add3A_381 = arith.addi %iota3A_303, %add3A_380 : vector<16xi32>
      %add3A_382 = arith.constant 32 : i32
      %add3A_383 = vector.broadcast %add3A_382 : i32 to vector<16xi32>
      %add3A_384 = arith.addi %iota3A_303, %add3A_383 : vector<16xi32>
      %add3A_385 = arith.constant 48 : i32
      %add3A_386 = vector.broadcast %add3A_385 : i32 to vector<16xi32>
      %add3A_387 = arith.addi %iota3A_303, %add3A_386 : vector<16xi32>
      %add3A_388 = arith.constant 64 : i32
      %add3A_389 = vector.broadcast %add3A_388 : i32 to vector<16xi32>
      %add3A_390 = arith.addi %iota3A_303, %add3A_389 : vector<16xi32>
      %add3A_391 = arith.constant 80 : i32
      %add3A_392 = vector.broadcast %add3A_391 : i32 to vector<16xi32>
      %add3A_393 = arith.addi %iota3A_303, %add3A_392 : vector<16xi32>
      %add3A_394 = arith.constant 96 : i32
      %add3A_395 = vector.broadcast %add3A_394 : i32 to vector<16xi32>
      %add3A_396 = arith.addi %iota3A_303, %add3A_395 : vector<16xi32>
      %add3A_397 = arith.constant 112 : i32
      %add3A_398 = vector.broadcast %add3A_397 : i32 to vector<16xi32>
      %add3A_399 = arith.addi %iota3A_303, %add3A_398 : vector<16xi32>
      %scan3A_400 = arith.constant 0 : i32
      %scan3A_401 = arith.constant 0 : i32
      %scan3A_402 = arith.constant 16 : i32
      %scan3A_403 = arith.addi %scan3A_401, %scan3A_402 : i32
      %scan3A_404 = arith.constant 1 : i32
      scf.for %scan3A_423 = %scan3A_401 to %scan3A_403 step %scan3A_404  : i32 {
        %add3A_424 = vector.broadcast %scan3A_423 : i32 to vector<16xi32>
        %add3A_425 = arith.addi %iota3A_303, %add3A_424 : vector<16xi32>
        %and3A_426 = arith.constant 15 : i32
        %and3A_427 = vector.broadcast %and3A_426 : i32 to vector<16xi32>
        %and3A_428 = arith.andi %add3A_425, %and3A_427 : vector<16xi32>
        %add3A_429 = arith.constant 0 : i32
        %add3A_430 = vector.broadcast %add3A_429 : i32 to vector<16xi32>
        %add3A_431 = arith.addi %and3A_428, %add3A_430 : vector<16xi32>
        %add3A_432 = arith.addi %shift_left3A_312, %add3A_431 : vector<16xi32>
        %gather3A = tpu.vector_load_idx %arg7[%add3A_378, %add3A_432] : memref<128x128xf32, #tpu.memory_space<vmem>>[vector<16xi32>, vector<16xi32>], vector<16xf32>,
        tpu.vector_store_idx %arg9[%add3A_431, %add3A_378], %gather3A : memref<32x128xf32, #tpu.memory_space<vmem>>[vector<16xi32>, vector<16xi32>], vector<16xf32>,
        %add3A_433 = arith.addi %shift_left3A_321, %add3A_431 : vector<16xi32>
        %gather3A_434 = tpu.vector_load_idx %arg7[%add3A_381, %add3A_433] : memref<128x128xf32, #tpu.memory_space<vmem>>[vector<16xi32>, vector<16xi32>], vector<16xf32>,
        tpu.vector_store_idx %arg9[%add3A_431, %add3A_381], %gather3A_434 : memref<32x128xf32, #tpu.memory_space<vmem>>[vector<16xi32>, vector<16xi32>], vector<16xf32>,
        %add3A_435 = arith.addi %shift_left3A_330, %add3A_431 : vector<16xi32>
        %gather3A_436 = tpu.vector_load_idx %arg7[%add3A_384, %add3A_435] : memref<128x128xf32, #tpu.memory_space<vmem>>[vector<16xi32>, vector<16xi32>], vector<16xf32>,
        tpu.vector_store_idx %arg9[%add3A_431, %add3A_384], %gather3A_436 : memref<32x128xf32, #tpu.memory_space<vmem>>[vector<16xi32>, vector<16xi32>], vector<16xf32>,
        %add3A_437 = arith.addi %shift_left3A_339, %add3A_431 : vector<16xi32>
        %gather3A_438 = tpu.vector_load_idx %arg7[%add3A_387, %add3A_437] : memref<128x128xf32, #tpu.memory_space<vmem>>[vector<16xi32>, vector<16xi32>], vector<16xf32>,
        tpu.vector_store_idx %arg9[%add3A_431, %add3A_387], %gather3A_438 : memref<32x128xf32, #tpu.memory_space<vmem>>[vector<16xi32>, vector<16xi32>], vector<16xf32>,
        %add3A_439 = arith.addi %shift_left3A_348, %add3A_431 : vector<16xi32>
        %gather3A_440 = tpu.vector_load_idx %arg7[%add3A_390, %add3A_439] : memref<128x128xf32, #tpu.memory_space<vmem>>[vector<16xi32>, vector<16xi32>], vector<16xf32>,
        tpu.vector_store_idx %arg9[%add3A_431, %add3A_390], %gather3A_440 : memref<32x128xf32, #tpu.memory_space<vmem>>[vector<16xi32>, vector<16xi32>], vector<16xf32>,
        %add3A_441 = arith.addi %shift_left3A_357, %add3A_431 : vector<16xi32>
        %gather3A_442 = tpu.vector_load_idx %arg7[%add3A_393, %add3A_441] : memref<128x128xf32, #tpu.memory_space<vmem>>[vector<16xi32>, vector<16xi32>], vector<16xf32>,
        tpu.vector_store_idx %arg9[%add3A_431, %add3A_393], %gather3A_442 : memref<32x128xf32, #tpu.memory_space<vmem>>[vector<16xi32>, vector<16xi32>], vector<16xf32>,
        %add3A_443 = arith.addi %shift_left3A_366, %add3A_431 : vector<16xi32>
        %gather3A_444 = tpu.vector_load_idx %arg7[%add3A_396, %add3A_443] : memref<128x128xf32, #tpu.memory_space<vmem>>[vector<16xi32>, vector<16xi32>], vector<16xf32>,
        tpu.vector_store_idx %arg9[%add3A_431, %add3A_396], %gather3A_444 : memref<32x128xf32, #tpu.memory_space<vmem>>[vector<16xi32>, vector<16xi32>], vector<16xf32>,
        %add3A_445 = arith.addi %shift_left3A_375, %add3A_431 : vector<16xi32>
        %gather3A_446 = tpu.vector_load_idx %arg7[%add3A_399, %add3A_445] : memref<128x128xf32, #tpu.memory_space<vmem>>[vector<16xi32>, vector<16xi32>], vector<16xf32>,
        tpu.vector_store_idx %arg9[%add3A_431, %add3A_399], %gather3A_446 : memref<32x128xf32, #tpu.memory_space<vmem>>[vector<16xi32>, vector<16xi32>], vector<16xf32>,
        %add3A_447 = arith.constant 16 : i32
        %add3A_448 = vector.broadcast %add3A_447 : i32 to vector<16xi32>
        %add3A_449 = arith.addi %and3A_428, %add3A_448 : vector<16xi32>
        %add3A_450 = arith.addi %shift_left3A_312, %add3A_449 : vector<16xi32>
        %gather3A_451 = tpu.vector_load_idx %arg7[%add3A_378, %add3A_450] : memref<128x128xf32, #tpu.memory_space<vmem>>[vector<16xi32>, vector<16xi32>], vector<16xf32>,
        tpu.vector_store_idx %arg9[%add3A_449, %add3A_378], %gather3A_451 : memref<32x128xf32, #tpu.memory_space<vmem>>[vector<16xi32>, vector<16xi32>], vector<16xf32>,
        %add3A_452 = arith.addi %shift_left3A_321, %add3A_449 : vector<16xi32>
        %gather3A_453 = tpu.vector_load_idx %arg7[%add3A_381, %add3A_452] : memref<128x128xf32, #tpu.memory_space<vmem>>[vector<16xi32>, vector<16xi32>], vector<16xf32>,
        tpu.vector_store_idx %arg9[%add3A_449, %add3A_381], %gather3A_453 : memref<32x128xf32, #tpu.memory_space<vmem>>[vector<16xi32>, vector<16xi32>], vector<16xf32>,
        %add3A_454 = arith.addi %shift_left3A_330, %add3A_449 : vector<16xi32>
        %gather3A_455 = tpu.vector_load_idx %arg7[%add3A_384, %add3A_454] : memref<128x128xf32, #tpu.memory_space<vmem>>[vector<16xi32>, vector<16xi32>], vector<16xf32>,
        tpu.vector_store_idx %arg9[%add3A_449, %add3A_384], %gather3A_455 : memref<32x128xf32, #tpu.memory_space<vmem>>[vector<16xi32>, vector<16xi32>], vector<16xf32>,
        %add3A_456 = arith.addi %shift_left3A_339, %add3A_449 : vector<16xi32>
        %gather3A_457 = tpu.vector_load_idx %arg7[%add3A_387, %add3A_456] : memref<128x128xf32, #tpu.memory_space<vmem>>[vector<16xi32>, vector<16xi32>], vector<16xf32>,
        tpu.vector_store_idx %arg9[%add3A_449, %add3A_387], %gather3A_457 : memref<32x128xf32, #tpu.memory_space<vmem>>[vector<16xi32>, vector<16xi32>], vector<16xf32>,
        %add3A_458 = arith.addi %shift_left3A_348, %add3A_449 : vector<16xi32>
        %gather3A_459 = tpu.vector_load_idx %arg7[%add3A_390, %add3A_458] : memref<128x128xf32, #tpu.memory_space<vmem>>[vector<16xi32>, vector<16xi32>], vector<16xf32>,
        tpu.vector_store_idx %arg9[%add3A_449, %add3A_390], %gather3A_459 : memref<32x128xf32, #tpu.memory_space<vmem>>[vector<16xi32>, vector<16xi32>], vector<16xf32>,
        %add3A_460 = arith.addi %shift_left3A_357, %add3A_449 : vector<16xi32>
        %gather3A_461 = tpu.vector_load_idx %arg7[%add3A_393, %add3A_460] : memref<128x128xf32, #tpu.memory_space<vmem>>[vector<16xi32>, vector<16xi32>], vector<16xf32>,
        tpu.vector_store_idx %arg9[%add3A_449, %add3A_393], %gather3A_461 : memref<32x128xf32, #tpu.memory_space<vmem>>[vector<16xi32>, vector<16xi32>], vector<16xf32>,
        %add3A_462 = arith.addi %shift_left3A_366, %add3A_449 : vector<16xi32>
        %gather3A_463 = tpu.vector_load_idx %arg7[%add3A_396, %add3A_462] : memref<128x128xf32, #tpu.memory_space<vmem>>[vector<16xi32>, vector<16xi32>], vector<16xf32>,
        tpu.vector_store_idx %arg9[%add3A_449, %add3A_396], %gather3A_463 : memref<32x128xf32, #tpu.memory_space<vmem>>[vector<16xi32>, vector<16xi32>], vector<16xf32>,
        %add3A_464 = arith.addi %shift_left3A_375, %add3A_449 : vector<16xi32>
        %gather3A_465 = tpu.vector_load_idx %arg7[%add3A_399, %add3A_464] : memref<128x128xf32, #tpu.memory_space<vmem>>[vector<16xi32>, vector<16xi32>], vector<16xf32>,
        tpu.vector_store_idx %arg9[%add3A_449, %add3A_399], %gather3A_465 : memref<32x128xf32, #tpu.memory_space<vmem>>[vector<16xi32>, vector<16xi32>], vector<16xf32>,
      }
      %scan3A_405 = arith.constant 16 : i32
      %add3A_406 = arith.constant 1 : i32
      %add3A_407 = arith.addi %mul3A_169, %add3A_406 : i32
      %add3A_408 = arith.constant 2 : i32
      %add3A_409 = arith.addi %add3A_407, %add3A_408 : i32
      %lt3A_410 = arith.constant 200 : i32
      %lt3A_411 = arith.cmpi slt, %add3A_409, %lt3A_410 : i32
      %convert_element_type3A_412 = arith.extui %lt3A_411 : i1 to i32
      %cond3A_413 = arith.constant 0 : i32
      %cond3A_414 = arith.cmpi ne, %convert_element_type3A_412, %cond3A_413 : i32
      scf.if %cond3A_414 {
        %add3A_423 = arith.constant 1 : i32
        %add3A_424 = arith.addi %mul3A_169, %add3A_423 : i32
        %add3A_425 = arith.constant 2 : i32
        %add3A_426 = arith.addi %add3A_424, %add3A_425 : i32
        %get3A_427 = arith.index_cast %add3A_426 : i32 to index
        %get3A_428 = arith.constant 0 : index
        %get3A_429 = tpu.vector_load %arg5[%get3A_427, %get3A_428] {strides = array<i32>} : memref<200x128xi32, #tpu.memory_space<vmem>>, vector<16xi32>,
        %shift_right_logical3A_430 = arith.constant 2 : i32
        %shift_right_logical3A_431 = vector.broadcast %shift_right_logical3A_430 : i32 to vector<16xi32>
        %shift_right_logical3A_432 = arith.shrui %get3A_429, %shift_right_logical3A_431 : vector<16xi32>
        %swap3A_433 = arith.constant 0 : index
        %swap3A_434 = tpu.vector_load %arg11[%swap3A_433] {strides = array<i32>} : memref<128xi32, #tpu.memory_space<vmem>>, vector<16xi32>,
        tpu.vector_store %arg11[%swap3A_433], %shift_right_logical3A_432 {strides = array<i32>} : memref<128xi32, #tpu.memory_space<vmem>>, vector<16xi32>,
        %get3A_435 = arith.index_cast %add3A_426 : i32 to index
        %get3A_436 = arith.constant 16 : index
        %get3A_437 = tpu.vector_load %arg5[%get3A_435, %get3A_436] {strides = array<i32>} : memref<200x128xi32, #tpu.memory_space<vmem>>, vector<16xi32>,
        %shift_right_logical3A_438 = arith.constant 2 : i32
        %shift_right_logical3A_439 = vector.broadcast %shift_right_logical3A_438 : i32 to vector<16xi32>
        %shift_right_logical3A_440 = arith.shrui %get3A_437, %shift_right_logical3A_439 : vector<16xi32>
        %swap3A_441 = arith.constant 16 : index
        %swap3A_442 = tpu.vector_load %arg11[%swap3A_441] {strides = array<i32>} : memref<128xi32, #tpu.memory_space<vmem>>, vector<16xi32>,
        tpu.vector_store %arg11[%swap3A_441], %shift_right_logical3A_440 {strides = array<i32>} : memref<128xi32, #tpu.memory_space<vmem>>, vector<16xi32>,
        %get3A_443 = arith.index_cast %add3A_426 : i32 to index
        %get3A_444 = arith.constant 32 : index
        %get3A_445 = tpu.vector_load %arg5[%get3A_443, %get3A_444] {strides = array<i32>} : memref<200x128xi32, #tpu.memory_space<vmem>>, vector<16xi32>,
        %shift_right_logical3A_446 = arith.constant 2 : i32
        %shift_right_logical3A_447 = vector.broadcast %shift_right_logical3A_446 : i32 to vector<16xi32>
        %shift_right_logical3A_448 = arith.shrui %get3A_445, %shift_right_logical3A_447 : vector<16xi32>
        %swap3A_449 = arith.constant 32 : index
        %swap3A_450 = tpu.vector_load %arg11[%swap3A_449] {strides = array<i32>} : memref<128xi32, #tpu.memory_space<vmem>>, vector<16xi32>,
        tpu.vector_store %arg11[%swap3A_449], %shift_right_logical3A_448 {strides = array<i32>} : memref<128xi32, #tpu.memory_space<vmem>>, vector<16xi32>,
        %get3A_451 = arith.index_cast %add3A_426 : i32 to index
        %get3A_452 = arith.constant 48 : index
        %get3A_453 = tpu.vector_load %arg5[%get3A_451, %get3A_452] {strides = array<i32>} : memref<200x128xi32, #tpu.memory_space<vmem>>, vector<16xi32>,
        %shift_right_logical3A_454 = arith.constant 2 : i32
        %shift_right_logical3A_455 = vector.broadcast %shift_right_logical3A_454 : i32 to vector<16xi32>
        %shift_right_logical3A_456 = arith.shrui %get3A_453, %shift_right_logical3A_455 : vector<16xi32>
        %swap3A_457 = arith.constant 48 : index
        %swap3A_458 = tpu.vector_load %arg11[%swap3A_457] {strides = array<i32>} : memref<128xi32, #tpu.memory_space<vmem>>, vector<16xi32>,
        tpu.vector_store %arg11[%swap3A_457], %shift_right_logical3A_456 {strides = array<i32>} : memref<128xi32, #tpu.memory_space<vmem>>, vector<16xi32>,
        %get3A_459 = arith.index_cast %add3A_426 : i32 to index
        %get3A_460 = arith.constant 64 : index
        %get3A_461 = tpu.vector_load %arg5[%get3A_459, %get3A_460] {strides = array<i32>} : memref<200x128xi32, #tpu.memory_space<vmem>>, vector<16xi32>,
        %shift_right_logical3A_462 = arith.constant 2 : i32
        %shift_right_logical3A_463 = vector.broadcast %shift_right_logical3A_462 : i32 to vector<16xi32>
        %shift_right_logical3A_464 = arith.shrui %get3A_461, %shift_right_logical3A_463 : vector<16xi32>
        %swap3A_465 = arith.constant 64 : index
        %swap3A_466 = tpu.vector_load %arg11[%swap3A_465] {strides = array<i32>} : memref<128xi32, #tpu.memory_space<vmem>>, vector<16xi32>,
        tpu.vector_store %arg11[%swap3A_465], %shift_right_logical3A_464 {strides = array<i32>} : memref<128xi32, #tpu.memory_space<vmem>>, vector<16xi32>,
        %get3A_467 = arith.index_cast %add3A_426 : i32 to index
        %get3A_468 = arith.constant 80 : index
        %get3A_469 = tpu.vector_load %arg5[%get3A_467, %get3A_468] {strides = array<i32>} : memref<200x128xi32, #tpu.memory_space<vmem>>, vector<16xi32>,
        %shift_right_logical3A_470 = arith.constant 2 : i32
        %shift_right_logical3A_471 = vector.broadcast %shift_right_logical3A_470 : i32 to vector<16xi32>
        %shift_right_logical3A_472 = arith.shrui %get3A_469, %shift_right_logical3A_471 : vector<16xi32>
        %swap3A_473 = arith.constant 80 : index
        %swap3A_474 = tpu.vector_load %arg11[%swap3A_473] {strides = array<i32>} : memref<128xi32, #tpu.memory_space<vmem>>, vector<16xi32>,
        tpu.vector_store %arg11[%swap3A_473], %shift_right_logical3A_472 {strides = array<i32>} : memref<128xi32, #tpu.memory_space<vmem>>, vector<16xi32>,
        %get3A_475 = arith.index_cast %add3A_426 : i32 to index
        %get3A_476 = arith.constant 96 : index
        %get3A_477 = tpu.vector_load %arg5[%get3A_475, %get3A_476] {strides = array<i32>} : memref<200x128xi32, #tpu.memory_space<vmem>>, vector<16xi32>,
        %shift_right_logical3A_478 = arith.constant 2 : i32
        %shift_right_logical3A_479 = vector.broadcast %shift_right_logical3A_478 : i32 to vector<16xi32>
        %shift_right_logical3A_480 = arith.shrui %get3A_477, %shift_right_logical3A_479 : vector<16xi32>
        %swap3A_481 = arith.constant 96 : index
        %swap3A_482 = tpu.vector_load %arg11[%swap3A_481] {strides = array<i32>} : memref<128xi32, #tpu.memory_space<vmem>>, vector<16xi32>,
        tpu.vector_store %arg11[%swap3A_481], %shift_right_logical3A_480 {strides = array<i32>} : memref<128xi32, #tpu.memory_space<vmem>>, vector<16xi32>,
        %get3A_483 = arith.index_cast %add3A_426 : i32 to index
        %get3A_484 = arith.constant 112 : index
        %get3A_485 = tpu.vector_load %arg5[%get3A_483, %get3A_484] {strides = array<i32>} : memref<200x128xi32, #tpu.memory_space<vmem>>, vector<16xi32>,
        %shift_right_logical3A_486 = arith.constant 2 : i32
        %shift_right_logical3A_487 = vector.broadcast %shift_right_logical3A_486 : i32 to vector<16xi32>
        %shift_right_logical3A_488 = arith.shrui %get3A_485, %shift_right_logical3A_487 : vector<16xi32>
        %swap3A_489 = arith.constant 112 : index
        %swap3A_490 = tpu.vector_load %arg11[%swap3A_489] {strides = array<i32>} : memref<128xi32, #tpu.memory_space<vmem>>, vector<16xi32>,
        tpu.vector_store %arg11[%swap3A_489], %shift_right_logical3A_488 {strides = array<i32>} : memref<128xi32, #tpu.memory_space<vmem>>, vector<16xi32>,
        %dma_start3A_491 = arith.constant 0 : i32
        %dma_start3A_492 = arith.constant 0 : i32
        %dma_start3A_493 = tpu.memref_slice %arg2[%dma_start3A_491, %dma_start3A_492] : memref<250000x128xf32, #tpu.memory_space<hbm>> -> memref<250000x128xf32, #tpu.memory_space<hbm>>
        tpu.enqueue_indirect_dma source(%dma_start3A_493 : memref<250000x128xf32, #tpu.memory_space<hbm>>) target(%arg7 : memref<128x128xf32, #tpu.memory_space<vmem>>) offsets(%arg11 : memref<128xi32, #tpu.memory_space<vmem>>) semaphore(%arg13 : memref<!tpu.dma_semaphore, #tpu.memory_space<semaphore_mem>>)
      } else {
      }
      %add3A_415 = arith.constant 1 : i32
      %add3A_416 = arith.addi %mul3A_169, %add3A_415 : i32
      %dma_start3A_417 = arith.constant 0 : i32
      %dma_start3A_418 = tpu.memref_slice %arg4[%add3A_416, %dma_start3A_417, %mul3A_2] : memref<200x32x4096xf32, #tpu.memory_space<hbm>> -> memref<1x32x128xf32, #tpu.memory_space<hbm>>
      %dma_start3A_419 = tpu.memref_squeeze %dma_start3A_418 : memref<1x32x128xf32, #tpu.memory_space<hbm>> -> memref<32x128xf32, #tpu.memory_space<hbm>>
      %dma_start3A_420 = arith.constant 0 : i32
      %dma_start3A_421 = tpu.memref_slice %arg4[%add3A_416, %dma_start3A_420, %mul3A_2] : memref<200x32x4096xf32, #tpu.memory_space<hbm>> -> memref<1x32x128xf32, #tpu.memory_space<hbm>>
      %dma_start3A_422 = tpu.memref_squeeze %dma_start3A_421 : memref<1x32x128xf32, #tpu.memory_space<hbm>> -> memref<32x128xf32, #tpu.memory_space<hbm>>
      tpu.enqueue_dma source(%arg9 : memref<32x128xf32, #tpu.memory_space<vmem>>) target(%dma_start3A_422 : memref<32x128xf32, #tpu.memory_space<hbm>>) target_semaphore(%arg15 : memref<!tpu.dma_semaphore, #tpu.memory_space<semaphore_mem>>)
    }
    %scan3A_153 = arith.constant 100 : i32
    %dma_wait3A = arith.constant 0 : i32
    %dma_wait3A_154 = arith.constant 0 : i32
    %dma_wait3A_155 = tpu.memref_slice %arg4[%dma_wait3A, %dma_wait3A_154, %mul3A_2] : memref<200x32x4096xf32, #tpu.memory_space<hbm>> -> memref<1x32x128xf32, #tpu.memory_space<hbm>>
    %dma_wait3A_156 = tpu.memref_squeeze %dma_wait3A_155 : memref<1x32x128xf32, #tpu.memory_space<hbm>> -> memref<32x128xf32, #tpu.memory_space<hbm>>
    %dma_wait3A_157 = arith.constant 0 : i32
    %dma_wait3A_158 = tpu.memref_slice %arg4[%dma_wait3A, %dma_wait3A_157, %mul3A_2] : memref<200x32x4096xf32, #tpu.memory_space<hbm>> -> memref<1x32x128xf32, #tpu.memory_space<hbm>>
    %dma_wait3A_159 = tpu.memref_squeeze %dma_wait3A_158 : memref<1x32x128xf32, #tpu.memory_space<hbm>> -> memref<32x128xf32, #tpu.memory_space<hbm>>
    tpu.wait_dma2 semaphore(%arg14 : memref<!tpu.dma_semaphore, #tpu.memory_space<semaphore_mem>>) src(%arg8 : memref<32x128xf32, #tpu.memory_space<vmem>>) dst(%dma_wait3A_159 : memref<32x128xf32, #tpu.memory_space<hbm>>)
    %dma_wait3A_160 = arith.constant 0 : i32
    %dma_wait3A_161 = arith.constant 0 : i32
    %dma_wait3A_162 = tpu.memref_slice %arg4[%dma_wait3A_160, %dma_wait3A_161, %mul3A_2] : memref<200x32x4096xf32, #tpu.memory_space<hbm>> -> memref<1x32x128xf32, #tpu.memory_space<hbm>>
    %dma_wait3A_163 = tpu.memref_squeeze %dma_wait3A_162 : memref<1x32x128xf32, #tpu.memory_space<hbm>> -> memref<32x128xf32, #tpu.memory_space<hbm>>
    %dma_wait3A_164 = arith.constant 0 : i32
    %dma_wait3A_165 = tpu.memref_slice %arg4[%dma_wait3A_160, %dma_wait3A_164, %mul3A_2] : memref<200x32x4096xf32, #tpu.memory_space<hbm>> -> memref<1x32x128xf32, #tpu.memory_space<hbm>>
    %dma_wait3A_166 = tpu.memref_squeeze %dma_wait3A_165 : memref<1x32x128xf32, #tpu.memory_space<hbm>> -> memref<32x128xf32, #tpu.memory_space<hbm>>
    tpu.wait_dma2 semaphore(%arg15 : memref<!tpu.dma_semaphore, #tpu.memory_space<semaphore_mem>>) src(%arg9 : memref<32x128xf32, #tpu.memory_space<vmem>>) dst(%dma_wait3A_166 : memref<32x128xf32, #tpu.memory_space<hbm>>)
    return
  }
}

#map = affine_map<(d0, d1) -> (0, 0)>
module attributes {stable_mosaic.version = 14 : i64} {
  func.func @_relayout_body(%arg0: i32, %arg1: i32, %arg2: memref<32x1000000xf32, #tpu.memory_space<hbm>>, %arg3: memref<250000x128xf32, #tpu.memory_space<hbm>>, %arg4: memref<32x128xf32, #tpu.memory_space<vmem>>, %arg5: memref<32x128xf32, #tpu.memory_space<vmem>>, %arg6: memref<32x128xf32, #tpu.memory_space<vmem>>, %arg7: memref<32x128xf32, #tpu.memory_space<vmem>>, %arg8: memref<!tpu.dma_semaphore, #tpu.memory_space<semaphore_mem>>, %arg9: memref<!tpu.dma_semaphore, #tpu.memory_space<semaphore_mem>>, %arg10: memref<!tpu.dma_semaphore, #tpu.memory_space<semaphore_mem>>, %arg11: memref<!tpu.dma_semaphore, #tpu.memory_space<semaphore_mem>>) attributes {dimension_semantics = [#tpu.dimension_semantics<core_parallel>, #tpu.dimension_semantics<subcore_parallel>], iteration_bounds = array<i64: 2, 16>, scalar_prefetch = 0 : i64, scratch_operands = 8 : i64, tpu.core_type = #tpu.core_type<sc_vector_subcore>, window_params = [{transform_indices = #map}, {transform_indices = #map}]} {
    %mul3A = arith.constant 2 : i32
    %mul3A_0 = arith.muli %arg1, %mul3A : i32
    %add3A = arith.addi %mul3A_0, %arg0 : i32
    %add3A_1 = arith.constant 0 : i32
    %add3A_2 = arith.addi %add3A, %add3A_1 : i32
    %mul3A_3 = arith.constant 128 : i32
    %mul3A_4 = arith.muli %add3A_2, %mul3A_3 : i32
    %multiple_of3A = tpu.assume_multiple %mul3A_4, 128 : i32
    %dma_start3A = arith.constant 0 : i32
    %dma_start3A_5 = tpu.memref_slice %arg2[%dma_start3A, %multiple_of3A] : memref<32x1000000xf32, #tpu.memory_space<hbm>> -> memref<32x128xf32, #tpu.memory_space<hbm>>
    %dma_start3A_6 = arith.constant 0 : i32
    %dma_start3A_7 = tpu.memref_slice %arg2[%dma_start3A_6, %multiple_of3A] : memref<32x1000000xf32, #tpu.memory_space<hbm>> -> memref<32x128xf32, #tpu.memory_space<hbm>>
    tpu.enqueue_dma source(%dma_start3A_7 : memref<32x128xf32, #tpu.memory_space<hbm>>) target(%arg4 : memref<32x128xf32, #tpu.memory_space<vmem>>) target_semaphore(%arg8 : memref<!tpu.dma_semaphore, #tpu.memory_space<semaphore_mem>>)
    %scan3A = arith.constant 0 : i32
    %scan3A_8 = arith.constant 0 : i32
    %scan3A_9 = arith.constant 123 : i32
    %scan3A_10 = arith.addi %scan3A_8, %scan3A_9 : i32
    %scan3A_11 = arith.constant 1 : i32
    scf.for %scan3A_26 = %scan3A_8 to %scan3A_10 step %scan3A_11  : i32 {
      %mul3A_27 = arith.constant 2 : i32
      %mul3A_28 = arith.muli %mul3A_27, %scan3A_26 : i32
      %add3A_29 = arith.constant 0 : i32
      %add3A_30 = arith.addi %mul3A_28, %add3A_29 : i32
      %mul3A_31 = arith.constant 32 : i32
      %mul3A_32 = arith.muli %mul3A_31, %add3A_30 : i32
      %add3A_33 = arith.addi %add3A, %mul3A_32 : i32
      %lt3A = arith.constant 7812 : i32
      %lt3A_34 = arith.cmpi slt, %add3A_33, %lt3A : i32
      %convert_element_type3A_35 = arith.extui %lt3A_34 : i1 to i32
      %cond3A_36 = arith.constant 0 : i32
      %cond3A_37 = arith.cmpi ne, %convert_element_type3A_35, %cond3A_36 : i32
      scf.if %cond3A_37 {
        %add3A_50 = arith.constant 1 : i32
        %add3A_51 = arith.addi %add3A_30, %add3A_50 : i32
        %mul3A_52 = arith.constant 32 : i32
        %mul3A_53 = arith.muli %mul3A_52, %add3A_51 : i32
        %add3A_54 = arith.addi %add3A, %mul3A_53 : i32
        %lt3A_55 = arith.constant 7812 : i32
        %lt3A_56 = arith.cmpi slt, %add3A_54, %lt3A_55 : i32
        %convert_element_type3A_57 = arith.extui %lt3A_56 : i1 to i32
        %cond3A_58 = arith.constant 0 : i32
        %cond3A_59 = arith.cmpi ne, %convert_element_type3A_57, %cond3A_58 : i32
        scf.if %cond3A_59 {
          %add3A_89 = arith.constant 1 : i32
          %add3A_90 = arith.addi %add3A_30, %add3A_89 : i32
          %mul3A_91 = arith.constant 32 : i32
          %mul3A_92 = arith.muli %mul3A_91, %add3A_90 : i32
          %add3A_93 = arith.addi %add3A, %mul3A_92 : i32
          %mul3A_94 = arith.constant 128 : i32
          %mul3A_95 = arith.muli %add3A_93, %mul3A_94 : i32
          %multiple_of3A_96 = tpu.assume_multiple %mul3A_95, 128 : i32
          %dma_start3A_97 = arith.constant 0 : i32
          %dma_start3A_98 = tpu.memref_slice %arg2[%dma_start3A_97, %multiple_of3A_96] : memref<32x1000000xf32, #tpu.memory_space<hbm>> -> memref<32x128xf32, #tpu.memory_space<hbm>>
          %dma_start3A_99 = arith.constant 0 : i32
          %dma_start3A_100 = tpu.memref_slice %arg2[%dma_start3A_99, %multiple_of3A_96] : memref<32x1000000xf32, #tpu.memory_space<hbm>> -> memref<32x128xf32, #tpu.memory_space<hbm>>
          tpu.enqueue_dma source(%dma_start3A_100 : memref<32x128xf32, #tpu.memory_space<hbm>>) target(%arg5 : memref<32x128xf32, #tpu.memory_space<vmem>>) target_semaphore(%arg9 : memref<!tpu.dma_semaphore, #tpu.memory_space<semaphore_mem>>)
        } else {
        }
        %dma_wait3A_60 = arith.constant 0 : i32
        %dma_wait3A_61 = arith.constant 0 : i32
        %dma_wait3A_62 = tpu.memref_slice %arg2[%dma_wait3A_60, %dma_wait3A_61] : memref<32x1000000xf32, #tpu.memory_space<hbm>> -> memref<32x128xf32, #tpu.memory_space<hbm>>
        %dma_wait3A_63 = arith.constant 0 : i32
        %dma_wait3A_64 = arith.constant 0 : i32
        %dma_wait3A_65 = tpu.memref_slice %arg2[%dma_wait3A_63, %dma_wait3A_64] : memref<32x1000000xf32, #tpu.memory_space<hbm>> -> memref<32x128xf32, #tpu.memory_space<hbm>>
        tpu.wait_dma2 semaphore(%arg8 : memref<!tpu.dma_semaphore, #tpu.memory_space<semaphore_mem>>) src(%dma_wait3A_65 : memref<32x128xf32, #tpu.memory_space<hbm>>) dst(%arg4 : memref<32x128xf32, #tpu.memory_space<vmem>>)
        %ge3A = arith.constant 2 : i32
        %ge3A_66 = arith.cmpi sge, %add3A_30, %ge3A : i32
        %convert_element_type3A_67 = arith.extui %ge3A_66 : i1 to i32
        %cond3A_68 = arith.constant 0 : i32
        %cond3A_69 = arith.cmpi ne, %convert_element_type3A_67, %cond3A_68 : i32
        scf.if %cond3A_69 {
          %dma_wait3A_89 = arith.constant 0 : i32
          %dma_wait3A_90 = arith.constant 0 : i32
          %dma_wait3A_91 = tpu.memref_slice %arg3[%dma_wait3A_89, %dma_wait3A_90] : memref<250000x128xf32, #tpu.memory_space<hbm>> -> memref<32x128xf32, #tpu.memory_space<hbm>>
          %dma_wait3A_92 = arith.constant 0 : i32
          %dma_wait3A_93 = arith.constant 0 : i32
          %dma_wait3A_94 = tpu.memref_slice %arg3[%dma_wait3A_92, %dma_wait3A_93] : memref<250000x128xf32, #tpu.memory_space<hbm>> -> memref<32x128xf32, #tpu.memory_space<hbm>>
          tpu.wait_dma2 semaphore(%arg10 : memref<!tpu.dma_semaphore, #tpu.memory_space<semaphore_mem>>) src(%arg6 : memref<32x128xf32, #tpu.memory_space<vmem>>) dst(%dma_wait3A_94 : memref<32x128xf32, #tpu.memory_space<hbm>>)
        } else {
        }
        %iota3A = tpu.iota {dimensions = array<i32: 0>} : vector<16xi32>
        %mul3A_70 = arith.constant 32 : i32
        %mul3A_71 = vector.broadcast %mul3A_70 : i32 to vector<16xi32>
        %mul3A_72 = arith.muli %iota3A, %mul3A_71 : vector<16xi32>
        %scan3A_73 = arith.constant 0 : i32
        %scan3A_74 = arith.constant 0 : i32
        %scan3A_75 = arith.constant 4 : i32
        %scan3A_76 = arith.addi %scan3A_74, %scan3A_75 : i32
        %scan3A_77 = arith.constant 1 : i32
        scf.for %scan3A_89 = %scan3A_74 to %scan3A_76 step %scan3A_77  : i32 {
          %mul3A_90 = arith.constant 4 : i32
          %mul3A_91 = arith.muli %scan3A_89, %mul3A_90 : i32
          %add3A_92 = arith.constant 0 : i32
          %add3A_93 = arith.addi %mul3A_91, %add3A_92 : i32
          %add3A_94 = vector.broadcast %add3A_93 : i32 to vector<16xi32>
          %add3A_95 = arith.addi %iota3A, %add3A_94 : vector<16xi32>
          %and3A = arith.constant 15 : i32
          %and3A_96 = vector.broadcast %and3A : i32 to vector<16xi32>
          %and3A_97 = arith.andi %add3A_95, %and3A_96 : vector<16xi32>
          %add3A_98 = arith.addi %mul3A_72, %and3A_97 : vector<16xi32>
          %add3A_99 = arith.constant 0 : i32
          %add3A_100 = vector.broadcast %add3A_99 : i32 to vector<16xi32>
          %add3A_101 = arith.addi %iota3A, %add3A_100 : vector<16xi32>
          %add3A_102 = arith.constant 0 : i32
          %add3A_103 = vector.broadcast %add3A_102 : i32 to vector<16xi32>
          %add3A_104 = arith.addi %and3A_97, %add3A_103 : vector<16xi32>
          %gather3A = tpu.vector_load_idx %arg4[%add3A_104, %add3A_101] : memref<32x128xf32, #tpu.memory_space<vmem>>[vector<16xi32>, vector<16xi32>], vector<16xf32>,
          %add3A_105 = arith.constant 0 : i32
          %add3A_106 = vector.broadcast %add3A_105 : i32 to vector<16xi32>
          %add3A_107 = arith.addi %add3A_98, %add3A_106 : vector<16xi32>
          %shift_right_logical3A = arith.constant 7 : i32
          %shift_right_logical3A_108 = vector.broadcast %shift_right_logical3A : i32 to vector<16xi32>
          %shift_right_logical3A_109 = arith.shrui %add3A_107, %shift_right_logical3A_108 : vector<16xi32>
          %and3A_110 = arith.constant 127 : i32
          %and3A_111 = vector.broadcast %and3A_110 : i32 to vector<16xi32>
          %and3A_112 = arith.andi %add3A_107, %and3A_111 : vector<16xi32>
          tpu.vector_store_idx %arg6[%shift_right_logical3A_109, %and3A_112], %gather3A : memref<32x128xf32, #tpu.memory_space<vmem>>[vector<16xi32>, vector<16xi32>], vector<16xf32>,
          %add3A_113 = arith.constant 16 : i32
          %add3A_114 = vector.broadcast %add3A_113 : i32 to vector<16xi32>
          %add3A_115 = arith.addi %iota3A, %add3A_114 : vector<16xi32>
          %add3A_116 = arith.constant 0 : i32
          %add3A_117 = vector.broadcast %add3A_116 : i32 to vector<16xi32>
          %add3A_118 = arith.addi %and3A_97, %add3A_117 : vector<16xi32>
          %gather3A_119 = tpu.vector_load_idx %arg4[%add3A_118, %add3A_115] : memref<32x128xf32, #tpu.memory_space<vmem>>[vector<16xi32>, vector<16xi32>], vector<16xf32>,
          %add3A_120 = arith.constant 512 : i32
          %add3A_121 = vector.broadcast %add3A_120 : i32 to vector<16xi32>
          %add3A_122 = arith.addi %add3A_98, %add3A_121 : vector<16xi32>
          %shift_right_logical3A_123 = arith.constant 7 : i32
          %shift_right_logical3A_124 = vector.broadcast %shift_right_logical3A_123 : i32 to vector<16xi32>
          %shift_right_logical3A_125 = arith.shrui %add3A_122, %shift_right_logical3A_124 : vector<16xi32>
          %and3A_126 = arith.constant 127 : i32
          %and3A_127 = vector.broadcast %and3A_126 : i32 to vector<16xi32>
          %and3A_128 = arith.andi %add3A_122, %and3A_127 : vector<16xi32>
          tpu.vector_store_idx %arg6[%shift_right_logical3A_125, %and3A_128], %gather3A_119 : memref<32x128xf32, #tpu.memory_space<vmem>>[vector<16xi32>, vector<16xi32>], vector<16xf32>,
          %add3A_129 = arith.constant 32 : i32
          %add3A_130 = vector.broadcast %add3A_129 : i32 to vector<16xi32>
          %add3A_131 = arith.addi %iota3A, %add3A_130 : vector<16xi32>
          %add3A_132 = arith.constant 0 : i32
          %add3A_133 = vector.broadcast %add3A_132 : i32 to vector<16xi32>
          %add3A_134 = arith.addi %and3A_97, %add3A_133 : vector<16xi32>
          %gather3A_135 = tpu.vector_load_idx %arg4[%add3A_134, %add3A_131] : memref<32x128xf32, #tpu.memory_space<vmem>>[vector<16xi32>, vector<16xi32>], vector<16xf32>,
          %add3A_136 = arith.constant 1024 : i32
          %add3A_137 = vector.broadcast %add3A_136 : i32 to vector<16xi32>
          %add3A_138 = arith.addi %add3A_98, %add3A_137 : vector<16xi32>
          %shift_right_logical3A_139 = arith.constant 7 : i32
          %shift_right_logical3A_140 = vector.broadcast %shift_right_logical3A_139 : i32 to vector<16xi32>
          %shift_right_logical3A_141 = arith.shrui %add3A_138, %shift_right_logical3A_140 : vector<16xi32>
          %and3A_142 = arith.constant 127 : i32
          %and3A_143 = vector.broadcast %and3A_142 : i32 to vector<16xi32>
          %and3A_144 = arith.andi %add3A_138, %and3A_143 : vector<16xi32>
          tpu.vector_store_idx %arg6[%shift_right_logical3A_141, %and3A_144], %gather3A_135 : memref<32x128xf32, #tpu.memory_space<vmem>>[vector<16xi32>, vector<16xi32>], vector<16xf32>,
          %add3A_145 = arith.constant 48 : i32
          %add3A_146 = vector.broadcast %add3A_145 : i32 to vector<16xi32>
          %add3A_147 = arith.addi %iota3A, %add3A_146 : vector<16xi32>
          %add3A_148 = arith.constant 0 : i32
          %add3A_149 = vector.broadcast %add3A_148 : i32 to vector<16xi32>
          %add3A_150 = arith.addi %and3A_97, %add3A_149 : vector<16xi32>
          %gather3A_151 = tpu.vector_load_idx %arg4[%add3A_150, %add3A_147] : memref<32x128xf32, #tpu.memory_space<vmem>>[vector<16xi32>, vector<16xi32>], vector<16xf32>,
          %add3A_152 = arith.constant 1536 : i32
          %add3A_153 = vector.broadcast %add3A_152 : i32 to vector<16xi32>
          %add3A_154 = arith.addi %add3A_98, %add3A_153 : vector<16xi32>
          %shift_right_logical3A_155 = arith.constant 7 : i32
          %shift_right_logical3A_156 = vector.broadcast %shift_right_logical3A_155 : i32 to vector<16xi32>
          %shift_right_logical3A_157 = arith.shrui %add3A_154, %shift_right_logical3A_156 : vector<16xi32>
          %and3A_158 = arith.constant 127 : i32
          %and3A_159 = vector.broadcast %and3A_158 : i32 to vector<16xi32>
          %and3A_160 = arith.andi %add3A_154, %and3A_159 : vector<16xi32>
          tpu.vector_store_idx %arg6[%shift_right_logical3A_157, %and3A_160], %gather3A_151 : memref<32x128xf32, #tpu.memory_space<vmem>>[vector<16xi32>, vector<16xi32>], vector<16xf32>,
          %add3A_161 = arith.constant 64 : i32
          %add3A_162 = vector.broadcast %add3A_161 : i32 to vector<16xi32>
          %add3A_163 = arith.addi %iota3A, %add3A_162 : vector<16xi32>
          %add3A_164 = arith.constant 0 : i32
          %add3A_165 = vector.broadcast %add3A_164 : i32 to vector<16xi32>
          %add3A_166 = arith.addi %and3A_97, %add3A_165 : vector<16xi32>
          %gather3A_167 = tpu.vector_load_idx %arg4[%add3A_166, %add3A_163] : memref<32x128xf32, #tpu.memory_space<vmem>>[vector<16xi32>, vector<16xi32>], vector<16xf32>,
          %add3A_168 = arith.constant 2048 : i32
          %add3A_169 = vector.broadcast %add3A_168 : i32 to vector<16xi32>
          %add3A_170 = arith.addi %add3A_98, %add3A_169 : vector<16xi32>
          %shift_right_logical3A_171 = arith.constant 7 : i32
          %shift_right_logical3A_172 = vector.broadcast %shift_right_logical3A_171 : i32 to vector<16xi32>
          %shift_right_logical3A_173 = arith.shrui %add3A_170, %shift_right_logical3A_172 : vector<16xi32>
          %and3A_174 = arith.constant 127 : i32
          %and3A_175 = vector.broadcast %and3A_174 : i32 to vector<16xi32>
          %and3A_176 = arith.andi %add3A_170, %and3A_175 : vector<16xi32>
          tpu.vector_store_idx %arg6[%shift_right_logical3A_173, %and3A_176], %gather3A_167 : memref<32x128xf32, #tpu.memory_space<vmem>>[vector<16xi32>, vector<16xi32>], vector<16xf32>,
          %add3A_177 = arith.constant 80 : i32
          %add3A_178 = vector.broadcast %add3A_177 : i32 to vector<16xi32>
          %add3A_179 = arith.addi %iota3A, %add3A_178 : vector<16xi32>
          %add3A_180 = arith.constant 0 : i32
          %add3A_181 = vector.broadcast %add3A_180 : i32 to vector<16xi32>
          %add3A_182 = arith.addi %and3A_97, %add3A_181 : vector<16xi32>
          %gather3A_183 = tpu.vector_load_idx %arg4[%add3A_182, %add3A_179] : memref<32x128xf32, #tpu.memory_space<vmem>>[vector<16xi32>, vector<16xi32>], vector<16xf32>,
          %add3A_184 = arith.constant 2560 : i32
          %add3A_185 = vector.broadcast %add3A_184 : i32 to vector<16xi32>
          %add3A_186 = arith.addi %add3A_98, %add3A_185 : vector<16xi32>
          %shift_right_logical3A_187 = arith.constant 7 : i32
          %shift_right_logical3A_188 = vector.broadcast %shift_right_logical3A_187 : i32 to vector<16xi32>
          %shift_right_logical3A_189 = arith.shrui %add3A_186, %shift_right_logical3A_188 : vector<16xi32>
          %and3A_190 = arith.constant 127 : i32
          %and3A_191 = vector.broadcast %and3A_190 : i32 to vector<16xi32>
          %and3A_192 = arith.andi %add3A_186, %and3A_191 : vector<16xi32>
          tpu.vector_store_idx %arg6[%shift_right_logical3A_189, %and3A_192], %gather3A_183 : memref<32x128xf32, #tpu.memory_space<vmem>>[vector<16xi32>, vector<16xi32>], vector<16xf32>,
          %add3A_193 = arith.constant 96 : i32
          %add3A_194 = vector.broadcast %add3A_193 : i32 to vector<16xi32>
          %add3A_195 = arith.addi %iota3A, %add3A_194 : vector<16xi32>
          %add3A_196 = arith.constant 0 : i32
          %add3A_197 = vector.broadcast %add3A_196 : i32 to vector<16xi32>
          %add3A_198 = arith.addi %and3A_97, %add3A_197 : vector<16xi32>
          %gather3A_199 = tpu.vector_load_idx %arg4[%add3A_198, %add3A_195] : memref<32x128xf32, #tpu.memory_space<vmem>>[vector<16xi32>, vector<16xi32>], vector<16xf32>,
          %add3A_200 = arith.constant 3072 : i32
          %add3A_201 = vector.broadcast %add3A_200 : i32 to vector<16xi32>
          %add3A_202 = arith.addi %add3A_98, %add3A_201 : vector<16xi32>
          %shift_right_logical3A_203 = arith.constant 7 : i32
          %shift_right_logical3A_204 = vector.broadcast %shift_right_logical3A_203 : i32 to vector<16xi32>
          %shift_right_logical3A_205 = arith.shrui %add3A_202, %shift_right_logical3A_204 : vector<16xi32>
          %and3A_206 = arith.constant 127 : i32
          %and3A_207 = vector.broadcast %and3A_206 : i32 to vector<16xi32>
          %and3A_208 = arith.andi %add3A_202, %and3A_207 : vector<16xi32>
          tpu.vector_store_idx %arg6[%shift_right_logical3A_205, %and3A_208], %gather3A_199 : memref<32x128xf32, #tpu.memory_space<vmem>>[vector<16xi32>, vector<16xi32>], vector<16xf32>,
          %add3A_209 = arith.constant 112 : i32
          %add3A_210 = vector.broadcast %add3A_209 : i32 to vector<16xi32>
          %add3A_211 = arith.addi %iota3A, %add3A_210 : vector<16xi32>
          %add3A_212 = arith.constant 0 : i32
          %add3A_213 = vector.broadcast %add3A_212 : i32 to vector<16xi32>
          %add3A_214 = arith.addi %and3A_97, %add3A_213 : vector<16xi32>
          %gather3A_215 = tpu.vector_load_idx %arg4[%add3A_214, %add3A_211] : memref<32x128xf32, #tpu.memory_space<vmem>>[vector<16xi32>, vector<16xi32>], vector<16xf32>,
          %add3A_216 = arith.constant 3584 : i32
          %add3A_217 = vector.broadcast %add3A_216 : i32 to vector<16xi32>
          %add3A_218 = arith.addi %add3A_98, %add3A_217 : vector<16xi32>
          %shift_right_logical3A_219 = arith.constant 7 : i32
          %shift_right_logical3A_220 = vector.broadcast %shift_right_logical3A_219 : i32 to vector<16xi32>
          %shift_right_logical3A_221 = arith.shrui %add3A_218, %shift_right_logical3A_220 : vector<16xi32>
          %and3A_222 = arith.constant 127 : i32
          %and3A_223 = vector.broadcast %and3A_222 : i32 to vector<16xi32>
          %and3A_224 = arith.andi %add3A_218, %and3A_223 : vector<16xi32>
          tpu.vector_store_idx %arg6[%shift_right_logical3A_221, %and3A_224], %gather3A_215 : memref<32x128xf32, #tpu.memory_space<vmem>>[vector<16xi32>, vector<16xi32>], vector<16xf32>,
          %add3A_225 = arith.constant 0 : i32
          %add3A_226 = vector.broadcast %add3A_225 : i32 to vector<16xi32>
          %add3A_227 = arith.addi %iota3A, %add3A_226 : vector<16xi32>
          %add3A_228 = arith.constant 16 : i32
          %add3A_229 = vector.broadcast %add3A_228 : i32 to vector<16xi32>
          %add3A_230 = arith.addi %and3A_97, %add3A_229 : vector<16xi32>
          %gather3A_231 = tpu.vector_load_idx %arg4[%add3A_230, %add3A_227] : memref<32x128xf32, #tpu.memory_space<vmem>>[vector<16xi32>, vector<16xi32>], vector<16xf32>,
          %add3A_232 = arith.constant 16 : i32
          %add3A_233 = vector.broadcast %add3A_232 : i32 to vector<16xi32>
          %add3A_234 = arith.addi %add3A_98, %add3A_233 : vector<16xi32>
          %shift_right_logical3A_235 = arith.constant 7 : i32
          %shift_right_logical3A_236 = vector.broadcast %shift_right_logical3A_235 : i32 to vector<16xi32>
          %shift_right_logical3A_237 = arith.shrui %add3A_234, %shift_right_logical3A_236 : vector<16xi32>
          %and3A_238 = arith.constant 127 : i32
          %and3A_239 = vector.broadcast %and3A_238 : i32 to vector<16xi32>
          %and3A_240 = arith.andi %add3A_234, %and3A_239 : vector<16xi32>
          tpu.vector_store_idx %arg6[%shift_right_logical3A_237, %and3A_240], %gather3A_231 : memref<32x128xf32, #tpu.memory_space<vmem>>[vector<16xi32>, vector<16xi32>], vector<16xf32>,
          %add3A_241 = arith.constant 16 : i32
          %add3A_242 = vector.broadcast %add3A_241 : i32 to vector<16xi32>
          %add3A_243 = arith.addi %iota3A, %add3A_242 : vector<16xi32>
          %add3A_244 = arith.constant 16 : i32
          %add3A_245 = vector.broadcast %add3A_244 : i32 to vector<16xi32>
          %add3A_246 = arith.addi %and3A_97, %add3A_245 : vector<16xi32>
          %gather3A_247 = tpu.vector_load_idx %arg4[%add3A_246, %add3A_243] : memref<32x128xf32, #tpu.memory_space<vmem>>[vector<16xi32>, vector<16xi32>], vector<16xf32>,
          %add3A_248 = arith.constant 528 : i32
          %add3A_249 = vector.broadcast %add3A_248 : i32 to vector<16xi32>
          %add3A_250 = arith.addi %add3A_98, %add3A_249 : vector<16xi32>
          %shift_right_logical3A_251 = arith.constant 7 : i32
          %shift_right_logical3A_252 = vector.broadcast %shift_right_logical3A_251 : i32 to vector<16xi32>
          %shift_right_logical3A_253 = arith.shrui %add3A_250, %shift_right_logical3A_252 : vector<16xi32>
          %and3A_254 = arith.constant 127 : i32
          %and3A_255 = vector.broadcast %and3A_254 : i32 to vector<16xi32>
          %and3A_256 = arith.andi %add3A_250, %and3A_255 : vector<16xi32>
          tpu.vector_store_idx %arg6[%shift_right_logical3A_253, %and3A_256], %gather3A_247 : memref<32x128xf32, #tpu.memory_space<vmem>>[vector<16xi32>, vector<16xi32>], vector<16xf32>,
          %add3A_257 = arith.constant 32 : i32
          %add3A_258 = vector.broadcast %add3A_257 : i32 to vector<16xi32>
          %add3A_259 = arith.addi %iota3A, %add3A_258 : vector<16xi32>
          %add3A_260 = arith.constant 16 : i32
          %add3A_261 = vector.broadcast %add3A_260 : i32 to vector<16xi32>
          %add3A_262 = arith.addi %and3A_97, %add3A_261 : vector<16xi32>
          %gather3A_263 = tpu.vector_load_idx %arg4[%add3A_262, %add3A_259] : memref<32x128xf32, #tpu.memory_space<vmem>>[vector<16xi32>, vector<16xi32>], vector<16xf32>,
          %add3A_264 = arith.constant 1040 : i32
          %add3A_265 = vector.broadcast %add3A_264 : i32 to vector<16xi32>
          %add3A_266 = arith.addi %add3A_98, %add3A_265 : vector<16xi32>
          %shift_right_logical3A_267 = arith.constant 7 : i32
          %shift_right_logical3A_268 = vector.broadcast %shift_right_logical3A_267 : i32 to vector<16xi32>
          %shift_right_logical3A_269 = arith.shrui %add3A_266, %shift_right_logical3A_268 : vector<16xi32>
          %and3A_270 = arith.constant 127 : i32
          %and3A_271 = vector.broadcast %and3A_270 : i32 to vector<16xi32>
          %and3A_272 = arith.andi %add3A_266, %and3A_271 : vector<16xi32>
          tpu.vector_store_idx %arg6[%shift_right_logical3A_269, %and3A_272], %gather3A_263 : memref<32x128xf32, #tpu.memory_space<vmem>>[vector<16xi32>, vector<16xi32>], vector<16xf32>,
          %add3A_273 = arith.constant 48 : i32
          %add3A_274 = vector.broadcast %add3A_273 : i32 to vector<16xi32>
          %add3A_275 = arith.addi %iota3A, %add3A_274 : vector<16xi32>
          %add3A_276 = arith.constant 16 : i32
          %add3A_277 = vector.broadcast %add3A_276 : i32 to vector<16xi32>
          %add3A_278 = arith.addi %and3A_97, %add3A_277 : vector<16xi32>
          %gather3A_279 = tpu.vector_load_idx %arg4[%add3A_278, %add3A_275] : memref<32x128xf32, #tpu.memory_space<vmem>>[vector<16xi32>, vector<16xi32>], vector<16xf32>,
          %add3A_280 = arith.constant 1552 : i32
          %add3A_281 = vector.broadcast %add3A_280 : i32 to vector<16xi32>
          %add3A_282 = arith.addi %add3A_98, %add3A_281 : vector<16xi32>
          %shift_right_logical3A_283 = arith.constant 7 : i32
          %shift_right_logical3A_284 = vector.broadcast %shift_right_logical3A_283 : i32 to vector<16xi32>
          %shift_right_logical3A_285 = arith.shrui %add3A_282, %shift_right_logical3A_284 : vector<16xi32>
          %and3A_286 = arith.constant 127 : i32
          %and3A_287 = vector.broadcast %and3A_286 : i32 to vector<16xi32>
          %and3A_288 = arith.andi %add3A_282, %and3A_287 : vector<16xi32>
          tpu.vector_store_idx %arg6[%shift_right_logical3A_285, %and3A_288], %gather3A_279 : memref<32x128xf32, #tpu.memory_space<vmem>>[vector<16xi32>, vector<16xi32>], vector<16xf32>,
          %add3A_289 = arith.constant 64 : i32
          %add3A_290 = vector.broadcast %add3A_289 : i32 to vector<16xi32>
          %add3A_291 = arith.addi %iota3A, %add3A_290 : vector<16xi32>
          %add3A_292 = arith.constant 16 : i32
          %add3A_293 = vector.broadcast %add3A_292 : i32 to vector<16xi32>
          %add3A_294 = arith.addi %and3A_97, %add3A_293 : vector<16xi32>
          %gather3A_295 = tpu.vector_load_idx %arg4[%add3A_294, %add3A_291] : memref<32x128xf32, #tpu.memory_space<vmem>>[vector<16xi32>, vector<16xi32>], vector<16xf32>,
          %add3A_296 = arith.constant 2064 : i32
          %add3A_297 = vector.broadcast %add3A_296 : i32 to vector<16xi32>
          %add3A_298 = arith.addi %add3A_98, %add3A_297 : vector<16xi32>
          %shift_right_logical3A_299 = arith.constant 7 : i32
          %shift_right_logical3A_300 = vector.broadcast %shift_right_logical3A_299 : i32 to vector<16xi32>
          %shift_right_logical3A_301 = arith.shrui %add3A_298, %shift_right_logical3A_300 : vector<16xi32>
          %and3A_302 = arith.constant 127 : i32
          %and3A_303 = vector.broadcast %and3A_302 : i32 to vector<16xi32>
          %and3A_304 = arith.andi %add3A_298, %and3A_303 : vector<16xi32>
          tpu.vector_store_idx %arg6[%shift_right_logical3A_301, %and3A_304], %gather3A_295 : memref<32x128xf32, #tpu.memory_space<vmem>>[vector<16xi32>, vector<16xi32>], vector<16xf32>,
          %add3A_305 = arith.constant 80 : i32
          %add3A_306 = vector.broadcast %add3A_305 : i32 to vector<16xi32>
          %add3A_307 = arith.addi %iota3A, %add3A_306 : vector<16xi32>
          %add3A_308 = arith.constant 16 : i32
          %add3A_309 = vector.broadcast %add3A_308 : i32 to vector<16xi32>
          %add3A_310 = arith.addi %and3A_97, %add3A_309 : vector<16xi32>
          %gather3A_311 = tpu.vector_load_idx %arg4[%add3A_310, %add3A_307] : memref<32x128xf32, #tpu.memory_space<vmem>>[vector<16xi32>, vector<16xi32>], vector<16xf32>,
          %add3A_312 = arith.constant 2576 : i32
          %add3A_313 = vector.broadcast %add3A_312 : i32 to vector<16xi32>
          %add3A_314 = arith.addi %add3A_98, %add3A_313 : vector<16xi32>
          %shift_right_logical3A_315 = arith.constant 7 : i32
          %shift_right_logical3A_316 = vector.broadcast %shift_right_logical3A_315 : i32 to vector<16xi32>
          %shift_right_logical3A_317 = arith.shrui %add3A_314, %shift_right_logical3A_316 : vector<16xi32>
          %and3A_318 = arith.constant 127 : i32
          %and3A_319 = vector.broadcast %and3A_318 : i32 to vector<16xi32>
          %and3A_320 = arith.andi %add3A_314, %and3A_319 : vector<16xi32>
          tpu.vector_store_idx %arg6[%shift_right_logical3A_317, %and3A_320], %gather3A_311 : memref<32x128xf32, #tpu.memory_space<vmem>>[vector<16xi32>, vector<16xi32>], vector<16xf32>,
          %add3A_321 = arith.constant 96 : i32
          %add3A_322 = vector.broadcast %add3A_321 : i32 to vector<16xi32>
          %add3A_323 = arith.addi %iota3A, %add3A_322 : vector<16xi32>
          %add3A_324 = arith.constant 16 : i32
          %add3A_325 = vector.broadcast %add3A_324 : i32 to vector<16xi32>
          %add3A_326 = arith.addi %and3A_97, %add3A_325 : vector<16xi32>
          %gather3A_327 = tpu.vector_load_idx %arg4[%add3A_326, %add3A_323] : memref<32x128xf32, #tpu.memory_space<vmem>>[vector<16xi32>, vector<16xi32>], vector<16xf32>,
          %add3A_328 = arith.constant 3088 : i32
          %add3A_329 = vector.broadcast %add3A_328 : i32 to vector<16xi32>
          %add3A_330 = arith.addi %add3A_98, %add3A_329 : vector<16xi32>
          %shift_right_logical3A_331 = arith.constant 7 : i32
          %shift_right_logical3A_332 = vector.broadcast %shift_right_logical3A_331 : i32 to vector<16xi32>
          %shift_right_logical3A_333 = arith.shrui %add3A_330, %shift_right_logical3A_332 : vector<16xi32>
          %and3A_334 = arith.constant 127 : i32
          %and3A_335 = vector.broadcast %and3A_334 : i32 to vector<16xi32>
          %and3A_336 = arith.andi %add3A_330, %and3A_335 : vector<16xi32>
          tpu.vector_store_idx %arg6[%shift_right_logical3A_333, %and3A_336], %gather3A_327 : memref<32x128xf32, #tpu.memory_space<vmem>>[vector<16xi32>, vector<16xi32>], vector<16xf32>,
          %add3A_337 = arith.constant 112 : i32
          %add3A_338 = vector.broadcast %add3A_337 : i32 to vector<16xi32>
          %add3A_339 = arith.addi %iota3A, %add3A_338 : vector<16xi32>
          %add3A_340 = arith.constant 16 : i32
          %add3A_341 = vector.broadcast %add3A_340 : i32 to vector<16xi32>
          %add3A_342 = arith.addi %and3A_97, %add3A_341 : vector<16xi32>
          %gather3A_343 = tpu.vector_load_idx %arg4[%add3A_342, %add3A_339] : memref<32x128xf32, #tpu.memory_space<vmem>>[vector<16xi32>, vector<16xi32>], vector<16xf32>,
          %add3A_344 = arith.constant 3600 : i32
          %add3A_345 = vector.broadcast %add3A_344 : i32 to vector<16xi32>
          %add3A_346 = arith.addi %add3A_98, %add3A_345 : vector<16xi32>
          %shift_right_logical3A_347 = arith.constant 7 : i32
          %shift_right_logical3A_348 = vector.broadcast %shift_right_logical3A_347 : i32 to vector<16xi32>
          %shift_right_logical3A_349 = arith.shrui %add3A_346, %shift_right_logical3A_348 : vector<16xi32>
          %and3A_350 = arith.constant 127 : i32
          %and3A_351 = vector.broadcast %and3A_350 : i32 to vector<16xi32>
          %and3A_352 = arith.andi %add3A_346, %and3A_351 : vector<16xi32>
          tpu.vector_store_idx %arg6[%shift_right_logical3A_349, %and3A_352], %gather3A_343 : memref<32x128xf32, #tpu.memory_space<vmem>>[vector<16xi32>, vector<16xi32>], vector<16xf32>,
          %mul3A_353 = arith.constant 4 : i32
          %mul3A_354 = arith.muli %scan3A_89, %mul3A_353 : i32
          %add3A_355 = arith.constant 1 : i32
          %add3A_356 = arith.addi %mul3A_354, %add3A_355 : i32
          %add3A_357 = vector.broadcast %add3A_356 : i32 to vector<16xi32>
          %add3A_358 = arith.addi %iota3A, %add3A_357 : vector<16xi32>
          %and3A_359 = arith.constant 15 : i32
          %and3A_360 = vector.broadcast %and3A_359 : i32 to vector<16xi32>
          %and3A_361 = arith.andi %add3A_358, %and3A_360 : vector<16xi32>
          %add3A_362 = arith.addi %mul3A_72, %and3A_361 : vector<16xi32>
          %add3A_363 = arith.constant 0 : i32
          %add3A_364 = vector.broadcast %add3A_363 : i32 to vector<16xi32>
          %add3A_365 = arith.addi %iota3A, %add3A_364 : vector<16xi32>
          %add3A_366 = arith.constant 0 : i32
          %add3A_367 = vector.broadcast %add3A_366 : i32 to vector<16xi32>
          %add3A_368 = arith.addi %and3A_361, %add3A_367 : vector<16xi32>
          %gather3A_369 = tpu.vector_load_idx %arg4[%add3A_368, %add3A_365] : memref<32x128xf32, #tpu.memory_space<vmem>>[vector<16xi32>, vector<16xi32>], vector<16xf32>,
          %add3A_370 = arith.constant 0 : i32
          %add3A_371 = vector.broadcast %add3A_370 : i32 to vector<16xi32>
          %add3A_372 = arith.addi %add3A_362, %add3A_371 : vector<16xi32>
          %shift_right_logical3A_373 = arith.constant 7 : i32
          %shift_right_logical3A_374 = vector.broadcast %shift_right_logical3A_373 : i32 to vector<16xi32>
          %shift_right_logical3A_375 = arith.shrui %add3A_372, %shift_right_logical3A_374 : vector<16xi32>
          %and3A_376 = arith.constant 127 : i32
          %and3A_377 = vector.broadcast %and3A_376 : i32 to vector<16xi32>
          %and3A_378 = arith.andi %add3A_372, %and3A_377 : vector<16xi32>
          tpu.vector_store_idx %arg6[%shift_right_logical3A_375, %and3A_378], %gather3A_369 : memref<32x128xf32, #tpu.memory_space<vmem>>[vector<16xi32>, vector<16xi32>], vector<16xf32>,
          %add3A_379 = arith.constant 16 : i32
          %add3A_380 = vector.broadcast %add3A_379 : i32 to vector<16xi32>
          %add3A_381 = arith.addi %iota3A, %add3A_380 : vector<16xi32>
          %add3A_382 = arith.constant 0 : i32
          %add3A_383 = vector.broadcast %add3A_382 : i32 to vector<16xi32>
          %add3A_384 = arith.addi %and3A_361, %add3A_383 : vector<16xi32>
          %gather3A_385 = tpu.vector_load_idx %arg4[%add3A_384, %add3A_381] : memref<32x128xf32, #tpu.memory_space<vmem>>[vector<16xi32>, vector<16xi32>], vector<16xf32>,
          %add3A_386 = arith.constant 512 : i32
          %add3A_387 = vector.broadcast %add3A_386 : i32 to vector<16xi32>
          %add3A_388 = arith.addi %add3A_362, %add3A_387 : vector<16xi32>
          %shift_right_logical3A_389 = arith.constant 7 : i32
          %shift_right_logical3A_390 = vector.broadcast %shift_right_logical3A_389 : i32 to vector<16xi32>
          %shift_right_logical3A_391 = arith.shrui %add3A_388, %shift_right_logical3A_390 : vector<16xi32>
          %and3A_392 = arith.constant 127 : i32
          %and3A_393 = vector.broadcast %and3A_392 : i32 to vector<16xi32>
          %and3A_394 = arith.andi %add3A_388, %and3A_393 : vector<16xi32>
          tpu.vector_store_idx %arg6[%shift_right_logical3A_391, %and3A_394], %gather3A_385 : memref<32x128xf32, #tpu.memory_space<vmem>>[vector<16xi32>, vector<16xi32>], vector<16xf32>,
          %add3A_395 = arith.constant 32 : i32
          %add3A_396 = vector.broadcast %add3A_395 : i32 to vector<16xi32>
          %add3A_397 = arith.addi %iota3A, %add3A_396 : vector<16xi32>
          %add3A_398 = arith.constant 0 : i32
          %add3A_399 = vector.broadcast %add3A_398 : i32 to vector<16xi32>
          %add3A_400 = arith.addi %and3A_361, %add3A_399 : vector<16xi32>
          %gather3A_401 = tpu.vector_load_idx %arg4[%add3A_400, %add3A_397] : memref<32x128xf32, #tpu.memory_space<vmem>>[vector<16xi32>, vector<16xi32>], vector<16xf32>,
          %add3A_402 = arith.constant 1024 : i32
          %add3A_403 = vector.broadcast %add3A_402 : i32 to vector<16xi32>
          %add3A_404 = arith.addi %add3A_362, %add3A_403 : vector<16xi32>
          %shift_right_logical3A_405 = arith.constant 7 : i32
          %shift_right_logical3A_406 = vector.broadcast %shift_right_logical3A_405 : i32 to vector<16xi32>
          %shift_right_logical3A_407 = arith.shrui %add3A_404, %shift_right_logical3A_406 : vector<16xi32>
          %and3A_408 = arith.constant 127 : i32
          %and3A_409 = vector.broadcast %and3A_408 : i32 to vector<16xi32>
          %and3A_410 = arith.andi %add3A_404, %and3A_409 : vector<16xi32>
          tpu.vector_store_idx %arg6[%shift_right_logical3A_407, %and3A_410], %gather3A_401 : memref<32x128xf32, #tpu.memory_space<vmem>>[vector<16xi32>, vector<16xi32>], vector<16xf32>,
          %add3A_411 = arith.constant 48 : i32
          %add3A_412 = vector.broadcast %add3A_411 : i32 to vector<16xi32>
          %add3A_413 = arith.addi %iota3A, %add3A_412 : vector<16xi32>
          %add3A_414 = arith.constant 0 : i32
          %add3A_415 = vector.broadcast %add3A_414 : i32 to vector<16xi32>
          %add3A_416 = arith.addi %and3A_361, %add3A_415 : vector<16xi32>
          %gather3A_417 = tpu.vector_load_idx %arg4[%add3A_416, %add3A_413] : memref<32x128xf32, #tpu.memory_space<vmem>>[vector<16xi32>, vector<16xi32>], vector<16xf32>,
          %add3A_418 = arith.constant 1536 : i32
          %add3A_419 = vector.broadcast %add3A_418 : i32 to vector<16xi32>
          %add3A_420 = arith.addi %add3A_362, %add3A_419 : vector<16xi32>
          %shift_right_logical3A_421 = arith.constant 7 : i32
          %shift_right_logical3A_422 = vector.broadcast %shift_right_logical3A_421 : i32 to vector<16xi32>
          %shift_right_logical3A_423 = arith.shrui %add3A_420, %shift_right_logical3A_422 : vector<16xi32>
          %and3A_424 = arith.constant 127 : i32
          %and3A_425 = vector.broadcast %and3A_424 : i32 to vector<16xi32>
          %and3A_426 = arith.andi %add3A_420, %and3A_425 : vector<16xi32>
          tpu.vector_store_idx %arg6[%shift_right_logical3A_423, %and3A_426], %gather3A_417 : memref<32x128xf32, #tpu.memory_space<vmem>>[vector<16xi32>, vector<16xi32>], vector<16xf32>,
          %add3A_427 = arith.constant 64 : i32
          %add3A_428 = vector.broadcast %add3A_427 : i32 to vector<16xi32>
          %add3A_429 = arith.addi %iota3A, %add3A_428 : vector<16xi32>
          %add3A_430 = arith.constant 0 : i32
          %add3A_431 = vector.broadcast %add3A_430 : i32 to vector<16xi32>
          %add3A_432 = arith.addi %and3A_361, %add3A_431 : vector<16xi32>
          %gather3A_433 = tpu.vector_load_idx %arg4[%add3A_432, %add3A_429] : memref<32x128xf32, #tpu.memory_space<vmem>>[vector<16xi32>, vector<16xi32>], vector<16xf32>,
          %add3A_434 = arith.constant 2048 : i32
          %add3A_435 = vector.broadcast %add3A_434 : i32 to vector<16xi32>
          %add3A_436 = arith.addi %add3A_362, %add3A_435 : vector<16xi32>
          %shift_right_logical3A_437 = arith.constant 7 : i32
          %shift_right_logical3A_438 = vector.broadcast %shift_right_logical3A_437 : i32 to vector<16xi32>
          %shift_right_logical3A_439 = arith.shrui %add3A_436, %shift_right_logical3A_438 : vector<16xi32>
          %and3A_440 = arith.constant 127 : i32
          %and3A_441 = vector.broadcast %and3A_440 : i32 to vector<16xi32>
          %and3A_442 = arith.andi %add3A_436, %and3A_441 : vector<16xi32>
          tpu.vector_store_idx %arg6[%shift_right_logical3A_439, %and3A_442], %gather3A_433 : memref<32x128xf32, #tpu.memory_space<vmem>>[vector<16xi32>, vector<16xi32>], vector<16xf32>,
          %add3A_443 = arith.constant 80 : i32
          %add3A_444 = vector.broadcast %add3A_443 : i32 to vector<16xi32>
          %add3A_445 = arith.addi %iota3A, %add3A_444 : vector<16xi32>
          %add3A_446 = arith.constant 0 : i32
          %add3A_447 = vector.broadcast %add3A_446 : i32 to vector<16xi32>
          %add3A_448 = arith.addi %and3A_361, %add3A_447 : vector<16xi32>
          %gather3A_449 = tpu.vector_load_idx %arg4[%add3A_448, %add3A_445] : memref<32x128xf32, #tpu.memory_space<vmem>>[vector<16xi32>, vector<16xi32>], vector<16xf32>,
          %add3A_450 = arith.constant 2560 : i32
          %add3A_451 = vector.broadcast %add3A_450 : i32 to vector<16xi32>
          %add3A_452 = arith.addi %add3A_362, %add3A_451 : vector<16xi32>
          %shift_right_logical3A_453 = arith.constant 7 : i32
          %shift_right_logical3A_454 = vector.broadcast %shift_right_logical3A_453 : i32 to vector<16xi32>
          %shift_right_logical3A_455 = arith.shrui %add3A_452, %shift_right_logical3A_454 : vector<16xi32>
          %and3A_456 = arith.constant 127 : i32
          %and3A_457 = vector.broadcast %and3A_456 : i32 to vector<16xi32>
          %and3A_458 = arith.andi %add3A_452, %and3A_457 : vector<16xi32>
          tpu.vector_store_idx %arg6[%shift_right_logical3A_455, %and3A_458], %gather3A_449 : memref<32x128xf32, #tpu.memory_space<vmem>>[vector<16xi32>, vector<16xi32>], vector<16xf32>,
          %add3A_459 = arith.constant 96 : i32
          %add3A_460 = vector.broadcast %add3A_459 : i32 to vector<16xi32>
          %add3A_461 = arith.addi %iota3A, %add3A_460 : vector<16xi32>
          %add3A_462 = arith.constant 0 : i32
          %add3A_463 = vector.broadcast %add3A_462 : i32 to vector<16xi32>
          %add3A_464 = arith.addi %and3A_361, %add3A_463 : vector<16xi32>
          %gather3A_465 = tpu.vector_load_idx %arg4[%add3A_464, %add3A_461] : memref<32x128xf32, #tpu.memory_space<vmem>>[vector<16xi32>, vector<16xi32>], vector<16xf32>,
          %add3A_466 = arith.constant 3072 : i32
          %add3A_467 = vector.broadcast %add3A_466 : i32 to vector<16xi32>
          %add3A_468 = arith.addi %add3A_362, %add3A_467 : vector<16xi32>
          %shift_right_logical3A_469 = arith.constant 7 : i32
          %shift_right_logical3A_470 = vector.broadcast %shift_right_logical3A_469 : i32 to vector<16xi32>
          %shift_right_logical3A_471 = arith.shrui %add3A_468, %shift_right_logical3A_470 : vector<16xi32>
          %and3A_472 = arith.constant 127 : i32
          %and3A_473 = vector.broadcast %and3A_472 : i32 to vector<16xi32>
          %and3A_474 = arith.andi %add3A_468, %and3A_473 : vector<16xi32>
          tpu.vector_store_idx %arg6[%shift_right_logical3A_471, %and3A_474], %gather3A_465 : memref<32x128xf32, #tpu.memory_space<vmem>>[vector<16xi32>, vector<16xi32>], vector<16xf32>,
          %add3A_475 = arith.constant 112 : i32
          %add3A_476 = vector.broadcast %add3A_475 : i32 to vector<16xi32>
          %add3A_477 = arith.addi %iota3A, %add3A_476 : vector<16xi32>
          %add3A_478 = arith.constant 0 : i32
          %add3A_479 = vector.broadcast %add3A_478 : i32 to vector<16xi32>
          %add3A_480 = arith.addi %and3A_361, %add3A_479 : vector<16xi32>
          %gather3A_481 = tpu.vector_load_idx %arg4[%add3A_480, %add3A_477] : memref<32x128xf32, #tpu.memory_space<vmem>>[vector<16xi32>, vector<16xi32>], vector<16xf32>,
          %add3A_482 = arith.constant 3584 : i32
          %add3A_483 = vector.broadcast %add3A_482 : i32 to vector<16xi32>
          %add3A_484 = arith.addi %add3A_362, %add3A_483 : vector<16xi32>
          %shift_right_logical3A_485 = arith.constant 7 : i32
          %shift_right_logical3A_486 = vector.broadcast %shift_right_logical3A_485 : i32 to vector<16xi32>
          %shift_right_logical3A_487 = arith.shrui %add3A_484, %shift_right_logical3A_486 : vector<16xi32>
          %and3A_488 = arith.constant 127 : i32
          %and3A_489 = vector.broadcast %and3A_488 : i32 to vector<16xi32>
          %and3A_490 = arith.andi %add3A_484, %and3A_489 : vector<16xi32>
          tpu.vector_store_idx %arg6[%shift_right_logical3A_487, %and3A_490], %gather3A_481 : memref<32x128xf32, #tpu.memory_space<vmem>>[vector<16xi32>, vector<16xi32>], vector<16xf32>,
          %add3A_491 = arith.constant 0 : i32
          %add3A_492 = vector.broadcast %add3A_491 : i32 to vector<16xi32>
          %add3A_493 = arith.addi %iota3A, %add3A_492 : vector<16xi32>
          %add3A_494 = arith.constant 16 : i32
          %add3A_495 = vector.broadcast %add3A_494 : i32 to vector<16xi32>
          %add3A_496 = arith.addi %and3A_361, %add3A_495 : vector<16xi32>
          %gather3A_497 = tpu.vector_load_idx %arg4[%add3A_496, %add3A_493] : memref<32x128xf32, #tpu.memory_space<vmem>>[vector<16xi32>, vector<16xi32>], vector<16xf32>,
          %add3A_498 = arith.constant 16 : i32
          %add3A_499 = vector.broadcast %add3A_498 : i32 to vector<16xi32>
          %add3A_500 = arith.addi %add3A_362, %add3A_499 : vector<16xi32>
          %shift_right_logical3A_501 = arith.constant 7 : i32
          %shift_right_logical3A_502 = vector.broadcast %shift_right_logical3A_501 : i32 to vector<16xi32>
          %shift_right_logical3A_503 = arith.shrui %add3A_500, %shift_right_logical3A_502 : vector<16xi32>
          %and3A_504 = arith.constant 127 : i32
          %and3A_505 = vector.broadcast %and3A_504 : i32 to vector<16xi32>
          %and3A_506 = arith.andi %add3A_500, %and3A_505 : vector<16xi32>
          tpu.vector_store_idx %arg6[%shift_right_logical3A_503, %and3A_506], %gather3A_497 : memref<32x128xf32, #tpu.memory_space<vmem>>[vector<16xi32>, vector<16xi32>], vector<16xf32>,
          %add3A_507 = arith.constant 16 : i32
          %add3A_508 = vector.broadcast %add3A_507 : i32 to vector<16xi32>
          %add3A_509 = arith.addi %iota3A, %add3A_508 : vector<16xi32>
          %add3A_510 = arith.constant 16 : i32
          %add3A_511 = vector.broadcast %add3A_510 : i32 to vector<16xi32>
          %add3A_512 = arith.addi %and3A_361, %add3A_511 : vector<16xi32>
          %gather3A_513 = tpu.vector_load_idx %arg4[%add3A_512, %add3A_509] : memref<32x128xf32, #tpu.memory_space<vmem>>[vector<16xi32>, vector<16xi32>], vector<16xf32>,
          %add3A_514 = arith.constant 528 : i32
          %add3A_515 = vector.broadcast %add3A_514 : i32 to vector<16xi32>
          %add3A_516 = arith.addi %add3A_362, %add3A_515 : vector<16xi32>
          %shift_right_logical3A_517 = arith.constant 7 : i32
          %shift_right_logical3A_518 = vector.broadcast %shift_right_logical3A_517 : i32 to vector<16xi32>
          %shift_right_logical3A_519 = arith.shrui %add3A_516, %shift_right_logical3A_518 : vector<16xi32>
          %and3A_520 = arith.constant 127 : i32
          %and3A_521 = vector.broadcast %and3A_520 : i32 to vector<16xi32>
          %and3A_522 = arith.andi %add3A_516, %and3A_521 : vector<16xi32>
          tpu.vector_store_idx %arg6[%shift_right_logical3A_519, %and3A_522], %gather3A_513 : memref<32x128xf32, #tpu.memory_space<vmem>>[vector<16xi32>, vector<16xi32>], vector<16xf32>,
          %add3A_523 = arith.constant 32 : i32
          %add3A_524 = vector.broadcast %add3A_523 : i32 to vector<16xi32>
          %add3A_525 = arith.addi %iota3A, %add3A_524 : vector<16xi32>
          %add3A_526 = arith.constant 16 : i32
          %add3A_527 = vector.broadcast %add3A_526 : i32 to vector<16xi32>
          %add3A_528 = arith.addi %and3A_361, %add3A_527 : vector<16xi32>
          %gather3A_529 = tpu.vector_load_idx %arg4[%add3A_528, %add3A_525] : memref<32x128xf32, #tpu.memory_space<vmem>>[vector<16xi32>, vector<16xi32>], vector<16xf32>,
          %add3A_530 = arith.constant 1040 : i32
          %add3A_531 = vector.broadcast %add3A_530 : i32 to vector<16xi32>
          %add3A_532 = arith.addi %add3A_362, %add3A_531 : vector<16xi32>
          %shift_right_logical3A_533 = arith.constant 7 : i32
          %shift_right_logical3A_534 = vector.broadcast %shift_right_logical3A_533 : i32 to vector<16xi32>
          %shift_right_logical3A_535 = arith.shrui %add3A_532, %shift_right_logical3A_534 : vector<16xi32>
          %and3A_536 = arith.constant 127 : i32
          %and3A_537 = vector.broadcast %and3A_536 : i32 to vector<16xi32>
          %and3A_538 = arith.andi %add3A_532, %and3A_537 : vector<16xi32>
          tpu.vector_store_idx %arg6[%shift_right_logical3A_535, %and3A_538], %gather3A_529 : memref<32x128xf32, #tpu.memory_space<vmem>>[vector<16xi32>, vector<16xi32>], vector<16xf32>,
          %add3A_539 = arith.constant 48 : i32
          %add3A_540 = vector.broadcast %add3A_539 : i32 to vector<16xi32>
          %add3A_541 = arith.addi %iota3A, %add3A_540 : vector<16xi32>
          %add3A_542 = arith.constant 16 : i32
          %add3A_543 = vector.broadcast %add3A_542 : i32 to vector<16xi32>
          %add3A_544 = arith.addi %and3A_361, %add3A_543 : vector<16xi32>
          %gather3A_545 = tpu.vector_load_idx %arg4[%add3A_544, %add3A_541] : memref<32x128xf32, #tpu.memory_space<vmem>>[vector<16xi32>, vector<16xi32>], vector<16xf32>,
          %add3A_546 = arith.constant 1552 : i32
          %add3A_547 = vector.broadcast %add3A_546 : i32 to vector<16xi32>
          %add3A_548 = arith.addi %add3A_362, %add3A_547 : vector<16xi32>
          %shift_right_logical3A_549 = arith.constant 7 : i32
          %shift_right_logical3A_550 = vector.broadcast %shift_right_logical3A_549 : i32 to vector<16xi32>
          %shift_right_logical3A_551 = arith.shrui %add3A_548, %shift_right_logical3A_550 : vector<16xi32>
          %and3A_552 = arith.constant 127 : i32
          %and3A_553 = vector.broadcast %and3A_552 : i32 to vector<16xi32>
          %and3A_554 = arith.andi %add3A_548, %and3A_553 : vector<16xi32>
          tpu.vector_store_idx %arg6[%shift_right_logical3A_551, %and3A_554], %gather3A_545 : memref<32x128xf32, #tpu.memory_space<vmem>>[vector<16xi32>, vector<16xi32>], vector<16xf32>,
          %add3A_555 = arith.constant 64 : i32
          %add3A_556 = vector.broadcast %add3A_555 : i32 to vector<16xi32>
          %add3A_557 = arith.addi %iota3A, %add3A_556 : vector<16xi32>
          %add3A_558 = arith.constant 16 : i32
          %add3A_559 = vector.broadcast %add3A_558 : i32 to vector<16xi32>
          %add3A_560 = arith.addi %and3A_361, %add3A_559 : vector<16xi32>
          %gather3A_561 = tpu.vector_load_idx %arg4[%add3A_560, %add3A_557] : memref<32x128xf32, #tpu.memory_space<vmem>>[vector<16xi32>, vector<16xi32>], vector<16xf32>,
          %add3A_562 = arith.constant 2064 : i32
          %add3A_563 = vector.broadcast %add3A_562 : i32 to vector<16xi32>
          %add3A_564 = arith.addi %add3A_362, %add3A_563 : vector<16xi32>
          %shift_right_logical3A_565 = arith.constant 7 : i32
          %shift_right_logical3A_566 = vector.broadcast %shift_right_logical3A_565 : i32 to vector<16xi32>
          %shift_right_logical3A_567 = arith.shrui %add3A_564, %shift_right_logical3A_566 : vector<16xi32>
          %and3A_568 = arith.constant 127 : i32
          %and3A_569 = vector.broadcast %and3A_568 : i32 to vector<16xi32>
          %and3A_570 = arith.andi %add3A_564, %and3A_569 : vector<16xi32>
          tpu.vector_store_idx %arg6[%shift_right_logical3A_567, %and3A_570], %gather3A_561 : memref<32x128xf32, #tpu.memory_space<vmem>>[vector<16xi32>, vector<16xi32>], vector<16xf32>,
          %add3A_571 = arith.constant 80 : i32
          %add3A_572 = vector.broadcast %add3A_571 : i32 to vector<16xi32>
          %add3A_573 = arith.addi %iota3A, %add3A_572 : vector<16xi32>
          %add3A_574 = arith.constant 16 : i32
          %add3A_575 = vector.broadcast %add3A_574 : i32 to vector<16xi32>
          %add3A_576 = arith.addi %and3A_361, %add3A_575 : vector<16xi32>
          %gather3A_577 = tpu.vector_load_idx %arg4[%add3A_576, %add3A_573] : memref<32x128xf32, #tpu.memory_space<vmem>>[vector<16xi32>, vector<16xi32>], vector<16xf32>,
          %add3A_578 = arith.constant 2576 : i32
          %add3A_579 = vector.broadcast %add3A_578 : i32 to vector<16xi32>
          %add3A_580 = arith.addi %add3A_362, %add3A_579 : vector<16xi32>
          %shift_right_logical3A_581 = arith.constant 7 : i32
          %shift_right_logical3A_582 = vector.broadcast %shift_right_logical3A_581 : i32 to vector<16xi32>
          %shift_right_logical3A_583 = arith.shrui %add3A_580, %shift_right_logical3A_582 : vector<16xi32>
          %and3A_584 = arith.constant 127 : i32
          %and3A_585 = vector.broadcast %and3A_584 : i32 to vector<16xi32>
          %and3A_586 = arith.andi %add3A_580, %and3A_585 : vector<16xi32>
          tpu.vector_store_idx %arg6[%shift_right_logical3A_583, %and3A_586], %gather3A_577 : memref<32x128xf32, #tpu.memory_space<vmem>>[vector<16xi32>, vector<16xi32>], vector<16xf32>,
          %add3A_587 = arith.constant 96 : i32
          %add3A_588 = vector.broadcast %add3A_587 : i32 to vector<16xi32>
          %add3A_589 = arith.addi %iota3A, %add3A_588 : vector<16xi32>
          %add3A_590 = arith.constant 16 : i32
          %add3A_591 = vector.broadcast %add3A_590 : i32 to vector<16xi32>
          %add3A_592 = arith.addi %and3A_361, %add3A_591 : vector<16xi32>
          %gather3A_593 = tpu.vector_load_idx %arg4[%add3A_592, %add3A_589] : memref<32x128xf32, #tpu.memory_space<vmem>>[vector<16xi32>, vector<16xi32>], vector<16xf32>,
          %add3A_594 = arith.constant 3088 : i32
          %add3A_595 = vector.broadcast %add3A_594 : i32 to vector<16xi32>
          %add3A_596 = arith.addi %add3A_362, %add3A_595 : vector<16xi32>
          %shift_right_logical3A_597 = arith.constant 7 : i32
          %shift_right_logical3A_598 = vector.broadcast %shift_right_logical3A_597 : i32 to vector<16xi32>
          %shift_right_logical3A_599 = arith.shrui %add3A_596, %shift_right_logical3A_598 : vector<16xi32>
          %and3A_600 = arith.constant 127 : i32
          %and3A_601 = vector.broadcast %and3A_600 : i32 to vector<16xi32>
          %and3A_602 = arith.andi %add3A_596, %and3A_601 : vector<16xi32>
          tpu.vector_store_idx %arg6[%shift_right_logical3A_599, %and3A_602], %gather3A_593 : memref<32x128xf32, #tpu.memory_space<vmem>>[vector<16xi32>, vector<16xi32>], vector<16xf32>,
          %add3A_603 = arith.constant 112 : i32
          %add3A_604 = vector.broadcast %add3A_603 : i32 to vector<16xi32>
          %add3A_605 = arith.addi %iota3A, %add3A_604 : vector<16xi32>
          %add3A_606 = arith.constant 16 : i32
          %add3A_607 = vector.broadcast %add3A_606 : i32 to vector<16xi32>
          %add3A_608 = arith.addi %and3A_361, %add3A_607 : vector<16xi32>
          %gather3A_609 = tpu.vector_load_idx %arg4[%add3A_608, %add3A_605] : memref<32x128xf32, #tpu.memory_space<vmem>>[vector<16xi32>, vector<16xi32>], vector<16xf32>,
          %add3A_610 = arith.constant 3600 : i32
          %add3A_611 = vector.broadcast %add3A_610 : i32 to vector<16xi32>
          %add3A_612 = arith.addi %add3A_362, %add3A_611 : vector<16xi32>
          %shift_right_logical3A_613 = arith.constant 7 : i32
          %shift_right_logical3A_614 = vector.broadcast %shift_right_logical3A_613 : i32 to vector<16xi32>
          %shift_right_logical3A_615 = arith.shrui %add3A_612, %shift_right_logical3A_614 : vector<16xi32>
          %and3A_616 = arith.constant 127 : i32
          %and3A_617 = vector.broadcast %and3A_616 : i32 to vector<16xi32>
          %and3A_618 = arith.andi %add3A_612, %and3A_617 : vector<16xi32>
          tpu.vector_store_idx %arg6[%shift_right_logical3A_615, %and3A_618], %gather3A_609 : memref<32x128xf32, #tpu.memory_space<vmem>>[vector<16xi32>, vector<16xi32>], vector<16xf32>,
          %mul3A_619 = arith.constant 4 : i32
          %mul3A_620 = arith.muli %scan3A_89, %mul3A_619 : i32
          %add3A_621 = arith.constant 2 : i32
          %add3A_622 = arith.addi %mul3A_620, %add3A_621 : i32
          %add3A_623 = vector.broadcast %add3A_622 : i32 to vector<16xi32>
          %add3A_624 = arith.addi %iota3A, %add3A_623 : vector<16xi32>
          %and3A_625 = arith.constant 15 : i32
          %and3A_626 = vector.broadcast %and3A_625 : i32 to vector<16xi32>
          %and3A_627 = arith.andi %add3A_624, %and3A_626 : vector<16xi32>
          %add3A_628 = arith.addi %mul3A_72, %and3A_627 : vector<16xi32>
          %add3A_629 = arith.constant 0 : i32
          %add3A_630 = vector.broadcast %add3A_629 : i32 to vector<16xi32>
          %add3A_631 = arith.addi %iota3A, %add3A_630 : vector<16xi32>
          %add3A_632 = arith.constant 0 : i32
          %add3A_633 = vector.broadcast %add3A_632 : i32 to vector<16xi32>
          %add3A_634 = arith.addi %and3A_627, %add3A_633 : vector<16xi32>
          %gather3A_635 = tpu.vector_load_idx %arg4[%add3A_634, %add3A_631] : memref<32x128xf32, #tpu.memory_space<vmem>>[vector<16xi32>, vector<16xi32>], vector<16xf32>,
          %add3A_636 = arith.constant 0 : i32
          %add3A_637 = vector.broadcast %add3A_636 : i32 to vector<16xi32>
          %add3A_638 = arith.addi %add3A_628, %add3A_637 : vector<16xi32>
          %shift_right_logical3A_639 = arith.constant 7 : i32
          %shift_right_logical3A_640 = vector.broadcast %shift_right_logical3A_639 : i32 to vector<16xi32>
          %shift_right_logical3A_641 = arith.shrui %add3A_638, %shift_right_logical3A_640 : vector<16xi32>
          %and3A_642 = arith.constant 127 : i32
          %and3A_643 = vector.broadcast %and3A_642 : i32 to vector<16xi32>
          %and3A_644 = arith.andi %add3A_638, %and3A_643 : vector<16xi32>
          tpu.vector_store_idx %arg6[%shift_right_logical3A_641, %and3A_644], %gather3A_635 : memref<32x128xf32, #tpu.memory_space<vmem>>[vector<16xi32>, vector<16xi32>], vector<16xf32>,
          %add3A_645 = arith.constant 16 : i32
          %add3A_646 = vector.broadcast %add3A_645 : i32 to vector<16xi32>
          %add3A_647 = arith.addi %iota3A, %add3A_646 : vector<16xi32>
          %add3A_648 = arith.constant 0 : i32
          %add3A_649 = vector.broadcast %add3A_648 : i32 to vector<16xi32>
          %add3A_650 = arith.addi %and3A_627, %add3A_649 : vector<16xi32>
          %gather3A_651 = tpu.vector_load_idx %arg4[%add3A_650, %add3A_647] : memref<32x128xf32, #tpu.memory_space<vmem>>[vector<16xi32>, vector<16xi32>], vector<16xf32>,
          %add3A_652 = arith.constant 512 : i32
          %add3A_653 = vector.broadcast %add3A_652 : i32 to vector<16xi32>
          %add3A_654 = arith.addi %add3A_628, %add3A_653 : vector<16xi32>
          %shift_right_logical3A_655 = arith.constant 7 : i32
          %shift_right_logical3A_656 = vector.broadcast %shift_right_logical3A_655 : i32 to vector<16xi32>
          %shift_right_logical3A_657 = arith.shrui %add3A_654, %shift_right_logical3A_656 : vector<16xi32>
          %and3A_658 = arith.constant 127 : i32
          %and3A_659 = vector.broadcast %and3A_658 : i32 to vector<16xi32>
          %and3A_660 = arith.andi %add3A_654, %and3A_659 : vector<16xi32>
          tpu.vector_store_idx %arg6[%shift_right_logical3A_657, %and3A_660], %gather3A_651 : memref<32x128xf32, #tpu.memory_space<vmem>>[vector<16xi32>, vector<16xi32>], vector<16xf32>,
          %add3A_661 = arith.constant 32 : i32
          %add3A_662 = vector.broadcast %add3A_661 : i32 to vector<16xi32>
          %add3A_663 = arith.addi %iota3A, %add3A_662 : vector<16xi32>
          %add3A_664 = arith.constant 0 : i32
          %add3A_665 = vector.broadcast %add3A_664 : i32 to vector<16xi32>
          %add3A_666 = arith.addi %and3A_627, %add3A_665 : vector<16xi32>
          %gather3A_667 = tpu.vector_load_idx %arg4[%add3A_666, %add3A_663] : memref<32x128xf32, #tpu.memory_space<vmem>>[vector<16xi32>, vector<16xi32>], vector<16xf32>,
          %add3A_668 = arith.constant 1024 : i32
          %add3A_669 = vector.broadcast %add3A_668 : i32 to vector<16xi32>
          %add3A_670 = arith.addi %add3A_628, %add3A_669 : vector<16xi32>
          %shift_right_logical3A_671 = arith.constant 7 : i32
          %shift_right_logical3A_672 = vector.broadcast %shift_right_logical3A_671 : i32 to vector<16xi32>
          %shift_right_logical3A_673 = arith.shrui %add3A_670, %shift_right_logical3A_672 : vector<16xi32>
          %and3A_674 = arith.constant 127 : i32
          %and3A_675 = vector.broadcast %and3A_674 : i32 to vector<16xi32>
          %and3A_676 = arith.andi %add3A_670, %and3A_675 : vector<16xi32>
          tpu.vector_store_idx %arg6[%shift_right_logical3A_673, %and3A_676], %gather3A_667 : memref<32x128xf32, #tpu.memory_space<vmem>>[vector<16xi32>, vector<16xi32>], vector<16xf32>,
          %add3A_677 = arith.constant 48 : i32
          %add3A_678 = vector.broadcast %add3A_677 : i32 to vector<16xi32>
          %add3A_679 = arith.addi %iota3A, %add3A_678 : vector<16xi32>
          %add3A_680 = arith.constant 0 : i32
          %add3A_681 = vector.broadcast %add3A_680 : i32 to vector<16xi32>
          %add3A_682 = arith.addi %and3A_627, %add3A_681 : vector<16xi32>
          %gather3A_683 = tpu.vector_load_idx %arg4[%add3A_682, %add3A_679] : memref<32x128xf32, #tpu.memory_space<vmem>>[vector<16xi32>, vector<16xi32>], vector<16xf32>,
          %add3A_684 = arith.constant 1536 : i32
          %add3A_685 = vector.broadcast %add3A_684 : i32 to vector<16xi32>
          %add3A_686 = arith.addi %add3A_628, %add3A_685 : vector<16xi32>
          %shift_right_logical3A_687 = arith.constant 7 : i32
          %shift_right_logical3A_688 = vector.broadcast %shift_right_logical3A_687 : i32 to vector<16xi32>
          %shift_right_logical3A_689 = arith.shrui %add3A_686, %shift_right_logical3A_688 : vector<16xi32>
          %and3A_690 = arith.constant 127 : i32
          %and3A_691 = vector.broadcast %and3A_690 : i32 to vector<16xi32>
          %and3A_692 = arith.andi %add3A_686, %and3A_691 : vector<16xi32>
          tpu.vector_store_idx %arg6[%shift_right_logical3A_689, %and3A_692], %gather3A_683 : memref<32x128xf32, #tpu.memory_space<vmem>>[vector<16xi32>, vector<16xi32>], vector<16xf32>,
          %add3A_693 = arith.constant 64 : i32
          %add3A_694 = vector.broadcast %add3A_693 : i32 to vector<16xi32>
          %add3A_695 = arith.addi %iota3A, %add3A_694 : vector<16xi32>
          %add3A_696 = arith.constant 0 : i32
          %add3A_697 = vector.broadcast %add3A_696 : i32 to vector<16xi32>
          %add3A_698 = arith.addi %and3A_627, %add3A_697 : vector<16xi32>
          %gather3A_699 = tpu.vector_load_idx %arg4[%add3A_698, %add3A_695] : memref<32x128xf32, #tpu.memory_space<vmem>>[vector<16xi32>, vector<16xi32>], vector<16xf32>,
          %add3A_700 = arith.constant 2048 : i32
          %add3A_701 = vector.broadcast %add3A_700 : i32 to vector<16xi32>
          %add3A_702 = arith.addi %add3A_628, %add3A_701 : vector<16xi32>
          %shift_right_logical3A_703 = arith.constant 7 : i32
          %shift_right_logical3A_704 = vector.broadcast %shift_right_logical3A_703 : i32 to vector<16xi32>
          %shift_right_logical3A_705 = arith.shrui %add3A_702, %shift_right_logical3A_704 : vector<16xi32>
          %and3A_706 = arith.constant 127 : i32
          %and3A_707 = vector.broadcast %and3A_706 : i32 to vector<16xi32>
          %and3A_708 = arith.andi %add3A_702, %and3A_707 : vector<16xi32>
          tpu.vector_store_idx %arg6[%shift_right_logical3A_705, %and3A_708], %gather3A_699 : memref<32x128xf32, #tpu.memory_space<vmem>>[vector<16xi32>, vector<16xi32>], vector<16xf32>,
          %add3A_709 = arith.constant 80 : i32
          %add3A_710 = vector.broadcast %add3A_709 : i32 to vector<16xi32>
          %add3A_711 = arith.addi %iota3A, %add3A_710 : vector<16xi32>
          %add3A_712 = arith.constant 0 : i32
          %add3A_713 = vector.broadcast %add3A_712 : i32 to vector<16xi32>
          %add3A_714 = arith.addi %and3A_627, %add3A_713 : vector<16xi32>
          %gather3A_715 = tpu.vector_load_idx %arg4[%add3A_714, %add3A_711] : memref<32x128xf32, #tpu.memory_space<vmem>>[vector<16xi32>, vector<16xi32>], vector<16xf32>,
          %add3A_716 = arith.constant 2560 : i32
          %add3A_717 = vector.broadcast %add3A_716 : i32 to vector<16xi32>
          %add3A_718 = arith.addi %add3A_628, %add3A_717 : vector<16xi32>
          %shift_right_logical3A_719 = arith.constant 7 : i32
          %shift_right_logical3A_720 = vector.broadcast %shift_right_logical3A_719 : i32 to vector<16xi32>
          %shift_right_logical3A_721 = arith.shrui %add3A_718, %shift_right_logical3A_720 : vector<16xi32>
          %and3A_722 = arith.constant 127 : i32
          %and3A_723 = vector.broadcast %and3A_722 : i32 to vector<16xi32>
          %and3A_724 = arith.andi %add3A_718, %and3A_723 : vector<16xi32>
          tpu.vector_store_idx %arg6[%shift_right_logical3A_721, %and3A_724], %gather3A_715 : memref<32x128xf32, #tpu.memory_space<vmem>>[vector<16xi32>, vector<16xi32>], vector<16xf32>,
          %add3A_725 = arith.constant 96 : i32
          %add3A_726 = vector.broadcast %add3A_725 : i32 to vector<16xi32>
          %add3A_727 = arith.addi %iota3A, %add3A_726 : vector<16xi32>
          %add3A_728 = arith.constant 0 : i32
          %add3A_729 = vector.broadcast %add3A_728 : i32 to vector<16xi32>
          %add3A_730 = arith.addi %and3A_627, %add3A_729 : vector<16xi32>
          %gather3A_731 = tpu.vector_load_idx %arg4[%add3A_730, %add3A_727] : memref<32x128xf32, #tpu.memory_space<vmem>>[vector<16xi32>, vector<16xi32>], vector<16xf32>,
          %add3A_732 = arith.constant 3072 : i32
          %add3A_733 = vector.broadcast %add3A_732 : i32 to vector<16xi32>
          %add3A_734 = arith.addi %add3A_628, %add3A_733 : vector<16xi32>
          %shift_right_logical3A_735 = arith.constant 7 : i32
          %shift_right_logical3A_736 = vector.broadcast %shift_right_logical3A_735 : i32 to vector<16xi32>
          %shift_right_logical3A_737 = arith.shrui %add3A_734, %shift_right_logical3A_736 : vector<16xi32>
          %and3A_738 = arith.constant 127 : i32
          %and3A_739 = vector.broadcast %and3A_738 : i32 to vector<16xi32>
          %and3A_740 = arith.andi %add3A_734, %and3A_739 : vector<16xi32>
          tpu.vector_store_idx %arg6[%shift_right_logical3A_737, %and3A_740], %gather3A_731 : memref<32x128xf32, #tpu.memory_space<vmem>>[vector<16xi32>, vector<16xi32>], vector<16xf32>,
          %add3A_741 = arith.constant 112 : i32
          %add3A_742 = vector.broadcast %add3A_741 : i32 to vector<16xi32>
          %add3A_743 = arith.addi %iota3A, %add3A_742 : vector<16xi32>
          %add3A_744 = arith.constant 0 : i32
          %add3A_745 = vector.broadcast %add3A_744 : i32 to vector<16xi32>
          %add3A_746 = arith.addi %and3A_627, %add3A_745 : vector<16xi32>
          %gather3A_747 = tpu.vector_load_idx %arg4[%add3A_746, %add3A_743] : memref<32x128xf32, #tpu.memory_space<vmem>>[vector<16xi32>, vector<16xi32>], vector<16xf32>,
          %add3A_748 = arith.constant 3584 : i32
          %add3A_749 = vector.broadcast %add3A_748 : i32 to vector<16xi32>
          %add3A_750 = arith.addi %add3A_628, %add3A_749 : vector<16xi32>
          %shift_right_logical3A_751 = arith.constant 7 : i32
          %shift_right_logical3A_752 = vector.broadcast %shift_right_logical3A_751 : i32 to vector<16xi32>
          %shift_right_logical3A_753 = arith.shrui %add3A_750, %shift_right_logical3A_752 : vector<16xi32>
          %and3A_754 = arith.constant 127 : i32
          %and3A_755 = vector.broadcast %and3A_754 : i32 to vector<16xi32>
          %and3A_756 = arith.andi %add3A_750, %and3A_755 : vector<16xi32>
          tpu.vector_store_idx %arg6[%shift_right_logical3A_753, %and3A_756], %gather3A_747 : memref<32x128xf32, #tpu.memory_space<vmem>>[vector<16xi32>, vector<16xi32>], vector<16xf32>,
          %add3A_757 = arith.constant 0 : i32
          %add3A_758 = vector.broadcast %add3A_757 : i32 to vector<16xi32>
          %add3A_759 = arith.addi %iota3A, %add3A_758 : vector<16xi32>
          %add3A_760 = arith.constant 16 : i32
          %add3A_761 = vector.broadcast %add3A_760 : i32 to vector<16xi32>
          %add3A_762 = arith.addi %and3A_627, %add3A_761 : vector<16xi32>
          %gather3A_763 = tpu.vector_load_idx %arg4[%add3A_762, %add3A_759] : memref<32x128xf32, #tpu.memory_space<vmem>>[vector<16xi32>, vector<16xi32>], vector<16xf32>,
          %add3A_764 = arith.constant 16 : i32
          %add3A_765 = vector.broadcast %add3A_764 : i32 to vector<16xi32>
          %add3A_766 = arith.addi %add3A_628, %add3A_765 : vector<16xi32>
          %shift_right_logical3A_767 = arith.constant 7 : i32
          %shift_right_logical3A_768 = vector.broadcast %shift_right_logical3A_767 : i32 to vector<16xi32>
          %shift_right_logical3A_769 = arith.shrui %add3A_766, %shift_right_logical3A_768 : vector<16xi32>
          %and3A_770 = arith.constant 127 : i32
          %and3A_771 = vector.broadcast %and3A_770 : i32 to vector<16xi32>
          %and3A_772 = arith.andi %add3A_766, %and3A_771 : vector<16xi32>
          tpu.vector_store_idx %arg6[%shift_right_logical3A_769, %and3A_772], %gather3A_763 : memref<32x128xf32, #tpu.memory_space<vmem>>[vector<16xi32>, vector<16xi32>], vector<16xf32>,
          %add3A_773 = arith.constant 16 : i32
          %add3A_774 = vector.broadcast %add3A_773 : i32 to vector<16xi32>
          %add3A_775 = arith.addi %iota3A, %add3A_774 : vector<16xi32>
          %add3A_776 = arith.constant 16 : i32
          %add3A_777 = vector.broadcast %add3A_776 : i32 to vector<16xi32>
          %add3A_778 = arith.addi %and3A_627, %add3A_777 : vector<16xi32>
          %gather3A_779 = tpu.vector_load_idx %arg4[%add3A_778, %add3A_775] : memref<32x128xf32, #tpu.memory_space<vmem>>[vector<16xi32>, vector<16xi32>], vector<16xf32>,
          %add3A_780 = arith.constant 528 : i32
          %add3A_781 = vector.broadcast %add3A_780 : i32 to vector<16xi32>
          %add3A_782 = arith.addi %add3A_628, %add3A_781 : vector<16xi32>
          %shift_right_logical3A_783 = arith.constant 7 : i32
          %shift_right_logical3A_784 = vector.broadcast %shift_right_logical3A_783 : i32 to vector<16xi32>
          %shift_right_logical3A_785 = arith.shrui %add3A_782, %shift_right_logical3A_784 : vector<16xi32>
          %and3A_786 = arith.constant 127 : i32
          %and3A_787 = vector.broadcast %and3A_786 : i32 to vector<16xi32>
          %and3A_788 = arith.andi %add3A_782, %and3A_787 : vector<16xi32>
          tpu.vector_store_idx %arg6[%shift_right_logical3A_785, %and3A_788], %gather3A_779 : memref<32x128xf32, #tpu.memory_space<vmem>>[vector<16xi32>, vector<16xi32>], vector<16xf32>,
          %add3A_789 = arith.constant 32 : i32
          %add3A_790 = vector.broadcast %add3A_789 : i32 to vector<16xi32>
          %add3A_791 = arith.addi %iota3A, %add3A_790 : vector<16xi32>
          %add3A_792 = arith.constant 16 : i32
          %add3A_793 = vector.broadcast %add3A_792 : i32 to vector<16xi32>
          %add3A_794 = arith.addi %and3A_627, %add3A_793 : vector<16xi32>
          %gather3A_795 = tpu.vector_load_idx %arg4[%add3A_794, %add3A_791] : memref<32x128xf32, #tpu.memory_space<vmem>>[vector<16xi32>, vector<16xi32>], vector<16xf32>,
          %add3A_796 = arith.constant 1040 : i32
          %add3A_797 = vector.broadcast %add3A_796 : i32 to vector<16xi32>
          %add3A_798 = arith.addi %add3A_628, %add3A_797 : vector<16xi32>
          %shift_right_logical3A_799 = arith.constant 7 : i32
          %shift_right_logical3A_800 = vector.broadcast %shift_right_logical3A_799 : i32 to vector<16xi32>
          %shift_right_logical3A_801 = arith.shrui %add3A_798, %shift_right_logical3A_800 : vector<16xi32>
          %and3A_802 = arith.constant 127 : i32
          %and3A_803 = vector.broadcast %and3A_802 : i32 to vector<16xi32>
          %and3A_804 = arith.andi %add3A_798, %and3A_803 : vector<16xi32>
          tpu.vector_store_idx %arg6[%shift_right_logical3A_801, %and3A_804], %gather3A_795 : memref<32x128xf32, #tpu.memory_space<vmem>>[vector<16xi32>, vector<16xi32>], vector<16xf32>,
          %add3A_805 = arith.constant 48 : i32
          %add3A_806 = vector.broadcast %add3A_805 : i32 to vector<16xi32>
          %add3A_807 = arith.addi %iota3A, %add3A_806 : vector<16xi32>
          %add3A_808 = arith.constant 16 : i32
          %add3A_809 = vector.broadcast %add3A_808 : i32 to vector<16xi32>
          %add3A_810 = arith.addi %and3A_627, %add3A_809 : vector<16xi32>
          %gather3A_811 = tpu.vector_load_idx %arg4[%add3A_810, %add3A_807] : memref<32x128xf32, #tpu.memory_space<vmem>>[vector<16xi32>, vector<16xi32>], vector<16xf32>,
          %add3A_812 = arith.constant 1552 : i32
          %add3A_813 = vector.broadcast %add3A_812 : i32 to vector<16xi32>
          %add3A_814 = arith.addi %add3A_628, %add3A_813 : vector<16xi32>
          %shift_right_logical3A_815 = arith.constant 7 : i32
          %shift_right_logical3A_816 = vector.broadcast %shift_right_logical3A_815 : i32 to vector<16xi32>
          %shift_right_logical3A_817 = arith.shrui %add3A_814, %shift_right_logical3A_816 : vector<16xi32>
          %and3A_818 = arith.constant 127 : i32
          %and3A_819 = vector.broadcast %and3A_818 : i32 to vector<16xi32>
          %and3A_820 = arith.andi %add3A_814, %and3A_819 : vector<16xi32>
          tpu.vector_store_idx %arg6[%shift_right_logical3A_817, %and3A_820], %gather3A_811 : memref<32x128xf32, #tpu.memory_space<vmem>>[vector<16xi32>, vector<16xi32>], vector<16xf32>,
          %add3A_821 = arith.constant 64 : i32
          %add3A_822 = vector.broadcast %add3A_821 : i32 to vector<16xi32>
          %add3A_823 = arith.addi %iota3A, %add3A_822 : vector<16xi32>
          %add3A_824 = arith.constant 16 : i32
          %add3A_825 = vector.broadcast %add3A_824 : i32 to vector<16xi32>
          %add3A_826 = arith.addi %and3A_627, %add3A_825 : vector<16xi32>
          %gather3A_827 = tpu.vector_load_idx %arg4[%add3A_826, %add3A_823] : memref<32x128xf32, #tpu.memory_space<vmem>>[vector<16xi32>, vector<16xi32>], vector<16xf32>,
          %add3A_828 = arith.constant 2064 : i32
          %add3A_829 = vector.broadcast %add3A_828 : i32 to vector<16xi32>
          %add3A_830 = arith.addi %add3A_628, %add3A_829 : vector<16xi32>
          %shift_right_logical3A_831 = arith.constant 7 : i32
          %shift_right_logical3A_832 = vector.broadcast %shift_right_logical3A_831 : i32 to vector<16xi32>
          %shift_right_logical3A_833 = arith.shrui %add3A_830, %shift_right_logical3A_832 : vector<16xi32>
          %and3A_834 = arith.constant 127 : i32
          %and3A_835 = vector.broadcast %and3A_834 : i32 to vector<16xi32>
          %and3A_836 = arith.andi %add3A_830, %and3A_835 : vector<16xi32>
          tpu.vector_store_idx %arg6[%shift_right_logical3A_833, %and3A_836], %gather3A_827 : memref<32x128xf32, #tpu.memory_space<vmem>>[vector<16xi32>, vector<16xi32>], vector<16xf32>,
          %add3A_837 = arith.constant 80 : i32
          %add3A_838 = vector.broadcast %add3A_837 : i32 to vector<16xi32>
          %add3A_839 = arith.addi %iota3A, %add3A_838 : vector<16xi32>
          %add3A_840 = arith.constant 16 : i32
          %add3A_841 = vector.broadcast %add3A_840 : i32 to vector<16xi32>
          %add3A_842 = arith.addi %and3A_627, %add3A_841 : vector<16xi32>
          %gather3A_843 = tpu.vector_load_idx %arg4[%add3A_842, %add3A_839] : memref<32x128xf32, #tpu.memory_space<vmem>>[vector<16xi32>, vector<16xi32>], vector<16xf32>,
          %add3A_844 = arith.constant 2576 : i32
          %add3A_845 = vector.broadcast %add3A_844 : i32 to vector<16xi32>
          %add3A_846 = arith.addi %add3A_628, %add3A_845 : vector<16xi32>
          %shift_right_logical3A_847 = arith.constant 7 : i32
          %shift_right_logical3A_848 = vector.broadcast %shift_right_logical3A_847 : i32 to vector<16xi32>
          %shift_right_logical3A_849 = arith.shrui %add3A_846, %shift_right_logical3A_848 : vector<16xi32>
          %and3A_850 = arith.constant 127 : i32
          %and3A_851 = vector.broadcast %and3A_850 : i32 to vector<16xi32>
          %and3A_852 = arith.andi %add3A_846, %and3A_851 : vector<16xi32>
          tpu.vector_store_idx %arg6[%shift_right_logical3A_849, %and3A_852], %gather3A_843 : memref<32x128xf32, #tpu.memory_space<vmem>>[vector<16xi32>, vector<16xi32>], vector<16xf32>,
          %add3A_853 = arith.constant 96 : i32
          %add3A_854 = vector.broadcast %add3A_853 : i32 to vector<16xi32>
          %add3A_855 = arith.addi %iota3A, %add3A_854 : vector<16xi32>
          %add3A_856 = arith.constant 16 : i32
          %add3A_857 = vector.broadcast %add3A_856 : i32 to vector<16xi32>
          %add3A_858 = arith.addi %and3A_627, %add3A_857 : vector<16xi32>
          %gather3A_859 = tpu.vector_load_idx %arg4[%add3A_858, %add3A_855] : memref<32x128xf32, #tpu.memory_space<vmem>>[vector<16xi32>, vector<16xi32>], vector<16xf32>,
          %add3A_860 = arith.constant 3088 : i32
          %add3A_861 = vector.broadcast %add3A_860 : i32 to vector<16xi32>
          %add3A_862 = arith.addi %add3A_628, %add3A_861 : vector<16xi32>
          %shift_right_logical3A_863 = arith.constant 7 : i32
          %shift_right_logical3A_864 = vector.broadcast %shift_right_logical3A_863 : i32 to vector<16xi32>
          %shift_right_logical3A_865 = arith.shrui %add3A_862, %shift_right_logical3A_864 : vector<16xi32>
          %and3A_866 = arith.constant 127 : i32
          %and3A_867 = vector.broadcast %and3A_866 : i32 to vector<16xi32>
          %and3A_868 = arith.andi %add3A_862, %and3A_867 : vector<16xi32>
          tpu.vector_store_idx %arg6[%shift_right_logical3A_865, %and3A_868], %gather3A_859 : memref<32x128xf32, #tpu.memory_space<vmem>>[vector<16xi32>, vector<16xi32>], vector<16xf32>,
          %add3A_869 = arith.constant 112 : i32
          %add3A_870 = vector.broadcast %add3A_869 : i32 to vector<16xi32>
          %add3A_871 = arith.addi %iota3A, %add3A_870 : vector<16xi32>
          %add3A_872 = arith.constant 16 : i32
          %add3A_873 = vector.broadcast %add3A_872 : i32 to vector<16xi32>
          %add3A_874 = arith.addi %and3A_627, %add3A_873 : vector<16xi32>
          %gather3A_875 = tpu.vector_load_idx %arg4[%add3A_874, %add3A_871] : memref<32x128xf32, #tpu.memory_space<vmem>>[vector<16xi32>, vector<16xi32>], vector<16xf32>,
          %add3A_876 = arith.constant 3600 : i32
          %add3A_877 = vector.broadcast %add3A_876 : i32 to vector<16xi32>
          %add3A_878 = arith.addi %add3A_628, %add3A_877 : vector<16xi32>
          %shift_right_logical3A_879 = arith.constant 7 : i32
          %shift_right_logical3A_880 = vector.broadcast %shift_right_logical3A_879 : i32 to vector<16xi32>
          %shift_right_logical3A_881 = arith.shrui %add3A_878, %shift_right_logical3A_880 : vector<16xi32>
          %and3A_882 = arith.constant 127 : i32
          %and3A_883 = vector.broadcast %and3A_882 : i32 to vector<16xi32>
          %and3A_884 = arith.andi %add3A_878, %and3A_883 : vector<16xi32>
          tpu.vector_store_idx %arg6[%shift_right_logical3A_881, %and3A_884], %gather3A_875 : memref<32x128xf32, #tpu.memory_space<vmem>>[vector<16xi32>, vector<16xi32>], vector<16xf32>,
          %mul3A_885 = arith.constant 4 : i32
          %mul3A_886 = arith.muli %scan3A_89, %mul3A_885 : i32
          %add3A_887 = arith.constant 3 : i32
          %add3A_888 = arith.addi %mul3A_886, %add3A_887 : i32
          %add3A_889 = vector.broadcast %add3A_888 : i32 to vector<16xi32>
          %add3A_890 = arith.addi %iota3A, %add3A_889 : vector<16xi32>
          %and3A_891 = arith.constant 15 : i32
          %and3A_892 = vector.broadcast %and3A_891 : i32 to vector<16xi32>
          %and3A_893 = arith.andi %add3A_890, %and3A_892 : vector<16xi32>
          %add3A_894 = arith.addi %mul3A_72, %and3A_893 : vector<16xi32>
          %add3A_895 = arith.constant 0 : i32
          %add3A_896 = vector.broadcast %add3A_895 : i32 to vector<16xi32>
          %add3A_897 = arith.addi %iota3A, %add3A_896 : vector<16xi32>
          %add3A_898 = arith.constant 0 : i32
          %add3A_899 = vector.broadcast %add3A_898 : i32 to vector<16xi32>
          %add3A_900 = arith.addi %and3A_893, %add3A_899 : vector<16xi32>
          %gather3A_901 = tpu.vector_load_idx %arg4[%add3A_900, %add3A_897] : memref<32x128xf32, #tpu.memory_space<vmem>>[vector<16xi32>, vector<16xi32>], vector<16xf32>,
          %add3A_902 = arith.constant 0 : i32
          %add3A_903 = vector.broadcast %add3A_902 : i32 to vector<16xi32>
          %add3A_904 = arith.addi %add3A_894, %add3A_903 : vector<16xi32>
          %shift_right_logical3A_905 = arith.constant 7 : i32
          %shift_right_logical3A_906 = vector.broadcast %shift_right_logical3A_905 : i32 to vector<16xi32>
          %shift_right_logical3A_907 = arith.shrui %add3A_904, %shift_right_logical3A_906 : vector<16xi32>
          %and3A_908 = arith.constant 127 : i32
          %and3A_909 = vector.broadcast %and3A_908 : i32 to vector<16xi32>
          %and3A_910 = arith.andi %add3A_904, %and3A_909 : vector<16xi32>
          tpu.vector_store_idx %arg6[%shift_right_logical3A_907, %and3A_910], %gather3A_901 : memref<32x128xf32, #tpu.memory_space<vmem>>[vector<16xi32>, vector<16xi32>], vector<16xf32>,
          %add3A_911 = arith.constant 16 : i32
          %add3A_912 = vector.broadcast %add3A_911 : i32 to vector<16xi32>
          %add3A_913 = arith.addi %iota3A, %add3A_912 : vector<16xi32>
          %add3A_914 = arith.constant 0 : i32
          %add3A_915 = vector.broadcast %add3A_914 : i32 to vector<16xi32>
          %add3A_916 = arith.addi %and3A_893, %add3A_915 : vector<16xi32>
          %gather3A_917 = tpu.vector_load_idx %arg4[%add3A_916, %add3A_913] : memref<32x128xf32, #tpu.memory_space<vmem>>[vector<16xi32>, vector<16xi32>], vector<16xf32>,
          %add3A_918 = arith.constant 512 : i32
          %add3A_919 = vector.broadcast %add3A_918 : i32 to vector<16xi32>
          %add3A_920 = arith.addi %add3A_894, %add3A_919 : vector<16xi32>
          %shift_right_logical3A_921 = arith.constant 7 : i32
          %shift_right_logical3A_922 = vector.broadcast %shift_right_logical3A_921 : i32 to vector<16xi32>
          %shift_right_logical3A_923 = arith.shrui %add3A_920, %shift_right_logical3A_922 : vector<16xi32>
          %and3A_924 = arith.constant 127 : i32
          %and3A_925 = vector.broadcast %and3A_924 : i32 to vector<16xi32>
          %and3A_926 = arith.andi %add3A_920, %and3A_925 : vector<16xi32>
          tpu.vector_store_idx %arg6[%shift_right_logical3A_923, %and3A_926], %gather3A_917 : memref<32x128xf32, #tpu.memory_space<vmem>>[vector<16xi32>, vector<16xi32>], vector<16xf32>,
          %add3A_927 = arith.constant 32 : i32
          %add3A_928 = vector.broadcast %add3A_927 : i32 to vector<16xi32>
          %add3A_929 = arith.addi %iota3A, %add3A_928 : vector<16xi32>
          %add3A_930 = arith.constant 0 : i32
          %add3A_931 = vector.broadcast %add3A_930 : i32 to vector<16xi32>
          %add3A_932 = arith.addi %and3A_893, %add3A_931 : vector<16xi32>
          %gather3A_933 = tpu.vector_load_idx %arg4[%add3A_932, %add3A_929] : memref<32x128xf32, #tpu.memory_space<vmem>>[vector<16xi32>, vector<16xi32>], vector<16xf32>,
          %add3A_934 = arith.constant 1024 : i32
          %add3A_935 = vector.broadcast %add3A_934 : i32 to vector<16xi32>
          %add3A_936 = arith.addi %add3A_894, %add3A_935 : vector<16xi32>
          %shift_right_logical3A_937 = arith.constant 7 : i32
          %shift_right_logical3A_938 = vector.broadcast %shift_right_logical3A_937 : i32 to vector<16xi32>
          %shift_right_logical3A_939 = arith.shrui %add3A_936, %shift_right_logical3A_938 : vector<16xi32>
          %and3A_940 = arith.constant 127 : i32
          %and3A_941 = vector.broadcast %and3A_940 : i32 to vector<16xi32>
          %and3A_942 = arith.andi %add3A_936, %and3A_941 : vector<16xi32>
          tpu.vector_store_idx %arg6[%shift_right_logical3A_939, %and3A_942], %gather3A_933 : memref<32x128xf32, #tpu.memory_space<vmem>>[vector<16xi32>, vector<16xi32>], vector<16xf32>,
          %add3A_943 = arith.constant 48 : i32
          %add3A_944 = vector.broadcast %add3A_943 : i32 to vector<16xi32>
          %add3A_945 = arith.addi %iota3A, %add3A_944 : vector<16xi32>
          %add3A_946 = arith.constant 0 : i32
          %add3A_947 = vector.broadcast %add3A_946 : i32 to vector<16xi32>
          %add3A_948 = arith.addi %and3A_893, %add3A_947 : vector<16xi32>
          %gather3A_949 = tpu.vector_load_idx %arg4[%add3A_948, %add3A_945] : memref<32x128xf32, #tpu.memory_space<vmem>>[vector<16xi32>, vector<16xi32>], vector<16xf32>,
          %add3A_950 = arith.constant 1536 : i32
          %add3A_951 = vector.broadcast %add3A_950 : i32 to vector<16xi32>
          %add3A_952 = arith.addi %add3A_894, %add3A_951 : vector<16xi32>
          %shift_right_logical3A_953 = arith.constant 7 : i32
          %shift_right_logical3A_954 = vector.broadcast %shift_right_logical3A_953 : i32 to vector<16xi32>
          %shift_right_logical3A_955 = arith.shrui %add3A_952, %shift_right_logical3A_954 : vector<16xi32>
          %and3A_956 = arith.constant 127 : i32
          %and3A_957 = vector.broadcast %and3A_956 : i32 to vector<16xi32>
          %and3A_958 = arith.andi %add3A_952, %and3A_957 : vector<16xi32>
          tpu.vector_store_idx %arg6[%shift_right_logical3A_955, %and3A_958], %gather3A_949 : memref<32x128xf32, #tpu.memory_space<vmem>>[vector<16xi32>, vector<16xi32>], vector<16xf32>,
          %add3A_959 = arith.constant 64 : i32
          %add3A_960 = vector.broadcast %add3A_959 : i32 to vector<16xi32>
          %add3A_961 = arith.addi %iota3A, %add3A_960 : vector<16xi32>
          %add3A_962 = arith.constant 0 : i32
          %add3A_963 = vector.broadcast %add3A_962 : i32 to vector<16xi32>
          %add3A_964 = arith.addi %and3A_893, %add3A_963 : vector<16xi32>
          %gather3A_965 = tpu.vector_load_idx %arg4[%add3A_964, %add3A_961] : memref<32x128xf32, #tpu.memory_space<vmem>>[vector<16xi32>, vector<16xi32>], vector<16xf32>,
          %add3A_966 = arith.constant 2048 : i32
          %add3A_967 = vector.broadcast %add3A_966 : i32 to vector<16xi32>
          %add3A_968 = arith.addi %add3A_894, %add3A_967 : vector<16xi32>
          %shift_right_logical3A_969 = arith.constant 7 : i32
          %shift_right_logical3A_970 = vector.broadcast %shift_right_logical3A_969 : i32 to vector<16xi32>
          %shift_right_logical3A_971 = arith.shrui %add3A_968, %shift_right_logical3A_970 : vector<16xi32>
          %and3A_972 = arith.constant 127 : i32
          %and3A_973 = vector.broadcast %and3A_972 : i32 to vector<16xi32>
          %and3A_974 = arith.andi %add3A_968, %and3A_973 : vector<16xi32>
          tpu.vector_store_idx %arg6[%shift_right_logical3A_971, %and3A_974], %gather3A_965 : memref<32x128xf32, #tpu.memory_space<vmem>>[vector<16xi32>, vector<16xi32>], vector<16xf32>,
          %add3A_975 = arith.constant 80 : i32
          %add3A_976 = vector.broadcast %add3A_975 : i32 to vector<16xi32>
          %add3A_977 = arith.addi %iota3A, %add3A_976 : vector<16xi32>
          %add3A_978 = arith.constant 0 : i32
          %add3A_979 = vector.broadcast %add3A_978 : i32 to vector<16xi32>
          %add3A_980 = arith.addi %and3A_893, %add3A_979 : vector<16xi32>
          %gather3A_981 = tpu.vector_load_idx %arg4[%add3A_980, %add3A_977] : memref<32x128xf32, #tpu.memory_space<vmem>>[vector<16xi32>, vector<16xi32>], vector<16xf32>,
          %add3A_982 = arith.constant 2560 : i32
          %add3A_983 = vector.broadcast %add3A_982 : i32 to vector<16xi32>
          %add3A_984 = arith.addi %add3A_894, %add3A_983 : vector<16xi32>
          %shift_right_logical3A_985 = arith.constant 7 : i32
          %shift_right_logical3A_986 = vector.broadcast %shift_right_logical3A_985 : i32 to vector<16xi32>
          %shift_right_logical3A_987 = arith.shrui %add3A_984, %shift_right_logical3A_986 : vector<16xi32>
          %and3A_988 = arith.constant 127 : i32
          %and3A_989 = vector.broadcast %and3A_988 : i32 to vector<16xi32>
          %and3A_990 = arith.andi %add3A_984, %and3A_989 : vector<16xi32>
          tpu.vector_store_idx %arg6[%shift_right_logical3A_987, %and3A_990], %gather3A_981 : memref<32x128xf32, #tpu.memory_space<vmem>>[vector<16xi32>, vector<16xi32>], vector<16xf32>,
          %add3A_991 = arith.constant 96 : i32
          %add3A_992 = vector.broadcast %add3A_991 : i32 to vector<16xi32>
          %add3A_993 = arith.addi %iota3A, %add3A_992 : vector<16xi32>
          %add3A_994 = arith.constant 0 : i32
          %add3A_995 = vector.broadcast %add3A_994 : i32 to vector<16xi32>
          %add3A_996 = arith.addi %and3A_893, %add3A_995 : vector<16xi32>
          %gather3A_997 = tpu.vector_load_idx %arg4[%add3A_996, %add3A_993] : memref<32x128xf32, #tpu.memory_space<vmem>>[vector<16xi32>, vector<16xi32>], vector<16xf32>,
          %add3A_998 = arith.constant 3072 : i32
          %add3A_999 = vector.broadcast %add3A_998 : i32 to vector<16xi32>
          %add3A_1000 = arith.addi %add3A_894, %add3A_999 : vector<16xi32>
          %shift_right_logical3A_1001 = arith.constant 7 : i32
          %shift_right_logical3A_1002 = vector.broadcast %shift_right_logical3A_1001 : i32 to vector<16xi32>
          %shift_right_logical3A_1003 = arith.shrui %add3A_1000, %shift_right_logical3A_1002 : vector<16xi32>
          %and3A_1004 = arith.constant 127 : i32
          %and3A_1005 = vector.broadcast %and3A_1004 : i32 to vector<16xi32>
          %and3A_1006 = arith.andi %add3A_1000, %and3A_1005 : vector<16xi32>
          tpu.vector_store_idx %arg6[%shift_right_logical3A_1003, %and3A_1006], %gather3A_997 : memref<32x128xf32, #tpu.memory_space<vmem>>[vector<16xi32>, vector<16xi32>], vector<16xf32>,
          %add3A_1007 = arith.constant 112 : i32
          %add3A_1008 = vector.broadcast %add3A_1007 : i32 to vector<16xi32>
          %add3A_1009 = arith.addi %iota3A, %add3A_1008 : vector<16xi32>
          %add3A_1010 = arith.constant 0 : i32
          %add3A_1011 = vector.broadcast %add3A_1010 : i32 to vector<16xi32>
          %add3A_1012 = arith.addi %and3A_893, %add3A_1011 : vector<16xi32>
          %gather3A_1013 = tpu.vector_load_idx %arg4[%add3A_1012, %add3A_1009] : memref<32x128xf32, #tpu.memory_space<vmem>>[vector<16xi32>, vector<16xi32>], vector<16xf32>,
          %add3A_1014 = arith.constant 3584 : i32
          %add3A_1015 = vector.broadcast %add3A_1014 : i32 to vector<16xi32>
          %add3A_1016 = arith.addi %add3A_894, %add3A_1015 : vector<16xi32>
          %shift_right_logical3A_1017 = arith.constant 7 : i32
          %shift_right_logical3A_1018 = vector.broadcast %shift_right_logical3A_1017 : i32 to vector<16xi32>
          %shift_right_logical3A_1019 = arith.shrui %add3A_1016, %shift_right_logical3A_1018 : vector<16xi32>
          %and3A_1020 = arith.constant 127 : i32
          %and3A_1021 = vector.broadcast %and3A_1020 : i32 to vector<16xi32>
          %and3A_1022 = arith.andi %add3A_1016, %and3A_1021 : vector<16xi32>
          tpu.vector_store_idx %arg6[%shift_right_logical3A_1019, %and3A_1022], %gather3A_1013 : memref<32x128xf32, #tpu.memory_space<vmem>>[vector<16xi32>, vector<16xi32>], vector<16xf32>,
          %add3A_1023 = arith.constant 0 : i32
          %add3A_1024 = vector.broadcast %add3A_1023 : i32 to vector<16xi32>
          %add3A_1025 = arith.addi %iota3A, %add3A_1024 : vector<16xi32>
          %add3A_1026 = arith.constant 16 : i32
          %add3A_1027 = vector.broadcast %add3A_1026 : i32 to vector<16xi32>
          %add3A_1028 = arith.addi %and3A_893, %add3A_1027 : vector<16xi32>
          %gather3A_1029 = tpu.vector_load_idx %arg4[%add3A_1028, %add3A_1025] : memref<32x128xf32, #tpu.memory_space<vmem>>[vector<16xi32>, vector<16xi32>], vector<16xf32>,
          %add3A_1030 = arith.constant 16 : i32
          %add3A_1031 = vector.broadcast %add3A_1030 : i32 to vector<16xi32>
          %add3A_1032 = arith.addi %add3A_894, %add3A_1031 : vector<16xi32>
          %shift_right_logical3A_1033 = arith.constant 7 : i32
          %shift_right_logical3A_1034 = vector.broadcast %shift_right_logical3A_1033 : i32 to vector<16xi32>
          %shift_right_logical3A_1035 = arith.shrui %add3A_1032, %shift_right_logical3A_1034 : vector<16xi32>
          %and3A_1036 = arith.constant 127 : i32
          %and3A_1037 = vector.broadcast %and3A_1036 : i32 to vector<16xi32>
          %and3A_1038 = arith.andi %add3A_1032, %and3A_1037 : vector<16xi32>
          tpu.vector_store_idx %arg6[%shift_right_logical3A_1035, %and3A_1038], %gather3A_1029 : memref<32x128xf32, #tpu.memory_space<vmem>>[vector<16xi32>, vector<16xi32>], vector<16xf32>,
          %add3A_1039 = arith.constant 16 : i32
          %add3A_1040 = vector.broadcast %add3A_1039 : i32 to vector<16xi32>
          %add3A_1041 = arith.addi %iota3A, %add3A_1040 : vector<16xi32>
          %add3A_1042 = arith.constant 16 : i32
          %add3A_1043 = vector.broadcast %add3A_1042 : i32 to vector<16xi32>
          %add3A_1044 = arith.addi %and3A_893, %add3A_1043 : vector<16xi32>
          %gather3A_1045 = tpu.vector_load_idx %arg4[%add3A_1044, %add3A_1041] : memref<32x128xf32, #tpu.memory_space<vmem>>[vector<16xi32>, vector<16xi32>], vector<16xf32>,
          %add3A_1046 = arith.constant 528 : i32
          %add3A_1047 = vector.broadcast %add3A_1046 : i32 to vector<16xi32>
          %add3A_1048 = arith.addi %add3A_894, %add3A_1047 : vector<16xi32>
          %shift_right_logical3A_1049 = arith.constant 7 : i32
          %shift_right_logical3A_1050 = vector.broadcast %shift_right_logical3A_1049 : i32 to vector<16xi32>
          %shift_right_logical3A_1051 = arith.shrui %add3A_1048, %shift_right_logical3A_1050 : vector<16xi32>
          %and3A_1052 = arith.constant 127 : i32
          %and3A_1053 = vector.broadcast %and3A_1052 : i32 to vector<16xi32>
          %and3A_1054 = arith.andi %add3A_1048, %and3A_1053 : vector<16xi32>
          tpu.vector_store_idx %arg6[%shift_right_logical3A_1051, %and3A_1054], %gather3A_1045 : memref<32x128xf32, #tpu.memory_space<vmem>>[vector<16xi32>, vector<16xi32>], vector<16xf32>,
          %add3A_1055 = arith.constant 32 : i32
          %add3A_1056 = vector.broadcast %add3A_1055 : i32 to vector<16xi32>
          %add3A_1057 = arith.addi %iota3A, %add3A_1056 : vector<16xi32>
          %add3A_1058 = arith.constant 16 : i32
          %add3A_1059 = vector.broadcast %add3A_1058 : i32 to vector<16xi32>
          %add3A_1060 = arith.addi %and3A_893, %add3A_1059 : vector<16xi32>
          %gather3A_1061 = tpu.vector_load_idx %arg4[%add3A_1060, %add3A_1057] : memref<32x128xf32, #tpu.memory_space<vmem>>[vector<16xi32>, vector<16xi32>], vector<16xf32>,
          %add3A_1062 = arith.constant 1040 : i32
          %add3A_1063 = vector.broadcast %add3A_1062 : i32 to vector<16xi32>
          %add3A_1064 = arith.addi %add3A_894, %add3A_1063 : vector<16xi32>
          %shift_right_logical3A_1065 = arith.constant 7 : i32
          %shift_right_logical3A_1066 = vector.broadcast %shift_right_logical3A_1065 : i32 to vector<16xi32>
          %shift_right_logical3A_1067 = arith.shrui %add3A_1064, %shift_right_logical3A_1066 : vector<16xi32>
          %and3A_1068 = arith.constant 127 : i32
          %and3A_1069 = vector.broadcast %and3A_1068 : i32 to vector<16xi32>
          %and3A_1070 = arith.andi %add3A_1064, %and3A_1069 : vector<16xi32>
          tpu.vector_store_idx %arg6[%shift_right_logical3A_1067, %and3A_1070], %gather3A_1061 : memref<32x128xf32, #tpu.memory_space<vmem>>[vector<16xi32>, vector<16xi32>], vector<16xf32>,
          %add3A_1071 = arith.constant 48 : i32
          %add3A_1072 = vector.broadcast %add3A_1071 : i32 to vector<16xi32>
          %add3A_1073 = arith.addi %iota3A, %add3A_1072 : vector<16xi32>
          %add3A_1074 = arith.constant 16 : i32
          %add3A_1075 = vector.broadcast %add3A_1074 : i32 to vector<16xi32>
          %add3A_1076 = arith.addi %and3A_893, %add3A_1075 : vector<16xi32>
          %gather3A_1077 = tpu.vector_load_idx %arg4[%add3A_1076, %add3A_1073] : memref<32x128xf32, #tpu.memory_space<vmem>>[vector<16xi32>, vector<16xi32>], vector<16xf32>,
          %add3A_1078 = arith.constant 1552 : i32
          %add3A_1079 = vector.broadcast %add3A_1078 : i32 to vector<16xi32>
          %add3A_1080 = arith.addi %add3A_894, %add3A_1079 : vector<16xi32>
          %shift_right_logical3A_1081 = arith.constant 7 : i32
          %shift_right_logical3A_1082 = vector.broadcast %shift_right_logical3A_1081 : i32 to vector<16xi32>
          %shift_right_logical3A_1083 = arith.shrui %add3A_1080, %shift_right_logical3A_1082 : vector<16xi32>
          %and3A_1084 = arith.constant 127 : i32
          %and3A_1085 = vector.broadcast %and3A_1084 : i32 to vector<16xi32>
          %and3A_1086 = arith.andi %add3A_1080, %and3A_1085 : vector<16xi32>
          tpu.vector_store_idx %arg6[%shift_right_logical3A_1083, %and3A_1086], %gather3A_1077 : memref<32x128xf32, #tpu.memory_space<vmem>>[vector<16xi32>, vector<16xi32>], vector<16xf32>,
          %add3A_1087 = arith.constant 64 : i32
          %add3A_1088 = vector.broadcast %add3A_1087 : i32 to vector<16xi32>
          %add3A_1089 = arith.addi %iota3A, %add3A_1088 : vector<16xi32>
          %add3A_1090 = arith.constant 16 : i32
          %add3A_1091 = vector.broadcast %add3A_1090 : i32 to vector<16xi32>
          %add3A_1092 = arith.addi %and3A_893, %add3A_1091 : vector<16xi32>
          %gather3A_1093 = tpu.vector_load_idx %arg4[%add3A_1092, %add3A_1089] : memref<32x128xf32, #tpu.memory_space<vmem>>[vector<16xi32>, vector<16xi32>], vector<16xf32>,
          %add3A_1094 = arith.constant 2064 : i32
          %add3A_1095 = vector.broadcast %add3A_1094 : i32 to vector<16xi32>
          %add3A_1096 = arith.addi %add3A_894, %add3A_1095 : vector<16xi32>
          %shift_right_logical3A_1097 = arith.constant 7 : i32
          %shift_right_logical3A_1098 = vector.broadcast %shift_right_logical3A_1097 : i32 to vector<16xi32>
          %shift_right_logical3A_1099 = arith.shrui %add3A_1096, %shift_right_logical3A_1098 : vector<16xi32>
          %and3A_1100 = arith.constant 127 : i32
          %and3A_1101 = vector.broadcast %and3A_1100 : i32 to vector<16xi32>
          %and3A_1102 = arith.andi %add3A_1096, %and3A_1101 : vector<16xi32>
          tpu.vector_store_idx %arg6[%shift_right_logical3A_1099, %and3A_1102], %gather3A_1093 : memref<32x128xf32, #tpu.memory_space<vmem>>[vector<16xi32>, vector<16xi32>], vector<16xf32>,
          %add3A_1103 = arith.constant 80 : i32
          %add3A_1104 = vector.broadcast %add3A_1103 : i32 to vector<16xi32>
          %add3A_1105 = arith.addi %iota3A, %add3A_1104 : vector<16xi32>
          %add3A_1106 = arith.constant 16 : i32
          %add3A_1107 = vector.broadcast %add3A_1106 : i32 to vector<16xi32>
          %add3A_1108 = arith.addi %and3A_893, %add3A_1107 : vector<16xi32>
          %gather3A_1109 = tpu.vector_load_idx %arg4[%add3A_1108, %add3A_1105] : memref<32x128xf32, #tpu.memory_space<vmem>>[vector<16xi32>, vector<16xi32>], vector<16xf32>,
          %add3A_1110 = arith.constant 2576 : i32
          %add3A_1111 = vector.broadcast %add3A_1110 : i32 to vector<16xi32>
          %add3A_1112 = arith.addi %add3A_894, %add3A_1111 : vector<16xi32>
          %shift_right_logical3A_1113 = arith.constant 7 : i32
          %shift_right_logical3A_1114 = vector.broadcast %shift_right_logical3A_1113 : i32 to vector<16xi32>
          %shift_right_logical3A_1115 = arith.shrui %add3A_1112, %shift_right_logical3A_1114 : vector<16xi32>
          %and3A_1116 = arith.constant 127 : i32
          %and3A_1117 = vector.broadcast %and3A_1116 : i32 to vector<16xi32>
          %and3A_1118 = arith.andi %add3A_1112, %and3A_1117 : vector<16xi32>
          tpu.vector_store_idx %arg6[%shift_right_logical3A_1115, %and3A_1118], %gather3A_1109 : memref<32x128xf32, #tpu.memory_space<vmem>>[vector<16xi32>, vector<16xi32>], vector<16xf32>,
          %add3A_1119 = arith.constant 96 : i32
          %add3A_1120 = vector.broadcast %add3A_1119 : i32 to vector<16xi32>
          %add3A_1121 = arith.addi %iota3A, %add3A_1120 : vector<16xi32>
          %add3A_1122 = arith.constant 16 : i32
          %add3A_1123 = vector.broadcast %add3A_1122 : i32 to vector<16xi32>
          %add3A_1124 = arith.addi %and3A_893, %add3A_1123 : vector<16xi32>
          %gather3A_1125 = tpu.vector_load_idx %arg4[%add3A_1124, %add3A_1121] : memref<32x128xf32, #tpu.memory_space<vmem>>[vector<16xi32>, vector<16xi32>], vector<16xf32>,
          %add3A_1126 = arith.constant 3088 : i32
          %add3A_1127 = vector.broadcast %add3A_1126 : i32 to vector<16xi32>
          %add3A_1128 = arith.addi %add3A_894, %add3A_1127 : vector<16xi32>
          %shift_right_logical3A_1129 = arith.constant 7 : i32
          %shift_right_logical3A_1130 = vector.broadcast %shift_right_logical3A_1129 : i32 to vector<16xi32>
          %shift_right_logical3A_1131 = arith.shrui %add3A_1128, %shift_right_logical3A_1130 : vector<16xi32>
          %and3A_1132 = arith.constant 127 : i32
          %and3A_1133 = vector.broadcast %and3A_1132 : i32 to vector<16xi32>
          %and3A_1134 = arith.andi %add3A_1128, %and3A_1133 : vector<16xi32>
          tpu.vector_store_idx %arg6[%shift_right_logical3A_1131, %and3A_1134], %gather3A_1125 : memref<32x128xf32, #tpu.memory_space<vmem>>[vector<16xi32>, vector<16xi32>], vector<16xf32>,
          %add3A_1135 = arith.constant 112 : i32
          %add3A_1136 = vector.broadcast %add3A_1135 : i32 to vector<16xi32>
          %add3A_1137 = arith.addi %iota3A, %add3A_1136 : vector<16xi32>
          %add3A_1138 = arith.constant 16 : i32
          %add3A_1139 = vector.broadcast %add3A_1138 : i32 to vector<16xi32>
          %add3A_1140 = arith.addi %and3A_893, %add3A_1139 : vector<16xi32>
          %gather3A_1141 = tpu.vector_load_idx %arg4[%add3A_1140, %add3A_1137] : memref<32x128xf32, #tpu.memory_space<vmem>>[vector<16xi32>, vector<16xi32>], vector<16xf32>,
          %add3A_1142 = arith.constant 3600 : i32
          %add3A_1143 = vector.broadcast %add3A_1142 : i32 to vector<16xi32>
          %add3A_1144 = arith.addi %add3A_894, %add3A_1143 : vector<16xi32>
          %shift_right_logical3A_1145 = arith.constant 7 : i32
          %shift_right_logical3A_1146 = vector.broadcast %shift_right_logical3A_1145 : i32 to vector<16xi32>
          %shift_right_logical3A_1147 = arith.shrui %add3A_1144, %shift_right_logical3A_1146 : vector<16xi32>
          %and3A_1148 = arith.constant 127 : i32
          %and3A_1149 = vector.broadcast %and3A_1148 : i32 to vector<16xi32>
          %and3A_1150 = arith.andi %add3A_1144, %and3A_1149 : vector<16xi32>
          tpu.vector_store_idx %arg6[%shift_right_logical3A_1147, %and3A_1150], %gather3A_1141 : memref<32x128xf32, #tpu.memory_space<vmem>>[vector<16xi32>, vector<16xi32>], vector<16xf32>,
        }
        %scan3A_78 = arith.constant 4 : i32
        %mul3A_79 = arith.constant 32 : i32
        %mul3A_80 = arith.muli %mul3A_79, %add3A_30 : i32
        %add3A_81 = arith.addi %add3A, %mul3A_80 : i32
        %mul3A_82 = arith.constant 32 : i32
        %mul3A_83 = arith.muli %add3A_81, %mul3A_82 : i32
        %multiple_of3A_84 = tpu.assume_multiple %mul3A_83, 32 : i32
        %dma_start3A_85 = arith.constant 0 : i32
        %dma_start3A_86 = tpu.memref_slice %arg3[%multiple_of3A_84, %dma_start3A_85] : memref<250000x128xf32, #tpu.memory_space<hbm>> -> memref<32x128xf32, #tpu.memory_space<hbm>>
        %dma_start3A_87 = arith.constant 0 : i32
        %dma_start3A_88 = tpu.memref_slice %arg3[%multiple_of3A_84, %dma_start3A_87] : memref<250000x128xf32, #tpu.memory_space<hbm>> -> memref<32x128xf32, #tpu.memory_space<hbm>>
        tpu.enqueue_dma source(%arg6 : memref<32x128xf32, #tpu.memory_space<vmem>>) target(%dma_start3A_88 : memref<32x128xf32, #tpu.memory_space<hbm>>) target_semaphore(%arg10 : memref<!tpu.dma_semaphore, #tpu.memory_space<semaphore_mem>>)
      } else {
      }
      %mul3A_38 = arith.constant 2 : i32
      %mul3A_39 = arith.muli %mul3A_38, %scan3A_26 : i32
      %add3A_40 = arith.constant 1 : i32
      %add3A_41 = arith.addi %mul3A_39, %add3A_40 : i32
      %mul3A_42 = arith.constant 32 : i32
      %mul3A_43 = arith.muli %mul3A_42, %add3A_41 : i32
      %add3A_44 = arith.addi %add3A, %mul3A_43 : i32
      %lt3A_45 = arith.constant 7812 : i32
      %lt3A_46 = arith.cmpi slt, %add3A_44, %lt3A_45 : i32
      %convert_element_type3A_47 = arith.extui %lt3A_46 : i1 to i32
      %cond3A_48 = arith.constant 0 : i32
      %cond3A_49 = arith.cmpi ne, %convert_element_type3A_47, %cond3A_48 : i32
      scf.if %cond3A_49 {
        %add3A_50 = arith.constant 1 : i32
        %add3A_51 = arith.addi %add3A_41, %add3A_50 : i32
        %mul3A_52 = arith.constant 32 : i32
        %mul3A_53 = arith.muli %mul3A_52, %add3A_51 : i32
        %add3A_54 = arith.addi %add3A, %mul3A_53 : i32
        %lt3A_55 = arith.constant 7812 : i32
        %lt3A_56 = arith.cmpi slt, %add3A_54, %lt3A_55 : i32
        %convert_element_type3A_57 = arith.extui %lt3A_56 : i1 to i32
        %cond3A_58 = arith.constant 0 : i32
        %cond3A_59 = arith.cmpi ne, %convert_element_type3A_57, %cond3A_58 : i32
        scf.if %cond3A_59 {
          %add3A_89 = arith.constant 1 : i32
          %add3A_90 = arith.addi %add3A_41, %add3A_89 : i32
          %mul3A_91 = arith.constant 32 : i32
          %mul3A_92 = arith.muli %mul3A_91, %add3A_90 : i32
          %add3A_93 = arith.addi %add3A, %mul3A_92 : i32
          %mul3A_94 = arith.constant 128 : i32
          %mul3A_95 = arith.muli %add3A_93, %mul3A_94 : i32
          %multiple_of3A_96 = tpu.assume_multiple %mul3A_95, 128 : i32
          %dma_start3A_97 = arith.constant 0 : i32
          %dma_start3A_98 = tpu.memref_slice %arg2[%dma_start3A_97, %multiple_of3A_96] : memref<32x1000000xf32, #tpu.memory_space<hbm>> -> memref<32x128xf32, #tpu.memory_space<hbm>>
          %dma_start3A_99 = arith.constant 0 : i32
          %dma_start3A_100 = tpu.memref_slice %arg2[%dma_start3A_99, %multiple_of3A_96] : memref<32x1000000xf32, #tpu.memory_space<hbm>> -> memref<32x128xf32, #tpu.memory_space<hbm>>
          tpu.enqueue_dma source(%dma_start3A_100 : memref<32x128xf32, #tpu.memory_space<hbm>>) target(%arg4 : memref<32x128xf32, #tpu.memory_space<vmem>>) target_semaphore(%arg8 : memref<!tpu.dma_semaphore, #tpu.memory_space<semaphore_mem>>)
        } else {
        }
        %dma_wait3A_60 = arith.constant 0 : i32
        %dma_wait3A_61 = arith.constant 0 : i32
        %dma_wait3A_62 = tpu.memref_slice %arg2[%dma_wait3A_60, %dma_wait3A_61] : memref<32x1000000xf32, #tpu.memory_space<hbm>> -> memref<32x128xf32, #tpu.memory_space<hbm>>
        %dma_wait3A_63 = arith.constant 0 : i32
        %dma_wait3A_64 = arith.constant 0 : i32
        %dma_wait3A_65 = tpu.memref_slice %arg2[%dma_wait3A_63, %dma_wait3A_64] : memref<32x1000000xf32, #tpu.memory_space<hbm>> -> memref<32x128xf32, #tpu.memory_space<hbm>>
        tpu.wait_dma2 semaphore(%arg9 : memref<!tpu.dma_semaphore, #tpu.memory_space<semaphore_mem>>) src(%dma_wait3A_65 : memref<32x128xf32, #tpu.memory_space<hbm>>) dst(%arg5 : memref<32x128xf32, #tpu.memory_space<vmem>>)
        %ge3A = arith.constant 2 : i32
        %ge3A_66 = arith.cmpi sge, %add3A_41, %ge3A : i32
        %convert_element_type3A_67 = arith.extui %ge3A_66 : i1 to i32
        %cond3A_68 = arith.constant 0 : i32
        %cond3A_69 = arith.cmpi ne, %convert_element_type3A_67, %cond3A_68 : i32
        scf.if %cond3A_69 {
          %dma_wait3A_89 = arith.constant 0 : i32
          %dma_wait3A_90 = arith.constant 0 : i32
          %dma_wait3A_91 = tpu.memref_slice %arg3[%dma_wait3A_89, %dma_wait3A_90] : memref<250000x128xf32, #tpu.memory_space<hbm>> -> memref<32x128xf32, #tpu.memory_space<hbm>>
          %dma_wait3A_92 = arith.constant 0 : i32
          %dma_wait3A_93 = arith.constant 0 : i32
          %dma_wait3A_94 = tpu.memref_slice %arg3[%dma_wait3A_92, %dma_wait3A_93] : memref<250000x128xf32, #tpu.memory_space<hbm>> -> memref<32x128xf32, #tpu.memory_space<hbm>>
          tpu.wait_dma2 semaphore(%arg11 : memref<!tpu.dma_semaphore, #tpu.memory_space<semaphore_mem>>) src(%arg7 : memref<32x128xf32, #tpu.memory_space<vmem>>) dst(%dma_wait3A_94 : memref<32x128xf32, #tpu.memory_space<hbm>>)
        } else {
        }
        %iota3A = tpu.iota {dimensions = array<i32: 0>} : vector<16xi32>
        %mul3A_70 = arith.constant 32 : i32
        %mul3A_71 = vector.broadcast %mul3A_70 : i32 to vector<16xi32>
        %mul3A_72 = arith.muli %iota3A, %mul3A_71 : vector<16xi32>
        %scan3A_73 = arith.constant 0 : i32
        %scan3A_74 = arith.constant 0 : i32
        %scan3A_75 = arith.constant 4 : i32
        %scan3A_76 = arith.addi %scan3A_74, %scan3A_75 : i32
        %scan3A_77 = arith.constant 1 : i32
        scf.for %scan3A_89 = %scan3A_74 to %scan3A_76 step %scan3A_77  : i32 {
          %mul3A_90 = arith.constant 4 : i32
          %mul3A_91 = arith.muli %scan3A_89, %mul3A_90 : i32
          %add3A_92 = arith.constant 0 : i32
          %add3A_93 = arith.addi %mul3A_91, %add3A_92 : i32
          %add3A_94 = vector.broadcast %add3A_93 : i32 to vector<16xi32>
          %add3A_95 = arith.addi %iota3A, %add3A_94 : vector<16xi32>
          %and3A = arith.constant 15 : i32
          %and3A_96 = vector.broadcast %and3A : i32 to vector<16xi32>
          %and3A_97 = arith.andi %add3A_95, %and3A_96 : vector<16xi32>
          %add3A_98 = arith.addi %mul3A_72, %and3A_97 : vector<16xi32>
          %add3A_99 = arith.constant 0 : i32
          %add3A_100 = vector.broadcast %add3A_99 : i32 to vector<16xi32>
          %add3A_101 = arith.addi %iota3A, %add3A_100 : vector<16xi32>
          %add3A_102 = arith.constant 0 : i32
          %add3A_103 = vector.broadcast %add3A_102 : i32 to vector<16xi32>
          %add3A_104 = arith.addi %and3A_97, %add3A_103 : vector<16xi32>
          %gather3A = tpu.vector_load_idx %arg5[%add3A_104, %add3A_101] : memref<32x128xf32, #tpu.memory_space<vmem>>[vector<16xi32>, vector<16xi32>], vector<16xf32>,
          %add3A_105 = arith.constant 0 : i32
          %add3A_106 = vector.broadcast %add3A_105 : i32 to vector<16xi32>
          %add3A_107 = arith.addi %add3A_98, %add3A_106 : vector<16xi32>
          %shift_right_logical3A = arith.constant 7 : i32
          %shift_right_logical3A_108 = vector.broadcast %shift_right_logical3A : i32 to vector<16xi32>
          %shift_right_logical3A_109 = arith.shrui %add3A_107, %shift_right_logical3A_108 : vector<16xi32>
          %and3A_110 = arith.constant 127 : i32
          %and3A_111 = vector.broadcast %and3A_110 : i32 to vector<16xi32>
          %and3A_112 = arith.andi %add3A_107, %and3A_111 : vector<16xi32>
          tpu.vector_store_idx %arg7[%shift_right_logical3A_109, %and3A_112], %gather3A : memref<32x128xf32, #tpu.memory_space<vmem>>[vector<16xi32>, vector<16xi32>], vector<16xf32>,
          %add3A_113 = arith.constant 16 : i32
          %add3A_114 = vector.broadcast %add3A_113 : i32 to vector<16xi32>
          %add3A_115 = arith.addi %iota3A, %add3A_114 : vector<16xi32>
          %add3A_116 = arith.constant 0 : i32
          %add3A_117 = vector.broadcast %add3A_116 : i32 to vector<16xi32>
          %add3A_118 = arith.addi %and3A_97, %add3A_117 : vector<16xi32>
          %gather3A_119 = tpu.vector_load_idx %arg5[%add3A_118, %add3A_115] : memref<32x128xf32, #tpu.memory_space<vmem>>[vector<16xi32>, vector<16xi32>], vector<16xf32>,
          %add3A_120 = arith.constant 512 : i32
          %add3A_121 = vector.broadcast %add3A_120 : i32 to vector<16xi32>
          %add3A_122 = arith.addi %add3A_98, %add3A_121 : vector<16xi32>
          %shift_right_logical3A_123 = arith.constant 7 : i32
          %shift_right_logical3A_124 = vector.broadcast %shift_right_logical3A_123 : i32 to vector<16xi32>
          %shift_right_logical3A_125 = arith.shrui %add3A_122, %shift_right_logical3A_124 : vector<16xi32>
          %and3A_126 = arith.constant 127 : i32
          %and3A_127 = vector.broadcast %and3A_126 : i32 to vector<16xi32>
          %and3A_128 = arith.andi %add3A_122, %and3A_127 : vector<16xi32>
          tpu.vector_store_idx %arg7[%shift_right_logical3A_125, %and3A_128], %gather3A_119 : memref<32x128xf32, #tpu.memory_space<vmem>>[vector<16xi32>, vector<16xi32>], vector<16xf32>,
          %add3A_129 = arith.constant 32 : i32
          %add3A_130 = vector.broadcast %add3A_129 : i32 to vector<16xi32>
          %add3A_131 = arith.addi %iota3A, %add3A_130 : vector<16xi32>
          %add3A_132 = arith.constant 0 : i32
          %add3A_133 = vector.broadcast %add3A_132 : i32 to vector<16xi32>
          %add3A_134 = arith.addi %and3A_97, %add3A_133 : vector<16xi32>
          %gather3A_135 = tpu.vector_load_idx %arg5[%add3A_134, %add3A_131] : memref<32x128xf32, #tpu.memory_space<vmem>>[vector<16xi32>, vector<16xi32>], vector<16xf32>,
          %add3A_136 = arith.constant 1024 : i32
          %add3A_137 = vector.broadcast %add3A_136 : i32 to vector<16xi32>
          %add3A_138 = arith.addi %add3A_98, %add3A_137 : vector<16xi32>
          %shift_right_logical3A_139 = arith.constant 7 : i32
          %shift_right_logical3A_140 = vector.broadcast %shift_right_logical3A_139 : i32 to vector<16xi32>
          %shift_right_logical3A_141 = arith.shrui %add3A_138, %shift_right_logical3A_140 : vector<16xi32>
          %and3A_142 = arith.constant 127 : i32
          %and3A_143 = vector.broadcast %and3A_142 : i32 to vector<16xi32>
          %and3A_144 = arith.andi %add3A_138, %and3A_143 : vector<16xi32>
          tpu.vector_store_idx %arg7[%shift_right_logical3A_141, %and3A_144], %gather3A_135 : memref<32x128xf32, #tpu.memory_space<vmem>>[vector<16xi32>, vector<16xi32>], vector<16xf32>,
          %add3A_145 = arith.constant 48 : i32
          %add3A_146 = vector.broadcast %add3A_145 : i32 to vector<16xi32>
          %add3A_147 = arith.addi %iota3A, %add3A_146 : vector<16xi32>
          %add3A_148 = arith.constant 0 : i32
          %add3A_149 = vector.broadcast %add3A_148 : i32 to vector<16xi32>
          %add3A_150 = arith.addi %and3A_97, %add3A_149 : vector<16xi32>
          %gather3A_151 = tpu.vector_load_idx %arg5[%add3A_150, %add3A_147] : memref<32x128xf32, #tpu.memory_space<vmem>>[vector<16xi32>, vector<16xi32>], vector<16xf32>,
          %add3A_152 = arith.constant 1536 : i32
          %add3A_153 = vector.broadcast %add3A_152 : i32 to vector<16xi32>
          %add3A_154 = arith.addi %add3A_98, %add3A_153 : vector<16xi32>
          %shift_right_logical3A_155 = arith.constant 7 : i32
          %shift_right_logical3A_156 = vector.broadcast %shift_right_logical3A_155 : i32 to vector<16xi32>
          %shift_right_logical3A_157 = arith.shrui %add3A_154, %shift_right_logical3A_156 : vector<16xi32>
          %and3A_158 = arith.constant 127 : i32
          %and3A_159 = vector.broadcast %and3A_158 : i32 to vector<16xi32>
          %and3A_160 = arith.andi %add3A_154, %and3A_159 : vector<16xi32>
          tpu.vector_store_idx %arg7[%shift_right_logical3A_157, %and3A_160], %gather3A_151 : memref<32x128xf32, #tpu.memory_space<vmem>>[vector<16xi32>, vector<16xi32>], vector<16xf32>,
          %add3A_161 = arith.constant 64 : i32
          %add3A_162 = vector.broadcast %add3A_161 : i32 to vector<16xi32>
          %add3A_163 = arith.addi %iota3A, %add3A_162 : vector<16xi32>
          %add3A_164 = arith.constant 0 : i32
          %add3A_165 = vector.broadcast %add3A_164 : i32 to vector<16xi32>
          %add3A_166 = arith.addi %and3A_97, %add3A_165 : vector<16xi32>
          %gather3A_167 = tpu.vector_load_idx %arg5[%add3A_166, %add3A_163] : memref<32x128xf32, #tpu.memory_space<vmem>>[vector<16xi32>, vector<16xi32>], vector<16xf32>,
          %add3A_168 = arith.constant 2048 : i32
          %add3A_169 = vector.broadcast %add3A_168 : i32 to vector<16xi32>
          %add3A_170 = arith.addi %add3A_98, %add3A_169 : vector<16xi32>
          %shift_right_logical3A_171 = arith.constant 7 : i32
          %shift_right_logical3A_172 = vector.broadcast %shift_right_logical3A_171 : i32 to vector<16xi32>
          %shift_right_logical3A_173 = arith.shrui %add3A_170, %shift_right_logical3A_172 : vector<16xi32>
          %and3A_174 = arith.constant 127 : i32
          %and3A_175 = vector.broadcast %and3A_174 : i32 to vector<16xi32>
          %and3A_176 = arith.andi %add3A_170, %and3A_175 : vector<16xi32>
          tpu.vector_store_idx %arg7[%shift_right_logical3A_173, %and3A_176], %gather3A_167 : memref<32x128xf32, #tpu.memory_space<vmem>>[vector<16xi32>, vector<16xi32>], vector<16xf32>,
          %add3A_177 = arith.constant 80 : i32
          %add3A_178 = vector.broadcast %add3A_177 : i32 to vector<16xi32>
          %add3A_179 = arith.addi %iota3A, %add3A_178 : vector<16xi32>
          %add3A_180 = arith.constant 0 : i32
          %add3A_181 = vector.broadcast %add3A_180 : i32 to vector<16xi32>
          %add3A_182 = arith.addi %and3A_97, %add3A_181 : vector<16xi32>
          %gather3A_183 = tpu.vector_load_idx %arg5[%add3A_182, %add3A_179] : memref<32x128xf32, #tpu.memory_space<vmem>>[vector<16xi32>, vector<16xi32>], vector<16xf32>,
          %add3A_184 = arith.constant 2560 : i32
          %add3A_185 = vector.broadcast %add3A_184 : i32 to vector<16xi32>
          %add3A_186 = arith.addi %add3A_98, %add3A_185 : vector<16xi32>
          %shift_right_logical3A_187 = arith.constant 7 : i32
          %shift_right_logical3A_188 = vector.broadcast %shift_right_logical3A_187 : i32 to vector<16xi32>
          %shift_right_logical3A_189 = arith.shrui %add3A_186, %shift_right_logical3A_188 : vector<16xi32>
          %and3A_190 = arith.constant 127 : i32
          %and3A_191 = vector.broadcast %and3A_190 : i32 to vector<16xi32>
          %and3A_192 = arith.andi %add3A_186, %and3A_191 : vector<16xi32>
          tpu.vector_store_idx %arg7[%shift_right_logical3A_189, %and3A_192], %gather3A_183 : memref<32x128xf32, #tpu.memory_space<vmem>>[vector<16xi32>, vector<16xi32>], vector<16xf32>,
          %add3A_193 = arith.constant 96 : i32
          %add3A_194 = vector.broadcast %add3A_193 : i32 to vector<16xi32>
          %add3A_195 = arith.addi %iota3A, %add3A_194 : vector<16xi32>
          %add3A_196 = arith.constant 0 : i32
          %add3A_197 = vector.broadcast %add3A_196 : i32 to vector<16xi32>
          %add3A_198 = arith.addi %and3A_97, %add3A_197 : vector<16xi32>
          %gather3A_199 = tpu.vector_load_idx %arg5[%add3A_198, %add3A_195] : memref<32x128xf32, #tpu.memory_space<vmem>>[vector<16xi32>, vector<16xi32>], vector<16xf32>,
          %add3A_200 = arith.constant 3072 : i32
          %add3A_201 = vector.broadcast %add3A_200 : i32 to vector<16xi32>
          %add3A_202 = arith.addi %add3A_98, %add3A_201 : vector<16xi32>
          %shift_right_logical3A_203 = arith.constant 7 : i32
          %shift_right_logical3A_204 = vector.broadcast %shift_right_logical3A_203 : i32 to vector<16xi32>
          %shift_right_logical3A_205 = arith.shrui %add3A_202, %shift_right_logical3A_204 : vector<16xi32>
          %and3A_206 = arith.constant 127 : i32
          %and3A_207 = vector.broadcast %and3A_206 : i32 to vector<16xi32>
          %and3A_208 = arith.andi %add3A_202, %and3A_207 : vector<16xi32>
          tpu.vector_store_idx %arg7[%shift_right_logical3A_205, %and3A_208], %gather3A_199 : memref<32x128xf32, #tpu.memory_space<vmem>>[vector<16xi32>, vector<16xi32>], vector<16xf32>,
          %add3A_209 = arith.constant 112 : i32
          %add3A_210 = vector.broadcast %add3A_209 : i32 to vector<16xi32>
          %add3A_211 = arith.addi %iota3A, %add3A_210 : vector<16xi32>
          %add3A_212 = arith.constant 0 : i32
          %add3A_213 = vector.broadcast %add3A_212 : i32 to vector<16xi32>
          %add3A_214 = arith.addi %and3A_97, %add3A_213 : vector<16xi32>
          %gather3A_215 = tpu.vector_load_idx %arg5[%add3A_214, %add3A_211] : memref<32x128xf32, #tpu.memory_space<vmem>>[vector<16xi32>, vector<16xi32>], vector<16xf32>,
          %add3A_216 = arith.constant 3584 : i32
          %add3A_217 = vector.broadcast %add3A_216 : i32 to vector<16xi32>
          %add3A_218 = arith.addi %add3A_98, %add3A_217 : vector<16xi32>
          %shift_right_logical3A_219 = arith.constant 7 : i32
          %shift_right_logical3A_220 = vector.broadcast %shift_right_logical3A_219 : i32 to vector<16xi32>
          %shift_right_logical3A_221 = arith.shrui %add3A_218, %shift_right_logical3A_220 : vector<16xi32>
          %and3A_222 = arith.constant 127 : i32
          %and3A_223 = vector.broadcast %and3A_222 : i32 to vector<16xi32>
          %and3A_224 = arith.andi %add3A_218, %and3A_223 : vector<16xi32>
          tpu.vector_store_idx %arg7[%shift_right_logical3A_221, %and3A_224], %gather3A_215 : memref<32x128xf32, #tpu.memory_space<vmem>>[vector<16xi32>, vector<16xi32>], vector<16xf32>,
          %add3A_225 = arith.constant 0 : i32
          %add3A_226 = vector.broadcast %add3A_225 : i32 to vector<16xi32>
          %add3A_227 = arith.addi %iota3A, %add3A_226 : vector<16xi32>
          %add3A_228 = arith.constant 16 : i32
          %add3A_229 = vector.broadcast %add3A_228 : i32 to vector<16xi32>
          %add3A_230 = arith.addi %and3A_97, %add3A_229 : vector<16xi32>
          %gather3A_231 = tpu.vector_load_idx %arg5[%add3A_230, %add3A_227] : memref<32x128xf32, #tpu.memory_space<vmem>>[vector<16xi32>, vector<16xi32>], vector<16xf32>,
          %add3A_232 = arith.constant 16 : i32
          %add3A_233 = vector.broadcast %add3A_232 : i32 to vector<16xi32>
          %add3A_234 = arith.addi %add3A_98, %add3A_233 : vector<16xi32>
          %shift_right_logical3A_235 = arith.constant 7 : i32
          %shift_right_logical3A_236 = vector.broadcast %shift_right_logical3A_235 : i32 to vector<16xi32>
          %shift_right_logical3A_237 = arith.shrui %add3A_234, %shift_right_logical3A_236 : vector<16xi32>
          %and3A_238 = arith.constant 127 : i32
          %and3A_239 = vector.broadcast %and3A_238 : i32 to vector<16xi32>
          %and3A_240 = arith.andi %add3A_234, %and3A_239 : vector<16xi32>
          tpu.vector_store_idx %arg7[%shift_right_logical3A_237, %and3A_240], %gather3A_231 : memref<32x128xf32, #tpu.memory_space<vmem>>[vector<16xi32>, vector<16xi32>], vector<16xf32>,
          %add3A_241 = arith.constant 16 : i32
          %add3A_242 = vector.broadcast %add3A_241 : i32 to vector<16xi32>
          %add3A_243 = arith.addi %iota3A, %add3A_242 : vector<16xi32>
          %add3A_244 = arith.constant 16 : i32
          %add3A_245 = vector.broadcast %add3A_244 : i32 to vector<16xi32>
          %add3A_246 = arith.addi %and3A_97, %add3A_245 : vector<16xi32>
          %gather3A_247 = tpu.vector_load_idx %arg5[%add3A_246, %add3A_243] : memref<32x128xf32, #tpu.memory_space<vmem>>[vector<16xi32>, vector<16xi32>], vector<16xf32>,
          %add3A_248 = arith.constant 528 : i32
          %add3A_249 = vector.broadcast %add3A_248 : i32 to vector<16xi32>
          %add3A_250 = arith.addi %add3A_98, %add3A_249 : vector<16xi32>
          %shift_right_logical3A_251 = arith.constant 7 : i32
          %shift_right_logical3A_252 = vector.broadcast %shift_right_logical3A_251 : i32 to vector<16xi32>
          %shift_right_logical3A_253 = arith.shrui %add3A_250, %shift_right_logical3A_252 : vector<16xi32>
          %and3A_254 = arith.constant 127 : i32
          %and3A_255 = vector.broadcast %and3A_254 : i32 to vector<16xi32>
          %and3A_256 = arith.andi %add3A_250, %and3A_255 : vector<16xi32>
          tpu.vector_store_idx %arg7[%shift_right_logical3A_253, %and3A_256], %gather3A_247 : memref<32x128xf32, #tpu.memory_space<vmem>>[vector<16xi32>, vector<16xi32>], vector<16xf32>,
          %add3A_257 = arith.constant 32 : i32
          %add3A_258 = vector.broadcast %add3A_257 : i32 to vector<16xi32>
          %add3A_259 = arith.addi %iota3A, %add3A_258 : vector<16xi32>
          %add3A_260 = arith.constant 16 : i32
          %add3A_261 = vector.broadcast %add3A_260 : i32 to vector<16xi32>
          %add3A_262 = arith.addi %and3A_97, %add3A_261 : vector<16xi32>
          %gather3A_263 = tpu.vector_load_idx %arg5[%add3A_262, %add3A_259] : memref<32x128xf32, #tpu.memory_space<vmem>>[vector<16xi32>, vector<16xi32>], vector<16xf32>,
          %add3A_264 = arith.constant 1040 : i32
          %add3A_265 = vector.broadcast %add3A_264 : i32 to vector<16xi32>
          %add3A_266 = arith.addi %add3A_98, %add3A_265 : vector<16xi32>
          %shift_right_logical3A_267 = arith.constant 7 : i32
          %shift_right_logical3A_268 = vector.broadcast %shift_right_logical3A_267 : i32 to vector<16xi32>
          %shift_right_logical3A_269 = arith.shrui %add3A_266, %shift_right_logical3A_268 : vector<16xi32>
          %and3A_270 = arith.constant 127 : i32
          %and3A_271 = vector.broadcast %and3A_270 : i32 to vector<16xi32>
          %and3A_272 = arith.andi %add3A_266, %and3A_271 : vector<16xi32>
          tpu.vector_store_idx %arg7[%shift_right_logical3A_269, %and3A_272], %gather3A_263 : memref<32x128xf32, #tpu.memory_space<vmem>>[vector<16xi32>, vector<16xi32>], vector<16xf32>,
          %add3A_273 = arith.constant 48 : i32
          %add3A_274 = vector.broadcast %add3A_273 : i32 to vector<16xi32>
          %add3A_275 = arith.addi %iota3A, %add3A_274 : vector<16xi32>
          %add3A_276 = arith.constant 16 : i32
          %add3A_277 = vector.broadcast %add3A_276 : i32 to vector<16xi32>
          %add3A_278 = arith.addi %and3A_97, %add3A_277 : vector<16xi32>
          %gather3A_279 = tpu.vector_load_idx %arg5[%add3A_278, %add3A_275] : memref<32x128xf32, #tpu.memory_space<vmem>>[vector<16xi32>, vector<16xi32>], vector<16xf32>,
          %add3A_280 = arith.constant 1552 : i32
          %add3A_281 = vector.broadcast %add3A_280 : i32 to vector<16xi32>
          %add3A_282 = arith.addi %add3A_98, %add3A_281 : vector<16xi32>
          %shift_right_logical3A_283 = arith.constant 7 : i32
          %shift_right_logical3A_284 = vector.broadcast %shift_right_logical3A_283 : i32 to vector<16xi32>
          %shift_right_logical3A_285 = arith.shrui %add3A_282, %shift_right_logical3A_284 : vector<16xi32>
          %and3A_286 = arith.constant 127 : i32
          %and3A_287 = vector.broadcast %and3A_286 : i32 to vector<16xi32>
          %and3A_288 = arith.andi %add3A_282, %and3A_287 : vector<16xi32>
          tpu.vector_store_idx %arg7[%shift_right_logical3A_285, %and3A_288], %gather3A_279 : memref<32x128xf32, #tpu.memory_space<vmem>>[vector<16xi32>, vector<16xi32>], vector<16xf32>,
          %add3A_289 = arith.constant 64 : i32
          %add3A_290 = vector.broadcast %add3A_289 : i32 to vector<16xi32>
          %add3A_291 = arith.addi %iota3A, %add3A_290 : vector<16xi32>
          %add3A_292 = arith.constant 16 : i32
          %add3A_293 = vector.broadcast %add3A_292 : i32 to vector<16xi32>
          %add3A_294 = arith.addi %and3A_97, %add3A_293 : vector<16xi32>
          %gather3A_295 = tpu.vector_load_idx %arg5[%add3A_294, %add3A_291] : memref<32x128xf32, #tpu.memory_space<vmem>>[vector<16xi32>, vector<16xi32>], vector<16xf32>,
          %add3A_296 = arith.constant 2064 : i32
          %add3A_297 = vector.broadcast %add3A_296 : i32 to vector<16xi32>
          %add3A_298 = arith.addi %add3A_98, %add3A_297 : vector<16xi32>
          %shift_right_logical3A_299 = arith.constant 7 : i32
          %shift_right_logical3A_300 = vector.broadcast %shift_right_logical3A_299 : i32 to vector<16xi32>
          %shift_right_logical3A_301 = arith.shrui %add3A_298, %shift_right_logical3A_300 : vector<16xi32>
          %and3A_302 = arith.constant 127 : i32
          %and3A_303 = vector.broadcast %and3A_302 : i32 to vector<16xi32>
          %and3A_304 = arith.andi %add3A_298, %and3A_303 : vector<16xi32>
          tpu.vector_store_idx %arg7[%shift_right_logical3A_301, %and3A_304], %gather3A_295 : memref<32x128xf32, #tpu.memory_space<vmem>>[vector<16xi32>, vector<16xi32>], vector<16xf32>,
          %add3A_305 = arith.constant 80 : i32
          %add3A_306 = vector.broadcast %add3A_305 : i32 to vector<16xi32>
          %add3A_307 = arith.addi %iota3A, %add3A_306 : vector<16xi32>
          %add3A_308 = arith.constant 16 : i32
          %add3A_309 = vector.broadcast %add3A_308 : i32 to vector<16xi32>
          %add3A_310 = arith.addi %and3A_97, %add3A_309 : vector<16xi32>
          %gather3A_311 = tpu.vector_load_idx %arg5[%add3A_310, %add3A_307] : memref<32x128xf32, #tpu.memory_space<vmem>>[vector<16xi32>, vector<16xi32>], vector<16xf32>,
          %add3A_312 = arith.constant 2576 : i32
          %add3A_313 = vector.broadcast %add3A_312 : i32 to vector<16xi32>
          %add3A_314 = arith.addi %add3A_98, %add3A_313 : vector<16xi32>
          %shift_right_logical3A_315 = arith.constant 7 : i32
          %shift_right_logical3A_316 = vector.broadcast %shift_right_logical3A_315 : i32 to vector<16xi32>
          %shift_right_logical3A_317 = arith.shrui %add3A_314, %shift_right_logical3A_316 : vector<16xi32>
          %and3A_318 = arith.constant 127 : i32
          %and3A_319 = vector.broadcast %and3A_318 : i32 to vector<16xi32>
          %and3A_320 = arith.andi %add3A_314, %and3A_319 : vector<16xi32>
          tpu.vector_store_idx %arg7[%shift_right_logical3A_317, %and3A_320], %gather3A_311 : memref<32x128xf32, #tpu.memory_space<vmem>>[vector<16xi32>, vector<16xi32>], vector<16xf32>,
          %add3A_321 = arith.constant 96 : i32
          %add3A_322 = vector.broadcast %add3A_321 : i32 to vector<16xi32>
          %add3A_323 = arith.addi %iota3A, %add3A_322 : vector<16xi32>
          %add3A_324 = arith.constant 16 : i32
          %add3A_325 = vector.broadcast %add3A_324 : i32 to vector<16xi32>
          %add3A_326 = arith.addi %and3A_97, %add3A_325 : vector<16xi32>
          %gather3A_327 = tpu.vector_load_idx %arg5[%add3A_326, %add3A_323] : memref<32x128xf32, #tpu.memory_space<vmem>>[vector<16xi32>, vector<16xi32>], vector<16xf32>,
          %add3A_328 = arith.constant 3088 : i32
          %add3A_329 = vector.broadcast %add3A_328 : i32 to vector<16xi32>
          %add3A_330 = arith.addi %add3A_98, %add3A_329 : vector<16xi32>
          %shift_right_logical3A_331 = arith.constant 7 : i32
          %shift_right_logical3A_332 = vector.broadcast %shift_right_logical3A_331 : i32 to vector<16xi32>
          %shift_right_logical3A_333 = arith.shrui %add3A_330, %shift_right_logical3A_332 : vector<16xi32>
          %and3A_334 = arith.constant 127 : i32
          %and3A_335 = vector.broadcast %and3A_334 : i32 to vector<16xi32>
          %and3A_336 = arith.andi %add3A_330, %and3A_335 : vector<16xi32>
          tpu.vector_store_idx %arg7[%shift_right_logical3A_333, %and3A_336], %gather3A_327 : memref<32x128xf32, #tpu.memory_space<vmem>>[vector<16xi32>, vector<16xi32>], vector<16xf32>,
          %add3A_337 = arith.constant 112 : i32
          %add3A_338 = vector.broadcast %add3A_337 : i32 to vector<16xi32>
          %add3A_339 = arith.addi %iota3A, %add3A_338 : vector<16xi32>
          %add3A_340 = arith.constant 16 : i32
          %add3A_341 = vector.broadcast %add3A_340 : i32 to vector<16xi32>
          %add3A_342 = arith.addi %and3A_97, %add3A_341 : vector<16xi32>
          %gather3A_343 = tpu.vector_load_idx %arg5[%add3A_342, %add3A_339] : memref<32x128xf32, #tpu.memory_space<vmem>>[vector<16xi32>, vector<16xi32>], vector<16xf32>,
          %add3A_344 = arith.constant 3600 : i32
          %add3A_345 = vector.broadcast %add3A_344 : i32 to vector<16xi32>
          %add3A_346 = arith.addi %add3A_98, %add3A_345 : vector<16xi32>
          %shift_right_logical3A_347 = arith.constant 7 : i32
          %shift_right_logical3A_348 = vector.broadcast %shift_right_logical3A_347 : i32 to vector<16xi32>
          %shift_right_logical3A_349 = arith.shrui %add3A_346, %shift_right_logical3A_348 : vector<16xi32>
          %and3A_350 = arith.constant 127 : i32
          %and3A_351 = vector.broadcast %and3A_350 : i32 to vector<16xi32>
          %and3A_352 = arith.andi %add3A_346, %and3A_351 : vector<16xi32>
          tpu.vector_store_idx %arg7[%shift_right_logical3A_349, %and3A_352], %gather3A_343 : memref<32x128xf32, #tpu.memory_space<vmem>>[vector<16xi32>, vector<16xi32>], vector<16xf32>,
          %mul3A_353 = arith.constant 4 : i32
          %mul3A_354 = arith.muli %scan3A_89, %mul3A_353 : i32
          %add3A_355 = arith.constant 1 : i32
          %add3A_356 = arith.addi %mul3A_354, %add3A_355 : i32
          %add3A_357 = vector.broadcast %add3A_356 : i32 to vector<16xi32>
          %add3A_358 = arith.addi %iota3A, %add3A_357 : vector<16xi32>
          %and3A_359 = arith.constant 15 : i32
          %and3A_360 = vector.broadcast %and3A_359 : i32 to vector<16xi32>
          %and3A_361 = arith.andi %add3A_358, %and3A_360 : vector<16xi32>
          %add3A_362 = arith.addi %mul3A_72, %and3A_361 : vector<16xi32>
          %add3A_363 = arith.constant 0 : i32
          %add3A_364 = vector.broadcast %add3A_363 : i32 to vector<16xi32>
          %add3A_365 = arith.addi %iota3A, %add3A_364 : vector<16xi32>
          %add3A_366 = arith.constant 0 : i32
          %add3A_367 = vector.broadcast %add3A_366 : i32 to vector<16xi32>
          %add3A_368 = arith.addi %and3A_361, %add3A_367 : vector<16xi32>
          %gather3A_369 = tpu.vector_load_idx %arg5[%add3A_368, %add3A_365] : memref<32x128xf32, #tpu.memory_space<vmem>>[vector<16xi32>, vector<16xi32>], vector<16xf32>,
          %add3A_370 = arith.constant 0 : i32
          %add3A_371 = vector.broadcast %add3A_370 : i32 to vector<16xi32>
          %add3A_372 = arith.addi %add3A_362, %add3A_371 : vector<16xi32>
          %shift_right_logical3A_373 = arith.constant 7 : i32
          %shift_right_logical3A_374 = vector.broadcast %shift_right_logical3A_373 : i32 to vector<16xi32>
          %shift_right_logical3A_375 = arith.shrui %add3A_372, %shift_right_logical3A_374 : vector<16xi32>
          %and3A_376 = arith.constant 127 : i32
          %and3A_377 = vector.broadcast %and3A_376 : i32 to vector<16xi32>
          %and3A_378 = arith.andi %add3A_372, %and3A_377 : vector<16xi32>
          tpu.vector_store_idx %arg7[%shift_right_logical3A_375, %and3A_378], %gather3A_369 : memref<32x128xf32, #tpu.memory_space<vmem>>[vector<16xi32>, vector<16xi32>], vector<16xf32>,
          %add3A_379 = arith.constant 16 : i32
          %add3A_380 = vector.broadcast %add3A_379 : i32 to vector<16xi32>
          %add3A_381 = arith.addi %iota3A, %add3A_380 : vector<16xi32>
          %add3A_382 = arith.constant 0 : i32
          %add3A_383 = vector.broadcast %add3A_382 : i32 to vector<16xi32>
          %add3A_384 = arith.addi %and3A_361, %add3A_383 : vector<16xi32>
          %gather3A_385 = tpu.vector_load_idx %arg5[%add3A_384, %add3A_381] : memref<32x128xf32, #tpu.memory_space<vmem>>[vector<16xi32>, vector<16xi32>], vector<16xf32>,
          %add3A_386 = arith.constant 512 : i32
          %add3A_387 = vector.broadcast %add3A_386 : i32 to vector<16xi32>
          %add3A_388 = arith.addi %add3A_362, %add3A_387 : vector<16xi32>
          %shift_right_logical3A_389 = arith.constant 7 : i32
          %shift_right_logical3A_390 = vector.broadcast %shift_right_logical3A_389 : i32 to vector<16xi32>
          %shift_right_logical3A_391 = arith.shrui %add3A_388, %shift_right_logical3A_390 : vector<16xi32>
          %and3A_392 = arith.constant 127 : i32
          %and3A_393 = vector.broadcast %and3A_392 : i32 to vector<16xi32>
          %and3A_394 = arith.andi %add3A_388, %and3A_393 : vector<16xi32>
          tpu.vector_store_idx %arg7[%shift_right_logical3A_391, %and3A_394], %gather3A_385 : memref<32x128xf32, #tpu.memory_space<vmem>>[vector<16xi32>, vector<16xi32>], vector<16xf32>,
          %add3A_395 = arith.constant 32 : i32
          %add3A_396 = vector.broadcast %add3A_395 : i32 to vector<16xi32>
          %add3A_397 = arith.addi %iota3A, %add3A_396 : vector<16xi32>
          %add3A_398 = arith.constant 0 : i32
          %add3A_399 = vector.broadcast %add3A_398 : i32 to vector<16xi32>
          %add3A_400 = arith.addi %and3A_361, %add3A_399 : vector<16xi32>
          %gather3A_401 = tpu.vector_load_idx %arg5[%add3A_400, %add3A_397] : memref<32x128xf32, #tpu.memory_space<vmem>>[vector<16xi32>, vector<16xi32>], vector<16xf32>,
          %add3A_402 = arith.constant 1024 : i32
          %add3A_403 = vector.broadcast %add3A_402 : i32 to vector<16xi32>
          %add3A_404 = arith.addi %add3A_362, %add3A_403 : vector<16xi32>
          %shift_right_logical3A_405 = arith.constant 7 : i32
          %shift_right_logical3A_406 = vector.broadcast %shift_right_logical3A_405 : i32 to vector<16xi32>
          %shift_right_logical3A_407 = arith.shrui %add3A_404, %shift_right_logical3A_406 : vector<16xi32>
          %and3A_408 = arith.constant 127 : i32
          %and3A_409 = vector.broadcast %and3A_408 : i32 to vector<16xi32>
          %and3A_410 = arith.andi %add3A_404, %and3A_409 : vector<16xi32>
          tpu.vector_store_idx %arg7[%shift_right_logical3A_407, %and3A_410], %gather3A_401 : memref<32x128xf32, #tpu.memory_space<vmem>>[vector<16xi32>, vector<16xi32>], vector<16xf32>,
          %add3A_411 = arith.constant 48 : i32
          %add3A_412 = vector.broadcast %add3A_411 : i32 to vector<16xi32>
          %add3A_413 = arith.addi %iota3A, %add3A_412 : vector<16xi32>
          %add3A_414 = arith.constant 0 : i32
          %add3A_415 = vector.broadcast %add3A_414 : i32 to vector<16xi32>
          %add3A_416 = arith.addi %and3A_361, %add3A_415 : vector<16xi32>
          %gather3A_417 = tpu.vector_load_idx %arg5[%add3A_416, %add3A_413] : memref<32x128xf32, #tpu.memory_space<vmem>>[vector<16xi32>, vector<16xi32>], vector<16xf32>,
          %add3A_418 = arith.constant 1536 : i32
          %add3A_419 = vector.broadcast %add3A_418 : i32 to vector<16xi32>
          %add3A_420 = arith.addi %add3A_362, %add3A_419 : vector<16xi32>
          %shift_right_logical3A_421 = arith.constant 7 : i32
          %shift_right_logical3A_422 = vector.broadcast %shift_right_logical3A_421 : i32 to vector<16xi32>
          %shift_right_logical3A_423 = arith.shrui %add3A_420, %shift_right_logical3A_422 : vector<16xi32>
          %and3A_424 = arith.constant 127 : i32
          %and3A_425 = vector.broadcast %and3A_424 : i32 to vector<16xi32>
          %and3A_426 = arith.andi %add3A_420, %and3A_425 : vector<16xi32>
          tpu.vector_store_idx %arg7[%shift_right_logical3A_423, %and3A_426], %gather3A_417 : memref<32x128xf32, #tpu.memory_space<vmem>>[vector<16xi32>, vector<16xi32>], vector<16xf32>,
          %add3A_427 = arith.constant 64 : i32
          %add3A_428 = vector.broadcast %add3A_427 : i32 to vector<16xi32>
          %add3A_429 = arith.addi %iota3A, %add3A_428 : vector<16xi32>
          %add3A_430 = arith.constant 0 : i32
          %add3A_431 = vector.broadcast %add3A_430 : i32 to vector<16xi32>
          %add3A_432 = arith.addi %and3A_361, %add3A_431 : vector<16xi32>
          %gather3A_433 = tpu.vector_load_idx %arg5[%add3A_432, %add3A_429] : memref<32x128xf32, #tpu.memory_space<vmem>>[vector<16xi32>, vector<16xi32>], vector<16xf32>,
          %add3A_434 = arith.constant 2048 : i32
          %add3A_435 = vector.broadcast %add3A_434 : i32 to vector<16xi32>
          %add3A_436 = arith.addi %add3A_362, %add3A_435 : vector<16xi32>
          %shift_right_logical3A_437 = arith.constant 7 : i32
          %shift_right_logical3A_438 = vector.broadcast %shift_right_logical3A_437 : i32 to vector<16xi32>
          %shift_right_logical3A_439 = arith.shrui %add3A_436, %shift_right_logical3A_438 : vector<16xi32>
          %and3A_440 = arith.constant 127 : i32
          %and3A_441 = vector.broadcast %and3A_440 : i32 to vector<16xi32>
          %and3A_442 = arith.andi %add3A_436, %and3A_441 : vector<16xi32>
          tpu.vector_store_idx %arg7[%shift_right_logical3A_439, %and3A_442], %gather3A_433 : memref<32x128xf32, #tpu.memory_space<vmem>>[vector<16xi32>, vector<16xi32>], vector<16xf32>,
          %add3A_443 = arith.constant 80 : i32
          %add3A_444 = vector.broadcast %add3A_443 : i32 to vector<16xi32>
          %add3A_445 = arith.addi %iota3A, %add3A_444 : vector<16xi32>
          %add3A_446 = arith.constant 0 : i32
          %add3A_447 = vector.broadcast %add3A_446 : i32 to vector<16xi32>
          %add3A_448 = arith.addi %and3A_361, %add3A_447 : vector<16xi32>
          %gather3A_449 = tpu.vector_load_idx %arg5[%add3A_448, %add3A_445] : memref<32x128xf32, #tpu.memory_space<vmem>>[vector<16xi32>, vector<16xi32>], vector<16xf32>,
          %add3A_450 = arith.constant 2560 : i32
          %add3A_451 = vector.broadcast %add3A_450 : i32 to vector<16xi32>
          %add3A_452 = arith.addi %add3A_362, %add3A_451 : vector<16xi32>
          %shift_right_logical3A_453 = arith.constant 7 : i32
          %shift_right_logical3A_454 = vector.broadcast %shift_right_logical3A_453 : i32 to vector<16xi32>
          %shift_right_logical3A_455 = arith.shrui %add3A_452, %shift_right_logical3A_454 : vector<16xi32>
          %and3A_456 = arith.constant 127 : i32
          %and3A_457 = vector.broadcast %and3A_456 : i32 to vector<16xi32>
          %and3A_458 = arith.andi %add3A_452, %and3A_457 : vector<16xi32>
          tpu.vector_store_idx %arg7[%shift_right_logical3A_455, %and3A_458], %gather3A_449 : memref<32x128xf32, #tpu.memory_space<vmem>>[vector<16xi32>, vector<16xi32>], vector<16xf32>,
          %add3A_459 = arith.constant 96 : i32
          %add3A_460 = vector.broadcast %add3A_459 : i32 to vector<16xi32>
          %add3A_461 = arith.addi %iota3A, %add3A_460 : vector<16xi32>
          %add3A_462 = arith.constant 0 : i32
          %add3A_463 = vector.broadcast %add3A_462 : i32 to vector<16xi32>
          %add3A_464 = arith.addi %and3A_361, %add3A_463 : vector<16xi32>
          %gather3A_465 = tpu.vector_load_idx %arg5[%add3A_464, %add3A_461] : memref<32x128xf32, #tpu.memory_space<vmem>>[vector<16xi32>, vector<16xi32>], vector<16xf32>,
          %add3A_466 = arith.constant 3072 : i32
          %add3A_467 = vector.broadcast %add3A_466 : i32 to vector<16xi32>
          %add3A_468 = arith.addi %add3A_362, %add3A_467 : vector<16xi32>
          %shift_right_logical3A_469 = arith.constant 7 : i32
          %shift_right_logical3A_470 = vector.broadcast %shift_right_logical3A_469 : i32 to vector<16xi32>
          %shift_right_logical3A_471 = arith.shrui %add3A_468, %shift_right_logical3A_470 : vector<16xi32>
          %and3A_472 = arith.constant 127 : i32
          %and3A_473 = vector.broadcast %and3A_472 : i32 to vector<16xi32>
          %and3A_474 = arith.andi %add3A_468, %and3A_473 : vector<16xi32>
          tpu.vector_store_idx %arg7[%shift_right_logical3A_471, %and3A_474], %gather3A_465 : memref<32x128xf32, #tpu.memory_space<vmem>>[vector<16xi32>, vector<16xi32>], vector<16xf32>,
          %add3A_475 = arith.constant 112 : i32
          %add3A_476 = vector.broadcast %add3A_475 : i32 to vector<16xi32>
          %add3A_477 = arith.addi %iota3A, %add3A_476 : vector<16xi32>
          %add3A_478 = arith.constant 0 : i32
          %add3A_479 = vector.broadcast %add3A_478 : i32 to vector<16xi32>
          %add3A_480 = arith.addi %and3A_361, %add3A_479 : vector<16xi32>
          %gather3A_481 = tpu.vector_load_idx %arg5[%add3A_480, %add3A_477] : memref<32x128xf32, #tpu.memory_space<vmem>>[vector<16xi32>, vector<16xi32>], vector<16xf32>,
          %add3A_482 = arith.constant 3584 : i32
          %add3A_483 = vector.broadcast %add3A_482 : i32 to vector<16xi32>
          %add3A_484 = arith.addi %add3A_362, %add3A_483 : vector<16xi32>
          %shift_right_logical3A_485 = arith.constant 7 : i32
          %shift_right_logical3A_486 = vector.broadcast %shift_right_logical3A_485 : i32 to vector<16xi32>
          %shift_right_logical3A_487 = arith.shrui %add3A_484, %shift_right_logical3A_486 : vector<16xi32>
          %and3A_488 = arith.constant 127 : i32
          %and3A_489 = vector.broadcast %and3A_488 : i32 to vector<16xi32>
          %and3A_490 = arith.andi %add3A_484, %and3A_489 : vector<16xi32>
          tpu.vector_store_idx %arg7[%shift_right_logical3A_487, %and3A_490], %gather3A_481 : memref<32x128xf32, #tpu.memory_space<vmem>>[vector<16xi32>, vector<16xi32>], vector<16xf32>,
          %add3A_491 = arith.constant 0 : i32
          %add3A_492 = vector.broadcast %add3A_491 : i32 to vector<16xi32>
          %add3A_493 = arith.addi %iota3A, %add3A_492 : vector<16xi32>
          %add3A_494 = arith.constant 16 : i32
          %add3A_495 = vector.broadcast %add3A_494 : i32 to vector<16xi32>
          %add3A_496 = arith.addi %and3A_361, %add3A_495 : vector<16xi32>
          %gather3A_497 = tpu.vector_load_idx %arg5[%add3A_496, %add3A_493] : memref<32x128xf32, #tpu.memory_space<vmem>>[vector<16xi32>, vector<16xi32>], vector<16xf32>,
          %add3A_498 = arith.constant 16 : i32
          %add3A_499 = vector.broadcast %add3A_498 : i32 to vector<16xi32>
          %add3A_500 = arith.addi %add3A_362, %add3A_499 : vector<16xi32>
          %shift_right_logical3A_501 = arith.constant 7 : i32
          %shift_right_logical3A_502 = vector.broadcast %shift_right_logical3A_501 : i32 to vector<16xi32>
          %shift_right_logical3A_503 = arith.shrui %add3A_500, %shift_right_logical3A_502 : vector<16xi32>
          %and3A_504 = arith.constant 127 : i32
          %and3A_505 = vector.broadcast %and3A_504 : i32 to vector<16xi32>
          %and3A_506 = arith.andi %add3A_500, %and3A_505 : vector<16xi32>
          tpu.vector_store_idx %arg7[%shift_right_logical3A_503, %and3A_506], %gather3A_497 : memref<32x128xf32, #tpu.memory_space<vmem>>[vector<16xi32>, vector<16xi32>], vector<16xf32>,
          %add3A_507 = arith.constant 16 : i32
          %add3A_508 = vector.broadcast %add3A_507 : i32 to vector<16xi32>
          %add3A_509 = arith.addi %iota3A, %add3A_508 : vector<16xi32>
          %add3A_510 = arith.constant 16 : i32
          %add3A_511 = vector.broadcast %add3A_510 : i32 to vector<16xi32>
          %add3A_512 = arith.addi %and3A_361, %add3A_511 : vector<16xi32>
          %gather3A_513 = tpu.vector_load_idx %arg5[%add3A_512, %add3A_509] : memref<32x128xf32, #tpu.memory_space<vmem>>[vector<16xi32>, vector<16xi32>], vector<16xf32>,
          %add3A_514 = arith.constant 528 : i32
          %add3A_515 = vector.broadcast %add3A_514 : i32 to vector<16xi32>
          %add3A_516 = arith.addi %add3A_362, %add3A_515 : vector<16xi32>
          %shift_right_logical3A_517 = arith.constant 7 : i32
          %shift_right_logical3A_518 = vector.broadcast %shift_right_logical3A_517 : i32 to vector<16xi32>
          %shift_right_logical3A_519 = arith.shrui %add3A_516, %shift_right_logical3A_518 : vector<16xi32>
          %and3A_520 = arith.constant 127 : i32
          %and3A_521 = vector.broadcast %and3A_520 : i32 to vector<16xi32>
          %and3A_522 = arith.andi %add3A_516, %and3A_521 : vector<16xi32>
          tpu.vector_store_idx %arg7[%shift_right_logical3A_519, %and3A_522], %gather3A_513 : memref<32x128xf32, #tpu.memory_space<vmem>>[vector<16xi32>, vector<16xi32>], vector<16xf32>,
          %add3A_523 = arith.constant 32 : i32
          %add3A_524 = vector.broadcast %add3A_523 : i32 to vector<16xi32>
          %add3A_525 = arith.addi %iota3A, %add3A_524 : vector<16xi32>
          %add3A_526 = arith.constant 16 : i32
          %add3A_527 = vector.broadcast %add3A_526 : i32 to vector<16xi32>
          %add3A_528 = arith.addi %and3A_361, %add3A_527 : vector<16xi32>
          %gather3A_529 = tpu.vector_load_idx %arg5[%add3A_528, %add3A_525] : memref<32x128xf32, #tpu.memory_space<vmem>>[vector<16xi32>, vector<16xi32>], vector<16xf32>,
          %add3A_530 = arith.constant 1040 : i32
          %add3A_531 = vector.broadcast %add3A_530 : i32 to vector<16xi32>
          %add3A_532 = arith.addi %add3A_362, %add3A_531 : vector<16xi32>
          %shift_right_logical3A_533 = arith.constant 7 : i32
          %shift_right_logical3A_534 = vector.broadcast %shift_right_logical3A_533 : i32 to vector<16xi32>
          %shift_right_logical3A_535 = arith.shrui %add3A_532, %shift_right_logical3A_534 : vector<16xi32>
          %and3A_536 = arith.constant 127 : i32
          %and3A_537 = vector.broadcast %and3A_536 : i32 to vector<16xi32>
          %and3A_538 = arith.andi %add3A_532, %and3A_537 : vector<16xi32>
          tpu.vector_store_idx %arg7[%shift_right_logical3A_535, %and3A_538], %gather3A_529 : memref<32x128xf32, #tpu.memory_space<vmem>>[vector<16xi32>, vector<16xi32>], vector<16xf32>,
          %add3A_539 = arith.constant 48 : i32
          %add3A_540 = vector.broadcast %add3A_539 : i32 to vector<16xi32>
          %add3A_541 = arith.addi %iota3A, %add3A_540 : vector<16xi32>
          %add3A_542 = arith.constant 16 : i32
          %add3A_543 = vector.broadcast %add3A_542 : i32 to vector<16xi32>
          %add3A_544 = arith.addi %and3A_361, %add3A_543 : vector<16xi32>
          %gather3A_545 = tpu.vector_load_idx %arg5[%add3A_544, %add3A_541] : memref<32x128xf32, #tpu.memory_space<vmem>>[vector<16xi32>, vector<16xi32>], vector<16xf32>,
          %add3A_546 = arith.constant 1552 : i32
          %add3A_547 = vector.broadcast %add3A_546 : i32 to vector<16xi32>
          %add3A_548 = arith.addi %add3A_362, %add3A_547 : vector<16xi32>
          %shift_right_logical3A_549 = arith.constant 7 : i32
          %shift_right_logical3A_550 = vector.broadcast %shift_right_logical3A_549 : i32 to vector<16xi32>
          %shift_right_logical3A_551 = arith.shrui %add3A_548, %shift_right_logical3A_550 : vector<16xi32>
          %and3A_552 = arith.constant 127 : i32
          %and3A_553 = vector.broadcast %and3A_552 : i32 to vector<16xi32>
          %and3A_554 = arith.andi %add3A_548, %and3A_553 : vector<16xi32>
          tpu.vector_store_idx %arg7[%shift_right_logical3A_551, %and3A_554], %gather3A_545 : memref<32x128xf32, #tpu.memory_space<vmem>>[vector<16xi32>, vector<16xi32>], vector<16xf32>,
          %add3A_555 = arith.constant 64 : i32
          %add3A_556 = vector.broadcast %add3A_555 : i32 to vector<16xi32>
          %add3A_557 = arith.addi %iota3A, %add3A_556 : vector<16xi32>
          %add3A_558 = arith.constant 16 : i32
          %add3A_559 = vector.broadcast %add3A_558 : i32 to vector<16xi32>
          %add3A_560 = arith.addi %and3A_361, %add3A_559 : vector<16xi32>
          %gather3A_561 = tpu.vector_load_idx %arg5[%add3A_560, %add3A_557] : memref<32x128xf32, #tpu.memory_space<vmem>>[vector<16xi32>, vector<16xi32>], vector<16xf32>,
          %add3A_562 = arith.constant 2064 : i32
          %add3A_563 = vector.broadcast %add3A_562 : i32 to vector<16xi32>
          %add3A_564 = arith.addi %add3A_362, %add3A_563 : vector<16xi32>
          %shift_right_logical3A_565 = arith.constant 7 : i32
          %shift_right_logical3A_566 = vector.broadcast %shift_right_logical3A_565 : i32 to vector<16xi32>
          %shift_right_logical3A_567 = arith.shrui %add3A_564, %shift_right_logical3A_566 : vector<16xi32>
          %and3A_568 = arith.constant 127 : i32
          %and3A_569 = vector.broadcast %and3A_568 : i32 to vector<16xi32>
          %and3A_570 = arith.andi %add3A_564, %and3A_569 : vector<16xi32>
          tpu.vector_store_idx %arg7[%shift_right_logical3A_567, %and3A_570], %gather3A_561 : memref<32x128xf32, #tpu.memory_space<vmem>>[vector<16xi32>, vector<16xi32>], vector<16xf32>,
          %add3A_571 = arith.constant 80 : i32
          %add3A_572 = vector.broadcast %add3A_571 : i32 to vector<16xi32>
          %add3A_573 = arith.addi %iota3A, %add3A_572 : vector<16xi32>
          %add3A_574 = arith.constant 16 : i32
          %add3A_575 = vector.broadcast %add3A_574 : i32 to vector<16xi32>
          %add3A_576 = arith.addi %and3A_361, %add3A_575 : vector<16xi32>
          %gather3A_577 = tpu.vector_load_idx %arg5[%add3A_576, %add3A_573] : memref<32x128xf32, #tpu.memory_space<vmem>>[vector<16xi32>, vector<16xi32>], vector<16xf32>,
          %add3A_578 = arith.constant 2576 : i32
          %add3A_579 = vector.broadcast %add3A_578 : i32 to vector<16xi32>
          %add3A_580 = arith.addi %add3A_362, %add3A_579 : vector<16xi32>
          %shift_right_logical3A_581 = arith.constant 7 : i32
          %shift_right_logical3A_582 = vector.broadcast %shift_right_logical3A_581 : i32 to vector<16xi32>
          %shift_right_logical3A_583 = arith.shrui %add3A_580, %shift_right_logical3A_582 : vector<16xi32>
          %and3A_584 = arith.constant 127 : i32
          %and3A_585 = vector.broadcast %and3A_584 : i32 to vector<16xi32>
          %and3A_586 = arith.andi %add3A_580, %and3A_585 : vector<16xi32>
          tpu.vector_store_idx %arg7[%shift_right_logical3A_583, %and3A_586], %gather3A_577 : memref<32x128xf32, #tpu.memory_space<vmem>>[vector<16xi32>, vector<16xi32>], vector<16xf32>,
          %add3A_587 = arith.constant 96 : i32
          %add3A_588 = vector.broadcast %add3A_587 : i32 to vector<16xi32>
          %add3A_589 = arith.addi %iota3A, %add3A_588 : vector<16xi32>
          %add3A_590 = arith.constant 16 : i32
          %add3A_591 = vector.broadcast %add3A_590 : i32 to vector<16xi32>
          %add3A_592 = arith.addi %and3A_361, %add3A_591 : vector<16xi32>
          %gather3A_593 = tpu.vector_load_idx %arg5[%add3A_592, %add3A_589] : memref<32x128xf32, #tpu.memory_space<vmem>>[vector<16xi32>, vector<16xi32>], vector<16xf32>,
          %add3A_594 = arith.constant 3088 : i32
          %add3A_595 = vector.broadcast %add3A_594 : i32 to vector<16xi32>
          %add3A_596 = arith.addi %add3A_362, %add3A_595 : vector<16xi32>
          %shift_right_logical3A_597 = arith.constant 7 : i32
          %shift_right_logical3A_598 = vector.broadcast %shift_right_logical3A_597 : i32 to vector<16xi32>
          %shift_right_logical3A_599 = arith.shrui %add3A_596, %shift_right_logical3A_598 : vector<16xi32>
          %and3A_600 = arith.constant 127 : i32
          %and3A_601 = vector.broadcast %and3A_600 : i32 to vector<16xi32>
          %and3A_602 = arith.andi %add3A_596, %and3A_601 : vector<16xi32>
          tpu.vector_store_idx %arg7[%shift_right_logical3A_599, %and3A_602], %gather3A_593 : memref<32x128xf32, #tpu.memory_space<vmem>>[vector<16xi32>, vector<16xi32>], vector<16xf32>,
          %add3A_603 = arith.constant 112 : i32
          %add3A_604 = vector.broadcast %add3A_603 : i32 to vector<16xi32>
          %add3A_605 = arith.addi %iota3A, %add3A_604 : vector<16xi32>
          %add3A_606 = arith.constant 16 : i32
          %add3A_607 = vector.broadcast %add3A_606 : i32 to vector<16xi32>
          %add3A_608 = arith.addi %and3A_361, %add3A_607 : vector<16xi32>
          %gather3A_609 = tpu.vector_load_idx %arg5[%add3A_608, %add3A_605] : memref<32x128xf32, #tpu.memory_space<vmem>>[vector<16xi32>, vector<16xi32>], vector<16xf32>,
          %add3A_610 = arith.constant 3600 : i32
          %add3A_611 = vector.broadcast %add3A_610 : i32 to vector<16xi32>
          %add3A_612 = arith.addi %add3A_362, %add3A_611 : vector<16xi32>
          %shift_right_logical3A_613 = arith.constant 7 : i32
          %shift_right_logical3A_614 = vector.broadcast %shift_right_logical3A_613 : i32 to vector<16xi32>
          %shift_right_logical3A_615 = arith.shrui %add3A_612, %shift_right_logical3A_614 : vector<16xi32>
          %and3A_616 = arith.constant 127 : i32
          %and3A_617 = vector.broadcast %and3A_616 : i32 to vector<16xi32>
          %and3A_618 = arith.andi %add3A_612, %and3A_617 : vector<16xi32>
          tpu.vector_store_idx %arg7[%shift_right_logical3A_615, %and3A_618], %gather3A_609 : memref<32x128xf32, #tpu.memory_space<vmem>>[vector<16xi32>, vector<16xi32>], vector<16xf32>,
          %mul3A_619 = arith.constant 4 : i32
          %mul3A_620 = arith.muli %scan3A_89, %mul3A_619 : i32
          %add3A_621 = arith.constant 2 : i32
          %add3A_622 = arith.addi %mul3A_620, %add3A_621 : i32
          %add3A_623 = vector.broadcast %add3A_622 : i32 to vector<16xi32>
          %add3A_624 = arith.addi %iota3A, %add3A_623 : vector<16xi32>
          %and3A_625 = arith.constant 15 : i32
          %and3A_626 = vector.broadcast %and3A_625 : i32 to vector<16xi32>
          %and3A_627 = arith.andi %add3A_624, %and3A_626 : vector<16xi32>
          %add3A_628 = arith.addi %mul3A_72, %and3A_627 : vector<16xi32>
          %add3A_629 = arith.constant 0 : i32
          %add3A_630 = vector.broadcast %add3A_629 : i32 to vector<16xi32>
          %add3A_631 = arith.addi %iota3A, %add3A_630 : vector<16xi32>
          %add3A_632 = arith.constant 0 : i32
          %add3A_633 = vector.broadcast %add3A_632 : i32 to vector<16xi32>
          %add3A_634 = arith.addi %and3A_627, %add3A_633 : vector<16xi32>
          %gather3A_635 = tpu.vector_load_idx %arg5[%add3A_634, %add3A_631] : memref<32x128xf32, #tpu.memory_space<vmem>>[vector<16xi32>, vector<16xi32>], vector<16xf32>,
          %add3A_636 = arith.constant 0 : i32
          %add3A_637 = vector.broadcast %add3A_636 : i32 to vector<16xi32>
          %add3A_638 = arith.addi %add3A_628, %add3A_637 : vector<16xi32>
          %shift_right_logical3A_639 = arith.constant 7 : i32
          %shift_right_logical3A_640 = vector.broadcast %shift_right_logical3A_639 : i32 to vector<16xi32>
          %shift_right_logical3A_641 = arith.shrui %add3A_638, %shift_right_logical3A_640 : vector<16xi32>
          %and3A_642 = arith.constant 127 : i32
          %and3A_643 = vector.broadcast %and3A_642 : i32 to vector<16xi32>
          %and3A_644 = arith.andi %add3A_638, %and3A_643 : vector<16xi32>
          tpu.vector_store_idx %arg7[%shift_right_logical3A_641, %and3A_644], %gather3A_635 : memref<32x128xf32, #tpu.memory_space<vmem>>[vector<16xi32>, vector<16xi32>], vector<16xf32>,
          %add3A_645 = arith.constant 16 : i32
          %add3A_646 = vector.broadcast %add3A_645 : i32 to vector<16xi32>
          %add3A_647 = arith.addi %iota3A, %add3A_646 : vector<16xi32>
          %add3A_648 = arith.constant 0 : i32
          %add3A_649 = vector.broadcast %add3A_648 : i32 to vector<16xi32>
          %add3A_650 = arith.addi %and3A_627, %add3A_649 : vector<16xi32>
          %gather3A_651 = tpu.vector_load_idx %arg5[%add3A_650, %add3A_647] : memref<32x128xf32, #tpu.memory_space<vmem>>[vector<16xi32>, vector<16xi32>], vector<16xf32>,
          %add3A_652 = arith.constant 512 : i32
          %add3A_653 = vector.broadcast %add3A_652 : i32 to vector<16xi32>
          %add3A_654 = arith.addi %add3A_628, %add3A_653 : vector<16xi32>
          %shift_right_logical3A_655 = arith.constant 7 : i32
          %shift_right_logical3A_656 = vector.broadcast %shift_right_logical3A_655 : i32 to vector<16xi32>
          %shift_right_logical3A_657 = arith.shrui %add3A_654, %shift_right_logical3A_656 : vector<16xi32>
          %and3A_658 = arith.constant 127 : i32
          %and3A_659 = vector.broadcast %and3A_658 : i32 to vector<16xi32>
          %and3A_660 = arith.andi %add3A_654, %and3A_659 : vector<16xi32>
          tpu.vector_store_idx %arg7[%shift_right_logical3A_657, %and3A_660], %gather3A_651 : memref<32x128xf32, #tpu.memory_space<vmem>>[vector<16xi32>, vector<16xi32>], vector<16xf32>,
          %add3A_661 = arith.constant 32 : i32
          %add3A_662 = vector.broadcast %add3A_661 : i32 to vector<16xi32>
          %add3A_663 = arith.addi %iota3A, %add3A_662 : vector<16xi32>
          %add3A_664 = arith.constant 0 : i32
          %add3A_665 = vector.broadcast %add3A_664 : i32 to vector<16xi32>
          %add3A_666 = arith.addi %and3A_627, %add3A_665 : vector<16xi32>
          %gather3A_667 = tpu.vector_load_idx %arg5[%add3A_666, %add3A_663] : memref<32x128xf32, #tpu.memory_space<vmem>>[vector<16xi32>, vector<16xi32>], vector<16xf32>,
          %add3A_668 = arith.constant 1024 : i32
          %add3A_669 = vector.broadcast %add3A_668 : i32 to vector<16xi32>
          %add3A_670 = arith.addi %add3A_628, %add3A_669 : vector<16xi32>
          %shift_right_logical3A_671 = arith.constant 7 : i32
          %shift_right_logical3A_672 = vector.broadcast %shift_right_logical3A_671 : i32 to vector<16xi32>
          %shift_right_logical3A_673 = arith.shrui %add3A_670, %shift_right_logical3A_672 : vector<16xi32>
          %and3A_674 = arith.constant 127 : i32
          %and3A_675 = vector.broadcast %and3A_674 : i32 to vector<16xi32>
          %and3A_676 = arith.andi %add3A_670, %and3A_675 : vector<16xi32>
          tpu.vector_store_idx %arg7[%shift_right_logical3A_673, %and3A_676], %gather3A_667 : memref<32x128xf32, #tpu.memory_space<vmem>>[vector<16xi32>, vector<16xi32>], vector<16xf32>,
          %add3A_677 = arith.constant 48 : i32
          %add3A_678 = vector.broadcast %add3A_677 : i32 to vector<16xi32>
          %add3A_679 = arith.addi %iota3A, %add3A_678 : vector<16xi32>
          %add3A_680 = arith.constant 0 : i32
          %add3A_681 = vector.broadcast %add3A_680 : i32 to vector<16xi32>
          %add3A_682 = arith.addi %and3A_627, %add3A_681 : vector<16xi32>
          %gather3A_683 = tpu.vector_load_idx %arg5[%add3A_682, %add3A_679] : memref<32x128xf32, #tpu.memory_space<vmem>>[vector<16xi32>, vector<16xi32>], vector<16xf32>,
          %add3A_684 = arith.constant 1536 : i32
          %add3A_685 = vector.broadcast %add3A_684 : i32 to vector<16xi32>
          %add3A_686 = arith.addi %add3A_628, %add3A_685 : vector<16xi32>
          %shift_right_logical3A_687 = arith.constant 7 : i32
          %shift_right_logical3A_688 = vector.broadcast %shift_right_logical3A_687 : i32 to vector<16xi32>
          %shift_right_logical3A_689 = arith.shrui %add3A_686, %shift_right_logical3A_688 : vector<16xi32>
          %and3A_690 = arith.constant 127 : i32
          %and3A_691 = vector.broadcast %and3A_690 : i32 to vector<16xi32>
          %and3A_692 = arith.andi %add3A_686, %and3A_691 : vector<16xi32>
          tpu.vector_store_idx %arg7[%shift_right_logical3A_689, %and3A_692], %gather3A_683 : memref<32x128xf32, #tpu.memory_space<vmem>>[vector<16xi32>, vector<16xi32>], vector<16xf32>,
          %add3A_693 = arith.constant 64 : i32
          %add3A_694 = vector.broadcast %add3A_693 : i32 to vector<16xi32>
          %add3A_695 = arith.addi %iota3A, %add3A_694 : vector<16xi32>
          %add3A_696 = arith.constant 0 : i32
          %add3A_697 = vector.broadcast %add3A_696 : i32 to vector<16xi32>
          %add3A_698 = arith.addi %and3A_627, %add3A_697 : vector<16xi32>
          %gather3A_699 = tpu.vector_load_idx %arg5[%add3A_698, %add3A_695] : memref<32x128xf32, #tpu.memory_space<vmem>>[vector<16xi32>, vector<16xi32>], vector<16xf32>,
          %add3A_700 = arith.constant 2048 : i32
          %add3A_701 = vector.broadcast %add3A_700 : i32 to vector<16xi32>
          %add3A_702 = arith.addi %add3A_628, %add3A_701 : vector<16xi32>
          %shift_right_logical3A_703 = arith.constant 7 : i32
          %shift_right_logical3A_704 = vector.broadcast %shift_right_logical3A_703 : i32 to vector<16xi32>
          %shift_right_logical3A_705 = arith.shrui %add3A_702, %shift_right_logical3A_704 : vector<16xi32>
          %and3A_706 = arith.constant 127 : i32
          %and3A_707 = vector.broadcast %and3A_706 : i32 to vector<16xi32>
          %and3A_708 = arith.andi %add3A_702, %and3A_707 : vector<16xi32>
          tpu.vector_store_idx %arg7[%shift_right_logical3A_705, %and3A_708], %gather3A_699 : memref<32x128xf32, #tpu.memory_space<vmem>>[vector<16xi32>, vector<16xi32>], vector<16xf32>,
          %add3A_709 = arith.constant 80 : i32
          %add3A_710 = vector.broadcast %add3A_709 : i32 to vector<16xi32>
          %add3A_711 = arith.addi %iota3A, %add3A_710 : vector<16xi32>
          %add3A_712 = arith.constant 0 : i32
          %add3A_713 = vector.broadcast %add3A_712 : i32 to vector<16xi32>
          %add3A_714 = arith.addi %and3A_627, %add3A_713 : vector<16xi32>
          %gather3A_715 = tpu.vector_load_idx %arg5[%add3A_714, %add3A_711] : memref<32x128xf32, #tpu.memory_space<vmem>>[vector<16xi32>, vector<16xi32>], vector<16xf32>,
          %add3A_716 = arith.constant 2560 : i32
          %add3A_717 = vector.broadcast %add3A_716 : i32 to vector<16xi32>
          %add3A_718 = arith.addi %add3A_628, %add3A_717 : vector<16xi32>
          %shift_right_logical3A_719 = arith.constant 7 : i32
          %shift_right_logical3A_720 = vector.broadcast %shift_right_logical3A_719 : i32 to vector<16xi32>
          %shift_right_logical3A_721 = arith.shrui %add3A_718, %shift_right_logical3A_720 : vector<16xi32>
          %and3A_722 = arith.constant 127 : i32
          %and3A_723 = vector.broadcast %and3A_722 : i32 to vector<16xi32>
          %and3A_724 = arith.andi %add3A_718, %and3A_723 : vector<16xi32>
          tpu.vector_store_idx %arg7[%shift_right_logical3A_721, %and3A_724], %gather3A_715 : memref<32x128xf32, #tpu.memory_space<vmem>>[vector<16xi32>, vector<16xi32>], vector<16xf32>,
          %add3A_725 = arith.constant 96 : i32
          %add3A_726 = vector.broadcast %add3A_725 : i32 to vector<16xi32>
          %add3A_727 = arith.addi %iota3A, %add3A_726 : vector<16xi32>
          %add3A_728 = arith.constant 0 : i32
          %add3A_729 = vector.broadcast %add3A_728 : i32 to vector<16xi32>
          %add3A_730 = arith.addi %and3A_627, %add3A_729 : vector<16xi32>
          %gather3A_731 = tpu.vector_load_idx %arg5[%add3A_730, %add3A_727] : memref<32x128xf32, #tpu.memory_space<vmem>>[vector<16xi32>, vector<16xi32>], vector<16xf32>,
          %add3A_732 = arith.constant 3072 : i32
          %add3A_733 = vector.broadcast %add3A_732 : i32 to vector<16xi32>
          %add3A_734 = arith.addi %add3A_628, %add3A_733 : vector<16xi32>
          %shift_right_logical3A_735 = arith.constant 7 : i32
          %shift_right_logical3A_736 = vector.broadcast %shift_right_logical3A_735 : i32 to vector<16xi32>
          %shift_right_logical3A_737 = arith.shrui %add3A_734, %shift_right_logical3A_736 : vector<16xi32>
          %and3A_738 = arith.constant 127 : i32
          %and3A_739 = vector.broadcast %and3A_738 : i32 to vector<16xi32>
          %and3A_740 = arith.andi %add3A_734, %and3A_739 : vector<16xi32>
          tpu.vector_store_idx %arg7[%shift_right_logical3A_737, %and3A_740], %gather3A_731 : memref<32x128xf32, #tpu.memory_space<vmem>>[vector<16xi32>, vector<16xi32>], vector<16xf32>,
          %add3A_741 = arith.constant 112 : i32
          %add3A_742 = vector.broadcast %add3A_741 : i32 to vector<16xi32>
          %add3A_743 = arith.addi %iota3A, %add3A_742 : vector<16xi32>
          %add3A_744 = arith.constant 0 : i32
          %add3A_745 = vector.broadcast %add3A_744 : i32 to vector<16xi32>
          %add3A_746 = arith.addi %and3A_627, %add3A_745 : vector<16xi32>
          %gather3A_747 = tpu.vector_load_idx %arg5[%add3A_746, %add3A_743] : memref<32x128xf32, #tpu.memory_space<vmem>>[vector<16xi32>, vector<16xi32>], vector<16xf32>,
          %add3A_748 = arith.constant 3584 : i32
          %add3A_749 = vector.broadcast %add3A_748 : i32 to vector<16xi32>
          %add3A_750 = arith.addi %add3A_628, %add3A_749 : vector<16xi32>
          %shift_right_logical3A_751 = arith.constant 7 : i32
          %shift_right_logical3A_752 = vector.broadcast %shift_right_logical3A_751 : i32 to vector<16xi32>
          %shift_right_logical3A_753 = arith.shrui %add3A_750, %shift_right_logical3A_752 : vector<16xi32>
          %and3A_754 = arith.constant 127 : i32
          %and3A_755 = vector.broadcast %and3A_754 : i32 to vector<16xi32>
          %and3A_756 = arith.andi %add3A_750, %and3A_755 : vector<16xi32>
          tpu.vector_store_idx %arg7[%shift_right_logical3A_753, %and3A_756], %gather3A_747 : memref<32x128xf32, #tpu.memory_space<vmem>>[vector<16xi32>, vector<16xi32>], vector<16xf32>,
          %add3A_757 = arith.constant 0 : i32
          %add3A_758 = vector.broadcast %add3A_757 : i32 to vector<16xi32>
          %add3A_759 = arith.addi %iota3A, %add3A_758 : vector<16xi32>
          %add3A_760 = arith.constant 16 : i32
          %add3A_761 = vector.broadcast %add3A_760 : i32 to vector<16xi32>
          %add3A_762 = arith.addi %and3A_627, %add3A_761 : vector<16xi32>
          %gather3A_763 = tpu.vector_load_idx %arg5[%add3A_762, %add3A_759] : memref<32x128xf32, #tpu.memory_space<vmem>>[vector<16xi32>, vector<16xi32>], vector<16xf32>,
          %add3A_764 = arith.constant 16 : i32
          %add3A_765 = vector.broadcast %add3A_764 : i32 to vector<16xi32>
          %add3A_766 = arith.addi %add3A_628, %add3A_765 : vector<16xi32>
          %shift_right_logical3A_767 = arith.constant 7 : i32
          %shift_right_logical3A_768 = vector.broadcast %shift_right_logical3A_767 : i32 to vector<16xi32>
          %shift_right_logical3A_769 = arith.shrui %add3A_766, %shift_right_logical3A_768 : vector<16xi32>
          %and3A_770 = arith.constant 127 : i32
          %and3A_771 = vector.broadcast %and3A_770 : i32 to vector<16xi32>
          %and3A_772 = arith.andi %add3A_766, %and3A_771 : vector<16xi32>
          tpu.vector_store_idx %arg7[%shift_right_logical3A_769, %and3A_772], %gather3A_763 : memref<32x128xf32, #tpu.memory_space<vmem>>[vector<16xi32>, vector<16xi32>], vector<16xf32>,
          %add3A_773 = arith.constant 16 : i32
          %add3A_774 = vector.broadcast %add3A_773 : i32 to vector<16xi32>
          %add3A_775 = arith.addi %iota3A, %add3A_774 : vector<16xi32>
          %add3A_776 = arith.constant 16 : i32
          %add3A_777 = vector.broadcast %add3A_776 : i32 to vector<16xi32>
          %add3A_778 = arith.addi %and3A_627, %add3A_777 : vector<16xi32>
          %gather3A_779 = tpu.vector_load_idx %arg5[%add3A_778, %add3A_775] : memref<32x128xf32, #tpu.memory_space<vmem>>[vector<16xi32>, vector<16xi32>], vector<16xf32>,
          %add3A_780 = arith.constant 528 : i32
          %add3A_781 = vector.broadcast %add3A_780 : i32 to vector<16xi32>
          %add3A_782 = arith.addi %add3A_628, %add3A_781 : vector<16xi32>
          %shift_right_logical3A_783 = arith.constant 7 : i32
          %shift_right_logical3A_784 = vector.broadcast %shift_right_logical3A_783 : i32 to vector<16xi32>
          %shift_right_logical3A_785 = arith.shrui %add3A_782, %shift_right_logical3A_784 : vector<16xi32>
          %and3A_786 = arith.constant 127 : i32
          %and3A_787 = vector.broadcast %and3A_786 : i32 to vector<16xi32>
          %and3A_788 = arith.andi %add3A_782, %and3A_787 : vector<16xi32>
          tpu.vector_store_idx %arg7[%shift_right_logical3A_785, %and3A_788], %gather3A_779 : memref<32x128xf32, #tpu.memory_space<vmem>>[vector<16xi32>, vector<16xi32>], vector<16xf32>,
          %add3A_789 = arith.constant 32 : i32
          %add3A_790 = vector.broadcast %add3A_789 : i32 to vector<16xi32>
          %add3A_791 = arith.addi %iota3A, %add3A_790 : vector<16xi32>
          %add3A_792 = arith.constant 16 : i32
          %add3A_793 = vector.broadcast %add3A_792 : i32 to vector<16xi32>
          %add3A_794 = arith.addi %and3A_627, %add3A_793 : vector<16xi32>
          %gather3A_795 = tpu.vector_load_idx %arg5[%add3A_794, %add3A_791] : memref<32x128xf32, #tpu.memory_space<vmem>>[vector<16xi32>, vector<16xi32>], vector<16xf32>,
          %add3A_796 = arith.constant 1040 : i32
          %add3A_797 = vector.broadcast %add3A_796 : i32 to vector<16xi32>
          %add3A_798 = arith.addi %add3A_628, %add3A_797 : vector<16xi32>
          %shift_right_logical3A_799 = arith.constant 7 : i32
          %shift_right_logical3A_800 = vector.broadcast %shift_right_logical3A_799 : i32 to vector<16xi32>
          %shift_right_logical3A_801 = arith.shrui %add3A_798, %shift_right_logical3A_800 : vector<16xi32>
          %and3A_802 = arith.constant 127 : i32
          %and3A_803 = vector.broadcast %and3A_802 : i32 to vector<16xi32>
          %and3A_804 = arith.andi %add3A_798, %and3A_803 : vector<16xi32>
          tpu.vector_store_idx %arg7[%shift_right_logical3A_801, %and3A_804], %gather3A_795 : memref<32x128xf32, #tpu.memory_space<vmem>>[vector<16xi32>, vector<16xi32>], vector<16xf32>,
          %add3A_805 = arith.constant 48 : i32
          %add3A_806 = vector.broadcast %add3A_805 : i32 to vector<16xi32>
          %add3A_807 = arith.addi %iota3A, %add3A_806 : vector<16xi32>
          %add3A_808 = arith.constant 16 : i32
          %add3A_809 = vector.broadcast %add3A_808 : i32 to vector<16xi32>
          %add3A_810 = arith.addi %and3A_627, %add3A_809 : vector<16xi32>
          %gather3A_811 = tpu.vector_load_idx %arg5[%add3A_810, %add3A_807] : memref<32x128xf32, #tpu.memory_space<vmem>>[vector<16xi32>, vector<16xi32>], vector<16xf32>,
          %add3A_812 = arith.constant 1552 : i32
          %add3A_813 = vector.broadcast %add3A_812 : i32 to vector<16xi32>
          %add3A_814 = arith.addi %add3A_628, %add3A_813 : vector<16xi32>
          %shift_right_logical3A_815 = arith.constant 7 : i32
          %shift_right_logical3A_816 = vector.broadcast %shift_right_logical3A_815 : i32 to vector<16xi32>
          %shift_right_logical3A_817 = arith.shrui %add3A_814, %shift_right_logical3A_816 : vector<16xi32>
          %and3A_818 = arith.constant 127 : i32
          %and3A_819 = vector.broadcast %and3A_818 : i32 to vector<16xi32>
          %and3A_820 = arith.andi %add3A_814, %and3A_819 : vector<16xi32>
          tpu.vector_store_idx %arg7[%shift_right_logical3A_817, %and3A_820], %gather3A_811 : memref<32x128xf32, #tpu.memory_space<vmem>>[vector<16xi32>, vector<16xi32>], vector<16xf32>,
          %add3A_821 = arith.constant 64 : i32
          %add3A_822 = vector.broadcast %add3A_821 : i32 to vector<16xi32>
          %add3A_823 = arith.addi %iota3A, %add3A_822 : vector<16xi32>
          %add3A_824 = arith.constant 16 : i32
          %add3A_825 = vector.broadcast %add3A_824 : i32 to vector<16xi32>
          %add3A_826 = arith.addi %and3A_627, %add3A_825 : vector<16xi32>
          %gather3A_827 = tpu.vector_load_idx %arg5[%add3A_826, %add3A_823] : memref<32x128xf32, #tpu.memory_space<vmem>>[vector<16xi32>, vector<16xi32>], vector<16xf32>,
          %add3A_828 = arith.constant 2064 : i32
          %add3A_829 = vector.broadcast %add3A_828 : i32 to vector<16xi32>
          %add3A_830 = arith.addi %add3A_628, %add3A_829 : vector<16xi32>
          %shift_right_logical3A_831 = arith.constant 7 : i32
          %shift_right_logical3A_832 = vector.broadcast %shift_right_logical3A_831 : i32 to vector<16xi32>
          %shift_right_logical3A_833 = arith.shrui %add3A_830, %shift_right_logical3A_832 : vector<16xi32>
          %and3A_834 = arith.constant 127 : i32
          %and3A_835 = vector.broadcast %and3A_834 : i32 to vector<16xi32>
          %and3A_836 = arith.andi %add3A_830, %and3A_835 : vector<16xi32>
          tpu.vector_store_idx %arg7[%shift_right_logical3A_833, %and3A_836], %gather3A_827 : memref<32x128xf32, #tpu.memory_space<vmem>>[vector<16xi32>, vector<16xi32>], vector<16xf32>,
          %add3A_837 = arith.constant 80 : i32
          %add3A_838 = vector.broadcast %add3A_837 : i32 to vector<16xi32>
          %add3A_839 = arith.addi %iota3A, %add3A_838 : vector<16xi32>
          %add3A_840 = arith.constant 16 : i32
          %add3A_841 = vector.broadcast %add3A_840 : i32 to vector<16xi32>
          %add3A_842 = arith.addi %and3A_627, %add3A_841 : vector<16xi32>
          %gather3A_843 = tpu.vector_load_idx %arg5[%add3A_842, %add3A_839] : memref<32x128xf32, #tpu.memory_space<vmem>>[vector<16xi32>, vector<16xi32>], vector<16xf32>,
          %add3A_844 = arith.constant 2576 : i32
          %add3A_845 = vector.broadcast %add3A_844 : i32 to vector<16xi32>
          %add3A_846 = arith.addi %add3A_628, %add3A_845 : vector<16xi32>
          %shift_right_logical3A_847 = arith.constant 7 : i32
          %shift_right_logical3A_848 = vector.broadcast %shift_right_logical3A_847 : i32 to vector<16xi32>
          %shift_right_logical3A_849 = arith.shrui %add3A_846, %shift_right_logical3A_848 : vector<16xi32>
          %and3A_850 = arith.constant 127 : i32
          %and3A_851 = vector.broadcast %and3A_850 : i32 to vector<16xi32>
          %and3A_852 = arith.andi %add3A_846, %and3A_851 : vector<16xi32>
          tpu.vector_store_idx %arg7[%shift_right_logical3A_849, %and3A_852], %gather3A_843 : memref<32x128xf32, #tpu.memory_space<vmem>>[vector<16xi32>, vector<16xi32>], vector<16xf32>,
          %add3A_853 = arith.constant 96 : i32
          %add3A_854 = vector.broadcast %add3A_853 : i32 to vector<16xi32>
          %add3A_855 = arith.addi %iota3A, %add3A_854 : vector<16xi32>
          %add3A_856 = arith.constant 16 : i32
          %add3A_857 = vector.broadcast %add3A_856 : i32 to vector<16xi32>
          %add3A_858 = arith.addi %and3A_627, %add3A_857 : vector<16xi32>
          %gather3A_859 = tpu.vector_load_idx %arg5[%add3A_858, %add3A_855] : memref<32x128xf32, #tpu.memory_space<vmem>>[vector<16xi32>, vector<16xi32>], vector<16xf32>,
          %add3A_860 = arith.constant 3088 : i32
          %add3A_861 = vector.broadcast %add3A_860 : i32 to vector<16xi32>
          %add3A_862 = arith.addi %add3A_628, %add3A_861 : vector<16xi32>
          %shift_right_logical3A_863 = arith.constant 7 : i32
          %shift_right_logical3A_864 = vector.broadcast %shift_right_logical3A_863 : i32 to vector<16xi32>
          %shift_right_logical3A_865 = arith.shrui %add3A_862, %shift_right_logical3A_864 : vector<16xi32>
          %and3A_866 = arith.constant 127 : i32
          %and3A_867 = vector.broadcast %and3A_866 : i32 to vector<16xi32>
          %and3A_868 = arith.andi %add3A_862, %and3A_867 : vector<16xi32>
          tpu.vector_store_idx %arg7[%shift_right_logical3A_865, %and3A_868], %gather3A_859 : memref<32x128xf32, #tpu.memory_space<vmem>>[vector<16xi32>, vector<16xi32>], vector<16xf32>,
          %add3A_869 = arith.constant 112 : i32
          %add3A_870 = vector.broadcast %add3A_869 : i32 to vector<16xi32>
          %add3A_871 = arith.addi %iota3A, %add3A_870 : vector<16xi32>
          %add3A_872 = arith.constant 16 : i32
          %add3A_873 = vector.broadcast %add3A_872 : i32 to vector<16xi32>
          %add3A_874 = arith.addi %and3A_627, %add3A_873 : vector<16xi32>
          %gather3A_875 = tpu.vector_load_idx %arg5[%add3A_874, %add3A_871] : memref<32x128xf32, #tpu.memory_space<vmem>>[vector<16xi32>, vector<16xi32>], vector<16xf32>,
          %add3A_876 = arith.constant 3600 : i32
          %add3A_877 = vector.broadcast %add3A_876 : i32 to vector<16xi32>
          %add3A_878 = arith.addi %add3A_628, %add3A_877 : vector<16xi32>
          %shift_right_logical3A_879 = arith.constant 7 : i32
          %shift_right_logical3A_880 = vector.broadcast %shift_right_logical3A_879 : i32 to vector<16xi32>
          %shift_right_logical3A_881 = arith.shrui %add3A_878, %shift_right_logical3A_880 : vector<16xi32>
          %and3A_882 = arith.constant 127 : i32
          %and3A_883 = vector.broadcast %and3A_882 : i32 to vector<16xi32>
          %and3A_884 = arith.andi %add3A_878, %and3A_883 : vector<16xi32>
          tpu.vector_store_idx %arg7[%shift_right_logical3A_881, %and3A_884], %gather3A_875 : memref<32x128xf32, #tpu.memory_space<vmem>>[vector<16xi32>, vector<16xi32>], vector<16xf32>,
          %mul3A_885 = arith.constant 4 : i32
          %mul3A_886 = arith.muli %scan3A_89, %mul3A_885 : i32
          %add3A_887 = arith.constant 3 : i32
          %add3A_888 = arith.addi %mul3A_886, %add3A_887 : i32
          %add3A_889 = vector.broadcast %add3A_888 : i32 to vector<16xi32>
          %add3A_890 = arith.addi %iota3A, %add3A_889 : vector<16xi32>
          %and3A_891 = arith.constant 15 : i32
          %and3A_892 = vector.broadcast %and3A_891 : i32 to vector<16xi32>
          %and3A_893 = arith.andi %add3A_890, %and3A_892 : vector<16xi32>
          %add3A_894 = arith.addi %mul3A_72, %and3A_893 : vector<16xi32>
          %add3A_895 = arith.constant 0 : i32
          %add3A_896 = vector.broadcast %add3A_895 : i32 to vector<16xi32>
          %add3A_897 = arith.addi %iota3A, %add3A_896 : vector<16xi32>
          %add3A_898 = arith.constant 0 : i32
          %add3A_899 = vector.broadcast %add3A_898 : i32 to vector<16xi32>
          %add3A_900 = arith.addi %and3A_893, %add3A_899 : vector<16xi32>
          %gather3A_901 = tpu.vector_load_idx %arg5[%add3A_900, %add3A_897] : memref<32x128xf32, #tpu.memory_space<vmem>>[vector<16xi32>, vector<16xi32>], vector<16xf32>,
          %add3A_902 = arith.constant 0 : i32
          %add3A_903 = vector.broadcast %add3A_902 : i32 to vector<16xi32>
          %add3A_904 = arith.addi %add3A_894, %add3A_903 : vector<16xi32>
          %shift_right_logical3A_905 = arith.constant 7 : i32
          %shift_right_logical3A_906 = vector.broadcast %shift_right_logical3A_905 : i32 to vector<16xi32>
          %shift_right_logical3A_907 = arith.shrui %add3A_904, %shift_right_logical3A_906 : vector<16xi32>
          %and3A_908 = arith.constant 127 : i32
          %and3A_909 = vector.broadcast %and3A_908 : i32 to vector<16xi32>
          %and3A_910 = arith.andi %add3A_904, %and3A_909 : vector<16xi32>
          tpu.vector_store_idx %arg7[%shift_right_logical3A_907, %and3A_910], %gather3A_901 : memref<32x128xf32, #tpu.memory_space<vmem>>[vector<16xi32>, vector<16xi32>], vector<16xf32>,
          %add3A_911 = arith.constant 16 : i32
          %add3A_912 = vector.broadcast %add3A_911 : i32 to vector<16xi32>
          %add3A_913 = arith.addi %iota3A, %add3A_912 : vector<16xi32>
          %add3A_914 = arith.constant 0 : i32
          %add3A_915 = vector.broadcast %add3A_914 : i32 to vector<16xi32>
          %add3A_916 = arith.addi %and3A_893, %add3A_915 : vector<16xi32>
          %gather3A_917 = tpu.vector_load_idx %arg5[%add3A_916, %add3A_913] : memref<32x128xf32, #tpu.memory_space<vmem>>[vector<16xi32>, vector<16xi32>], vector<16xf32>,
          %add3A_918 = arith.constant 512 : i32
          %add3A_919 = vector.broadcast %add3A_918 : i32 to vector<16xi32>
          %add3A_920 = arith.addi %add3A_894, %add3A_919 : vector<16xi32>
          %shift_right_logical3A_921 = arith.constant 7 : i32
          %shift_right_logical3A_922 = vector.broadcast %shift_right_logical3A_921 : i32 to vector<16xi32>
          %shift_right_logical3A_923 = arith.shrui %add3A_920, %shift_right_logical3A_922 : vector<16xi32>
          %and3A_924 = arith.constant 127 : i32
          %and3A_925 = vector.broadcast %and3A_924 : i32 to vector<16xi32>
          %and3A_926 = arith.andi %add3A_920, %and3A_925 : vector<16xi32>
          tpu.vector_store_idx %arg7[%shift_right_logical3A_923, %and3A_926], %gather3A_917 : memref<32x128xf32, #tpu.memory_space<vmem>>[vector<16xi32>, vector<16xi32>], vector<16xf32>,
          %add3A_927 = arith.constant 32 : i32
          %add3A_928 = vector.broadcast %add3A_927 : i32 to vector<16xi32>
          %add3A_929 = arith.addi %iota3A, %add3A_928 : vector<16xi32>
          %add3A_930 = arith.constant 0 : i32
          %add3A_931 = vector.broadcast %add3A_930 : i32 to vector<16xi32>
          %add3A_932 = arith.addi %and3A_893, %add3A_931 : vector<16xi32>
          %gather3A_933 = tpu.vector_load_idx %arg5[%add3A_932, %add3A_929] : memref<32x128xf32, #tpu.memory_space<vmem>>[vector<16xi32>, vector<16xi32>], vector<16xf32>,
          %add3A_934 = arith.constant 1024 : i32
          %add3A_935 = vector.broadcast %add3A_934 : i32 to vector<16xi32>
          %add3A_936 = arith.addi %add3A_894, %add3A_935 : vector<16xi32>
          %shift_right_logical3A_937 = arith.constant 7 : i32
          %shift_right_logical3A_938 = vector.broadcast %shift_right_logical3A_937 : i32 to vector<16xi32>
          %shift_right_logical3A_939 = arith.shrui %add3A_936, %shift_right_logical3A_938 : vector<16xi32>
          %and3A_940 = arith.constant 127 : i32
          %and3A_941 = vector.broadcast %and3A_940 : i32 to vector<16xi32>
          %and3A_942 = arith.andi %add3A_936, %and3A_941 : vector<16xi32>
          tpu.vector_store_idx %arg7[%shift_right_logical3A_939, %and3A_942], %gather3A_933 : memref<32x128xf32, #tpu.memory_space<vmem>>[vector<16xi32>, vector<16xi32>], vector<16xf32>,
          %add3A_943 = arith.constant 48 : i32
          %add3A_944 = vector.broadcast %add3A_943 : i32 to vector<16xi32>
          %add3A_945 = arith.addi %iota3A, %add3A_944 : vector<16xi32>
          %add3A_946 = arith.constant 0 : i32
          %add3A_947 = vector.broadcast %add3A_946 : i32 to vector<16xi32>
          %add3A_948 = arith.addi %and3A_893, %add3A_947 : vector<16xi32>
          %gather3A_949 = tpu.vector_load_idx %arg5[%add3A_948, %add3A_945] : memref<32x128xf32, #tpu.memory_space<vmem>>[vector<16xi32>, vector<16xi32>], vector<16xf32>,
          %add3A_950 = arith.constant 1536 : i32
          %add3A_951 = vector.broadcast %add3A_950 : i32 to vector<16xi32>
          %add3A_952 = arith.addi %add3A_894, %add3A_951 : vector<16xi32>
          %shift_right_logical3A_953 = arith.constant 7 : i32
          %shift_right_logical3A_954 = vector.broadcast %shift_right_logical3A_953 : i32 to vector<16xi32>
          %shift_right_logical3A_955 = arith.shrui %add3A_952, %shift_right_logical3A_954 : vector<16xi32>
          %and3A_956 = arith.constant 127 : i32
          %and3A_957 = vector.broadcast %and3A_956 : i32 to vector<16xi32>
          %and3A_958 = arith.andi %add3A_952, %and3A_957 : vector<16xi32>
          tpu.vector_store_idx %arg7[%shift_right_logical3A_955, %and3A_958], %gather3A_949 : memref<32x128xf32, #tpu.memory_space<vmem>>[vector<16xi32>, vector<16xi32>], vector<16xf32>,
          %add3A_959 = arith.constant 64 : i32
          %add3A_960 = vector.broadcast %add3A_959 : i32 to vector<16xi32>
          %add3A_961 = arith.addi %iota3A, %add3A_960 : vector<16xi32>
          %add3A_962 = arith.constant 0 : i32
          %add3A_963 = vector.broadcast %add3A_962 : i32 to vector<16xi32>
          %add3A_964 = arith.addi %and3A_893, %add3A_963 : vector<16xi32>
          %gather3A_965 = tpu.vector_load_idx %arg5[%add3A_964, %add3A_961] : memref<32x128xf32, #tpu.memory_space<vmem>>[vector<16xi32>, vector<16xi32>], vector<16xf32>,
          %add3A_966 = arith.constant 2048 : i32
          %add3A_967 = vector.broadcast %add3A_966 : i32 to vector<16xi32>
          %add3A_968 = arith.addi %add3A_894, %add3A_967 : vector<16xi32>
          %shift_right_logical3A_969 = arith.constant 7 : i32
          %shift_right_logical3A_970 = vector.broadcast %shift_right_logical3A_969 : i32 to vector<16xi32>
          %shift_right_logical3A_971 = arith.shrui %add3A_968, %shift_right_logical3A_970 : vector<16xi32>
          %and3A_972 = arith.constant 127 : i32
          %and3A_973 = vector.broadcast %and3A_972 : i32 to vector<16xi32>
          %and3A_974 = arith.andi %add3A_968, %and3A_973 : vector<16xi32>
          tpu.vector_store_idx %arg7[%shift_right_logical3A_971, %and3A_974], %gather3A_965 : memref<32x128xf32, #tpu.memory_space<vmem>>[vector<16xi32>, vector<16xi32>], vector<16xf32>,
          %add3A_975 = arith.constant 80 : i32
          %add3A_976 = vector.broadcast %add3A_975 : i32 to vector<16xi32>
          %add3A_977 = arith.addi %iota3A, %add3A_976 : vector<16xi32>
          %add3A_978 = arith.constant 0 : i32
          %add3A_979 = vector.broadcast %add3A_978 : i32 to vector<16xi32>
          %add3A_980 = arith.addi %and3A_893, %add3A_979 : vector<16xi32>
          %gather3A_981 = tpu.vector_load_idx %arg5[%add3A_980, %add3A_977] : memref<32x128xf32, #tpu.memory_space<vmem>>[vector<16xi32>, vector<16xi32>], vector<16xf32>,
          %add3A_982 = arith.constant 2560 : i32
          %add3A_983 = vector.broadcast %add3A_982 : i32 to vector<16xi32>
          %add3A_984 = arith.addi %add3A_894, %add3A_983 : vector<16xi32>
          %shift_right_logical3A_985 = arith.constant 7 : i32
          %shift_right_logical3A_986 = vector.broadcast %shift_right_logical3A_985 : i32 to vector<16xi32>
          %shift_right_logical3A_987 = arith.shrui %add3A_984, %shift_right_logical3A_986 : vector<16xi32>
          %and3A_988 = arith.constant 127 : i32
          %and3A_989 = vector.broadcast %and3A_988 : i32 to vector<16xi32>
          %and3A_990 = arith.andi %add3A_984, %and3A_989 : vector<16xi32>
          tpu.vector_store_idx %arg7[%shift_right_logical3A_987, %and3A_990], %gather3A_981 : memref<32x128xf32, #tpu.memory_space<vmem>>[vector<16xi32>, vector<16xi32>], vector<16xf32>,
          %add3A_991 = arith.constant 96 : i32
          %add3A_992 = vector.broadcast %add3A_991 : i32 to vector<16xi32>
          %add3A_993 = arith.addi %iota3A, %add3A_992 : vector<16xi32>
          %add3A_994 = arith.constant 0 : i32
          %add3A_995 = vector.broadcast %add3A_994 : i32 to vector<16xi32>
          %add3A_996 = arith.addi %and3A_893, %add3A_995 : vector<16xi32>
          %gather3A_997 = tpu.vector_load_idx %arg5[%add3A_996, %add3A_993] : memref<32x128xf32, #tpu.memory_space<vmem>>[vector<16xi32>, vector<16xi32>], vector<16xf32>,
          %add3A_998 = arith.constant 3072 : i32
          %add3A_999 = vector.broadcast %add3A_998 : i32 to vector<16xi32>
          %add3A_1000 = arith.addi %add3A_894, %add3A_999 : vector<16xi32>
          %shift_right_logical3A_1001 = arith.constant 7 : i32
          %shift_right_logical3A_1002 = vector.broadcast %shift_right_logical3A_1001 : i32 to vector<16xi32>
          %shift_right_logical3A_1003 = arith.shrui %add3A_1000, %shift_right_logical3A_1002 : vector<16xi32>
          %and3A_1004 = arith.constant 127 : i32
          %and3A_1005 = vector.broadcast %and3A_1004 : i32 to vector<16xi32>
          %and3A_1006 = arith.andi %add3A_1000, %and3A_1005 : vector<16xi32>
          tpu.vector_store_idx %arg7[%shift_right_logical3A_1003, %and3A_1006], %gather3A_997 : memref<32x128xf32, #tpu.memory_space<vmem>>[vector<16xi32>, vector<16xi32>], vector<16xf32>,
          %add3A_1007 = arith.constant 112 : i32
          %add3A_1008 = vector.broadcast %add3A_1007 : i32 to vector<16xi32>
          %add3A_1009 = arith.addi %iota3A, %add3A_1008 : vector<16xi32>
          %add3A_1010 = arith.constant 0 : i32
          %add3A_1011 = vector.broadcast %add3A_1010 : i32 to vector<16xi32>
          %add3A_1012 = arith.addi %and3A_893, %add3A_1011 : vector<16xi32>
          %gather3A_1013 = tpu.vector_load_idx %arg5[%add3A_1012, %add3A_1009] : memref<32x128xf32, #tpu.memory_space<vmem>>[vector<16xi32>, vector<16xi32>], vector<16xf32>,
          %add3A_1014 = arith.constant 3584 : i32
          %add3A_1015 = vector.broadcast %add3A_1014 : i32 to vector<16xi32>
          %add3A_1016 = arith.addi %add3A_894, %add3A_1015 : vector<16xi32>
          %shift_right_logical3A_1017 = arith.constant 7 : i32
          %shift_right_logical3A_1018 = vector.broadcast %shift_right_logical3A_1017 : i32 to vector<16xi32>
          %shift_right_logical3A_1019 = arith.shrui %add3A_1016, %shift_right_logical3A_1018 : vector<16xi32>
          %and3A_1020 = arith.constant 127 : i32
          %and3A_1021 = vector.broadcast %and3A_1020 : i32 to vector<16xi32>
          %and3A_1022 = arith.andi %add3A_1016, %and3A_1021 : vector<16xi32>
          tpu.vector_store_idx %arg7[%shift_right_logical3A_1019, %and3A_1022], %gather3A_1013 : memref<32x128xf32, #tpu.memory_space<vmem>>[vector<16xi32>, vector<16xi32>], vector<16xf32>,
          %add3A_1023 = arith.constant 0 : i32
          %add3A_1024 = vector.broadcast %add3A_1023 : i32 to vector<16xi32>
          %add3A_1025 = arith.addi %iota3A, %add3A_1024 : vector<16xi32>
          %add3A_1026 = arith.constant 16 : i32
          %add3A_1027 = vector.broadcast %add3A_1026 : i32 to vector<16xi32>
          %add3A_1028 = arith.addi %and3A_893, %add3A_1027 : vector<16xi32>
          %gather3A_1029 = tpu.vector_load_idx %arg5[%add3A_1028, %add3A_1025] : memref<32x128xf32, #tpu.memory_space<vmem>>[vector<16xi32>, vector<16xi32>], vector<16xf32>,
          %add3A_1030 = arith.constant 16 : i32
          %add3A_1031 = vector.broadcast %add3A_1030 : i32 to vector<16xi32>
          %add3A_1032 = arith.addi %add3A_894, %add3A_1031 : vector<16xi32>
          %shift_right_logical3A_1033 = arith.constant 7 : i32
          %shift_right_logical3A_1034 = vector.broadcast %shift_right_logical3A_1033 : i32 to vector<16xi32>
          %shift_right_logical3A_1035 = arith.shrui %add3A_1032, %shift_right_logical3A_1034 : vector<16xi32>
          %and3A_1036 = arith.constant 127 : i32
          %and3A_1037 = vector.broadcast %and3A_1036 : i32 to vector<16xi32>
          %and3A_1038 = arith.andi %add3A_1032, %and3A_1037 : vector<16xi32>
          tpu.vector_store_idx %arg7[%shift_right_logical3A_1035, %and3A_1038], %gather3A_1029 : memref<32x128xf32, #tpu.memory_space<vmem>>[vector<16xi32>, vector<16xi32>], vector<16xf32>,
          %add3A_1039 = arith.constant 16 : i32
          %add3A_1040 = vector.broadcast %add3A_1039 : i32 to vector<16xi32>
          %add3A_1041 = arith.addi %iota3A, %add3A_1040 : vector<16xi32>
          %add3A_1042 = arith.constant 16 : i32
          %add3A_1043 = vector.broadcast %add3A_1042 : i32 to vector<16xi32>
          %add3A_1044 = arith.addi %and3A_893, %add3A_1043 : vector<16xi32>
          %gather3A_1045 = tpu.vector_load_idx %arg5[%add3A_1044, %add3A_1041] : memref<32x128xf32, #tpu.memory_space<vmem>>[vector<16xi32>, vector<16xi32>], vector<16xf32>,
          %add3A_1046 = arith.constant 528 : i32
          %add3A_1047 = vector.broadcast %add3A_1046 : i32 to vector<16xi32>
          %add3A_1048 = arith.addi %add3A_894, %add3A_1047 : vector<16xi32>
          %shift_right_logical3A_1049 = arith.constant 7 : i32
          %shift_right_logical3A_1050 = vector.broadcast %shift_right_logical3A_1049 : i32 to vector<16xi32>
          %shift_right_logical3A_1051 = arith.shrui %add3A_1048, %shift_right_logical3A_1050 : vector<16xi32>
          %and3A_1052 = arith.constant 127 : i32
          %and3A_1053 = vector.broadcast %and3A_1052 : i32 to vector<16xi32>
          %and3A_1054 = arith.andi %add3A_1048, %and3A_1053 : vector<16xi32>
          tpu.vector_store_idx %arg7[%shift_right_logical3A_1051, %and3A_1054], %gather3A_1045 : memref<32x128xf32, #tpu.memory_space<vmem>>[vector<16xi32>, vector<16xi32>], vector<16xf32>,
          %add3A_1055 = arith.constant 32 : i32
          %add3A_1056 = vector.broadcast %add3A_1055 : i32 to vector<16xi32>
          %add3A_1057 = arith.addi %iota3A, %add3A_1056 : vector<16xi32>
          %add3A_1058 = arith.constant 16 : i32
          %add3A_1059 = vector.broadcast %add3A_1058 : i32 to vector<16xi32>
          %add3A_1060 = arith.addi %and3A_893, %add3A_1059 : vector<16xi32>
          %gather3A_1061 = tpu.vector_load_idx %arg5[%add3A_1060, %add3A_1057] : memref<32x128xf32, #tpu.memory_space<vmem>>[vector<16xi32>, vector<16xi32>], vector<16xf32>,
          %add3A_1062 = arith.constant 1040 : i32
          %add3A_1063 = vector.broadcast %add3A_1062 : i32 to vector<16xi32>
          %add3A_1064 = arith.addi %add3A_894, %add3A_1063 : vector<16xi32>
          %shift_right_logical3A_1065 = arith.constant 7 : i32
          %shift_right_logical3A_1066 = vector.broadcast %shift_right_logical3A_1065 : i32 to vector<16xi32>
          %shift_right_logical3A_1067 = arith.shrui %add3A_1064, %shift_right_logical3A_1066 : vector<16xi32>
          %and3A_1068 = arith.constant 127 : i32
          %and3A_1069 = vector.broadcast %and3A_1068 : i32 to vector<16xi32>
          %and3A_1070 = arith.andi %add3A_1064, %and3A_1069 : vector<16xi32>
          tpu.vector_store_idx %arg7[%shift_right_logical3A_1067, %and3A_1070], %gather3A_1061 : memref<32x128xf32, #tpu.memory_space<vmem>>[vector<16xi32>, vector<16xi32>], vector<16xf32>,
          %add3A_1071 = arith.constant 48 : i32
          %add3A_1072 = vector.broadcast %add3A_1071 : i32 to vector<16xi32>
          %add3A_1073 = arith.addi %iota3A, %add3A_1072 : vector<16xi32>
          %add3A_1074 = arith.constant 16 : i32
          %add3A_1075 = vector.broadcast %add3A_1074 : i32 to vector<16xi32>
          %add3A_1076 = arith.addi %and3A_893, %add3A_1075 : vector<16xi32>
          %gather3A_1077 = tpu.vector_load_idx %arg5[%add3A_1076, %add3A_1073] : memref<32x128xf32, #tpu.memory_space<vmem>>[vector<16xi32>, vector<16xi32>], vector<16xf32>,
          %add3A_1078 = arith.constant 1552 : i32
          %add3A_1079 = vector.broadcast %add3A_1078 : i32 to vector<16xi32>
          %add3A_1080 = arith.addi %add3A_894, %add3A_1079 : vector<16xi32>
          %shift_right_logical3A_1081 = arith.constant 7 : i32
          %shift_right_logical3A_1082 = vector.broadcast %shift_right_logical3A_1081 : i32 to vector<16xi32>
          %shift_right_logical3A_1083 = arith.shrui %add3A_1080, %shift_right_logical3A_1082 : vector<16xi32>
          %and3A_1084 = arith.constant 127 : i32
          %and3A_1085 = vector.broadcast %and3A_1084 : i32 to vector<16xi32>
          %and3A_1086 = arith.andi %add3A_1080, %and3A_1085 : vector<16xi32>
          tpu.vector_store_idx %arg7[%shift_right_logical3A_1083, %and3A_1086], %gather3A_1077 : memref<32x128xf32, #tpu.memory_space<vmem>>[vector<16xi32>, vector<16xi32>], vector<16xf32>,
          %add3A_1087 = arith.constant 64 : i32
          %add3A_1088 = vector.broadcast %add3A_1087 : i32 to vector<16xi32>
          %add3A_1089 = arith.addi %iota3A, %add3A_1088 : vector<16xi32>
          %add3A_1090 = arith.constant 16 : i32
          %add3A_1091 = vector.broadcast %add3A_1090 : i32 to vector<16xi32>
          %add3A_1092 = arith.addi %and3A_893, %add3A_1091 : vector<16xi32>
          %gather3A_1093 = tpu.vector_load_idx %arg5[%add3A_1092, %add3A_1089] : memref<32x128xf32, #tpu.memory_space<vmem>>[vector<16xi32>, vector<16xi32>], vector<16xf32>,
          %add3A_1094 = arith.constant 2064 : i32
          %add3A_1095 = vector.broadcast %add3A_1094 : i32 to vector<16xi32>
          %add3A_1096 = arith.addi %add3A_894, %add3A_1095 : vector<16xi32>
          %shift_right_logical3A_1097 = arith.constant 7 : i32
          %shift_right_logical3A_1098 = vector.broadcast %shift_right_logical3A_1097 : i32 to vector<16xi32>
          %shift_right_logical3A_1099 = arith.shrui %add3A_1096, %shift_right_logical3A_1098 : vector<16xi32>
          %and3A_1100 = arith.constant 127 : i32
          %and3A_1101 = vector.broadcast %and3A_1100 : i32 to vector<16xi32>
          %and3A_1102 = arith.andi %add3A_1096, %and3A_1101 : vector<16xi32>
          tpu.vector_store_idx %arg7[%shift_right_logical3A_1099, %and3A_1102], %gather3A_1093 : memref<32x128xf32, #tpu.memory_space<vmem>>[vector<16xi32>, vector<16xi32>], vector<16xf32>,
          %add3A_1103 = arith.constant 80 : i32
          %add3A_1104 = vector.broadcast %add3A_1103 : i32 to vector<16xi32>
          %add3A_1105 = arith.addi %iota3A, %add3A_1104 : vector<16xi32>
          %add3A_1106 = arith.constant 16 : i32
          %add3A_1107 = vector.broadcast %add3A_1106 : i32 to vector<16xi32>
          %add3A_1108 = arith.addi %and3A_893, %add3A_1107 : vector<16xi32>
          %gather3A_1109 = tpu.vector_load_idx %arg5[%add3A_1108, %add3A_1105] : memref<32x128xf32, #tpu.memory_space<vmem>>[vector<16xi32>, vector<16xi32>], vector<16xf32>,
          %add3A_1110 = arith.constant 2576 : i32
          %add3A_1111 = vector.broadcast %add3A_1110 : i32 to vector<16xi32>
          %add3A_1112 = arith.addi %add3A_894, %add3A_1111 : vector<16xi32>
          %shift_right_logical3A_1113 = arith.constant 7 : i32
          %shift_right_logical3A_1114 = vector.broadcast %shift_right_logical3A_1113 : i32 to vector<16xi32>
          %shift_right_logical3A_1115 = arith.shrui %add3A_1112, %shift_right_logical3A_1114 : vector<16xi32>
          %and3A_1116 = arith.constant 127 : i32
          %and3A_1117 = vector.broadcast %and3A_1116 : i32 to vector<16xi32>
          %and3A_1118 = arith.andi %add3A_1112, %and3A_1117 : vector<16xi32>
          tpu.vector_store_idx %arg7[%shift_right_logical3A_1115, %and3A_1118], %gather3A_1109 : memref<32x128xf32, #tpu.memory_space<vmem>>[vector<16xi32>, vector<16xi32>], vector<16xf32>,
          %add3A_1119 = arith.constant 96 : i32
          %add3A_1120 = vector.broadcast %add3A_1119 : i32 to vector<16xi32>
          %add3A_1121 = arith.addi %iota3A, %add3A_1120 : vector<16xi32>
          %add3A_1122 = arith.constant 16 : i32
          %add3A_1123 = vector.broadcast %add3A_1122 : i32 to vector<16xi32>
          %add3A_1124 = arith.addi %and3A_893, %add3A_1123 : vector<16xi32>
          %gather3A_1125 = tpu.vector_load_idx %arg5[%add3A_1124, %add3A_1121] : memref<32x128xf32, #tpu.memory_space<vmem>>[vector<16xi32>, vector<16xi32>], vector<16xf32>,
          %add3A_1126 = arith.constant 3088 : i32
          %add3A_1127 = vector.broadcast %add3A_1126 : i32 to vector<16xi32>
          %add3A_1128 = arith.addi %add3A_894, %add3A_1127 : vector<16xi32>
          %shift_right_logical3A_1129 = arith.constant 7 : i32
          %shift_right_logical3A_1130 = vector.broadcast %shift_right_logical3A_1129 : i32 to vector<16xi32>
          %shift_right_logical3A_1131 = arith.shrui %add3A_1128, %shift_right_logical3A_1130 : vector<16xi32>
          %and3A_1132 = arith.constant 127 : i32
          %and3A_1133 = vector.broadcast %and3A_1132 : i32 to vector<16xi32>
          %and3A_1134 = arith.andi %add3A_1128, %and3A_1133 : vector<16xi32>
          tpu.vector_store_idx %arg7[%shift_right_logical3A_1131, %and3A_1134], %gather3A_1125 : memref<32x128xf32, #tpu.memory_space<vmem>>[vector<16xi32>, vector<16xi32>], vector<16xf32>,
          %add3A_1135 = arith.constant 112 : i32
          %add3A_1136 = vector.broadcast %add3A_1135 : i32 to vector<16xi32>
          %add3A_1137 = arith.addi %iota3A, %add3A_1136 : vector<16xi32>
          %add3A_1138 = arith.constant 16 : i32
          %add3A_1139 = vector.broadcast %add3A_1138 : i32 to vector<16xi32>
          %add3A_1140 = arith.addi %and3A_893, %add3A_1139 : vector<16xi32>
          %gather3A_1141 = tpu.vector_load_idx %arg5[%add3A_1140, %add3A_1137] : memref<32x128xf32, #tpu.memory_space<vmem>>[vector<16xi32>, vector<16xi32>], vector<16xf32>,
          %add3A_1142 = arith.constant 3600 : i32
          %add3A_1143 = vector.broadcast %add3A_1142 : i32 to vector<16xi32>
          %add3A_1144 = arith.addi %add3A_894, %add3A_1143 : vector<16xi32>
          %shift_right_logical3A_1145 = arith.constant 7 : i32
          %shift_right_logical3A_1146 = vector.broadcast %shift_right_logical3A_1145 : i32 to vector<16xi32>
          %shift_right_logical3A_1147 = arith.shrui %add3A_1144, %shift_right_logical3A_1146 : vector<16xi32>
          %and3A_1148 = arith.constant 127 : i32
          %and3A_1149 = vector.broadcast %and3A_1148 : i32 to vector<16xi32>
          %and3A_1150 = arith.andi %add3A_1144, %and3A_1149 : vector<16xi32>
          tpu.vector_store_idx %arg7[%shift_right_logical3A_1147, %and3A_1150], %gather3A_1141 : memref<32x128xf32, #tpu.memory_space<vmem>>[vector<16xi32>, vector<16xi32>], vector<16xf32>,
        }
        %scan3A_78 = arith.constant 4 : i32
        %mul3A_79 = arith.constant 32 : i32
        %mul3A_80 = arith.muli %mul3A_79, %add3A_41 : i32
        %add3A_81 = arith.addi %add3A, %mul3A_80 : i32
        %mul3A_82 = arith.constant 32 : i32
        %mul3A_83 = arith.muli %add3A_81, %mul3A_82 : i32
        %multiple_of3A_84 = tpu.assume_multiple %mul3A_83, 32 : i32
        %dma_start3A_85 = arith.constant 0 : i32
        %dma_start3A_86 = tpu.memref_slice %arg3[%multiple_of3A_84, %dma_start3A_85] : memref<250000x128xf32, #tpu.memory_space<hbm>> -> memref<32x128xf32, #tpu.memory_space<hbm>>
        %dma_start3A_87 = arith.constant 0 : i32
        %dma_start3A_88 = tpu.memref_slice %arg3[%multiple_of3A_84, %dma_start3A_87] : memref<250000x128xf32, #tpu.memory_space<hbm>> -> memref<32x128xf32, #tpu.memory_space<hbm>>
        tpu.enqueue_dma source(%arg7 : memref<32x128xf32, #tpu.memory_space<vmem>>) target(%dma_start3A_88 : memref<32x128xf32, #tpu.memory_space<hbm>>) target_semaphore(%arg11 : memref<!tpu.dma_semaphore, #tpu.memory_space<semaphore_mem>>)
      } else {
      }
    }
    %scan3A_12 = arith.constant 123 : i32
    %dma_wait3A = arith.constant 0 : i32
    %dma_wait3A_13 = arith.constant 0 : i32
    %dma_wait3A_14 = tpu.memref_slice %arg3[%dma_wait3A, %dma_wait3A_13] : memref<250000x128xf32, #tpu.memory_space<hbm>> -> memref<32x128xf32, #tpu.memory_space<hbm>>
    %dma_wait3A_15 = arith.constant 0 : i32
    %dma_wait3A_16 = arith.constant 0 : i32
    %dma_wait3A_17 = tpu.memref_slice %arg3[%dma_wait3A_15, %dma_wait3A_16] : memref<250000x128xf32, #tpu.memory_space<hbm>> -> memref<32x128xf32, #tpu.memory_space<hbm>>
    tpu.wait_dma2 semaphore(%arg10 : memref<!tpu.dma_semaphore, #tpu.memory_space<semaphore_mem>>) src(%arg6 : memref<32x128xf32, #tpu.memory_space<vmem>>) dst(%dma_wait3A_17 : memref<32x128xf32, #tpu.memory_space<hbm>>)
    %dma_wait3A_18 = arith.constant 0 : i32
    %dma_wait3A_19 = arith.constant 0 : i32
    %dma_wait3A_20 = tpu.memref_slice %arg3[%dma_wait3A_18, %dma_wait3A_19] : memref<250000x128xf32, #tpu.memory_space<hbm>> -> memref<32x128xf32, #tpu.memory_space<hbm>>
    %dma_wait3A_21 = arith.constant 0 : i32
    %dma_wait3A_22 = arith.constant 0 : i32
    %dma_wait3A_23 = tpu.memref_slice %arg3[%dma_wait3A_21, %dma_wait3A_22] : memref<250000x128xf32, #tpu.memory_space<hbm>> -> memref<32x128xf32, #tpu.memory_space<hbm>>
    tpu.wait_dma2 semaphore(%arg11 : memref<!tpu.dma_semaphore, #tpu.memory_space<semaphore_mem>>) src(%arg7 : memref<32x128xf32, #tpu.memory_space<vmem>>) dst(%dma_wait3A_23 : memref<32x128xf32, #tpu.memory_space<hbm>>)
    %eq3A = arith.constant 0 : i32
    %eq3A_24 = arith.cmpi eq, %add3A, %eq3A : i32
    %convert_element_type3A = arith.extui %eq3A_24 : i1 to i32
    %cond3A = arith.constant 0 : i32
    %cond3A_25 = arith.cmpi ne, %convert_element_type3A, %cond3A : i32
    scf.if %cond3A_25 {
      %mul3A_26 = arith.constant 7812 : i32
      %mul3A_27 = arith.constant 128 : i32
      %mul3A_28 = arith.muli %mul3A_26, %mul3A_27 : i32
      %multiple_of3A_29 = tpu.assume_multiple %mul3A_28, 128 : i32
      %dma_start3A_30 = arith.constant 0 : i32
      %dma_start3A_31 = tpu.memref_slice %arg2[%dma_start3A_30, %multiple_of3A_29] : memref<32x1000000xf32, #tpu.memory_space<hbm>> -> memref<32x128xf32, #tpu.memory_space<hbm>>
      %dma_start3A_32 = arith.constant 0 : i32
      %dma_start3A_33 = tpu.memref_slice %arg2[%dma_start3A_32, %multiple_of3A_29] : memref<32x1000000xf32, #tpu.memory_space<hbm>> -> memref<32x128xf32, #tpu.memory_space<hbm>>
      tpu.enqueue_dma source(%dma_start3A_33 : memref<32x128xf32, #tpu.memory_space<hbm>>) target(%arg4 : memref<32x128xf32, #tpu.memory_space<vmem>>) target_semaphore(%arg8 : memref<!tpu.dma_semaphore, #tpu.memory_space<semaphore_mem>>)
      %dma_wait3A_34 = arith.constant 0 : i32
      %dma_wait3A_35 = arith.constant 0 : i32
      %dma_wait3A_36 = tpu.memref_slice %arg2[%dma_wait3A_34, %dma_wait3A_35] : memref<32x1000000xf32, #tpu.memory_space<hbm>> -> memref<32x128xf32, #tpu.memory_space<hbm>>
      %dma_wait3A_37 = arith.constant 0 : i32
      %dma_wait3A_38 = arith.constant 0 : i32
      %dma_wait3A_39 = tpu.memref_slice %arg2[%dma_wait3A_37, %dma_wait3A_38] : memref<32x1000000xf32, #tpu.memory_space<hbm>> -> memref<32x128xf32, #tpu.memory_space<hbm>>
      tpu.wait_dma2 semaphore(%arg8 : memref<!tpu.dma_semaphore, #tpu.memory_space<semaphore_mem>>) src(%dma_wait3A_39 : memref<32x128xf32, #tpu.memory_space<hbm>>) dst(%arg4 : memref<32x128xf32, #tpu.memory_space<vmem>>)
      %iota3A = tpu.iota {dimensions = array<i32: 0>} : vector<16xi32>
      %mul3A_40 = arith.constant 32 : i32
      %mul3A_41 = vector.broadcast %mul3A_40 : i32 to vector<16xi32>
      %mul3A_42 = arith.muli %iota3A, %mul3A_41 : vector<16xi32>
      %scan3A_43 = arith.constant 0 : i32
      %scan3A_44 = arith.constant 0 : i32
      %scan3A_45 = arith.constant 4 : i32
      %scan3A_46 = arith.addi %scan3A_44, %scan3A_45 : i32
      %scan3A_47 = arith.constant 1 : i32
      scf.for %scan3A_49 = %scan3A_44 to %scan3A_46 step %scan3A_47  : i32 {
        %mul3A_50 = arith.constant 4 : i32
        %mul3A_51 = arith.muli %scan3A_49, %mul3A_50 : i32
        %add3A_52 = arith.constant 0 : i32
        %add3A_53 = arith.addi %mul3A_51, %add3A_52 : i32
        %add3A_54 = vector.broadcast %add3A_53 : i32 to vector<16xi32>
        %add3A_55 = arith.addi %iota3A, %add3A_54 : vector<16xi32>
        %and3A = arith.constant 15 : i32
        %and3A_56 = vector.broadcast %and3A : i32 to vector<16xi32>
        %and3A_57 = arith.andi %add3A_55, %and3A_56 : vector<16xi32>
        %add3A_58 = arith.addi %mul3A_42, %and3A_57 : vector<16xi32>
        %add3A_59 = arith.constant 0 : i32
        %add3A_60 = vector.broadcast %add3A_59 : i32 to vector<16xi32>
        %add3A_61 = arith.addi %iota3A, %add3A_60 : vector<16xi32>
        %add3A_62 = arith.constant 0 : i32
        %add3A_63 = vector.broadcast %add3A_62 : i32 to vector<16xi32>
        %add3A_64 = arith.addi %and3A_57, %add3A_63 : vector<16xi32>
        %gather3A = tpu.vector_load_idx %arg4[%add3A_64, %add3A_61] : memref<32x128xf32, #tpu.memory_space<vmem>>[vector<16xi32>, vector<16xi32>], vector<16xf32>,
        %add3A_65 = arith.constant 0 : i32
        %add3A_66 = vector.broadcast %add3A_65 : i32 to vector<16xi32>
        %add3A_67 = arith.addi %add3A_58, %add3A_66 : vector<16xi32>
        %shift_right_logical3A = arith.constant 7 : i32
        %shift_right_logical3A_68 = vector.broadcast %shift_right_logical3A : i32 to vector<16xi32>
        %shift_right_logical3A_69 = arith.shrui %add3A_67, %shift_right_logical3A_68 : vector<16xi32>
        %and3A_70 = arith.constant 127 : i32
        %and3A_71 = vector.broadcast %and3A_70 : i32 to vector<16xi32>
        %and3A_72 = arith.andi %add3A_67, %and3A_71 : vector<16xi32>
        tpu.vector_store_idx %arg6[%shift_right_logical3A_69, %and3A_72], %gather3A : memref<32x128xf32, #tpu.memory_space<vmem>>[vector<16xi32>, vector<16xi32>], vector<16xf32>,
        %add3A_73 = arith.constant 16 : i32
        %add3A_74 = vector.broadcast %add3A_73 : i32 to vector<16xi32>
        %add3A_75 = arith.addi %iota3A, %add3A_74 : vector<16xi32>
        %add3A_76 = arith.constant 0 : i32
        %add3A_77 = vector.broadcast %add3A_76 : i32 to vector<16xi32>
        %add3A_78 = arith.addi %and3A_57, %add3A_77 : vector<16xi32>
        %gather3A_79 = tpu.vector_load_idx %arg4[%add3A_78, %add3A_75] : memref<32x128xf32, #tpu.memory_space<vmem>>[vector<16xi32>, vector<16xi32>], vector<16xf32>,
        %add3A_80 = arith.constant 512 : i32
        %add3A_81 = vector.broadcast %add3A_80 : i32 to vector<16xi32>
        %add3A_82 = arith.addi %add3A_58, %add3A_81 : vector<16xi32>
        %shift_right_logical3A_83 = arith.constant 7 : i32
        %shift_right_logical3A_84 = vector.broadcast %shift_right_logical3A_83 : i32 to vector<16xi32>
        %shift_right_logical3A_85 = arith.shrui %add3A_82, %shift_right_logical3A_84 : vector<16xi32>
        %and3A_86 = arith.constant 127 : i32
        %and3A_87 = vector.broadcast %and3A_86 : i32 to vector<16xi32>
        %and3A_88 = arith.andi %add3A_82, %and3A_87 : vector<16xi32>
        tpu.vector_store_idx %arg6[%shift_right_logical3A_85, %and3A_88], %gather3A_79 : memref<32x128xf32, #tpu.memory_space<vmem>>[vector<16xi32>, vector<16xi32>], vector<16xf32>,
        %add3A_89 = arith.constant 32 : i32
        %add3A_90 = vector.broadcast %add3A_89 : i32 to vector<16xi32>
        %add3A_91 = arith.addi %iota3A, %add3A_90 : vector<16xi32>
        %add3A_92 = arith.constant 0 : i32
        %add3A_93 = vector.broadcast %add3A_92 : i32 to vector<16xi32>
        %add3A_94 = arith.addi %and3A_57, %add3A_93 : vector<16xi32>
        %gather3A_95 = tpu.vector_load_idx %arg4[%add3A_94, %add3A_91] : memref<32x128xf32, #tpu.memory_space<vmem>>[vector<16xi32>, vector<16xi32>], vector<16xf32>,
        %add3A_96 = arith.constant 1024 : i32
        %add3A_97 = vector.broadcast %add3A_96 : i32 to vector<16xi32>
        %add3A_98 = arith.addi %add3A_58, %add3A_97 : vector<16xi32>
        %shift_right_logical3A_99 = arith.constant 7 : i32
        %shift_right_logical3A_100 = vector.broadcast %shift_right_logical3A_99 : i32 to vector<16xi32>
        %shift_right_logical3A_101 = arith.shrui %add3A_98, %shift_right_logical3A_100 : vector<16xi32>
        %and3A_102 = arith.constant 127 : i32
        %and3A_103 = vector.broadcast %and3A_102 : i32 to vector<16xi32>
        %and3A_104 = arith.andi %add3A_98, %and3A_103 : vector<16xi32>
        tpu.vector_store_idx %arg6[%shift_right_logical3A_101, %and3A_104], %gather3A_95 : memref<32x128xf32, #tpu.memory_space<vmem>>[vector<16xi32>, vector<16xi32>], vector<16xf32>,
        %add3A_105 = arith.constant 48 : i32
        %add3A_106 = vector.broadcast %add3A_105 : i32 to vector<16xi32>
        %add3A_107 = arith.addi %iota3A, %add3A_106 : vector<16xi32>
        %add3A_108 = arith.constant 0 : i32
        %add3A_109 = vector.broadcast %add3A_108 : i32 to vector<16xi32>
        %add3A_110 = arith.addi %and3A_57, %add3A_109 : vector<16xi32>
        %gather3A_111 = tpu.vector_load_idx %arg4[%add3A_110, %add3A_107] : memref<32x128xf32, #tpu.memory_space<vmem>>[vector<16xi32>, vector<16xi32>], vector<16xf32>,
        %add3A_112 = arith.constant 1536 : i32
        %add3A_113 = vector.broadcast %add3A_112 : i32 to vector<16xi32>
        %add3A_114 = arith.addi %add3A_58, %add3A_113 : vector<16xi32>
        %shift_right_logical3A_115 = arith.constant 7 : i32
        %shift_right_logical3A_116 = vector.broadcast %shift_right_logical3A_115 : i32 to vector<16xi32>
        %shift_right_logical3A_117 = arith.shrui %add3A_114, %shift_right_logical3A_116 : vector<16xi32>
        %and3A_118 = arith.constant 127 : i32
        %and3A_119 = vector.broadcast %and3A_118 : i32 to vector<16xi32>
        %and3A_120 = arith.andi %add3A_114, %and3A_119 : vector<16xi32>
        tpu.vector_store_idx %arg6[%shift_right_logical3A_117, %and3A_120], %gather3A_111 : memref<32x128xf32, #tpu.memory_space<vmem>>[vector<16xi32>, vector<16xi32>], vector<16xf32>,
        %add3A_121 = arith.constant 0 : i32
        %add3A_122 = vector.broadcast %add3A_121 : i32 to vector<16xi32>
        %add3A_123 = arith.addi %iota3A, %add3A_122 : vector<16xi32>
        %add3A_124 = arith.constant 16 : i32
        %add3A_125 = vector.broadcast %add3A_124 : i32 to vector<16xi32>
        %add3A_126 = arith.addi %and3A_57, %add3A_125 : vector<16xi32>
        %gather3A_127 = tpu.vector_load_idx %arg4[%add3A_126, %add3A_123] : memref<32x128xf32, #tpu.memory_space<vmem>>[vector<16xi32>, vector<16xi32>], vector<16xf32>,
        %add3A_128 = arith.constant 16 : i32
        %add3A_129 = vector.broadcast %add3A_128 : i32 to vector<16xi32>
        %add3A_130 = arith.addi %add3A_58, %add3A_129 : vector<16xi32>
        %shift_right_logical3A_131 = arith.constant 7 : i32
        %shift_right_logical3A_132 = vector.broadcast %shift_right_logical3A_131 : i32 to vector<16xi32>
        %shift_right_logical3A_133 = arith.shrui %add3A_130, %shift_right_logical3A_132 : vector<16xi32>
        %and3A_134 = arith.constant 127 : i32
        %and3A_135 = vector.broadcast %and3A_134 : i32 to vector<16xi32>
        %and3A_136 = arith.andi %add3A_130, %and3A_135 : vector<16xi32>
        tpu.vector_store_idx %arg6[%shift_right_logical3A_133, %and3A_136], %gather3A_127 : memref<32x128xf32, #tpu.memory_space<vmem>>[vector<16xi32>, vector<16xi32>], vector<16xf32>,
        %add3A_137 = arith.constant 16 : i32
        %add3A_138 = vector.broadcast %add3A_137 : i32 to vector<16xi32>
        %add3A_139 = arith.addi %iota3A, %add3A_138 : vector<16xi32>
        %add3A_140 = arith.constant 16 : i32
        %add3A_141 = vector.broadcast %add3A_140 : i32 to vector<16xi32>
        %add3A_142 = arith.addi %and3A_57, %add3A_141 : vector<16xi32>
        %gather3A_143 = tpu.vector_load_idx %arg4[%add3A_142, %add3A_139] : memref<32x128xf32, #tpu.memory_space<vmem>>[vector<16xi32>, vector<16xi32>], vector<16xf32>,
        %add3A_144 = arith.constant 528 : i32
        %add3A_145 = vector.broadcast %add3A_144 : i32 to vector<16xi32>
        %add3A_146 = arith.addi %add3A_58, %add3A_145 : vector<16xi32>
        %shift_right_logical3A_147 = arith.constant 7 : i32
        %shift_right_logical3A_148 = vector.broadcast %shift_right_logical3A_147 : i32 to vector<16xi32>
        %shift_right_logical3A_149 = arith.shrui %add3A_146, %shift_right_logical3A_148 : vector<16xi32>
        %and3A_150 = arith.constant 127 : i32
        %and3A_151 = vector.broadcast %and3A_150 : i32 to vector<16xi32>
        %and3A_152 = arith.andi %add3A_146, %and3A_151 : vector<16xi32>
        tpu.vector_store_idx %arg6[%shift_right_logical3A_149, %and3A_152], %gather3A_143 : memref<32x128xf32, #tpu.memory_space<vmem>>[vector<16xi32>, vector<16xi32>], vector<16xf32>,
        %add3A_153 = arith.constant 32 : i32
        %add3A_154 = vector.broadcast %add3A_153 : i32 to vector<16xi32>
        %add3A_155 = arith.addi %iota3A, %add3A_154 : vector<16xi32>
        %add3A_156 = arith.constant 16 : i32
        %add3A_157 = vector.broadcast %add3A_156 : i32 to vector<16xi32>
        %add3A_158 = arith.addi %and3A_57, %add3A_157 : vector<16xi32>
        %gather3A_159 = tpu.vector_load_idx %arg4[%add3A_158, %add3A_155] : memref<32x128xf32, #tpu.memory_space<vmem>>[vector<16xi32>, vector<16xi32>], vector<16xf32>,
        %add3A_160 = arith.constant 1040 : i32
        %add3A_161 = vector.broadcast %add3A_160 : i32 to vector<16xi32>
        %add3A_162 = arith.addi %add3A_58, %add3A_161 : vector<16xi32>
        %shift_right_logical3A_163 = arith.constant 7 : i32
        %shift_right_logical3A_164 = vector.broadcast %shift_right_logical3A_163 : i32 to vector<16xi32>
        %shift_right_logical3A_165 = arith.shrui %add3A_162, %shift_right_logical3A_164 : vector<16xi32>
        %and3A_166 = arith.constant 127 : i32
        %and3A_167 = vector.broadcast %and3A_166 : i32 to vector<16xi32>
        %and3A_168 = arith.andi %add3A_162, %and3A_167 : vector<16xi32>
        tpu.vector_store_idx %arg6[%shift_right_logical3A_165, %and3A_168], %gather3A_159 : memref<32x128xf32, #tpu.memory_space<vmem>>[vector<16xi32>, vector<16xi32>], vector<16xf32>,
        %add3A_169 = arith.constant 48 : i32
        %add3A_170 = vector.broadcast %add3A_169 : i32 to vector<16xi32>
        %add3A_171 = arith.addi %iota3A, %add3A_170 : vector<16xi32>
        %add3A_172 = arith.constant 16 : i32
        %add3A_173 = vector.broadcast %add3A_172 : i32 to vector<16xi32>
        %add3A_174 = arith.addi %and3A_57, %add3A_173 : vector<16xi32>
        %gather3A_175 = tpu.vector_load_idx %arg4[%add3A_174, %add3A_171] : memref<32x128xf32, #tpu.memory_space<vmem>>[vector<16xi32>, vector<16xi32>], vector<16xf32>,
        %add3A_176 = arith.constant 1552 : i32
        %add3A_177 = vector.broadcast %add3A_176 : i32 to vector<16xi32>
        %add3A_178 = arith.addi %add3A_58, %add3A_177 : vector<16xi32>
        %shift_right_logical3A_179 = arith.constant 7 : i32
        %shift_right_logical3A_180 = vector.broadcast %shift_right_logical3A_179 : i32 to vector<16xi32>
        %shift_right_logical3A_181 = arith.shrui %add3A_178, %shift_right_logical3A_180 : vector<16xi32>
        %and3A_182 = arith.constant 127 : i32
        %and3A_183 = vector.broadcast %and3A_182 : i32 to vector<16xi32>
        %and3A_184 = arith.andi %add3A_178, %and3A_183 : vector<16xi32>
        tpu.vector_store_idx %arg6[%shift_right_logical3A_181, %and3A_184], %gather3A_175 : memref<32x128xf32, #tpu.memory_space<vmem>>[vector<16xi32>, vector<16xi32>], vector<16xf32>,
        %mul3A_185 = arith.constant 4 : i32
        %mul3A_186 = arith.muli %scan3A_49, %mul3A_185 : i32
        %add3A_187 = arith.constant 1 : i32
        %add3A_188 = arith.addi %mul3A_186, %add3A_187 : i32
        %add3A_189 = vector.broadcast %add3A_188 : i32 to vector<16xi32>
        %add3A_190 = arith.addi %iota3A, %add3A_189 : vector<16xi32>
        %and3A_191 = arith.constant 15 : i32
        %and3A_192 = vector.broadcast %and3A_191 : i32 to vector<16xi32>
        %and3A_193 = arith.andi %add3A_190, %and3A_192 : vector<16xi32>
        %add3A_194 = arith.addi %mul3A_42, %and3A_193 : vector<16xi32>
        %add3A_195 = arith.constant 0 : i32
        %add3A_196 = vector.broadcast %add3A_195 : i32 to vector<16xi32>
        %add3A_197 = arith.addi %iota3A, %add3A_196 : vector<16xi32>
        %add3A_198 = arith.constant 0 : i32
        %add3A_199 = vector.broadcast %add3A_198 : i32 to vector<16xi32>
        %add3A_200 = arith.addi %and3A_193, %add3A_199 : vector<16xi32>
        %gather3A_201 = tpu.vector_load_idx %arg4[%add3A_200, %add3A_197] : memref<32x128xf32, #tpu.memory_space<vmem>>[vector<16xi32>, vector<16xi32>], vector<16xf32>,
        %add3A_202 = arith.constant 0 : i32
        %add3A_203 = vector.broadcast %add3A_202 : i32 to vector<16xi32>
        %add3A_204 = arith.addi %add3A_194, %add3A_203 : vector<16xi32>
        %shift_right_logical3A_205 = arith.constant 7 : i32
        %shift_right_logical3A_206 = vector.broadcast %shift_right_logical3A_205 : i32 to vector<16xi32>
        %shift_right_logical3A_207 = arith.shrui %add3A_204, %shift_right_logical3A_206 : vector<16xi32>
        %and3A_208 = arith.constant 127 : i32
        %and3A_209 = vector.broadcast %and3A_208 : i32 to vector<16xi32>
        %and3A_210 = arith.andi %add3A_204, %and3A_209 : vector<16xi32>
        tpu.vector_store_idx %arg6[%shift_right_logical3A_207, %and3A_210], %gather3A_201 : memref<32x128xf32, #tpu.memory_space<vmem>>[vector<16xi32>, vector<16xi32>], vector<16xf32>,
        %add3A_211 = arith.constant 16 : i32
        %add3A_212 = vector.broadcast %add3A_211 : i32 to vector<16xi32>
        %add3A_213 = arith.addi %iota3A, %add3A_212 : vector<16xi32>
        %add3A_214 = arith.constant 0 : i32
        %add3A_215 = vector.broadcast %add3A_214 : i32 to vector<16xi32>
        %add3A_216 = arith.addi %and3A_193, %add3A_215 : vector<16xi32>
        %gather3A_217 = tpu.vector_load_idx %arg4[%add3A_216, %add3A_213] : memref<32x128xf32, #tpu.memory_space<vmem>>[vector<16xi32>, vector<16xi32>], vector<16xf32>,
        %add3A_218 = arith.constant 512 : i32
        %add3A_219 = vector.broadcast %add3A_218 : i32 to vector<16xi32>
        %add3A_220 = arith.addi %add3A_194, %add3A_219 : vector<16xi32>
        %shift_right_logical3A_221 = arith.constant 7 : i32
        %shift_right_logical3A_222 = vector.broadcast %shift_right_logical3A_221 : i32 to vector<16xi32>
        %shift_right_logical3A_223 = arith.shrui %add3A_220, %shift_right_logical3A_222 : vector<16xi32>
        %and3A_224 = arith.constant 127 : i32
        %and3A_225 = vector.broadcast %and3A_224 : i32 to vector<16xi32>
        %and3A_226 = arith.andi %add3A_220, %and3A_225 : vector<16xi32>
        tpu.vector_store_idx %arg6[%shift_right_logical3A_223, %and3A_226], %gather3A_217 : memref<32x128xf32, #tpu.memory_space<vmem>>[vector<16xi32>, vector<16xi32>], vector<16xf32>,
        %add3A_227 = arith.constant 32 : i32
        %add3A_228 = vector.broadcast %add3A_227 : i32 to vector<16xi32>
        %add3A_229 = arith.addi %iota3A, %add3A_228 : vector<16xi32>
        %add3A_230 = arith.constant 0 : i32
        %add3A_231 = vector.broadcast %add3A_230 : i32 to vector<16xi32>
        %add3A_232 = arith.addi %and3A_193, %add3A_231 : vector<16xi32>
        %gather3A_233 = tpu.vector_load_idx %arg4[%add3A_232, %add3A_229] : memref<32x128xf32, #tpu.memory_space<vmem>>[vector<16xi32>, vector<16xi32>], vector<16xf32>,
        %add3A_234 = arith.constant 1024 : i32
        %add3A_235 = vector.broadcast %add3A_234 : i32 to vector<16xi32>
        %add3A_236 = arith.addi %add3A_194, %add3A_235 : vector<16xi32>
        %shift_right_logical3A_237 = arith.constant 7 : i32
        %shift_right_logical3A_238 = vector.broadcast %shift_right_logical3A_237 : i32 to vector<16xi32>
        %shift_right_logical3A_239 = arith.shrui %add3A_236, %shift_right_logical3A_238 : vector<16xi32>
        %and3A_240 = arith.constant 127 : i32
        %and3A_241 = vector.broadcast %and3A_240 : i32 to vector<16xi32>
        %and3A_242 = arith.andi %add3A_236, %and3A_241 : vector<16xi32>
        tpu.vector_store_idx %arg6[%shift_right_logical3A_239, %and3A_242], %gather3A_233 : memref<32x128xf32, #tpu.memory_space<vmem>>[vector<16xi32>, vector<16xi32>], vector<16xf32>,
        %add3A_243 = arith.constant 48 : i32
        %add3A_244 = vector.broadcast %add3A_243 : i32 to vector<16xi32>
        %add3A_245 = arith.addi %iota3A, %add3A_244 : vector<16xi32>
        %add3A_246 = arith.constant 0 : i32
        %add3A_247 = vector.broadcast %add3A_246 : i32 to vector<16xi32>
        %add3A_248 = arith.addi %and3A_193, %add3A_247 : vector<16xi32>
        %gather3A_249 = tpu.vector_load_idx %arg4[%add3A_248, %add3A_245] : memref<32x128xf32, #tpu.memory_space<vmem>>[vector<16xi32>, vector<16xi32>], vector<16xf32>,
        %add3A_250 = arith.constant 1536 : i32
        %add3A_251 = vector.broadcast %add3A_250 : i32 to vector<16xi32>
        %add3A_252 = arith.addi %add3A_194, %add3A_251 : vector<16xi32>
        %shift_right_logical3A_253 = arith.constant 7 : i32
        %shift_right_logical3A_254 = vector.broadcast %shift_right_logical3A_253 : i32 to vector<16xi32>
        %shift_right_logical3A_255 = arith.shrui %add3A_252, %shift_right_logical3A_254 : vector<16xi32>
        %and3A_256 = arith.constant 127 : i32
        %and3A_257 = vector.broadcast %and3A_256 : i32 to vector<16xi32>
        %and3A_258 = arith.andi %add3A_252, %and3A_257 : vector<16xi32>
        tpu.vector_store_idx %arg6[%shift_right_logical3A_255, %and3A_258], %gather3A_249 : memref<32x128xf32, #tpu.memory_space<vmem>>[vector<16xi32>, vector<16xi32>], vector<16xf32>,
        %add3A_259 = arith.constant 0 : i32
        %add3A_260 = vector.broadcast %add3A_259 : i32 to vector<16xi32>
        %add3A_261 = arith.addi %iota3A, %add3A_260 : vector<16xi32>
        %add3A_262 = arith.constant 16 : i32
        %add3A_263 = vector.broadcast %add3A_262 : i32 to vector<16xi32>
        %add3A_264 = arith.addi %and3A_193, %add3A_263 : vector<16xi32>
        %gather3A_265 = tpu.vector_load_idx %arg4[%add3A_264, %add3A_261] : memref<32x128xf32, #tpu.memory_space<vmem>>[vector<16xi32>, vector<16xi32>], vector<16xf32>,
        %add3A_266 = arith.constant 16 : i32
        %add3A_267 = vector.broadcast %add3A_266 : i32 to vector<16xi32>
        %add3A_268 = arith.addi %add3A_194, %add3A_267 : vector<16xi32>
        %shift_right_logical3A_269 = arith.constant 7 : i32
        %shift_right_logical3A_270 = vector.broadcast %shift_right_logical3A_269 : i32 to vector<16xi32>
        %shift_right_logical3A_271 = arith.shrui %add3A_268, %shift_right_logical3A_270 : vector<16xi32>
        %and3A_272 = arith.constant 127 : i32
        %and3A_273 = vector.broadcast %and3A_272 : i32 to vector<16xi32>
        %and3A_274 = arith.andi %add3A_268, %and3A_273 : vector<16xi32>
        tpu.vector_store_idx %arg6[%shift_right_logical3A_271, %and3A_274], %gather3A_265 : memref<32x128xf32, #tpu.memory_space<vmem>>[vector<16xi32>, vector<16xi32>], vector<16xf32>,
        %add3A_275 = arith.constant 16 : i32
        %add3A_276 = vector.broadcast %add3A_275 : i32 to vector<16xi32>
        %add3A_277 = arith.addi %iota3A, %add3A_276 : vector<16xi32>
        %add3A_278 = arith.constant 16 : i32
        %add3A_279 = vector.broadcast %add3A_278 : i32 to vector<16xi32>
        %add3A_280 = arith.addi %and3A_193, %add3A_279 : vector<16xi32>
        %gather3A_281 = tpu.vector_load_idx %arg4[%add3A_280, %add3A_277] : memref<32x128xf32, #tpu.memory_space<vmem>>[vector<16xi32>, vector<16xi32>], vector<16xf32>,
        %add3A_282 = arith.constant 528 : i32
        %add3A_283 = vector.broadcast %add3A_282 : i32 to vector<16xi32>
        %add3A_284 = arith.addi %add3A_194, %add3A_283 : vector<16xi32>
        %shift_right_logical3A_285 = arith.constant 7 : i32
        %shift_right_logical3A_286 = vector.broadcast %shift_right_logical3A_285 : i32 to vector<16xi32>
        %shift_right_logical3A_287 = arith.shrui %add3A_284, %shift_right_logical3A_286 : vector<16xi32>
        %and3A_288 = arith.constant 127 : i32
        %and3A_289 = vector.broadcast %and3A_288 : i32 to vector<16xi32>
        %and3A_290 = arith.andi %add3A_284, %and3A_289 : vector<16xi32>
        tpu.vector_store_idx %arg6[%shift_right_logical3A_287, %and3A_290], %gather3A_281 : memref<32x128xf32, #tpu.memory_space<vmem>>[vector<16xi32>, vector<16xi32>], vector<16xf32>,
        %add3A_291 = arith.constant 32 : i32
        %add3A_292 = vector.broadcast %add3A_291 : i32 to vector<16xi32>
        %add3A_293 = arith.addi %iota3A, %add3A_292 : vector<16xi32>
        %add3A_294 = arith.constant 16 : i32
        %add3A_295 = vector.broadcast %add3A_294 : i32 to vector<16xi32>
        %add3A_296 = arith.addi %and3A_193, %add3A_295 : vector<16xi32>
        %gather3A_297 = tpu.vector_load_idx %arg4[%add3A_296, %add3A_293] : memref<32x128xf32, #tpu.memory_space<vmem>>[vector<16xi32>, vector<16xi32>], vector<16xf32>,
        %add3A_298 = arith.constant 1040 : i32
        %add3A_299 = vector.broadcast %add3A_298 : i32 to vector<16xi32>
        %add3A_300 = arith.addi %add3A_194, %add3A_299 : vector<16xi32>
        %shift_right_logical3A_301 = arith.constant 7 : i32
        %shift_right_logical3A_302 = vector.broadcast %shift_right_logical3A_301 : i32 to vector<16xi32>
        %shift_right_logical3A_303 = arith.shrui %add3A_300, %shift_right_logical3A_302 : vector<16xi32>
        %and3A_304 = arith.constant 127 : i32
        %and3A_305 = vector.broadcast %and3A_304 : i32 to vector<16xi32>
        %and3A_306 = arith.andi %add3A_300, %and3A_305 : vector<16xi32>
        tpu.vector_store_idx %arg6[%shift_right_logical3A_303, %and3A_306], %gather3A_297 : memref<32x128xf32, #tpu.memory_space<vmem>>[vector<16xi32>, vector<16xi32>], vector<16xf32>,
        %add3A_307 = arith.constant 48 : i32
        %add3A_308 = vector.broadcast %add3A_307 : i32 to vector<16xi32>
        %add3A_309 = arith.addi %iota3A, %add3A_308 : vector<16xi32>
        %add3A_310 = arith.constant 16 : i32
        %add3A_311 = vector.broadcast %add3A_310 : i32 to vector<16xi32>
        %add3A_312 = arith.addi %and3A_193, %add3A_311 : vector<16xi32>
        %gather3A_313 = tpu.vector_load_idx %arg4[%add3A_312, %add3A_309] : memref<32x128xf32, #tpu.memory_space<vmem>>[vector<16xi32>, vector<16xi32>], vector<16xf32>,
        %add3A_314 = arith.constant 1552 : i32
        %add3A_315 = vector.broadcast %add3A_314 : i32 to vector<16xi32>
        %add3A_316 = arith.addi %add3A_194, %add3A_315 : vector<16xi32>
        %shift_right_logical3A_317 = arith.constant 7 : i32
        %shift_right_logical3A_318 = vector.broadcast %shift_right_logical3A_317 : i32 to vector<16xi32>
        %shift_right_logical3A_319 = arith.shrui %add3A_316, %shift_right_logical3A_318 : vector<16xi32>
        %and3A_320 = arith.constant 127 : i32
        %and3A_321 = vector.broadcast %and3A_320 : i32 to vector<16xi32>
        %and3A_322 = arith.andi %add3A_316, %and3A_321 : vector<16xi32>
        tpu.vector_store_idx %arg6[%shift_right_logical3A_319, %and3A_322], %gather3A_313 : memref<32x128xf32, #tpu.memory_space<vmem>>[vector<16xi32>, vector<16xi32>], vector<16xf32>,
        %mul3A_323 = arith.constant 4 : i32
        %mul3A_324 = arith.muli %scan3A_49, %mul3A_323 : i32
        %add3A_325 = arith.constant 2 : i32
        %add3A_326 = arith.addi %mul3A_324, %add3A_325 : i32
        %add3A_327 = vector.broadcast %add3A_326 : i32 to vector<16xi32>
        %add3A_328 = arith.addi %iota3A, %add3A_327 : vector<16xi32>
        %and3A_329 = arith.constant 15 : i32
        %and3A_330 = vector.broadcast %and3A_329 : i32 to vector<16xi32>
        %and3A_331 = arith.andi %add3A_328, %and3A_330 : vector<16xi32>
        %add3A_332 = arith.addi %mul3A_42, %and3A_331 : vector<16xi32>
        %add3A_333 = arith.constant 0 : i32
        %add3A_334 = vector.broadcast %add3A_333 : i32 to vector<16xi32>
        %add3A_335 = arith.addi %iota3A, %add3A_334 : vector<16xi32>
        %add3A_336 = arith.constant 0 : i32
        %add3A_337 = vector.broadcast %add3A_336 : i32 to vector<16xi32>
        %add3A_338 = arith.addi %and3A_331, %add3A_337 : vector<16xi32>
        %gather3A_339 = tpu.vector_load_idx %arg4[%add3A_338, %add3A_335] : memref<32x128xf32, #tpu.memory_space<vmem>>[vector<16xi32>, vector<16xi32>], vector<16xf32>,
        %add3A_340 = arith.constant 0 : i32
        %add3A_341 = vector.broadcast %add3A_340 : i32 to vector<16xi32>
        %add3A_342 = arith.addi %add3A_332, %add3A_341 : vector<16xi32>
        %shift_right_logical3A_343 = arith.constant 7 : i32
        %shift_right_logical3A_344 = vector.broadcast %shift_right_logical3A_343 : i32 to vector<16xi32>
        %shift_right_logical3A_345 = arith.shrui %add3A_342, %shift_right_logical3A_344 : vector<16xi32>
        %and3A_346 = arith.constant 127 : i32
        %and3A_347 = vector.broadcast %and3A_346 : i32 to vector<16xi32>
        %and3A_348 = arith.andi %add3A_342, %and3A_347 : vector<16xi32>
        tpu.vector_store_idx %arg6[%shift_right_logical3A_345, %and3A_348], %gather3A_339 : memref<32x128xf32, #tpu.memory_space<vmem>>[vector<16xi32>, vector<16xi32>], vector<16xf32>,
        %add3A_349 = arith.constant 16 : i32
        %add3A_350 = vector.broadcast %add3A_349 : i32 to vector<16xi32>
        %add3A_351 = arith.addi %iota3A, %add3A_350 : vector<16xi32>
        %add3A_352 = arith.constant 0 : i32
        %add3A_353 = vector.broadcast %add3A_352 : i32 to vector<16xi32>
        %add3A_354 = arith.addi %and3A_331, %add3A_353 : vector<16xi32>
        %gather3A_355 = tpu.vector_load_idx %arg4[%add3A_354, %add3A_351] : memref<32x128xf32, #tpu.memory_space<vmem>>[vector<16xi32>, vector<16xi32>], vector<16xf32>,
        %add3A_356 = arith.constant 512 : i32
        %add3A_357 = vector.broadcast %add3A_356 : i32 to vector<16xi32>
        %add3A_358 = arith.addi %add3A_332, %add3A_357 : vector<16xi32>
        %shift_right_logical3A_359 = arith.constant 7 : i32
        %shift_right_logical3A_360 = vector.broadcast %shift_right_logical3A_359 : i32 to vector<16xi32>
        %shift_right_logical3A_361 = arith.shrui %add3A_358, %shift_right_logical3A_360 : vector<16xi32>
        %and3A_362 = arith.constant 127 : i32
        %and3A_363 = vector.broadcast %and3A_362 : i32 to vector<16xi32>
        %and3A_364 = arith.andi %add3A_358, %and3A_363 : vector<16xi32>
        tpu.vector_store_idx %arg6[%shift_right_logical3A_361, %and3A_364], %gather3A_355 : memref<32x128xf32, #tpu.memory_space<vmem>>[vector<16xi32>, vector<16xi32>], vector<16xf32>,
        %add3A_365 = arith.constant 32 : i32
        %add3A_366 = vector.broadcast %add3A_365 : i32 to vector<16xi32>
        %add3A_367 = arith.addi %iota3A, %add3A_366 : vector<16xi32>
        %add3A_368 = arith.constant 0 : i32
        %add3A_369 = vector.broadcast %add3A_368 : i32 to vector<16xi32>
        %add3A_370 = arith.addi %and3A_331, %add3A_369 : vector<16xi32>
        %gather3A_371 = tpu.vector_load_idx %arg4[%add3A_370, %add3A_367] : memref<32x128xf32, #tpu.memory_space<vmem>>[vector<16xi32>, vector<16xi32>], vector<16xf32>,
        %add3A_372 = arith.constant 1024 : i32
        %add3A_373 = vector.broadcast %add3A_372 : i32 to vector<16xi32>
        %add3A_374 = arith.addi %add3A_332, %add3A_373 : vector<16xi32>
        %shift_right_logical3A_375 = arith.constant 7 : i32
        %shift_right_logical3A_376 = vector.broadcast %shift_right_logical3A_375 : i32 to vector<16xi32>
        %shift_right_logical3A_377 = arith.shrui %add3A_374, %shift_right_logical3A_376 : vector<16xi32>
        %and3A_378 = arith.constant 127 : i32
        %and3A_379 = vector.broadcast %and3A_378 : i32 to vector<16xi32>
        %and3A_380 = arith.andi %add3A_374, %and3A_379 : vector<16xi32>
        tpu.vector_store_idx %arg6[%shift_right_logical3A_377, %and3A_380], %gather3A_371 : memref<32x128xf32, #tpu.memory_space<vmem>>[vector<16xi32>, vector<16xi32>], vector<16xf32>,
        %add3A_381 = arith.constant 48 : i32
        %add3A_382 = vector.broadcast %add3A_381 : i32 to vector<16xi32>
        %add3A_383 = arith.addi %iota3A, %add3A_382 : vector<16xi32>
        %add3A_384 = arith.constant 0 : i32
        %add3A_385 = vector.broadcast %add3A_384 : i32 to vector<16xi32>
        %add3A_386 = arith.addi %and3A_331, %add3A_385 : vector<16xi32>
        %gather3A_387 = tpu.vector_load_idx %arg4[%add3A_386, %add3A_383] : memref<32x128xf32, #tpu.memory_space<vmem>>[vector<16xi32>, vector<16xi32>], vector<16xf32>,
        %add3A_388 = arith.constant 1536 : i32
        %add3A_389 = vector.broadcast %add3A_388 : i32 to vector<16xi32>
        %add3A_390 = arith.addi %add3A_332, %add3A_389 : vector<16xi32>
        %shift_right_logical3A_391 = arith.constant 7 : i32
        %shift_right_logical3A_392 = vector.broadcast %shift_right_logical3A_391 : i32 to vector<16xi32>
        %shift_right_logical3A_393 = arith.shrui %add3A_390, %shift_right_logical3A_392 : vector<16xi32>
        %and3A_394 = arith.constant 127 : i32
        %and3A_395 = vector.broadcast %and3A_394 : i32 to vector<16xi32>
        %and3A_396 = arith.andi %add3A_390, %and3A_395 : vector<16xi32>
        tpu.vector_store_idx %arg6[%shift_right_logical3A_393, %and3A_396], %gather3A_387 : memref<32x128xf32, #tpu.memory_space<vmem>>[vector<16xi32>, vector<16xi32>], vector<16xf32>,
        %add3A_397 = arith.constant 0 : i32
        %add3A_398 = vector.broadcast %add3A_397 : i32 to vector<16xi32>
        %add3A_399 = arith.addi %iota3A, %add3A_398 : vector<16xi32>
        %add3A_400 = arith.constant 16 : i32
        %add3A_401 = vector.broadcast %add3A_400 : i32 to vector<16xi32>
        %add3A_402 = arith.addi %and3A_331, %add3A_401 : vector<16xi32>
        %gather3A_403 = tpu.vector_load_idx %arg4[%add3A_402, %add3A_399] : memref<32x128xf32, #tpu.memory_space<vmem>>[vector<16xi32>, vector<16xi32>], vector<16xf32>,
        %add3A_404 = arith.constant 16 : i32
        %add3A_405 = vector.broadcast %add3A_404 : i32 to vector<16xi32>
        %add3A_406 = arith.addi %add3A_332, %add3A_405 : vector<16xi32>
        %shift_right_logical3A_407 = arith.constant 7 : i32
        %shift_right_logical3A_408 = vector.broadcast %shift_right_logical3A_407 : i32 to vector<16xi32>
        %shift_right_logical3A_409 = arith.shrui %add3A_406, %shift_right_logical3A_408 : vector<16xi32>
        %and3A_410 = arith.constant 127 : i32
        %and3A_411 = vector.broadcast %and3A_410 : i32 to vector<16xi32>
        %and3A_412 = arith.andi %add3A_406, %and3A_411 : vector<16xi32>
        tpu.vector_store_idx %arg6[%shift_right_logical3A_409, %and3A_412], %gather3A_403 : memref<32x128xf32, #tpu.memory_space<vmem>>[vector<16xi32>, vector<16xi32>], vector<16xf32>,
        %add3A_413 = arith.constant 16 : i32
        %add3A_414 = vector.broadcast %add3A_413 : i32 to vector<16xi32>
        %add3A_415 = arith.addi %iota3A, %add3A_414 : vector<16xi32>
        %add3A_416 = arith.constant 16 : i32
        %add3A_417 = vector.broadcast %add3A_416 : i32 to vector<16xi32>
        %add3A_418 = arith.addi %and3A_331, %add3A_417 : vector<16xi32>
        %gather3A_419 = tpu.vector_load_idx %arg4[%add3A_418, %add3A_415] : memref<32x128xf32, #tpu.memory_space<vmem>>[vector<16xi32>, vector<16xi32>], vector<16xf32>,
        %add3A_420 = arith.constant 528 : i32
        %add3A_421 = vector.broadcast %add3A_420 : i32 to vector<16xi32>
        %add3A_422 = arith.addi %add3A_332, %add3A_421 : vector<16xi32>
        %shift_right_logical3A_423 = arith.constant 7 : i32
        %shift_right_logical3A_424 = vector.broadcast %shift_right_logical3A_423 : i32 to vector<16xi32>
        %shift_right_logical3A_425 = arith.shrui %add3A_422, %shift_right_logical3A_424 : vector<16xi32>
        %and3A_426 = arith.constant 127 : i32
        %and3A_427 = vector.broadcast %and3A_426 : i32 to vector<16xi32>
        %and3A_428 = arith.andi %add3A_422, %and3A_427 : vector<16xi32>
        tpu.vector_store_idx %arg6[%shift_right_logical3A_425, %and3A_428], %gather3A_419 : memref<32x128xf32, #tpu.memory_space<vmem>>[vector<16xi32>, vector<16xi32>], vector<16xf32>,
        %add3A_429 = arith.constant 32 : i32
        %add3A_430 = vector.broadcast %add3A_429 : i32 to vector<16xi32>
        %add3A_431 = arith.addi %iota3A, %add3A_430 : vector<16xi32>
        %add3A_432 = arith.constant 16 : i32
        %add3A_433 = vector.broadcast %add3A_432 : i32 to vector<16xi32>
        %add3A_434 = arith.addi %and3A_331, %add3A_433 : vector<16xi32>
        %gather3A_435 = tpu.vector_load_idx %arg4[%add3A_434, %add3A_431] : memref<32x128xf32, #tpu.memory_space<vmem>>[vector<16xi32>, vector<16xi32>], vector<16xf32>,
        %add3A_436 = arith.constant 1040 : i32
        %add3A_437 = vector.broadcast %add3A_436 : i32 to vector<16xi32>
        %add3A_438 = arith.addi %add3A_332, %add3A_437 : vector<16xi32>
        %shift_right_logical3A_439 = arith.constant 7 : i32
        %shift_right_logical3A_440 = vector.broadcast %shift_right_logical3A_439 : i32 to vector<16xi32>
        %shift_right_logical3A_441 = arith.shrui %add3A_438, %shift_right_logical3A_440 : vector<16xi32>
        %and3A_442 = arith.constant 127 : i32
        %and3A_443 = vector.broadcast %and3A_442 : i32 to vector<16xi32>
        %and3A_444 = arith.andi %add3A_438, %and3A_443 : vector<16xi32>
        tpu.vector_store_idx %arg6[%shift_right_logical3A_441, %and3A_444], %gather3A_435 : memref<32x128xf32, #tpu.memory_space<vmem>>[vector<16xi32>, vector<16xi32>], vector<16xf32>,
        %add3A_445 = arith.constant 48 : i32
        %add3A_446 = vector.broadcast %add3A_445 : i32 to vector<16xi32>
        %add3A_447 = arith.addi %iota3A, %add3A_446 : vector<16xi32>
        %add3A_448 = arith.constant 16 : i32
        %add3A_449 = vector.broadcast %add3A_448 : i32 to vector<16xi32>
        %add3A_450 = arith.addi %and3A_331, %add3A_449 : vector<16xi32>
        %gather3A_451 = tpu.vector_load_idx %arg4[%add3A_450, %add3A_447] : memref<32x128xf32, #tpu.memory_space<vmem>>[vector<16xi32>, vector<16xi32>], vector<16xf32>,
        %add3A_452 = arith.constant 1552 : i32
        %add3A_453 = vector.broadcast %add3A_452 : i32 to vector<16xi32>
        %add3A_454 = arith.addi %add3A_332, %add3A_453 : vector<16xi32>
        %shift_right_logical3A_455 = arith.constant 7 : i32
        %shift_right_logical3A_456 = vector.broadcast %shift_right_logical3A_455 : i32 to vector<16xi32>
        %shift_right_logical3A_457 = arith.shrui %add3A_454, %shift_right_logical3A_456 : vector<16xi32>
        %and3A_458 = arith.constant 127 : i32
        %and3A_459 = vector.broadcast %and3A_458 : i32 to vector<16xi32>
        %and3A_460 = arith.andi %add3A_454, %and3A_459 : vector<16xi32>
        tpu.vector_store_idx %arg6[%shift_right_logical3A_457, %and3A_460], %gather3A_451 : memref<32x128xf32, #tpu.memory_space<vmem>>[vector<16xi32>, vector<16xi32>], vector<16xf32>,
        %mul3A_461 = arith.constant 4 : i32
        %mul3A_462 = arith.muli %scan3A_49, %mul3A_461 : i32
        %add3A_463 = arith.constant 3 : i32
        %add3A_464 = arith.addi %mul3A_462, %add3A_463 : i32
        %add3A_465 = vector.broadcast %add3A_464 : i32 to vector<16xi32>
        %add3A_466 = arith.addi %iota3A, %add3A_465 : vector<16xi32>
        %and3A_467 = arith.constant 15 : i32
        %and3A_468 = vector.broadcast %and3A_467 : i32 to vector<16xi32>
        %and3A_469 = arith.andi %add3A_466, %and3A_468 : vector<16xi32>
        %add3A_470 = arith.addi %mul3A_42, %and3A_469 : vector<16xi32>
        %add3A_471 = arith.constant 0 : i32
        %add3A_472 = vector.broadcast %add3A_471 : i32 to vector<16xi32>
        %add3A_473 = arith.addi %iota3A, %add3A_472 : vector<16xi32>
        %add3A_474 = arith.constant 0 : i32
        %add3A_475 = vector.broadcast %add3A_474 : i32 to vector<16xi32>
        %add3A_476 = arith.addi %and3A_469, %add3A_475 : vector<16xi32>
        %gather3A_477 = tpu.vector_load_idx %arg4[%add3A_476, %add3A_473] : memref<32x128xf32, #tpu.memory_space<vmem>>[vector<16xi32>, vector<16xi32>], vector<16xf32>,
        %add3A_478 = arith.constant 0 : i32
        %add3A_479 = vector.broadcast %add3A_478 : i32 to vector<16xi32>
        %add3A_480 = arith.addi %add3A_470, %add3A_479 : vector<16xi32>
        %shift_right_logical3A_481 = arith.constant 7 : i32
        %shift_right_logical3A_482 = vector.broadcast %shift_right_logical3A_481 : i32 to vector<16xi32>
        %shift_right_logical3A_483 = arith.shrui %add3A_480, %shift_right_logical3A_482 : vector<16xi32>
        %and3A_484 = arith.constant 127 : i32
        %and3A_485 = vector.broadcast %and3A_484 : i32 to vector<16xi32>
        %and3A_486 = arith.andi %add3A_480, %and3A_485 : vector<16xi32>
        tpu.vector_store_idx %arg6[%shift_right_logical3A_483, %and3A_486], %gather3A_477 : memref<32x128xf32, #tpu.memory_space<vmem>>[vector<16xi32>, vector<16xi32>], vector<16xf32>,
        %add3A_487 = arith.constant 16 : i32
        %add3A_488 = vector.broadcast %add3A_487 : i32 to vector<16xi32>
        %add3A_489 = arith.addi %iota3A, %add3A_488 : vector<16xi32>
        %add3A_490 = arith.constant 0 : i32
        %add3A_491 = vector.broadcast %add3A_490 : i32 to vector<16xi32>
        %add3A_492 = arith.addi %and3A_469, %add3A_491 : vector<16xi32>
        %gather3A_493 = tpu.vector_load_idx %arg4[%add3A_492, %add3A_489] : memref<32x128xf32, #tpu.memory_space<vmem>>[vector<16xi32>, vector<16xi32>], vector<16xf32>,
        %add3A_494 = arith.constant 512 : i32
        %add3A_495 = vector.broadcast %add3A_494 : i32 to vector<16xi32>
        %add3A_496 = arith.addi %add3A_470, %add3A_495 : vector<16xi32>
        %shift_right_logical3A_497 = arith.constant 7 : i32
        %shift_right_logical3A_498 = vector.broadcast %shift_right_logical3A_497 : i32 to vector<16xi32>
        %shift_right_logical3A_499 = arith.shrui %add3A_496, %shift_right_logical3A_498 : vector<16xi32>
        %and3A_500 = arith.constant 127 : i32
        %and3A_501 = vector.broadcast %and3A_500 : i32 to vector<16xi32>
        %and3A_502 = arith.andi %add3A_496, %and3A_501 : vector<16xi32>
        tpu.vector_store_idx %arg6[%shift_right_logical3A_499, %and3A_502], %gather3A_493 : memref<32x128xf32, #tpu.memory_space<vmem>>[vector<16xi32>, vector<16xi32>], vector<16xf32>,
        %add3A_503 = arith.constant 32 : i32
        %add3A_504 = vector.broadcast %add3A_503 : i32 to vector<16xi32>
        %add3A_505 = arith.addi %iota3A, %add3A_504 : vector<16xi32>
        %add3A_506 = arith.constant 0 : i32
        %add3A_507 = vector.broadcast %add3A_506 : i32 to vector<16xi32>
        %add3A_508 = arith.addi %and3A_469, %add3A_507 : vector<16xi32>
        %gather3A_509 = tpu.vector_load_idx %arg4[%add3A_508, %add3A_505] : memref<32x128xf32, #tpu.memory_space<vmem>>[vector<16xi32>, vector<16xi32>], vector<16xf32>,
        %add3A_510 = arith.constant 1024 : i32
        %add3A_511 = vector.broadcast %add3A_510 : i32 to vector<16xi32>
        %add3A_512 = arith.addi %add3A_470, %add3A_511 : vector<16xi32>
        %shift_right_logical3A_513 = arith.constant 7 : i32
        %shift_right_logical3A_514 = vector.broadcast %shift_right_logical3A_513 : i32 to vector<16xi32>
        %shift_right_logical3A_515 = arith.shrui %add3A_512, %shift_right_logical3A_514 : vector<16xi32>
        %and3A_516 = arith.constant 127 : i32
        %and3A_517 = vector.broadcast %and3A_516 : i32 to vector<16xi32>
        %and3A_518 = arith.andi %add3A_512, %and3A_517 : vector<16xi32>
        tpu.vector_store_idx %arg6[%shift_right_logical3A_515, %and3A_518], %gather3A_509 : memref<32x128xf32, #tpu.memory_space<vmem>>[vector<16xi32>, vector<16xi32>], vector<16xf32>,
        %add3A_519 = arith.constant 48 : i32
        %add3A_520 = vector.broadcast %add3A_519 : i32 to vector<16xi32>
        %add3A_521 = arith.addi %iota3A, %add3A_520 : vector<16xi32>
        %add3A_522 = arith.constant 0 : i32
        %add3A_523 = vector.broadcast %add3A_522 : i32 to vector<16xi32>
        %add3A_524 = arith.addi %and3A_469, %add3A_523 : vector<16xi32>
        %gather3A_525 = tpu.vector_load_idx %arg4[%add3A_524, %add3A_521] : memref<32x128xf32, #tpu.memory_space<vmem>>[vector<16xi32>, vector<16xi32>], vector<16xf32>,
        %add3A_526 = arith.constant 1536 : i32
        %add3A_527 = vector.broadcast %add3A_526 : i32 to vector<16xi32>
        %add3A_528 = arith.addi %add3A_470, %add3A_527 : vector<16xi32>
        %shift_right_logical3A_529 = arith.constant 7 : i32
        %shift_right_logical3A_530 = vector.broadcast %shift_right_logical3A_529 : i32 to vector<16xi32>
        %shift_right_logical3A_531 = arith.shrui %add3A_528, %shift_right_logical3A_530 : vector<16xi32>
        %and3A_532 = arith.constant 127 : i32
        %and3A_533 = vector.broadcast %and3A_532 : i32 to vector<16xi32>
        %and3A_534 = arith.andi %add3A_528, %and3A_533 : vector<16xi32>
        tpu.vector_store_idx %arg6[%shift_right_logical3A_531, %and3A_534], %gather3A_525 : memref<32x128xf32, #tpu.memory_space<vmem>>[vector<16xi32>, vector<16xi32>], vector<16xf32>,
        %add3A_535 = arith.constant 0 : i32
        %add3A_536 = vector.broadcast %add3A_535 : i32 to vector<16xi32>
        %add3A_537 = arith.addi %iota3A, %add3A_536 : vector<16xi32>
        %add3A_538 = arith.constant 16 : i32
        %add3A_539 = vector.broadcast %add3A_538 : i32 to vector<16xi32>
        %add3A_540 = arith.addi %and3A_469, %add3A_539 : vector<16xi32>
        %gather3A_541 = tpu.vector_load_idx %arg4[%add3A_540, %add3A_537] : memref<32x128xf32, #tpu.memory_space<vmem>>[vector<16xi32>, vector<16xi32>], vector<16xf32>,
        %add3A_542 = arith.constant 16 : i32
        %add3A_543 = vector.broadcast %add3A_542 : i32 to vector<16xi32>
        %add3A_544 = arith.addi %add3A_470, %add3A_543 : vector<16xi32>
        %shift_right_logical3A_545 = arith.constant 7 : i32
        %shift_right_logical3A_546 = vector.broadcast %shift_right_logical3A_545 : i32 to vector<16xi32>
        %shift_right_logical3A_547 = arith.shrui %add3A_544, %shift_right_logical3A_546 : vector<16xi32>
        %and3A_548 = arith.constant 127 : i32
        %and3A_549 = vector.broadcast %and3A_548 : i32 to vector<16xi32>
        %and3A_550 = arith.andi %add3A_544, %and3A_549 : vector<16xi32>
        tpu.vector_store_idx %arg6[%shift_right_logical3A_547, %and3A_550], %gather3A_541 : memref<32x128xf32, #tpu.memory_space<vmem>>[vector<16xi32>, vector<16xi32>], vector<16xf32>,
        %add3A_551 = arith.constant 16 : i32
        %add3A_552 = vector.broadcast %add3A_551 : i32 to vector<16xi32>
        %add3A_553 = arith.addi %iota3A, %add3A_552 : vector<16xi32>
        %add3A_554 = arith.constant 16 : i32
        %add3A_555 = vector.broadcast %add3A_554 : i32 to vector<16xi32>
        %add3A_556 = arith.addi %and3A_469, %add3A_555 : vector<16xi32>
        %gather3A_557 = tpu.vector_load_idx %arg4[%add3A_556, %add3A_553] : memref<32x128xf32, #tpu.memory_space<vmem>>[vector<16xi32>, vector<16xi32>], vector<16xf32>,
        %add3A_558 = arith.constant 528 : i32
        %add3A_559 = vector.broadcast %add3A_558 : i32 to vector<16xi32>
        %add3A_560 = arith.addi %add3A_470, %add3A_559 : vector<16xi32>
        %shift_right_logical3A_561 = arith.constant 7 : i32
        %shift_right_logical3A_562 = vector.broadcast %shift_right_logical3A_561 : i32 to vector<16xi32>
        %shift_right_logical3A_563 = arith.shrui %add3A_560, %shift_right_logical3A_562 : vector<16xi32>
        %and3A_564 = arith.constant 127 : i32
        %and3A_565 = vector.broadcast %and3A_564 : i32 to vector<16xi32>
        %and3A_566 = arith.andi %add3A_560, %and3A_565 : vector<16xi32>
        tpu.vector_store_idx %arg6[%shift_right_logical3A_563, %and3A_566], %gather3A_557 : memref<32x128xf32, #tpu.memory_space<vmem>>[vector<16xi32>, vector<16xi32>], vector<16xf32>,
        %add3A_567 = arith.constant 32 : i32
        %add3A_568 = vector.broadcast %add3A_567 : i32 to vector<16xi32>
        %add3A_569 = arith.addi %iota3A, %add3A_568 : vector<16xi32>
        %add3A_570 = arith.constant 16 : i32
        %add3A_571 = vector.broadcast %add3A_570 : i32 to vector<16xi32>
        %add3A_572 = arith.addi %and3A_469, %add3A_571 : vector<16xi32>
        %gather3A_573 = tpu.vector_load_idx %arg4[%add3A_572, %add3A_569] : memref<32x128xf32, #tpu.memory_space<vmem>>[vector<16xi32>, vector<16xi32>], vector<16xf32>,
        %add3A_574 = arith.constant 1040 : i32
        %add3A_575 = vector.broadcast %add3A_574 : i32 to vector<16xi32>
        %add3A_576 = arith.addi %add3A_470, %add3A_575 : vector<16xi32>
        %shift_right_logical3A_577 = arith.constant 7 : i32
        %shift_right_logical3A_578 = vector.broadcast %shift_right_logical3A_577 : i32 to vector<16xi32>
        %shift_right_logical3A_579 = arith.shrui %add3A_576, %shift_right_logical3A_578 : vector<16xi32>
        %and3A_580 = arith.constant 127 : i32
        %and3A_581 = vector.broadcast %and3A_580 : i32 to vector<16xi32>
        %and3A_582 = arith.andi %add3A_576, %and3A_581 : vector<16xi32>
        tpu.vector_store_idx %arg6[%shift_right_logical3A_579, %and3A_582], %gather3A_573 : memref<32x128xf32, #tpu.memory_space<vmem>>[vector<16xi32>, vector<16xi32>], vector<16xf32>,
        %add3A_583 = arith.constant 48 : i32
        %add3A_584 = vector.broadcast %add3A_583 : i32 to vector<16xi32>
        %add3A_585 = arith.addi %iota3A, %add3A_584 : vector<16xi32>
        %add3A_586 = arith.constant 16 : i32
        %add3A_587 = vector.broadcast %add3A_586 : i32 to vector<16xi32>
        %add3A_588 = arith.addi %and3A_469, %add3A_587 : vector<16xi32>
        %gather3A_589 = tpu.vector_load_idx %arg4[%add3A_588, %add3A_585] : memref<32x128xf32, #tpu.memory_space<vmem>>[vector<16xi32>, vector<16xi32>], vector<16xf32>,
        %add3A_590 = arith.constant 1552 : i32
        %add3A_591 = vector.broadcast %add3A_590 : i32 to vector<16xi32>
        %add3A_592 = arith.addi %add3A_470, %add3A_591 : vector<16xi32>
        %shift_right_logical3A_593 = arith.constant 7 : i32
        %shift_right_logical3A_594 = vector.broadcast %shift_right_logical3A_593 : i32 to vector<16xi32>
        %shift_right_logical3A_595 = arith.shrui %add3A_592, %shift_right_logical3A_594 : vector<16xi32>
        %and3A_596 = arith.constant 127 : i32
        %and3A_597 = vector.broadcast %and3A_596 : i32 to vector<16xi32>
        %and3A_598 = arith.andi %add3A_592, %and3A_597 : vector<16xi32>
        tpu.vector_store_idx %arg6[%shift_right_logical3A_595, %and3A_598], %gather3A_589 : memref<32x128xf32, #tpu.memory_space<vmem>>[vector<16xi32>, vector<16xi32>], vector<16xf32>,
      }
      %scan3A_48 = arith.constant 4 : i32
      "tpu.region"() ({
        %run_scoped3A = tpu.sem_alloc : memref<!tpu.dma_semaphore, #tpu.memory_space<semaphore_mem>>
        %dma_start3A_49 = arith.constant 0 : i32
        %dma_start3A_50 = arith.constant 0 : i32
        %dma_start3A_51 = tpu.memref_slice %arg6[%dma_start3A_49, %dma_start3A_50] : memref<32x128xf32, #tpu.memory_space<vmem>> -> memref<16x128xf32, #tpu.memory_space<vmem>>
        %dma_start3A_52 = arith.constant 249984 : i32
        %dma_start3A_53 = arith.constant 0 : i32
        %dma_start3A_54 = tpu.memref_slice %arg3[%dma_start3A_52, %dma_start3A_53] : memref<250000x128xf32, #tpu.memory_space<hbm>> -> memref<16x128xf32, #tpu.memory_space<hbm>>
        %dma_start3A_55 = arith.constant 249984 : i32
        %dma_start3A_56 = arith.constant 0 : i32
        %dma_start3A_57 = tpu.memref_slice %arg3[%dma_start3A_55, %dma_start3A_56] : memref<250000x128xf32, #tpu.memory_space<hbm>> -> memref<16x128xf32, #tpu.memory_space<hbm>>
        %dma_start3A_58 = arith.constant 0 : i32
        %dma_start3A_59 = arith.constant 0 : i32
        %dma_start3A_60 = tpu.memref_slice %arg6[%dma_start3A_58, %dma_start3A_59] : memref<32x128xf32, #tpu.memory_space<vmem>> -> memref<16x128xf32, #tpu.memory_space<vmem>>
        tpu.enqueue_dma source(%dma_start3A_60 : memref<16x128xf32, #tpu.memory_space<vmem>>) target(%dma_start3A_57 : memref<16x128xf32, #tpu.memory_space<hbm>>) target_semaphore(%run_scoped3A : memref<!tpu.dma_semaphore, #tpu.memory_space<semaphore_mem>>)
        %dma_wait3A_61 = arith.constant 0 : i32
        %dma_wait3A_62 = arith.constant 0 : i32
        %dma_wait3A_63 = tpu.memref_slice %arg6[%dma_wait3A_61, %dma_wait3A_62] : memref<32x128xf32, #tpu.memory_space<vmem>> -> memref<16x128xf32, #tpu.memory_space<vmem>>
        %dma_wait3A_64 = arith.constant 249984 : i32
        %dma_wait3A_65 = arith.constant 0 : i32
        %dma_wait3A_66 = tpu.memref_slice %arg3[%dma_wait3A_64, %dma_wait3A_65] : memref<250000x128xf32, #tpu.memory_space<hbm>> -> memref<16x128xf32, #tpu.memory_space<hbm>>
        %dma_wait3A_67 = arith.constant 249984 : i32
        %dma_wait3A_68 = arith.constant 0 : i32
        %dma_wait3A_69 = tpu.memref_slice %arg3[%dma_wait3A_67, %dma_wait3A_68] : memref<250000x128xf32, #tpu.memory_space<hbm>> -> memref<16x128xf32, #tpu.memory_space<hbm>>
        %dma_wait3A_70 = arith.constant 0 : i32
        %dma_wait3A_71 = arith.constant 0 : i32
        %dma_wait3A_72 = tpu.memref_slice %arg6[%dma_wait3A_70, %dma_wait3A_71] : memref<32x128xf32, #tpu.memory_space<vmem>> -> memref<16x128xf32, #tpu.memory_space<vmem>>
        tpu.wait_dma2 semaphore(%run_scoped3A : memref<!tpu.dma_semaphore, #tpu.memory_space<semaphore_mem>>) src(%dma_wait3A_72 : memref<16x128xf32, #tpu.memory_space<vmem>>) dst(%dma_wait3A_69 : memref<16x128xf32, #tpu.memory_space<hbm>>)
        tpu.yield
      }) : () -> ()
    } else {
    }
    return
  }
}

</mosaic_0001>

<sc_bundles>
// kernel: _run.4.cloned.1.call-start
scs
__scs_entry_jumppad:
0x0: {  	(pc) =	sbr.rel $0x88, $3  }
0x1: {  	(tag) =	ssettag $0x0;
	lr =	simm.s32 $0x1  }
0x2: {  	[smem:$0x3F9F] =	sst lr;
	_ =	strace $0xD0000000  }
0x3: {  	_ = 	snop  }
0x4: {  	_ = 	snop  }
0x5: {  	_ = 	snop  }
0x6: {  	_ = 	snop  }
0x7: {  	_ = 	snop  }
__scs_overlays_trampoline_lowered:
0x8: {  	[smem:$0x3FAE] =	sst s0  }
0x9: {  	[smem:$0x3FAF] =	sst s1  }
0xa: {  	[smem:$0x3FB0] =	sst s2  }
0xb: {  	[smem:$0x3FB1] =	sst s3  }
0xc: {  	[smem:$0x3FB2] =	sst s4  }
0xd: {  	[smem:$0x3FB3] =	sst s5  }
0xe: {  	[smem:$0x3FB4] =	sst s6  }
0xf: {  	[smem:$0x3FB5] =	sst s7  }
0x10: {  	[smem:$0x3FB6] =	sst s8  }
0x11: {  	[smem:$0x3FB7] =	sst s9;
	s0 =	simm.s32 @!p0 $0x0  }
0x12: {  	s1 =	sld [smem:$0x3F9D];
	s0 =	simm.s32 @p0 $0x1  }
0x13: {  	[smem:$0x3FB8] =	sst s0;
	s0 =	simm.s32 @!p1 $0x0  }
0x14: {  	s2 =	sld [smem:$0x3F9C];
	s0 =	simm.s32 @p1 $0x1  }
0x15: {  	[smem:$0x3FB9] =	sst s0;
	s0 =	simm.s32 @!p2 $0x0  }
0x16: {  	s3 =	sld [smem:$0x3FDB];
	s0 =	simm.s32 @p2 $0x1  }
0x17: {  	s4 =	simm.s32 $0x1BF5;
	[smem:$0x3FBB] =	sst s0  }
0x18: {  	s0 =	sld [smem:$0x3F9E];
	_ =	swait.ge [sflag:s4], $0x0  }
0x19: {  	s7 =	sld [smem:$0x3F9F]  }
0x1a: {  	s8 =	sadd.s32 $0xFFFFE003, lr  }
0x1b: {  	s9 =	sadd.s32 $0xFFFFFEF7, lr;
	s5 =	simm.s32 $0xFFFFFFFF;
	p2 =	slt.u32 s8, $0xFFFFF086  }
0x1c: {  	p1 =	slt.u32 s9, $0xF7A;
	s5 =	simm.s32 @!p2 $0x0  }
0x1d: {  	s5 =	simm.s32 @p1 $0x1;
	p0 =	seq.s32 s7, s2  }
0x1e: {  	s7 =	smul.u32 @!p0 $0xF7A, s2;
	p2 =	seq.s32 @!p0 s5, $0x0  }
0x1f: {  	s9 =	smul.u32 $0xF7A, s1;
	s8 =	simm.s32 @!p0 $0x1BF5;
	p2 =	por !p2, p0  }
0x20: {  	[sflag:s8] =	ssyncset.s32 @!p0 $0xFFFFF086;
	s6 =	sadd.s32 @!p0 s3, s7;
	s7 =	simm.s32 @!p0 $0x108  }
0x21: {  	s3 =	sadd.s32 s3, s9;
	s6 =	sadd.s32 @!p0 $0x88, s6;
	s7 =	simm.s32 @p2 $0x1082  }
0x22: {  	[simem:s7], [sflag:s8] =	dma.local @!p0 [hbm:s6], $0xF7A  }
0x23: {  	s9 =	sor.u32 $0xD0000000, s2;
	s6 =	simm.s32 $0x108;
	_ =	swait.ge @!p0 [sflag:s8], $0x0  }
0x24: {  	s3 =	sadd.s32 $0x88, s3;
	s6 =	simm.s32 @!p1 $0x1082;
	[sflag:s4] =	ssyncset.s32 $0xFFFFF086  }
0x25: {  	[simem:s6], [sflag:s4] =	dma.local [hbm:s3], $0xF7A  }
0x26: {  	[smem:$0x3F9F] =	sst s1;
	(tag) =	ssettag s2;
	_ =	strace s9  }
0x27: {  	s1 =	sld [smem:$0x3FAF]  }
0x28: {  	s2 =	sld [smem:$0x3FB0]  }
0x29: {  	s4 =	sld [smem:$0x3FB2]  }
0x2a: {  	p0 =	seq.s32 s5, $0x0;
	s5 =	sld [smem:$0x3FB3]  }
0x2b: {  	s6 =	sld [smem:$0x3FB4]  }
0x2c: {  	s7 =	sld [smem:$0x3FB5]  }
0x2d: {  	s3 =	simm.s32 $0x108;
	s8 =	sld [smem:$0x3FB6]  }
0x2e: {  	s3 =	simm.s32 @!p0 $0x1082;
	s9 =	sld [smem:$0x3FB7]  }
0x2f: {  	lr =	sadd.s32 s0, s3;
	s0 =	sld [smem:$0x3FAE]  }
0x30: {  	s3 =	sld [smem:$0x3FB1]  }
0x31: {  	[smem:$0x3FBA] =	sst s10  }
0x32: {  	s10 =	sld [smem:$0x3FB8];
	_ =	sdelay $0x3  }
0x33: {  	p0 =	seq.s32 s10, $0x1;
	s10 =	sld [smem:$0x3FBA];
	_ =	sdelay $0x3  }
0x34: {  	[smem:$0x3FBA] =	sst s10  }
0x35: {  	s10 =	sld [smem:$0x3FB9];
	_ =	sdelay $0x3  }
0x36: {  	p1 =	seq.s32 s10, $0x1;
	s10 =	sld [smem:$0x3FBA];
	_ =	sdelay $0x3  }
0x37: {  	[smem:$0x3FBA] =	sst s10  }
0x38: {  	s10 =	sld [smem:$0x3FBB]  }
0x39: {  	_ = 	snop;
	(pc) =	sbr.ind lr, $3  }
0x3a: {  	_ = 	snop  }
0x3b: {  	_ = 	snop  }
0x3c: {  	p2 =	seq.s32 s10, $0x1;
	s10 =	sld [smem:$0x3FBA]  }
0x3d: {  	_ =	shalt  }
0x3e: {  	_ =	shalt  }
0x3f: {  	_ =	shalt  }
0x40: {  	_ =	shalt  }
0x41: {  	_ =	shalt  }
0x42: {  	_ =	shalt  }
0x43: {  	_ =	shalt  }
0x44: {  	_ =	shalt  }
0x45: {  	_ =	shalt  }
0x46: {  	_ =	shalt  }
0x47: {  	_ =	shalt  }
0x48: {  	_ =	shalt  }
0x49: {  	_ =	shalt  }
0x4a: {  	_ =	shalt  }
0x4b: {  	_ =	shalt  }
0x4c: {  	_ =	shalt  }
0x4d: {  	_ =	shalt  }
0x4e: {  	_ =	shalt  }
0x4f: {  	_ =	shalt  }
0x50: {  	_ =	shalt  }
0x51: {  	_ =	shalt  }
0x52: {  	_ =	shalt  }
0x53: {  	_ =	shalt  }
0x54: {  	_ =	shalt  }
0x55: {  	_ =	shalt  }
0x56: {  	_ =	shalt  }
0x57: {  	_ =	shalt  }
0x58: {  	_ =	shalt  }
0x59: {  	_ =	shalt  }
0x5a: {  	_ =	shalt  }
0x5b: {  	_ =	shalt  }
0x5c: {  	_ =	shalt  }
0x5d: {  	_ =	shalt  }
0x5e: {  	_ =	shalt  }
0x5f: {  	_ =	shalt  }
0x60: {  	_ =	shalt  }
0x61: {  	_ =	shalt  }
0x62: {  	_ =	shalt  }
0x63: {  	_ =	shalt  }
0x64: {  	_ =	shalt  }
0x65: {  	_ =	shalt  }
0x66: {  	_ =	shalt  }
0x67: {  	_ =	shalt  }
0x68: {  	_ =	shalt  }
0x69: {  	_ =	shalt  }
0x6a: {  	_ =	shalt  }
0x6b: {  	_ =	shalt  }
0x6c: {  	_ =	shalt  }
0x6d: {  	_ =	shalt  }
0x6e: {  	_ =	shalt  }
0x6f: {  	_ =	shalt  }
0x70: {  	_ =	shalt  }
0x71: {  	_ =	shalt  }
0x72: {  	_ =	shalt  }
0x73: {  	_ =	shalt  }
0x74: {  	_ =	shalt  }
0x75: {  	_ =	shalt  }
0x76: {  	_ =	shalt  }
0x77: {  	_ =	shalt  }
0x78: {  	_ =	shalt  }
0x79: {  	_ =	shalt  }
0x7a: {  	_ =	shalt  }
0x7b: {  	_ =	shalt  }
0x7c: {  	_ =	shalt  }
0x7d: {  	_ =	shalt  }
0x7e: {  	_ =	shalt  }
0x7f: {  	_ =	shalt  }
0x80: {  	_ =	shalt  }
0x81: {  	_ =	shalt  }
0x82: {  	_ =	shalt  }
0x83: {  	_ =	shalt  }
0x84: {  	_ =	shalt  }
0x85: {  	_ =	shalt  }
0x86: {  	_ =	shalt  }
0x87: {  	_ =	shalt  }
.Lfunc_end0:
.L_simem_size_0:
called_computation_lowered:
.L_overlay_start_0:
0x88: {  	s2 =	sld [smem:$0x3FD9]  }
0x89: {  	s3 =	sld [smem:$0x3FFE];
	_ =	sdelay $0x1  }
0x8a: {  	s1 =	srdreg.scid  }
0x8b: {  	s0 =	sand.u32 $0x1, s1  }
0x8c: {  	s17 =	sshll.u32 s0, $0xA;
	s2 =	sadd.s32 s3, s2  }
0x8d: {  	s2 =	sadd.s32 s2, s17  }
0x8e: {  	[smem:$0x3FC6] =	sst s2  }
0x8f: {  	_ = 	snop  }
0x90: {  	s2 =	sld [smem:$0x3FC9];
	(tm) =	ssettm $0x1  }
0x91: {  	s18 =	sld [smem:$0x3FFB];
	_ =	sdelay $0x3  }
0x92: {  	_ =	strace s18  }
0x93: {  	s3 =	sld [smem:$0x3FFC];
	_ =	sdelay $0x3  }
0x94: {  	_ =	strace s3  }
0x95: {  	s3 =	sld [smem:$0x3FFD];
	_ =	sdelay $0x3  }
0x96: {  	_ =	strace s3  }
0x97: {  	_ =	strace $0x8FFFFFFF  }
0x98: {  	s19 =	sld [smem:$0x3FDB];
	_ =	sdelay $0x1  }
0x99: {  	s4 =	simm.s32 $_scs_section_size  }
0x9a: {  	s5 =	simm.s32 $_size__tile_overlayer_lowered;
	s6 =	simm.s32 $_tile_overlayer_lowered  }
0x9b: {  	s22 =	simm.s32 $0x1BFF;
	s21 =	sshll.u32 s6, $0x1;
	s3 =	sadd.s32 s4, s19  }
0x9c: {  	s7 =	simm.s32 $0x0;
	s20 =	sshll.u32 s5, $0x1;
	s5 =	sadd.s32 s21, s3  }
0x9d: {  	[timem:s7], [sflag:s22] =	dma.local [hbm:s5], s20  }
0x9e: {  	_ =	swait.ge [sflag:s22], s20  }
0x9f: {  	s4 =	ssub.s32 $0x0, s20;
	[sflag:s22] =	ssyncset.done $0x0  }
0xa0: {  	[sflag:s22] =	ssyncadd.s32 s4;
	_ =	sdelay $0x1  }
0xa1: {  	s23 =	simm.s32 $0x1B8B  }
0xa2: {  	_ =	swait.ge [sflag:s23], $0x1  }
0xa3: {  	[sflag:s23] =	ssyncset.done $0x0  }
0xa4: {  	s25 =	simm.s32 $0x1B8E;
	s24 =	sld [smem:$0x3FFE];
	[sflag:s23] =	ssyncadd.s32 $0xFFFFFFFF  }
0xa5: {  	s26 =	simm.s32 $execute0_lowered;
	[smem:$0x3FD2] =	sst s25  }
0xa6: {  	s5 =	sshll.u32 s26, $0x1;
	_ =	strace $0x80000046;
	[dreg:$0x1] =	wrdreg $0xFFFFFFFF  }
0xa7: {  	s28 =	simm.s32 $_size_execute0_lowered;
	s3 =	sadd.s32 s3, s5;
	[dreg:$0x0] =	wrdreg $0x0  }
0xa8: {  	s5 =	sshll.u32 s28, $0x1;
	[dreg:$0x2] =	wrdreg s3  }
0xa9: {  	[dreg:$0x3] =	wrdreg s5  }
0xaa: {  	[dreg:$0x4] =	wrdreg $0xC0  }
0xab: {  	_ =	task [dreg:s7], $0x5FFFF  }
0xac: {  	[dreg:$0x1] =	wrdreg $0xFFFFFFFF  }
0xad: {  	[dreg:$0x0] =	wrdreg $0x60  }
0xae: {  	[dreg:$0x2] =	wrdreg s2  }
0xaf: {  	[dreg:$0x3] =	wrdreg s24  }
0xb0: {  	[dreg:$0x4] =	wrdreg $0x9  }
0xb1: {  	_ =	task.clear_ibuf [dreg:s7], $0x5FFFF;
	_ =	strace $0x90000046  }
0xb2: {  	s29 =	simm.s32 $0x9;
	_ =	strace $0x80000048  }
0xb3: {  	_ =	swait.ge [sflag:s29], $0x1  }
0xb4: {  	[sflag:s29] =	ssyncadd.s32 $0xFFFFFFFF  }
0xb5: {  	_ =	strace $0x90000048  }
0xb6: {  	_ =	sfence  }
0xb7: {  	s30 =	sld [smem:$0x0];
	_ =	sdelay $0x2  }
0xb8: {  	s31 =	sshll.u32 s1, $0xD;
	s1 =	sshrl.u32 s1, $0x2  }
0xb9: {  	s3 =	sand.u32 $0x4000, s31;
	s1 =	sadd.s32 s1, s30  }
0xba: {  	s0 =	sor.u32 s3, s0;
	s1 =	sshll.u32 s1, $0x11  }
0xbb: {  	s0 =	sor.u32 s1, s0  }
0xbc: {  	s0 =	sadd.s32 $0x8F2B, s0  }
0xbd: {  	[sflag:s0] =	ssyncadd.remote.s32 $0x1  }
0xbe: {  	_ =	sfence.sel $0xFFFF  }
0xbf: {  	[dreg:$0x0] =	wrdreg $0xFFFFFFFF;
	(pc) =	sbr.abs _section_cstart, $3  }
0xc0: {  	[dreg:$0x1] =	wrdreg $0xFFFFFFFF  }
0xc1: {  	_ =	task.clear_ibuf [dreg:s7], $0x2FFFF;
	_ =	strace $0x9FFFFFFF  }
0xc2: {  	(tm) =	ssettm $0x7FFFFFFF  }
0xc3: {  	_ =	shalt  }
tec
execute0_lowered:
.L_overlay_start_1:
0x0: {  	(tag) =	ssettag $0x1  }
0x1: {  	s1 =	rddreg [dreg:$0x0]  }
0x2: {  	v0 =	vlaneseq.u32;
	s9 =	rddreg [dreg:$0x1]  }
0x3: {  	s0 =	rddreg [dreg:$0x2];
	s3 =	simm.s32 $0x0;
	v1 =	vmul.u32 $0x20, v0  }
0x4: {  	s4 =	srdreg.scid;
	s2 =	stileid.u32;
	s11 =	simm.s32 $0x400;
	v2 =	vor.u32 $0x10, v0;
	v4 =	vor.u32 $0x20, v0;
	v6 =	vor.u32 $0x30, v0  }
0x5: {  	s12 =	simm.s32 $0x7A1400;
	s13 =	simm.s32 $0x1;
	s14 =	simm.s32 $0x2000;
	v8 =	vor.u32 $0x40, v0;
	v10 =	vor.u32 $0x50, v0;
	v12 =	vor.u32 $0x60, v0  }
0x6: {  	s15 =	simm.s32 $0x2;
	s16 =	simm.s32 $0x1000;
	s17 =	simm.s32 $0x3000;
	v14 =	vor.u32 $0x70, v0;
	v16 =	vor.u32 $0x800, v0;
	v18 =	vor.u32 $0x810, v0  }
0x7: {  	s18 =	simm.s32 $0x3;
	s19 =	simm.s32 $0x4;
	s20 =	simm.s32 $0x5;
	v20 =	vor.u32 $0x820, v0;
	v22 =	vor.u32 $0x830, v0;
	v24 =	vor.u32 $0x840, v0  }
0x8: {  	s21 =	simm.s32 $0x0;
	[smem:$0x7FF] =	sst s3;
	s4 =	sand.u32 $0x1, s4;
	v26 =	vor.u32 $0x850, v0;
	v28 =	vor.u32 $0x860, v0;
	v30 =	vor.u32 $0x870, v0  }
.Ltmp0:
0x9: {  	s5 =	sshll.u32 s2, $0x1;
	_ =	strace $0x80000047;
	v3 =	vor.u32 $0x200, v1;
	v5 =	vor.u32 $0x400, v1;
	v7 =	vor.u32 $0x600, v1;
	(pc) =	sbr.rel .LBB2_1-.Ltmp0, $4  }
0xa: {  	s6 =	ssub.s32 $0x2, s4;
	s4 =	sor.u32 s4, s5;
	s5 =	sadd.s32 $0x800, s9;
	v9 =	vor.u32 $0x800, v1;
	v11 =	vor.u32 $0xA00, v1;
	v13 =	vor.u32 $0xC00, v1  }
0xb: {  	s9 =	sadd.s32 $0x3D1000, s9;
	s7 =	sshrl.u32 s6, $0x1;
	s8 =	sshll.u32 s4, $0x7;
	v15 =	vor.u32 $0xE00, v1;
	v17 =	vor.u32 $0x10, v1;
	v19 =	vor.u32 $0x210, v1  }
0xc: {  	v21 =	vor.u32 $0x410, v1;
	v23 =	vor.u32 $0x610, v1;
	v25 =	vor.u32 $0x810, v1;
	p0 =	sne.s32 s4, $0x0;
	s10 =	ssub.s32 s6, s7;
	s6 =	sadd.s32 s1, s8  }
0xd: {  	v27 =	vor.u32 $0xA10, v1;
	v29 =	vor.u32 $0xC10, v1;
	v31 =	vor.u32 $0xE10, v1;
	s7 =	sor.u32 $0x40, s4;
	s8 =	sadd.s32 $0xF4200, s1;
	s10 =	smax.u32 s10, $0x1  }
.LBB2_10:
0xe: {  	_ =	swait.ge [sflag:s18], $0x1000  }
.Ltmp1:
0xf: {  	[sflag:s18] =	ssyncset.done $0x0;
	(pc) =	sbr.rel @!p0 .LBB2_11-.Ltmp1, $4  }
0x10: {  	[sflag:s18] =	ssyncadd.s32 $0xFFFFF000  }
0x11: {  	_ =	swait.ge [sflag:s19], $0x1000  }
0x12: {  	[sflag:s19] =	ssyncset.done $0x0  }
0x13: {  	[sflag:s19] =	ssyncadd.s32 $0xFFFFF000  }
.LBB2_14:
0x14: {  	s21 =	sadd.s32 $0x1, s21  }
0x15: {  	p1 =	sne.s32 s21, s10  }
.Ltmp2:
0x16: {  	_ = 	snop;
	(pc) =	sbr.rel @!p1 .LBB2_15-.Ltmp2, $1  }
0x17: {  	_ =	sdelay $0x3  }
.LBB2_1:
.Ltmp3:
0x18: {  	(pc) =	sbr.rel .LBB2_2-.Ltmp3, $3  }
0x19: {  	_ =	sdelay $0x1  }
0x1a: {  	[tilespmem:s3], [sflag:$0x1] =	stream.strided.gather [hbm4b:s6+s11], $0x1000, s12, s11, $0x38;
	[tilespmem:$0x4000] =	vst v63  }
0x1b: {  	s22 =	simm.s32 $0x0  }
.LBB2_9:
0x1c: {  	s22 =	sadd.s32 $0x1, s22  }
0x1d: {  	p1 =	sne.s32 s22, $0x7B  }
.Ltmp4:
0x1e: {  	_ = 	snop;
	(pc) =	sbr.rel @!p1 .LBB2_10-.Ltmp4, $1  }
0x1f: {  	_ =	sdelay $0x3  }
.LBB2_2:
0x20: {  	s24 =	sshll.u32 s22, $0x6  }
0x21: {  	s25 =	sor.u32 s4, s24  }
0x22: {  	p1 =	sgt.u32 s25, $0x1E83  }
.Ltmp5:
0x23: {  	_ = 	snop;
	(pc) =	sbr.rel @p1 .LBB2_9-.Ltmp5, $1  }
0x24: {  	_ =	sdelay $0x3  }
0x25: {  	s23 =	sor.u32 $0x20, s25  }
0x26: {  	p2 =	sgt.u32 s23, $0x1E83  }
0x27: {  	s28 =	simm.s32 $0x0;
	s26 =	sshll.u32 @!p2 s23, $0x7;
	s29 =	simm.s32 @!p2 $0x400  }
0x28: {  	v32 =	vadd.s32 s28, v0;
	s30 =	simm.s32 @!p2 $0x7A1400;
	s28 =	simm.s32 @!p2 $0x1000;
	s26 =	sadd.s32 @!p2 s1, s26  }
0x29: {  	v33 =	vand.u32 $0xF, v32;
	[tilespmem:s28], [sflag:$0x2] =	stream.strided.gather @!p2 [hbm4b:s26+s29], $0x1000, s30, s29, $0x38;
	[tilespmem:$0x4000] =	vst v63  }
0x2a: {  	v34 =	vshll.u32 v33, $0x7;
	_ =	swait.ge [sflag:s13], $0x1000  }
0x2b: {  	p1 =	seq.s32 s22, $0x0;
	v35 =	vor.u32 v0, v34;
	[sflag:s13] =	ssyncset.done $0x0  }
0x2c: {  	s26 =	simm.s32 @!p1 $0x3;
	[sflag:s13] =	ssyncadd.s32 $0xFFFFF000  }
0x2d: {  	_ =	swait.ge @!p1 [sflag:s26], $0x1000  }
0x2e: {  	[sflag:s26] =	ssyncset.done @!p1 $0x0  }
0x2f: {  	[sflag:s26] =	ssyncadd.s32 @!p1 $0xFFFFF000  }
0x30: {  	v36 =	vor.u32 v1, v33;
	v35 =	vld.idx.msk [tilespmem:v35+s3+$0x0], $0xffff  }
0x31: {  	v37 =	vor.u32 v2, v34;
	_ =	sdelay $0x3  }
0x32: {  	[tilespmem:v36+s14+$0x0] =	vst.idx.msk $0xffff, v35  }
0x33: {  	v41 =	vor.u32 v3, v33;
	v35 =	vld.idx.msk [tilespmem:v37+s3+$0x0], $0xffff  }
0x34: {  	v42 =	vor.u32 v4, v34;
	_ =	sdelay $0x3  }
0x35: {  	[tilespmem:v41+s14+$0x0] =	vst.idx.msk $0xffff, v35  }
0x36: {  	v43 =	vor.u32 v5, v33;
	v35 =	vld.idx.msk [tilespmem:v42+s3+$0x0], $0xffff  }
0x37: {  	v44 =	vor.u32 v6, v34;
	_ =	sdelay $0x3  }
0x38: {  	[tilespmem:v43+s14+$0x0] =	vst.idx.msk $0xffff, v35  }
0x39: {  	v45 =	vor.u32 v7, v33;
	v35 =	vld.idx.msk [tilespmem:v44+s3+$0x0], $0xffff  }
0x3a: {  	v46 =	vor.u32 v8, v34;
	_ =	sdelay $0x3  }
0x3b: {  	[tilespmem:v45+s14+$0x0] =	vst.idx.msk $0xffff, v35  }
0x3c: {  	v47 =	vor.u32 v9, v33;
	v35 =	vld.idx.msk [tilespmem:v46+s3+$0x0], $0xffff  }
0x3d: {  	v48 =	vor.u32 v10, v34;
	_ =	sdelay $0x3  }
0x3e: {  	[tilespmem:v47+s14+$0x0] =	vst.idx.msk $0xffff, v35  }
0x3f: {  	v49 =	vor.u32 v11, v33;
	v35 =	vld.idx.msk [tilespmem:v48+s3+$0x0], $0xffff  }
0x40: {  	v50 =	vor.u32 v12, v34;
	_ =	sdelay $0x3  }
0x41: {  	[tilespmem:v49+s14+$0x0] =	vst.idx.msk $0xffff, v35  }
0x42: {  	v51 =	vor.u32 v13, v33;
	v35 =	vld.idx.msk [tilespmem:v50+s3+$0x0], $0xffff  }
0x43: {  	v52 =	vor.u32 v14, v34;
	_ =	sdelay $0x3  }
0x44: {  	[tilespmem:v51+s14+$0x0] =	vst.idx.msk $0xffff, v35  }
0x45: {  	v33 =	vor.u32 v15, v33;
	v35 =	vld.idx.msk [tilespmem:v52+s3+$0x0], $0xffff  }
0x46: {  	v53 =	vor.u32 v16, v34;
	_ =	sdelay $0x3  }
0x47: {  	[tilespmem:v33+s14+$0x0] =	vst.idx.msk $0xffff, v35  }
0x48: {  	v54 =	vor.u32 v17, v32;
	v33 =	vld.idx.msk [tilespmem:v53+s3+$0x0], $0xffff  }
0x49: {  	v55 =	vor.u32 v18, v34;
	_ =	sdelay $0x3  }
0x4a: {  	[tilespmem:v54+s14+$0x0] =	vst.idx.msk $0xffff, v33  }
0x4b: {  	v56 =	vor.u32 v19, v32;
	v33 =	vld.idx.msk [tilespmem:v55+s3+$0x0], $0xffff  }
0x4c: {  	v57 =	vor.u32 v20, v34;
	_ =	sdelay $0x3  }
0x4d: {  	[tilespmem:v56+s14+$0x0] =	vst.idx.msk $0xffff, v33  }
0x4e: {  	v58 =	vor.u32 v21, v32;
	v33 =	vld.idx.msk [tilespmem:v57+s3+$0x0], $0xffff  }
0x4f: {  	v59 =	vor.u32 v22, v34;
	_ =	sdelay $0x3  }
0x50: {  	[tilespmem:v58+s14+$0x0] =	vst.idx.msk $0xffff, v33  }
0x51: {  	v60 =	vor.u32 v23, v32;
	v33 =	vld.idx.msk [tilespmem:v59+s3+$0x0], $0xffff  }
0x52: {  	v61 =	vor.u32 v24, v34;
	_ =	sdelay $0x3  }
0x53: {  	[tilespmem:v60+s14+$0x0] =	vst.idx.msk $0xffff, v33  }
0x54: {  	v62 =	vor.u32 v25, v32;
	v33 =	vld.idx.msk [tilespmem:v61+s3+$0x0], $0xffff  }
0x55: {  	v63 =	vor.u32 v26, v34;
	_ =	sdelay $0x3  }
0x56: {  	[tilespmem:v62+s14+$0x0] =	vst.idx.msk $0xffff, v33  }
0x57: {  	v40 =	vor.u32 v27, v32;
	v33 =	vld.idx.msk [tilespmem:v63+s3+$0x0], $0xffff  }
0x58: {  	v41 =	vor.u32 v28, v34;
	_ =	sdelay $0x3  }
0x59: {  	[tilespmem:v40+s14+$0x0] =	vst.idx.msk $0xffff, v33  }
0x5a: {  	v42 =	vor.u32 v29, v32;
	v33 =	vld.idx.msk [tilespmem:v41+s3+$0x0], $0xffff  }
0x5b: {  	v34 =	vor.u32 v30, v34;
	_ =	sdelay $0x1  }
0x5c: {  	s29 =	simm.s32 $0x1  }
0x5d: {  	v43 =	vadd.s32 s29, v0  }
0x5e: {  	[tilespmem:v42+s14+$0x0] =	vst.idx.msk $0xffff, v33;
	v33 =	vand.u32 $0xF, v43  }
0x5f: {  	v32 =	vor.u32 v31, v32;
	v34 =	vld.idx.msk [tilespmem:v34+s3+$0x0], $0xffff;
	v35 =	vshll.u32 v33, $0x7  }
0x60: {  	v44 =	vor.u32 v0, v35;
	_ =	sdelay $0x3  }
0x61: {  	[tilespmem:v32+s14+$0x0] =	vst.idx.msk $0xffff, v34  }
0x62: {  	v45 =	vor.u32 v1, v33;
	v32 =	vld.idx.msk [tilespmem:v44+s3+$0x0], $0xffff  }
0x63: {  	v46 =	vor.u32 v2, v35;
	_ =	sdelay $0x3  }
0x64: {  	[tilespmem:v45+s14+$0x0] =	vst.idx.msk $0xffff, v32  }
0x65: {  	v47 =	vor.u32 v3, v33;
	v32 =	vld.idx.msk [tilespmem:v46+s3+$0x0], $0xffff  }
0x66: {  	v48 =	vor.u32 v4, v35;
	_ =	sdelay $0x3  }
0x67: {  	[tilespmem:v47+s14+$0x0] =	vst.idx.msk $0xffff, v32  }
0x68: {  	v49 =	vor.u32 v5, v33;
	v32 =	vld.idx.msk [tilespmem:v48+s3+$0x0], $0xffff  }
0x69: {  	v50 =	vor.u32 v6, v35;
	_ =	sdelay $0x3  }
0x6a: {  	[tilespmem:v49+s14+$0x0] =	vst.idx.msk $0xffff, v32  }
0x6b: {  	v51 =	vor.u32 v7, v33;
	v32 =	vld.idx.msk [tilespmem:v50+s3+$0x0], $0xffff  }
0x6c: {  	v52 =	vor.u32 v8, v35;
	_ =	sdelay $0x3  }
0x6d: {  	[tilespmem:v51+s14+$0x0] =	vst.idx.msk $0xffff, v32  }
0x6e: {  	v53 =	vor.u32 v9, v33;
	v32 =	vld.idx.msk [tilespmem:v52+s3+$0x0], $0xffff  }
0x6f: {  	v54 =	vor.u32 v10, v35;
	_ =	sdelay $0x3  }
0x70: {  	[tilespmem:v53+s14+$0x0] =	vst.idx.msk $0xffff, v32  }
0x71: {  	v55 =	vor.u32 v11, v33;
	v32 =	vld.idx.msk [tilespmem:v54+s3+$0x0], $0xffff  }
0x72: {  	v56 =	vor.u32 v12, v35;
	_ =	sdelay $0x3  }
0x73: {  	[tilespmem:v55+s14+$0x0] =	vst.idx.msk $0xffff, v32  }
0x74: {  	v57 =	vor.u32 v13, v33;
	v32 =	vld.idx.msk [tilespmem:v56+s3+$0x0], $0xffff  }
0x75: {  	v58 =	vor.u32 v14, v35;
	_ =	sdelay $0x3  }
0x76: {  	[tilespmem:v57+s14+$0x0] =	vst.idx.msk $0xffff, v32  }
0x77: {  	v59 =	vor.u32 v15, v33;
	v32 =	vld.idx.msk [tilespmem:v58+s3+$0x0], $0xffff  }
0x78: {  	v60 =	vor.u32 v16, v35;
	_ =	sdelay $0x3  }
0x79: {  	[tilespmem:v59+s14+$0x0] =	vst.idx.msk $0xffff, v32  }
0x7a: {  	v61 =	vor.u32 v17, v33;
	v32 =	vld.idx.msk [tilespmem:v60+s3+$0x0], $0xffff  }
0x7b: {  	v62 =	vor.u32 v18, v35;
	_ =	sdelay $0x3  }
0x7c: {  	[tilespmem:v61+s14+$0x0] =	vst.idx.msk $0xffff, v32  }
0x7d: {  	v63 =	vor.u32 v19, v33;
	v32 =	vld.idx.msk [tilespmem:v62+s3+$0x0], $0xffff  }
0x7e: {  	v40 =	vor.u32 v20, v35;
	_ =	sdelay $0x3  }
0x7f: {  	[tilespmem:v63+s14+$0x0] =	vst.idx.msk $0xffff, v32  }
0x80: {  	v41 =	vor.u32 v21, v33;
	v32 =	vld.idx.msk [tilespmem:v40+s3+$0x0], $0xffff  }
0x81: {  	v42 =	vor.u32 v22, v35;
	_ =	sdelay $0x3  }
0x82: {  	[tilespmem:v41+s14+$0x0] =	vst.idx.msk $0xffff, v32  }
0x83: {  	v43 =	vor.u32 v23, v33;
	v32 =	vld.idx.msk [tilespmem:v42+s3+$0x0], $0xffff  }
0x84: {  	v44 =	vor.u32 v24, v35;
	_ =	sdelay $0x3  }
0x85: {  	[tilespmem:v43+s14+$0x0] =	vst.idx.msk $0xffff, v32  }
0x86: {  	v45 =	vor.u32 v25, v33;
	v32 =	vld.idx.msk [tilespmem:v44+s3+$0x0], $0xffff  }
0x87: {  	v46 =	vor.u32 v26, v35;
	_ =	sdelay $0x3  }
0x88: {  	[tilespmem:v45+s14+$0x0] =	vst.idx.msk $0xffff, v32  }
0x89: {  	v47 =	vor.u32 v27, v33;
	v32 =	vld.idx.msk [tilespmem:v46+s3+$0x0], $0xffff  }
0x8a: {  	v48 =	vor.u32 v28, v35;
	_ =	sdelay $0x3  }
0x8b: {  	[tilespmem:v47+s14+$0x0] =	vst.idx.msk $0xffff, v32  }
0x8c: {  	v49 =	vor.u32 v29, v33;
	v32 =	vld.idx.msk [tilespmem:v48+s3+$0x0], $0xffff  }
0x8d: {  	v35 =	vor.u32 v30, v35;
	_ =	sdelay $0x1  }
0x8e: {  	s30 =	simm.s32 $0x2  }
0x8f: {  	v50 =	vadd.s32 s30, v0  }
0x90: {  	[tilespmem:v49+s14+$0x0] =	vst.idx.msk $0xffff, v32;
	v32 =	vand.u32 $0xF, v50  }
0x91: {  	v33 =	vor.u32 v31, v33;
	v34 =	vld.idx.msk [tilespmem:v35+s3+$0x0], $0xffff;
	v35 =	vshll.u32 v32, $0x7  }
0x92: {  	v51 =	vor.u32 v0, v35;
	_ =	sdelay $0x3  }
0x93: {  	[tilespmem:v33+s14+$0x0] =	vst.idx.msk $0xffff, v34  }
0x94: {  	v52 =	vor.u32 v1, v32;
	v33 =	vld.idx.msk [tilespmem:v51+s3+$0x0], $0xffff  }
0x95: {  	v53 =	vor.u32 v2, v35;
	_ =	sdelay $0x3  }
0x96: {  	[tilespmem:v52+s14+$0x0] =	vst.idx.msk $0xffff, v33  }
0x97: {  	v54 =	vor.u32 v3, v32;
	v33 =	vld.idx.msk [tilespmem:v53+s3+$0x0], $0xffff  }
0x98: {  	v55 =	vor.u32 v4, v35;
	_ =	sdelay $0x3  }
0x99: {  	[tilespmem:v54+s14+$0x0] =	vst.idx.msk $0xffff, v33  }
0x9a: {  	v56 =	vor.u32 v5, v32;
	v33 =	vld.idx.msk [tilespmem:v55+s3+$0x0], $0xffff  }
0x9b: {  	v57 =	vor.u32 v6, v35;
	_ =	sdelay $0x3  }
0x9c: {  	[tilespmem:v56+s14+$0x0] =	vst.idx.msk $0xffff, v33  }
0x9d: {  	v58 =	vor.u32 v7, v32;
	v33 =	vld.idx.msk [tilespmem:v57+s3+$0x0], $0xffff  }
0x9e: {  	v59 =	vor.u32 v8, v35;
	_ =	sdelay $0x3  }
0x9f: {  	[tilespmem:v58+s14+$0x0] =	vst.idx.msk $0xffff, v33  }
0xa0: {  	v60 =	vor.u32 v9, v32;
	v33 =	vld.idx.msk [tilespmem:v59+s3+$0x0], $0xffff  }
0xa1: {  	v61 =	vor.u32 v10, v35;
	_ =	sdelay $0x3  }
0xa2: {  	[tilespmem:v60+s14+$0x0] =	vst.idx.msk $0xffff, v33  }
0xa3: {  	v62 =	vor.u32 v11, v32;
	v33 =	vld.idx.msk [tilespmem:v61+s3+$0x0], $0xffff  }
0xa4: {  	v63 =	vor.u32 v12, v35;
	_ =	sdelay $0x3  }
0xa5: {  	[tilespmem:v62+s14+$0x0] =	vst.idx.msk $0xffff, v33  }
0xa6: {  	v40 =	vor.u32 v13, v32;
	v33 =	vld.idx.msk [tilespmem:v63+s3+$0x0], $0xffff  }
0xa7: {  	v41 =	vor.u32 v14, v35;
	_ =	sdelay $0x3  }
0xa8: {  	[tilespmem:v40+s14+$0x0] =	vst.idx.msk $0xffff, v33  }
0xa9: {  	v42 =	vor.u32 v15, v32;
	v33 =	vld.idx.msk [tilespmem:v41+s3+$0x0], $0xffff  }
0xaa: {  	v43 =	vor.u32 v16, v35;
	_ =	sdelay $0x3  }
0xab: {  	[tilespmem:v42+s14+$0x0] =	vst.idx.msk $0xffff, v33  }
0xac: {  	v44 =	vor.u32 v17, v32;
	v33 =	vld.idx.msk [tilespmem:v43+s3+$0x0], $0xffff  }
0xad: {  	v45 =	vor.u32 v18, v35;
	_ =	sdelay $0x3  }
0xae: {  	[tilespmem:v44+s14+$0x0] =	vst.idx.msk $0xffff, v33  }
0xaf: {  	v46 =	vor.u32 v19, v32;
	v33 =	vld.idx.msk [tilespmem:v45+s3+$0x0], $0xffff  }
0xb0: {  	v47 =	vor.u32 v20, v35;
	_ =	sdelay $0x3  }
0xb1: {  	[tilespmem:v46+s14+$0x0] =	vst.idx.msk $0xffff, v33  }
0xb2: {  	v48 =	vor.u32 v21, v32;
	v33 =	vld.idx.msk [tilespmem:v47+s3+$0x0], $0xffff  }
0xb3: {  	v49 =	vor.u32 v22, v35;
	_ =	sdelay $0x3  }
0xb4: {  	[tilespmem:v48+s14+$0x0] =	vst.idx.msk $0xffff, v33  }
0xb5: {  	v50 =	vor.u32 v23, v32;
	v33 =	vld.idx.msk [tilespmem:v49+s3+$0x0], $0xffff  }
0xb6: {  	v51 =	vor.u32 v24, v35;
	_ =	sdelay $0x3  }
0xb7: {  	[tilespmem:v50+s14+$0x0] =	vst.idx.msk $0xffff, v33  }
0xb8: {  	v52 =	vor.u32 v25, v32;
	v33 =	vld.idx.msk [tilespmem:v51+s3+$0x0], $0xffff  }
0xb9: {  	v53 =	vor.u32 v26, v35;
	_ =	sdelay $0x3  }
0xba: {  	[tilespmem:v52+s14+$0x0] =	vst.idx.msk $0xffff, v33  }
0xbb: {  	v54 =	vor.u32 v27, v32;
	v33 =	vld.idx.msk [tilespmem:v53+s3+$0x0], $0xffff  }
0xbc: {  	v55 =	vor.u32 v28, v35;
	_ =	sdelay $0x3  }
0xbd: {  	[tilespmem:v54+s14+$0x0] =	vst.idx.msk $0xffff, v33  }
0xbe: {  	v56 =	vor.u32 v29, v32;
	v33 =	vld.idx.msk [tilespmem:v55+s3+$0x0], $0xffff  }
0xbf: {  	v35 =	vor.u32 v30, v35;
	_ =	sdelay $0x1  }
0xc0: {  	s31 =	simm.s32 $0x3  }
0xc1: {  	v57 =	vadd.s32 s31, v0  }
0xc2: {  	[tilespmem:v56+s14+$0x0] =	vst.idx.msk $0xffff, v33;
	v33 =	vand.u32 $0xF, v57  }
0xc3: {  	v32 =	vor.u32 v31, v32;
	v34 =	vld.idx.msk [tilespmem:v35+s3+$0x0], $0xffff;
	v35 =	vshll.u32 v33, $0x7  }
0xc4: {  	v58 =	vor.u32 v0, v35;
	_ =	sdelay $0x3  }
0xc5: {  	[tilespmem:v32+s14+$0x0] =	vst.idx.msk $0xffff, v34  }
0xc6: {  	v59 =	vor.u32 v1, v33;
	v32 =	vld.idx.msk [tilespmem:v58+s3+$0x0], $0xffff  }
0xc7: {  	v60 =	vor.u32 v2, v35;
	_ =	sdelay $0x3  }
0xc8: {  	[tilespmem:v59+s14+$0x0] =	vst.idx.msk $0xffff, v32  }
0xc9: {  	v61 =	vor.u32 v3, v33;
	v32 =	vld.idx.msk [tilespmem:v60+s3+$0x0], $0xffff  }
0xca: {  	v62 =	vor.u32 v4, v35;
	_ =	sdelay $0x3  }
0xcb: {  	[tilespmem:v61+s14+$0x0] =	vst.idx.msk $0xffff, v32  }
0xcc: {  	v63 =	vor.u32 v5, v33;
	v32 =	vld.idx.msk [tilespmem:v62+s3+$0x0], $0xffff  }
0xcd: {  	v40 =	vor.u32 v6, v35;
	_ =	sdelay $0x3  }
0xce: {  	[tilespmem:v63+s14+$0x0] =	vst.idx.msk $0xffff, v32  }
0xcf: {  	v41 =	vor.u32 v7, v33;
	v32 =	vld.idx.msk [tilespmem:v40+s3+$0x0], $0xffff  }
0xd0: {  	v42 =	vor.u32 v8, v35;
	_ =	sdelay $0x3  }
0xd1: {  	[tilespmem:v41+s14+$0x0] =	vst.idx.msk $0xffff, v32  }
0xd2: {  	v43 =	vor.u32 v9, v33;
	v32 =	vld.idx.msk [tilespmem:v42+s3+$0x0], $0xffff  }
0xd3: {  	v44 =	vor.u32 v10, v35;
	_ =	sdelay $0x3  }
0xd4: {  	[tilespmem:v43+s14+$0x0] =	vst.idx.msk $0xffff, v32  }
0xd5: {  	v45 =	vor.u32 v11, v33;
	v32 =	vld.idx.msk [tilespmem:v44+s3+$0x0], $0xffff  }
0xd6: {  	v46 =	vor.u32 v12, v35;
	_ =	sdelay $0x3  }
0xd7: {  	[tilespmem:v45+s14+$0x0] =	vst.idx.msk $0xffff, v32  }
0xd8: {  	v47 =	vor.u32 v13, v33;
	v32 =	vld.idx.msk [tilespmem:v46+s3+$0x0], $0xffff  }
0xd9: {  	v48 =	vor.u32 v14, v35;
	_ =	sdelay $0x3  }
0xda: {  	[tilespmem:v47+s14+$0x0] =	vst.idx.msk $0xffff, v32  }
0xdb: {  	v49 =	vor.u32 v15, v33;
	v32 =	vld.idx.msk [tilespmem:v48+s3+$0x0], $0xffff  }
0xdc: {  	v50 =	vor.u32 v16, v35;
	_ =	sdelay $0x3  }
0xdd: {  	[tilespmem:v49+s14+$0x0] =	vst.idx.msk $0xffff, v32  }
0xde: {  	v51 =	vor.u32 v17, v33;
	v32 =	vld.idx.msk [tilespmem:v50+s3+$0x0], $0xffff  }
0xdf: {  	v52 =	vor.u32 v18, v35;
	_ =	sdelay $0x3  }
0xe0: {  	[tilespmem:v51+s14+$0x0] =	vst.idx.msk $0xffff, v32  }
0xe1: {  	v53 =	vor.u32 v19, v33;
	v32 =	vld.idx.msk [tilespmem:v52+s3+$0x0], $0xffff  }
0xe2: {  	v54 =	vor.u32 v20, v35;
	_ =	sdelay $0x3  }
0xe3: {  	[tilespmem:v53+s14+$0x0] =	vst.idx.msk $0xffff, v32  }
0xe4: {  	v55 =	vor.u32 v21, v33;
	v32 =	vld.idx.msk [tilespmem:v54+s3+$0x0], $0xffff  }
0xe5: {  	v56 =	vor.u32 v22, v35;
	_ =	sdelay $0x3  }
0xe6: {  	[tilespmem:v55+s14+$0x0] =	vst.idx.msk $0xffff, v32  }
0xe7: {  	v57 =	vor.u32 v23, v33;
	v32 =	vld.idx.msk [tilespmem:v56+s3+$0x0], $0xffff  }
0xe8: {  	v58 =	vor.u32 v24, v35;
	_ =	sdelay $0x3  }
0xe9: {  	[tilespmem:v57+s14+$0x0] =	vst.idx.msk $0xffff, v32  }
0xea: {  	v59 =	vor.u32 v25, v33;
	v32 =	vld.idx.msk [tilespmem:v58+s3+$0x0], $0xffff  }
0xeb: {  	v60 =	vor.u32 v26, v35;
	_ =	sdelay $0x3  }
0xec: {  	[tilespmem:v59+s14+$0x0] =	vst.idx.msk $0xffff, v32  }
0xed: {  	v61 =	vor.u32 v27, v33;
	v32 =	vld.idx.msk [tilespmem:v60+s3+$0x0], $0xffff  }
0xee: {  	v62 =	vor.u32 v28, v35;
	_ =	sdelay $0x3  }
0xef: {  	[tilespmem:v61+s14+$0x0] =	vst.idx.msk $0xffff, v32  }
0xf0: {  	v63 =	vor.u32 v29, v33;
	v36 =	vld.idx.msk [tilespmem:v62+s3+$0x0], $0xffff  }
0xf1: {  	v34 =	vor.u32 v30, v35;
	_ =	sdelay $0x2  }
0xf2: {  	s26 =	simm.s32 $0x4  }
0xf3: {  	s28 =	simm.s32 $0x8;
	v32 =	vadd.s32 s26, v0;
	[tilespmem:v63+s14+$0x0] =	vst.idx.msk $0xffff, v36  }
.LBB2_4:
0xf4: {  	p3 =	sne.s32 s28, $0xC;
	v35 =	vand.u32 $0xF, v32;
	v36 =	vld.idx.msk [tilespmem:v34+s3+$0x0], $0xffff  }
0xf5: {  	v33 =	vor.u32 v31, v33;
	v34 =	vshll.u32 v35, $0x7  }
0xf6: {  	v37 =	vor.u32 v0, v34;
	_ =	sdelay $0x3  }
0xf7: {  	[tilespmem:v33+s14+$0x0] =	vst.idx.msk $0xffff, v36  }
0xf8: {  	v33 =	vld.idx.msk [tilespmem:v37+s3+$0x0], $0xffff  }
0xf9: {  	v36 =	vor.u32 v1, v35  }
0xfa: {  	v37 =	vor.u32 v2, v34;
	_ =	sdelay $0x3  }
0xfb: {  	[tilespmem:v36+s14+$0x0] =	vst.idx.msk $0xffff, v33  }
0xfc: {  	v33 =	vld.idx.msk [tilespmem:v37+s3+$0x0], $0xffff  }
0xfd: {  	v36 =	vor.u32 v3, v35  }
0xfe: {  	v37 =	vor.u32 v4, v34;
	_ =	sdelay $0x3  }
0xff: {  	[tilespmem:v36+s14+$0x0] =	vst.idx.msk $0xffff, v33  }
0x100: {  	v33 =	vld.idx.msk [tilespmem:v37+s3+$0x0], $0xffff  }
0x101: {  	v36 =	vor.u32 v5, v35  }
0x102: {  	v37 =	vor.u32 v6, v34;
	_ =	sdelay $0x3  }
0x103: {  	[tilespmem:v36+s14+$0x0] =	vst.idx.msk $0xffff, v33  }
0x104: {  	v33 =	vld.idx.msk [tilespmem:v37+s3+$0x0], $0xffff  }
0x105: {  	v36 =	vor.u32 v7, v35  }
0x106: {  	v37 =	vor.u32 v8, v34;
	_ =	sdelay $0x3  }
0x107: {  	[tilespmem:v36+s14+$0x0] =	vst.idx.msk $0xffff, v33  }
0x108: {  	v33 =	vld.idx.msk [tilespmem:v37+s3+$0x0], $0xffff  }
0x109: {  	v36 =	vor.u32 v9, v35  }
0x10a: {  	v37 =	vor.u32 v10, v34;
	_ =	sdelay $0x3  }
0x10b: {  	[tilespmem:v36+s14+$0x0] =	vst.idx.msk $0xffff, v33  }
0x10c: {  	v33 =	vld.idx.msk [tilespmem:v37+s3+$0x0], $0xffff  }
0x10d: {  	v36 =	vor.u32 v11, v35  }
0x10e: {  	v37 =	vor.u32 v12, v34;
	_ =	sdelay $0x3  }
0x10f: {  	[tilespmem:v36+s14+$0x0] =	vst.idx.msk $0xffff, v33  }
0x110: {  	v33 =	vld.idx.msk [tilespmem:v37+s3+$0x0], $0xffff  }
0x111: {  	v36 =	vor.u32 v13, v35  }
0x112: {  	v37 =	vor.u32 v14, v34;
	_ =	sdelay $0x3  }
0x113: {  	[tilespmem:v36+s14+$0x0] =	vst.idx.msk $0xffff, v33  }
0x114: {  	v33 =	vld.idx.msk [tilespmem:v37+s3+$0x0], $0xffff  }
0x115: {  	v35 =	vor.u32 v15, v35  }
0x116: {  	v36 =	vor.u32 v16, v34;
	_ =	sdelay $0x3  }
0x117: {  	[tilespmem:v35+s14+$0x0] =	vst.idx.msk $0xffff, v33  }
0x118: {  	v33 =	vld.idx.msk [tilespmem:v36+s3+$0x0], $0xffff  }
0x119: {  	v35 =	vor.u32 v17, v32  }
0x11a: {  	v36 =	vor.u32 v18, v34;
	_ =	sdelay $0x3  }
0x11b: {  	[tilespmem:v35+s14+$0x0] =	vst.idx.msk $0xffff, v33  }
0x11c: {  	v33 =	vld.idx.msk [tilespmem:v36+s3+$0x0], $0xffff  }
0x11d: {  	v35 =	vor.u32 v19, v32  }
0x11e: {  	v36 =	vor.u32 v20, v34;
	_ =	sdelay $0x3  }
0x11f: {  	[tilespmem:v35+s14+$0x0] =	vst.idx.msk $0xffff, v33  }
0x120: {  	v33 =	vld.idx.msk [tilespmem:v36+s3+$0x0], $0xffff  }
0x121: {  	v35 =	vor.u32 v21, v32  }
0x122: {  	v36 =	vor.u32 v22, v34;
	_ =	sdelay $0x3  }
0x123: {  	[tilespmem:v35+s14+$0x0] =	vst.idx.msk $0xffff, v33  }
0x124: {  	v33 =	vld.idx.msk [tilespmem:v36+s3+$0x0], $0xffff  }
0x125: {  	v35 =	vor.u32 v23, v32  }
0x126: {  	v36 =	vor.u32 v24, v34;
	_ =	sdelay $0x3  }
0x127: {  	[tilespmem:v35+s14+$0x0] =	vst.idx.msk $0xffff, v33  }
0x128: {  	v33 =	vld.idx.msk [tilespmem:v36+s3+$0x0], $0xffff  }
0x129: {  	v35 =	vor.u32 v25, v32  }
0x12a: {  	v36 =	vor.u32 v26, v34;
	_ =	sdelay $0x3  }
0x12b: {  	[tilespmem:v35+s14+$0x0] =	vst.idx.msk $0xffff, v33  }
0x12c: {  	v33 =	vld.idx.msk [tilespmem:v36+s3+$0x0], $0xffff  }
0x12d: {  	v35 =	vor.u32 v27, v32  }
0x12e: {  	v36 =	vor.u32 v28, v34;
	_ =	sdelay $0x3  }
0x12f: {  	[tilespmem:v35+s14+$0x0] =	vst.idx.msk $0xffff, v33  }
0x130: {  	v33 =	vld.idx.msk [tilespmem:v36+s3+$0x0], $0xffff  }
0x131: {  	v35 =	vor.u32 v29, v32  }
0x132: {  	v34 =	vor.u32 v30, v34;
	_ =	sdelay $0x2  }
0x133: {  	s29 =	sadd.s32 $0x1, s26  }
0x134: {  	[tilespmem:v35+s14+$0x0] =	vst.idx.msk $0xffff, v33;
	v33 =	vadd.s32 s29, v0  }
0x135: {  	v34 =	vld.idx.msk [tilespmem:v34+s3+$0x0], $0xffff;
	v33 =	vand.u32 $0xF, v33  }
0x136: {  	v35 =	vor.u32 v31, v32;
	v32 =	vshll.u32 v33, $0x7  }
0x137: {  	v36 =	vor.u32 v0, v32;
	_ =	sdelay $0x3  }
0x138: {  	[tilespmem:v35+s14+$0x0] =	vst.idx.msk $0xffff, v34  }
0x139: {  	v34 =	vld.idx.msk [tilespmem:v36+s3+$0x0], $0xffff  }
0x13a: {  	v35 =	vor.u32 v1, v33  }
0x13b: {  	v36 =	vor.u32 v2, v32;
	_ =	sdelay $0x3  }
0x13c: {  	[tilespmem:v35+s14+$0x0] =	vst.idx.msk $0xffff, v34  }
0x13d: {  	v34 =	vld.idx.msk [tilespmem:v36+s3+$0x0], $0xffff  }
0x13e: {  	v35 =	vor.u32 v3, v33  }
0x13f: {  	v36 =	vor.u32 v4, v32;
	_ =	sdelay $0x3  }
0x140: {  	[tilespmem:v35+s14+$0x0] =	vst.idx.msk $0xffff, v34  }
0x141: {  	v34 =	vld.idx.msk [tilespmem:v36+s3+$0x0], $0xffff  }
0x142: {  	v35 =	vor.u32 v5, v33  }
0x143: {  	v36 =	vor.u32 v6, v32;
	_ =	sdelay $0x3  }
0x144: {  	[tilespmem:v35+s14+$0x0] =	vst.idx.msk $0xffff, v34  }
0x145: {  	v34 =	vld.idx.msk [tilespmem:v36+s3+$0x0], $0xffff  }
0x146: {  	v35 =	vor.u32 v7, v33  }
0x147: {  	v36 =	vor.u32 v8, v32;
	_ =	sdelay $0x3  }
0x148: {  	[tilespmem:v35+s14+$0x0] =	vst.idx.msk $0xffff, v34  }
0x149: {  	v34 =	vld.idx.msk [tilespmem:v36+s3+$0x0], $0xffff  }
0x14a: {  	v35 =	vor.u32 v9, v33  }
0x14b: {  	v36 =	vor.u32 v10, v32;
	_ =	sdelay $0x3  }
0x14c: {  	[tilespmem:v35+s14+$0x0] =	vst.idx.msk $0xffff, v34  }
0x14d: {  	v34 =	vld.idx.msk [tilespmem:v36+s3+$0x0], $0xffff  }
0x14e: {  	v35 =	vor.u32 v11, v33  }
0x14f: {  	v36 =	vor.u32 v12, v32;
	_ =	sdelay $0x3  }
0x150: {  	[tilespmem:v35+s14+$0x0] =	vst.idx.msk $0xffff, v34  }
0x151: {  	v34 =	vld.idx.msk [tilespmem:v36+s3+$0x0], $0xffff  }
0x152: {  	v35 =	vor.u32 v13, v33  }
0x153: {  	v36 =	vor.u32 v14, v32;
	_ =	sdelay $0x3  }
0x154: {  	[tilespmem:v35+s14+$0x0] =	vst.idx.msk $0xffff, v34  }
0x155: {  	v34 =	vld.idx.msk [tilespmem:v36+s3+$0x0], $0xffff  }
0x156: {  	v35 =	vor.u32 v15, v33  }
0x157: {  	v36 =	vor.u32 v16, v32;
	_ =	sdelay $0x3  }
0x158: {  	[tilespmem:v35+s14+$0x0] =	vst.idx.msk $0xffff, v34  }
0x159: {  	v34 =	vld.idx.msk [tilespmem:v36+s3+$0x0], $0xffff  }
0x15a: {  	v35 =	vor.u32 v17, v33  }
0x15b: {  	v36 =	vor.u32 v18, v32;
	_ =	sdelay $0x3  }
0x15c: {  	[tilespmem:v35+s14+$0x0] =	vst.idx.msk $0xffff, v34  }
0x15d: {  	v34 =	vld.idx.msk [tilespmem:v36+s3+$0x0], $0xffff  }
0x15e: {  	v35 =	vor.u32 v19, v33  }
0x15f: {  	v36 =	vor.u32 v20, v32;
	_ =	sdelay $0x3  }
0x160: {  	[tilespmem:v35+s14+$0x0] =	vst.idx.msk $0xffff, v34  }
0x161: {  	v34 =	vld.idx.msk [tilespmem:v36+s3+$0x0], $0xffff  }
0x162: {  	v35 =	vor.u32 v21, v33  }
0x163: {  	v36 =	vor.u32 v22, v32;
	_ =	sdelay $0x3  }
0x164: {  	[tilespmem:v35+s14+$0x0] =	vst.idx.msk $0xffff, v34  }
0x165: {  	v34 =	vld.idx.msk [tilespmem:v36+s3+$0x0], $0xffff  }
0x166: {  	v35 =	vor.u32 v23, v33  }
0x167: {  	v36 =	vor.u32 v24, v32;
	_ =	sdelay $0x3  }
0x168: {  	[tilespmem:v35+s14+$0x0] =	vst.idx.msk $0xffff, v34  }
0x169: {  	v34 =	vld.idx.msk [tilespmem:v36+s3+$0x0], $0xffff  }
0x16a: {  	v35 =	vor.u32 v25, v33  }
0x16b: {  	v36 =	vor.u32 v26, v32;
	_ =	sdelay $0x3  }
0x16c: {  	[tilespmem:v35+s14+$0x0] =	vst.idx.msk $0xffff, v34  }
0x16d: {  	v34 =	vld.idx.msk [tilespmem:v36+s3+$0x0], $0xffff  }
0x16e: {  	v35 =	vor.u32 v27, v33  }
0x16f: {  	v36 =	vor.u32 v28, v32;
	_ =	sdelay $0x3  }
0x170: {  	[tilespmem:v35+s14+$0x0] =	vst.idx.msk $0xffff, v34  }
0x171: {  	v34 =	vld.idx.msk [tilespmem:v36+s3+$0x0], $0xffff  }
0x172: {  	v35 =	vor.u32 v29, v33  }
0x173: {  	v32 =	vor.u32 v30, v32;
	_ =	sdelay $0x2  }
0x174: {  	s29 =	sadd.s32 $0x2, s26  }
0x175: {  	[tilespmem:v35+s14+$0x0] =	vst.idx.msk $0xffff, v34;
	v34 =	vadd.s32 s29, v0  }
0x176: {  	v35 =	vld.idx.msk [tilespmem:v32+s3+$0x0], $0xffff;
	v32 =	vand.u32 $0xF, v34  }
0x177: {  	v34 =	vor.u32 v31, v33;
	v33 =	vshll.u32 v32, $0x7  }
0x178: {  	v36 =	vor.u32 v0, v33;
	_ =	sdelay $0x3  }
0x179: {  	[tilespmem:v34+s14+$0x0] =	vst.idx.msk $0xffff, v35  }
0x17a: {  	v34 =	vld.idx.msk [tilespmem:v36+s3+$0x0], $0xffff  }
0x17b: {  	v35 =	vor.u32 v1, v32  }
0x17c: {  	v36 =	vor.u32 v2, v33;
	_ =	sdelay $0x3  }
0x17d: {  	[tilespmem:v35+s14+$0x0] =	vst.idx.msk $0xffff, v34  }
0x17e: {  	v34 =	vld.idx.msk [tilespmem:v36+s3+$0x0], $0xffff  }
0x17f: {  	v35 =	vor.u32 v3, v32  }
0x180: {  	v36 =	vor.u32 v4, v33;
	_ =	sdelay $0x3  }
0x181: {  	[tilespmem:v35+s14+$0x0] =	vst.idx.msk $0xffff, v34  }
0x182: {  	v34 =	vld.idx.msk [tilespmem:v36+s3+$0x0], $0xffff  }
0x183: {  	v35 =	vor.u32 v5, v32  }
0x184: {  	v36 =	vor.u32 v6, v33;
	_ =	sdelay $0x3  }
0x185: {  	[tilespmem:v35+s14+$0x0] =	vst.idx.msk $0xffff, v34  }
0x186: {  	v34 =	vld.idx.msk [tilespmem:v36+s3+$0x0], $0xffff  }
0x187: {  	v35 =	vor.u32 v7, v32  }
0x188: {  	v36 =	vor.u32 v8, v33;
	_ =	sdelay $0x3  }
0x189: {  	[tilespmem:v35+s14+$0x0] =	vst.idx.msk $0xffff, v34  }
0x18a: {  	v34 =	vld.idx.msk [tilespmem:v36+s3+$0x0], $0xffff  }
0x18b: {  	v35 =	vor.u32 v9, v32  }
0x18c: {  	v36 =	vor.u32 v10, v33;
	_ =	sdelay $0x3  }
0x18d: {  	[tilespmem:v35+s14+$0x0] =	vst.idx.msk $0xffff, v34  }
0x18e: {  	v34 =	vld.idx.msk [tilespmem:v36+s3+$0x0], $0xffff  }
0x18f: {  	v35 =	vor.u32 v11, v32  }
0x190: {  	v36 =	vor.u32 v12, v33;
	_ =	sdelay $0x3  }
0x191: {  	[tilespmem:v35+s14+$0x0] =	vst.idx.msk $0xffff, v34  }
0x192: {  	v34 =	vld.idx.msk [tilespmem:v36+s3+$0x0], $0xffff  }
0x193: {  	v35 =	vor.u32 v13, v32  }
0x194: {  	v36 =	vor.u32 v14, v33;
	_ =	sdelay $0x3  }
0x195: {  	[tilespmem:v35+s14+$0x0] =	vst.idx.msk $0xffff, v34  }
0x196: {  	v34 =	vld.idx.msk [tilespmem:v36+s3+$0x0], $0xffff  }
0x197: {  	v35 =	vor.u32 v15, v32  }
0x198: {  	v36 =	vor.u32 v16, v33;
	_ =	sdelay $0x3  }
0x199: {  	[tilespmem:v35+s14+$0x0] =	vst.idx.msk $0xffff, v34  }
0x19a: {  	v34 =	vld.idx.msk [tilespmem:v36+s3+$0x0], $0xffff  }
0x19b: {  	v35 =	vor.u32 v17, v32  }
0x19c: {  	v36 =	vor.u32 v18, v33;
	_ =	sdelay $0x3  }
0x19d: {  	[tilespmem:v35+s14+$0x0] =	vst.idx.msk $0xffff, v34  }
0x19e: {  	v34 =	vld.idx.msk [tilespmem:v36+s3+$0x0], $0xffff  }
0x19f: {  	v35 =	vor.u32 v19, v32  }
0x1a0: {  	v36 =	vor.u32 v20, v33;
	_ =	sdelay $0x3  }
0x1a1: {  	[tilespmem:v35+s14+$0x0] =	vst.idx.msk $0xffff, v34  }
0x1a2: {  	v34 =	vld.idx.msk [tilespmem:v36+s3+$0x0], $0xffff  }
0x1a3: {  	v35 =	vor.u32 v21, v32  }
0x1a4: {  	v36 =	vor.u32 v22, v33;
	_ =	sdelay $0x3  }
0x1a5: {  	[tilespmem:v35+s14+$0x0] =	vst.idx.msk $0xffff, v34  }
0x1a6: {  	v34 =	vld.idx.msk [tilespmem:v36+s3+$0x0], $0xffff  }
0x1a7: {  	v35 =	vor.u32 v23, v32  }
0x1a8: {  	v36 =	vor.u32 v24, v33;
	_ =	sdelay $0x3  }
0x1a9: {  	[tilespmem:v35+s14+$0x0] =	vst.idx.msk $0xffff, v34  }
0x1aa: {  	v34 =	vld.idx.msk [tilespmem:v36+s3+$0x0], $0xffff  }
0x1ab: {  	v35 =	vor.u32 v25, v32  }
0x1ac: {  	v36 =	vor.u32 v26, v33;
	_ =	sdelay $0x3  }
0x1ad: {  	[tilespmem:v35+s14+$0x0] =	vst.idx.msk $0xffff, v34  }
0x1ae: {  	v34 =	vld.idx.msk [tilespmem:v36+s3+$0x0], $0xffff  }
0x1af: {  	v35 =	vor.u32 v27, v32  }
0x1b0: {  	v36 =	vor.u32 v28, v33;
	_ =	sdelay $0x3  }
0x1b1: {  	[tilespmem:v35+s14+$0x0] =	vst.idx.msk $0xffff, v34  }
0x1b2: {  	v34 =	vld.idx.msk [tilespmem:v36+s3+$0x0], $0xffff  }
0x1b3: {  	v35 =	vor.u32 v29, v32  }
0x1b4: {  	v33 =	vor.u32 v30, v33;
	_ =	sdelay $0x2  }
0x1b5: {  	s29 =	sadd.s32 $0x3, s26;
	s26 =	smov.u32 s28  }
0x1b6: {  	[tilespmem:v35+s14+$0x0] =	vst.idx.msk $0xffff, v34;
	v34 =	vadd.s32 s29, v0  }
0x1b7: {  	v35 =	vld.idx.msk [tilespmem:v33+s3+$0x0], $0xffff;
	v33 =	vand.u32 $0xF, v34  }
0x1b8: {  	v34 =	vor.u32 v31, v32;
	v32 =	vshll.u32 v33, $0x7  }
0x1b9: {  	v36 =	vor.u32 v0, v32;
	_ =	sdelay $0x3  }
0x1ba: {  	[tilespmem:v34+s14+$0x0] =	vst.idx.msk $0xffff, v35  }
0x1bb: {  	v34 =	vld.idx.msk [tilespmem:v36+s3+$0x0], $0xffff  }
0x1bc: {  	v35 =	vor.u32 v1, v33  }
0x1bd: {  	v36 =	vor.u32 v2, v32;
	_ =	sdelay $0x3  }
0x1be: {  	[tilespmem:v35+s14+$0x0] =	vst.idx.msk $0xffff, v34  }
0x1bf: {  	v34 =	vld.idx.msk [tilespmem:v36+s3+$0x0], $0xffff  }
0x1c0: {  	v35 =	vor.u32 v3, v33  }
0x1c1: {  	v36 =	vor.u32 v4, v32;
	_ =	sdelay $0x3  }
0x1c2: {  	[tilespmem:v35+s14+$0x0] =	vst.idx.msk $0xffff, v34  }
0x1c3: {  	v34 =	vld.idx.msk [tilespmem:v36+s3+$0x0], $0xffff  }
0x1c4: {  	v35 =	vor.u32 v5, v33  }
0x1c5: {  	v36 =	vor.u32 v6, v32;
	_ =	sdelay $0x3  }
0x1c6: {  	[tilespmem:v35+s14+$0x0] =	vst.idx.msk $0xffff, v34  }
0x1c7: {  	v34 =	vld.idx.msk [tilespmem:v36+s3+$0x0], $0xffff  }
0x1c8: {  	v35 =	vor.u32 v7, v33  }
0x1c9: {  	v36 =	vor.u32 v8, v32;
	_ =	sdelay $0x3  }
0x1ca: {  	[tilespmem:v35+s14+$0x0] =	vst.idx.msk $0xffff, v34  }
0x1cb: {  	v34 =	vld.idx.msk [tilespmem:v36+s3+$0x0], $0xffff  }
0x1cc: {  	v35 =	vor.u32 v9, v33  }
0x1cd: {  	v36 =	vor.u32 v10, v32;
	_ =	sdelay $0x3  }
0x1ce: {  	[tilespmem:v35+s14+$0x0] =	vst.idx.msk $0xffff, v34  }
0x1cf: {  	v34 =	vld.idx.msk [tilespmem:v36+s3+$0x0], $0xffff  }
0x1d0: {  	v35 =	vor.u32 v11, v33  }
0x1d1: {  	v36 =	vor.u32 v12, v32;
	_ =	sdelay $0x3  }
0x1d2: {  	[tilespmem:v35+s14+$0x0] =	vst.idx.msk $0xffff, v34  }
0x1d3: {  	v34 =	vld.idx.msk [tilespmem:v36+s3+$0x0], $0xffff  }
0x1d4: {  	v35 =	vor.u32 v13, v33  }
0x1d5: {  	v36 =	vor.u32 v14, v32;
	_ =	sdelay $0x3  }
0x1d6: {  	[tilespmem:v35+s14+$0x0] =	vst.idx.msk $0xffff, v34  }
0x1d7: {  	v34 =	vld.idx.msk [tilespmem:v36+s3+$0x0], $0xffff  }
0x1d8: {  	v35 =	vor.u32 v15, v33  }
0x1d9: {  	v36 =	vor.u32 v16, v32;
	_ =	sdelay $0x3  }
0x1da: {  	[tilespmem:v35+s14+$0x0] =	vst.idx.msk $0xffff, v34  }
0x1db: {  	v34 =	vld.idx.msk [tilespmem:v36+s3+$0x0], $0xffff  }
0x1dc: {  	v35 =	vor.u32 v17, v33  }
0x1dd: {  	v36 =	vor.u32 v18, v32;
	_ =	sdelay $0x3  }
0x1de: {  	[tilespmem:v35+s14+$0x0] =	vst.idx.msk $0xffff, v34  }
0x1df: {  	v34 =	vld.idx.msk [tilespmem:v36+s3+$0x0], $0xffff  }
0x1e0: {  	v35 =	vor.u32 v19, v33  }
0x1e1: {  	v36 =	vor.u32 v20, v32;
	_ =	sdelay $0x3  }
0x1e2: {  	[tilespmem:v35+s14+$0x0] =	vst.idx.msk $0xffff, v34  }
0x1e3: {  	v34 =	vld.idx.msk [tilespmem:v36+s3+$0x0], $0xffff  }
0x1e4: {  	v35 =	vor.u32 v21, v33  }
0x1e5: {  	v36 =	vor.u32 v22, v32;
	_ =	sdelay $0x3  }
0x1e6: {  	[tilespmem:v35+s14+$0x0] =	vst.idx.msk $0xffff, v34  }
0x1e7: {  	v34 =	vld.idx.msk [tilespmem:v36+s3+$0x0], $0xffff  }
0x1e8: {  	v35 =	vor.u32 v23, v33  }
0x1e9: {  	v36 =	vor.u32 v24, v32;
	_ =	sdelay $0x3  }
0x1ea: {  	[tilespmem:v35+s14+$0x0] =	vst.idx.msk $0xffff, v34  }
0x1eb: {  	v34 =	vld.idx.msk [tilespmem:v36+s3+$0x0], $0xffff  }
0x1ec: {  	v35 =	vor.u32 v25, v33  }
0x1ed: {  	v36 =	vor.u32 v26, v32;
	_ =	sdelay $0x3  }
0x1ee: {  	[tilespmem:v35+s14+$0x0] =	vst.idx.msk $0xffff, v34  }
0x1ef: {  	v34 =	vld.idx.msk [tilespmem:v36+s3+$0x0], $0xffff  }
0x1f0: {  	v35 =	vor.u32 v27, v33  }
0x1f1: {  	v36 =	vor.u32 v28, v32;
	_ =	sdelay $0x3  }
0x1f2: {  	[tilespmem:v35+s14+$0x0] =	vst.idx.msk $0xffff, v34  }
0x1f3: {  	v35 =	vld.idx.msk [tilespmem:v36+s3+$0x0], $0xffff  }
0x1f4: {  	v36 =	vor.u32 v29, v33  }
.Ltmp6:
0x1f5: {  	v34 =	vor.u32 v30, v32;
	(pc) =	sbr.rel @p3 .LBB2_4-.Ltmp6, $2  }
0x1f6: {  	_ =	sdelay $0x2  }
0x1f7: {  	s28 =	sadd.s32 $0x4, s28;
	v32 =	vadd.s32 s26, v0;
	[tilespmem:v36+s14+$0x0] =	vst.idx.msk $0xffff, v35  }
0x1f8: {  	_ =	sdelay $0x2  }
0x1f9: {  	v35 =	vand.u32 $0xF, v32  }
0x1fa: {  	v34 =	vld.idx.msk [tilespmem:v34+s3+$0x0], $0xffff;
	v33 =	vor.u32 v31, v33;
	v36 =	vshll.u32 v35, $0x7  }
0x1fb: {  	v37 =	vor.u32 v0, v36;
	_ =	sdelay $0x3  }
0x1fc: {  	[tilespmem:v33+s14+$0x0] =	vst.idx.msk $0xffff, v34  }
0x1fd: {  	v63 =	vor.u32 v1, v35;
	v33 =	vld.idx.msk [tilespmem:v37+s3+$0x0], $0xffff  }
0x1fe: {  	v40 =	vor.u32 v2, v36;
	_ =	sdelay $0x3  }
0x1ff: {  	[tilespmem:v63+s14+$0x0] =	vst.idx.msk $0xffff, v33  }
0x200: {  	v41 =	vor.u32 v3, v35;
	v33 =	vld.idx.msk [tilespmem:v40+s3+$0x0], $0xffff  }
0x201: {  	v42 =	vor.u32 v4, v36;
	_ =	sdelay $0x3  }
0x202: {  	[tilespmem:v41+s14+$0x0] =	vst.idx.msk $0xffff, v33  }
0x203: {  	v43 =	vor.u32 v5, v35;
	v33 =	vld.idx.msk [tilespmem:v42+s3+$0x0], $0xffff  }
0x204: {  	v44 =	vor.u32 v6, v36;
	_ =	sdelay $0x3  }
0x205: {  	[tilespmem:v43+s14+$0x0] =	vst.idx.msk $0xffff, v33  }
0x206: {  	v45 =	vor.u32 v7, v35;
	v33 =	vld.idx.msk [tilespmem:v44+s3+$0x0], $0xffff  }
0x207: {  	v46 =	vor.u32 v8, v36;
	_ =	sdelay $0x3  }
0x208: {  	[tilespmem:v45+s14+$0x0] =	vst.idx.msk $0xffff, v33  }
0x209: {  	v47 =	vor.u32 v9, v35;
	v33 =	vld.idx.msk [tilespmem:v46+s3+$0x0], $0xffff  }
0x20a: {  	v48 =	vor.u32 v10, v36;
	_ =	sdelay $0x3  }
0x20b: {  	[tilespmem:v47+s14+$0x0] =	vst.idx.msk $0xffff, v33  }
0x20c: {  	v49 =	vor.u32 v11, v35;
	v33 =	vld.idx.msk [tilespmem:v48+s3+$0x0], $0xffff  }
0x20d: {  	v50 =	vor.u32 v12, v36;
	_ =	sdelay $0x3  }
0x20e: {  	[tilespmem:v49+s14+$0x0] =	vst.idx.msk $0xffff, v33  }
0x20f: {  	v51 =	vor.u32 v13, v35;
	v33 =	vld.idx.msk [tilespmem:v50+s3+$0x0], $0xffff  }
0x210: {  	v52 =	vor.u32 v14, v36;
	_ =	sdelay $0x3  }
0x211: {  	[tilespmem:v51+s14+$0x0] =	vst.idx.msk $0xffff, v33  }
0x212: {  	v53 =	vor.u32 v15, v35;
	v33 =	vld.idx.msk [tilespmem:v52+s3+$0x0], $0xffff  }
0x213: {  	v54 =	vor.u32 v16, v36;
	_ =	sdelay $0x3  }
0x214: {  	[tilespmem:v53+s14+$0x0] =	vst.idx.msk $0xffff, v33  }
0x215: {  	v55 =	vor.u32 v17, v32;
	v33 =	vld.idx.msk [tilespmem:v54+s3+$0x0], $0xffff  }
0x216: {  	v56 =	vor.u32 v18, v36;
	_ =	sdelay $0x3  }
0x217: {  	[tilespmem:v55+s14+$0x0] =	vst.idx.msk $0xffff, v33  }
0x218: {  	v57 =	vor.u32 v19, v32;
	v33 =	vld.idx.msk [tilespmem:v56+s3+$0x0], $0xffff  }
0x219: {  	v58 =	vor.u32 v20, v36;
	_ =	sdelay $0x3  }
0x21a: {  	[tilespmem:v57+s14+$0x0] =	vst.idx.msk $0xffff, v33  }
0x21b: {  	v59 =	vor.u32 v21, v32;
	v33 =	vld.idx.msk [tilespmem:v58+s3+$0x0], $0xffff  }
0x21c: {  	v60 =	vor.u32 v22, v36;
	_ =	sdelay $0x3  }
0x21d: {  	[tilespmem:v59+s14+$0x0] =	vst.idx.msk $0xffff, v33  }
0x21e: {  	v61 =	vor.u32 v23, v32;
	v33 =	vld.idx.msk [tilespmem:v60+s3+$0x0], $0xffff  }
0x21f: {  	v62 =	vor.u32 v24, v36;
	_ =	sdelay $0x3  }
0x220: {  	[tilespmem:v61+s14+$0x0] =	vst.idx.msk $0xffff, v33  }
0x221: {  	v63 =	vor.u32 v25, v32;
	v33 =	vld.idx.msk [tilespmem:v62+s3+$0x0], $0xffff  }
0x222: {  	v37 =	vor.u32 v26, v36;
	_ =	sdelay $0x3  }
0x223: {  	[tilespmem:v63+s14+$0x0] =	vst.idx.msk $0xffff, v33  }
0x224: {  	v38 =	vor.u32 v27, v32;
	v33 =	vld.idx.msk [tilespmem:v37+s3+$0x0], $0xffff  }
0x225: {  	v39 =	vor.u32 v28, v36;
	_ =	sdelay $0x3  }
0x226: {  	[tilespmem:v38+s14+$0x0] =	vst.idx.msk $0xffff, v33  }
0x227: {  	v40 =	vor.u32 v29, v32;
	v33 =	vld.idx.msk [tilespmem:v39+s3+$0x0], $0xffff  }
0x228: {  	v41 =	vor.u32 v30, v36;
	_ =	sdelay $0x1  }
0x229: {  	s28 =	sadd.s32 $0x1, s26  }
0x22a: {  	v42 =	vadd.s32 s28, v0  }
0x22b: {  	[tilespmem:v40+s14+$0x0] =	vst.idx.msk $0xffff, v33;
	v33 =	vand.u32 $0xF, v42  }
0x22c: {  	v43 =	vor.u32 v31, v32;
	v34 =	vld.idx.msk [tilespmem:v41+s3+$0x0], $0xffff;
	v35 =	vshll.u32 v33, $0x7  }
0x22d: {  	v44 =	vor.u32 v0, v35;
	_ =	sdelay $0x3  }
0x22e: {  	[tilespmem:v43+s14+$0x0] =	vst.idx.msk $0xffff, v34  }
0x22f: {  	v45 =	vor.u32 v1, v33;
	v32 =	vld.idx.msk [tilespmem:v44+s3+$0x0], $0xffff  }
0x230: {  	v46 =	vor.u32 v2, v35;
	_ =	sdelay $0x3  }
0x231: {  	[tilespmem:v45+s14+$0x0] =	vst.idx.msk $0xffff, v32  }
0x232: {  	v47 =	vor.u32 v3, v33;
	v32 =	vld.idx.msk [tilespmem:v46+s3+$0x0], $0xffff  }
0x233: {  	v48 =	vor.u32 v4, v35;
	_ =	sdelay $0x3  }
0x234: {  	[tilespmem:v47+s14+$0x0] =	vst.idx.msk $0xffff, v32  }
0x235: {  	v49 =	vor.u32 v5, v33;
	v32 =	vld.idx.msk [tilespmem:v48+s3+$0x0], $0xffff  }
0x236: {  	v50 =	vor.u32 v6, v35;
	_ =	sdelay $0x3  }
0x237: {  	[tilespmem:v49+s14+$0x0] =	vst.idx.msk $0xffff, v32  }
0x238: {  	v51 =	vor.u32 v7, v33;
	v32 =	vld.idx.msk [tilespmem:v50+s3+$0x0], $0xffff  }
0x239: {  	v52 =	vor.u32 v8, v35;
	_ =	sdelay $0x3  }
0x23a: {  	[tilespmem:v51+s14+$0x0] =	vst.idx.msk $0xffff, v32  }
0x23b: {  	v53 =	vor.u32 v9, v33;
	v32 =	vld.idx.msk [tilespmem:v52+s3+$0x0], $0xffff  }
0x23c: {  	v54 =	vor.u32 v10, v35;
	_ =	sdelay $0x3  }
0x23d: {  	[tilespmem:v53+s14+$0x0] =	vst.idx.msk $0xffff, v32  }
0x23e: {  	v55 =	vor.u32 v11, v33;
	v32 =	vld.idx.msk [tilespmem:v54+s3+$0x0], $0xffff  }
0x23f: {  	v56 =	vor.u32 v12, v35;
	_ =	sdelay $0x3  }
0x240: {  	[tilespmem:v55+s14+$0x0] =	vst.idx.msk $0xffff, v32  }
0x241: {  	v57 =	vor.u32 v13, v33;
	v32 =	vld.idx.msk [tilespmem:v56+s3+$0x0], $0xffff  }
0x242: {  	v58 =	vor.u32 v14, v35;
	_ =	sdelay $0x3  }
0x243: {  	[tilespmem:v57+s14+$0x0] =	vst.idx.msk $0xffff, v32  }
0x244: {  	v59 =	vor.u32 v15, v33;
	v32 =	vld.idx.msk [tilespmem:v58+s3+$0x0], $0xffff  }
0x245: {  	v60 =	vor.u32 v16, v35;
	_ =	sdelay $0x3  }
0x246: {  	[tilespmem:v59+s14+$0x0] =	vst.idx.msk $0xffff, v32  }
0x247: {  	v61 =	vor.u32 v17, v33;
	v32 =	vld.idx.msk [tilespmem:v60+s3+$0x0], $0xffff  }
0x248: {  	v62 =	vor.u32 v18, v35;
	_ =	sdelay $0x3  }
0x249: {  	[tilespmem:v61+s14+$0x0] =	vst.idx.msk $0xffff, v32  }
0x24a: {  	v63 =	vor.u32 v19, v33;
	v32 =	vld.idx.msk [tilespmem:v62+s3+$0x0], $0xffff  }
0x24b: {  	v40 =	vor.u32 v20, v35;
	_ =	sdelay $0x3  }
0x24c: {  	[tilespmem:v63+s14+$0x0] =	vst.idx.msk $0xffff, v32  }
0x24d: {  	v41 =	vor.u32 v21, v33;
	v32 =	vld.idx.msk [tilespmem:v40+s3+$0x0], $0xffff  }
0x24e: {  	v42 =	vor.u32 v22, v35;
	_ =	sdelay $0x3  }
0x24f: {  	[tilespmem:v41+s14+$0x0] =	vst.idx.msk $0xffff, v32  }
0x250: {  	v43 =	vor.u32 v23, v33;
	v32 =	vld.idx.msk [tilespmem:v42+s3+$0x0], $0xffff  }
0x251: {  	v44 =	vor.u32 v24, v35;
	_ =	sdelay $0x3  }
0x252: {  	[tilespmem:v43+s14+$0x0] =	vst.idx.msk $0xffff, v32  }
0x253: {  	v45 =	vor.u32 v25, v33;
	v32 =	vld.idx.msk [tilespmem:v44+s3+$0x0], $0xffff  }
0x254: {  	v46 =	vor.u32 v26, v35;
	_ =	sdelay $0x3  }
0x255: {  	[tilespmem:v45+s14+$0x0] =	vst.idx.msk $0xffff, v32  }
0x256: {  	v47 =	vor.u32 v27, v33;
	v32 =	vld.idx.msk [tilespmem:v46+s3+$0x0], $0xffff  }
0x257: {  	v48 =	vor.u32 v28, v35;
	_ =	sdelay $0x3  }
0x258: {  	[tilespmem:v47+s14+$0x0] =	vst.idx.msk $0xffff, v32  }
0x259: {  	v49 =	vor.u32 v29, v33;
	v32 =	vld.idx.msk [tilespmem:v48+s3+$0x0], $0xffff  }
0x25a: {  	v35 =	vor.u32 v30, v35;
	_ =	sdelay $0x1  }
0x25b: {  	s30 =	sadd.s32 $0x2, s26  }
0x25c: {  	v50 =	vadd.s32 s30, v0  }
0x25d: {  	[tilespmem:v49+s14+$0x0] =	vst.idx.msk $0xffff, v32;
	v32 =	vand.u32 $0xF, v50  }
0x25e: {  	v33 =	vor.u32 v31, v33;
	v34 =	vld.idx.msk [tilespmem:v35+s3+$0x0], $0xffff;
	v35 =	vshll.u32 v32, $0x7  }
0x25f: {  	v51 =	vor.u32 v0, v35;
	_ =	sdelay $0x3  }
0x260: {  	[tilespmem:v33+s14+$0x0] =	vst.idx.msk $0xffff, v34  }
0x261: {  	v52 =	vor.u32 v1, v32;
	v33 =	vld.idx.msk [tilespmem:v51+s3+$0x0], $0xffff  }
0x262: {  	v53 =	vor.u32 v2, v35;
	_ =	sdelay $0x3  }
0x263: {  	[tilespmem:v52+s14+$0x0] =	vst.idx.msk $0xffff, v33  }
0x264: {  	v54 =	vor.u32 v3, v32;
	v33 =	vld.idx.msk [tilespmem:v53+s3+$0x0], $0xffff  }
0x265: {  	v55 =	vor.u32 v4, v35;
	_ =	sdelay $0x3  }
0x266: {  	[tilespmem:v54+s14+$0x0] =	vst.idx.msk $0xffff, v33  }
0x267: {  	v56 =	vor.u32 v5, v32;
	v33 =	vld.idx.msk [tilespmem:v55+s3+$0x0], $0xffff  }
0x268: {  	v57 =	vor.u32 v6, v35;
	_ =	sdelay $0x3  }
0x269: {  	[tilespmem:v56+s14+$0x0] =	vst.idx.msk $0xffff, v33  }
0x26a: {  	v58 =	vor.u32 v7, v32;
	v33 =	vld.idx.msk [tilespmem:v57+s3+$0x0], $0xffff  }
0x26b: {  	v59 =	vor.u32 v8, v35;
	_ =	sdelay $0x3  }
0x26c: {  	[tilespmem:v58+s14+$0x0] =	vst.idx.msk $0xffff, v33  }
0x26d: {  	v60 =	vor.u32 v9, v32;
	v33 =	vld.idx.msk [tilespmem:v59+s3+$0x0], $0xffff  }
0x26e: {  	v61 =	vor.u32 v10, v35;
	_ =	sdelay $0x3  }
0x26f: {  	[tilespmem:v60+s14+$0x0] =	vst.idx.msk $0xffff, v33  }
0x270: {  	v62 =	vor.u32 v11, v32;
	v33 =	vld.idx.msk [tilespmem:v61+s3+$0x0], $0xffff  }
0x271: {  	v63 =	vor.u32 v12, v35;
	_ =	sdelay $0x3  }
0x272: {  	[tilespmem:v62+s14+$0x0] =	vst.idx.msk $0xffff, v33  }
0x273: {  	v40 =	vor.u32 v13, v32;
	v33 =	vld.idx.msk [tilespmem:v63+s3+$0x0], $0xffff  }
0x274: {  	v41 =	vor.u32 v14, v35;
	_ =	sdelay $0x3  }
0x275: {  	[tilespmem:v40+s14+$0x0] =	vst.idx.msk $0xffff, v33  }
0x276: {  	v42 =	vor.u32 v15, v32;
	v33 =	vld.idx.msk [tilespmem:v41+s3+$0x0], $0xffff  }
0x277: {  	v43 =	vor.u32 v16, v35;
	_ =	sdelay $0x3  }
0x278: {  	[tilespmem:v42+s14+$0x0] =	vst.idx.msk $0xffff, v33  }
0x279: {  	v44 =	vor.u32 v17, v32;
	v33 =	vld.idx.msk [tilespmem:v43+s3+$0x0], $0xffff  }
0x27a: {  	v45 =	vor.u32 v18, v35;
	_ =	sdelay $0x3  }
0x27b: {  	[tilespmem:v44+s14+$0x0] =	vst.idx.msk $0xffff, v33  }
0x27c: {  	v46 =	vor.u32 v19, v32;
	v33 =	vld.idx.msk [tilespmem:v45+s3+$0x0], $0xffff  }
0x27d: {  	v47 =	vor.u32 v20, v35;
	_ =	sdelay $0x3  }
0x27e: {  	[tilespmem:v46+s14+$0x0] =	vst.idx.msk $0xffff, v33  }
0x27f: {  	v48 =	vor.u32 v21, v32;
	v33 =	vld.idx.msk [tilespmem:v47+s3+$0x0], $0xffff  }
0x280: {  	v49 =	vor.u32 v22, v35;
	_ =	sdelay $0x3  }
0x281: {  	[tilespmem:v48+s14+$0x0] =	vst.idx.msk $0xffff, v33  }
0x282: {  	v50 =	vor.u32 v23, v32;
	v33 =	vld.idx.msk [tilespmem:v49+s3+$0x0], $0xffff  }
0x283: {  	v51 =	vor.u32 v24, v35;
	_ =	sdelay $0x3  }
0x284: {  	[tilespmem:v50+s14+$0x0] =	vst.idx.msk $0xffff, v33  }
0x285: {  	v52 =	vor.u32 v25, v32;
	v33 =	vld.idx.msk [tilespmem:v51+s3+$0x0], $0xffff  }
0x286: {  	v53 =	vor.u32 v26, v35;
	_ =	sdelay $0x3  }
0x287: {  	[tilespmem:v52+s14+$0x0] =	vst.idx.msk $0xffff, v33  }
0x288: {  	v54 =	vor.u32 v27, v32;
	v33 =	vld.idx.msk [tilespmem:v53+s3+$0x0], $0xffff  }
0x289: {  	v55 =	vor.u32 v28, v35;
	_ =	sdelay $0x3  }
0x28a: {  	[tilespmem:v54+s14+$0x0] =	vst.idx.msk $0xffff, v33  }
0x28b: {  	v56 =	vor.u32 v29, v32;
	v33 =	vld.idx.msk [tilespmem:v55+s3+$0x0], $0xffff  }
0x28c: {  	v35 =	vor.u32 v30, v35;
	_ =	sdelay $0x1  }
0x28d: {  	s31 =	sadd.s32 $0x3, s26  }
0x28e: {  	v57 =	vadd.s32 s31, v0  }
0x28f: {  	[tilespmem:v56+s14+$0x0] =	vst.idx.msk $0xffff, v33;
	v33 =	vand.u32 $0xF, v57  }
0x290: {  	v32 =	vor.u32 v31, v32;
	v34 =	vld.idx.msk [tilespmem:v35+s3+$0x0], $0xffff;
	v35 =	vshll.u32 v33, $0x7  }
0x291: {  	v58 =	vor.u32 v0, v35;
	_ =	sdelay $0x3  }
0x292: {  	[tilespmem:v32+s14+$0x0] =	vst.idx.msk $0xffff, v34  }
0x293: {  	v59 =	vor.u32 v1, v33;
	v32 =	vld.idx.msk [tilespmem:v58+s3+$0x0], $0xffff  }
0x294: {  	v60 =	vor.u32 v2, v35;
	_ =	sdelay $0x3  }
0x295: {  	[tilespmem:v59+s14+$0x0] =	vst.idx.msk $0xffff, v32  }
0x296: {  	v61 =	vor.u32 v3, v33;
	v32 =	vld.idx.msk [tilespmem:v60+s3+$0x0], $0xffff  }
0x297: {  	v62 =	vor.u32 v4, v35;
	_ =	sdelay $0x3  }
0x298: {  	[tilespmem:v61+s14+$0x0] =	vst.idx.msk $0xffff, v32  }
0x299: {  	v63 =	vor.u32 v5, v33;
	v32 =	vld.idx.msk [tilespmem:v62+s3+$0x0], $0xffff  }
0x29a: {  	v40 =	vor.u32 v6, v35;
	_ =	sdelay $0x3  }
0x29b: {  	[tilespmem:v63+s14+$0x0] =	vst.idx.msk $0xffff, v32  }
0x29c: {  	v41 =	vor.u32 v7, v33;
	v32 =	vld.idx.msk [tilespmem:v40+s3+$0x0], $0xffff  }
0x29d: {  	v42 =	vor.u32 v8, v35;
	_ =	sdelay $0x3  }
0x29e: {  	[tilespmem:v41+s14+$0x0] =	vst.idx.msk $0xffff, v32  }
0x29f: {  	v43 =	vor.u32 v9, v33;
	v32 =	vld.idx.msk [tilespmem:v42+s3+$0x0], $0xffff  }
0x2a0: {  	v44 =	vor.u32 v10, v35;
	_ =	sdelay $0x3  }
0x2a1: {  	[tilespmem:v43+s14+$0x0] =	vst.idx.msk $0xffff, v32  }
0x2a2: {  	v45 =	vor.u32 v11, v33;
	v32 =	vld.idx.msk [tilespmem:v44+s3+$0x0], $0xffff  }
0x2a3: {  	v46 =	vor.u32 v12, v35;
	_ =	sdelay $0x3  }
0x2a4: {  	[tilespmem:v45+s14+$0x0] =	vst.idx.msk $0xffff, v32  }
0x2a5: {  	v47 =	vor.u32 v13, v33;
	v32 =	vld.idx.msk [tilespmem:v46+s3+$0x0], $0xffff  }
0x2a6: {  	v48 =	vor.u32 v14, v35;
	_ =	sdelay $0x3  }
0x2a7: {  	[tilespmem:v47+s14+$0x0] =	vst.idx.msk $0xffff, v32  }
0x2a8: {  	v49 =	vor.u32 v15, v33;
	v32 =	vld.idx.msk [tilespmem:v48+s3+$0x0], $0xffff  }
0x2a9: {  	v50 =	vor.u32 v16, v35;
	_ =	sdelay $0x3  }
0x2aa: {  	[tilespmem:v49+s14+$0x0] =	vst.idx.msk $0xffff, v32  }
0x2ab: {  	v51 =	vor.u32 v17, v33;
	v32 =	vld.idx.msk [tilespmem:v50+s3+$0x0], $0xffff  }
0x2ac: {  	v52 =	vor.u32 v18, v35;
	_ =	sdelay $0x3  }
0x2ad: {  	[tilespmem:v51+s14+$0x0] =	vst.idx.msk $0xffff, v32  }
0x2ae: {  	v53 =	vor.u32 v19, v33;
	v32 =	vld.idx.msk [tilespmem:v52+s3+$0x0], $0xffff  }
0x2af: {  	v54 =	vor.u32 v20, v35;
	_ =	sdelay $0x3  }
0x2b0: {  	[tilespmem:v53+s14+$0x0] =	vst.idx.msk $0xffff, v32  }
0x2b1: {  	v55 =	vor.u32 v21, v33;
	v32 =	vld.idx.msk [tilespmem:v54+s3+$0x0], $0xffff  }
0x2b2: {  	v56 =	vor.u32 v22, v35;
	_ =	sdelay $0x3  }
0x2b3: {  	[tilespmem:v55+s14+$0x0] =	vst.idx.msk $0xffff, v32  }
0x2b4: {  	v57 =	vor.u32 v23, v33;
	v32 =	vld.idx.msk [tilespmem:v56+s3+$0x0], $0xffff  }
0x2b5: {  	v58 =	vor.u32 v24, v35;
	_ =	sdelay $0x3  }
0x2b6: {  	[tilespmem:v57+s14+$0x0] =	vst.idx.msk $0xffff, v32  }
0x2b7: {  	v59 =	vor.u32 v25, v33;
	v32 =	vld.idx.msk [tilespmem:v58+s3+$0x0], $0xffff  }
0x2b8: {  	v60 =	vor.u32 v26, v35;
	_ =	sdelay $0x3  }
0x2b9: {  	[tilespmem:v59+s14+$0x0] =	vst.idx.msk $0xffff, v32  }
0x2ba: {  	v61 =	vor.u32 v27, v33;
	v32 =	vld.idx.msk [tilespmem:v60+s3+$0x0], $0xffff  }
0x2bb: {  	v62 =	vor.u32 v28, v35;
	_ =	sdelay $0x3  }
0x2bc: {  	[tilespmem:v61+s14+$0x0] =	vst.idx.msk $0xffff, v32  }
0x2bd: {  	v63 =	vor.u32 v29, v33;
	v32 =	vld.idx.msk [tilespmem:v62+s3+$0x0], $0xffff  }
0x2be: {  	v35 =	vor.u32 v30, v35;
	_ =	sdelay $0x3  }
0x2bf: {  	[tilespmem:v63+s14+$0x0] =	vst.idx.msk $0xffff, v32  }
0x2c0: {  	v33 =	vor.u32 v31, v33;
	v32 =	vld.idx.msk [tilespmem:v35+s3+$0x0], $0xffff;
	_ =	sdelay $0x1  }
.Ltmp7:
0x2c1: {  	_ = 	snop;
	(pc) =	sbr.rel @p2 .LBB2_9-.Ltmp7, $4  }
0x2c2: {  	_ = 	snop  }
0x2c3: {  	s25 =	sshll.u32 s25, $0x9  }
0x2c4: {  	s25 =	sadd.s32 s5, s25;
	[tilespmem:v33+s14+$0x0] =	vst.idx.msk $0xffff, v32  }
0x2c5: {  	[hbm4b:s25+s3] =	stream.linear.scatter [tilespmem:s14], [sflag:$0x3], $0x1000, $0x38;
	[tilespmem:$0x4000] =	vst v63  }
0x2c6: {  	s24 =	sadd.s32 s7, s24  }
0x2c7: {  	p2 =	sgt.u32 s24, $0x1E83  }
0x2c8: {  	s25 =	simm.s32 $0x0;
	s24 =	sshll.u32 @!p2 s24, $0x7;
	s26 =	simm.s32 @!p2 $0x400  }
0x2c9: {  	v32 =	vadd.s32 s25, v0;
	s28 =	simm.s32 @!p2 $0x7A1400;
	s25 =	simm.s32 @!p2 $0x0;
	s24 =	sadd.s32 @!p2 s1, s24  }
0x2ca: {  	v33 =	vand.u32 $0xF, v32;
	[tilespmem:s25], [sflag:$0x1] =	stream.strided.gather @!p2 [hbm4b:s24+s26], $0x1000, s28, s26, $0x38;
	[tilespmem:$0x4000] =	vst v63  }
0x2cb: {  	v34 =	vshll.u32 v33, $0x7;
	_ =	swait.ge [sflag:s15], $0x1000  }
0x2cc: {  	v35 =	vor.u32 v0, v34;
	[sflag:s15] =	ssyncset.done $0x0  }
0x2cd: {  	s24 =	simm.s32 @!p1 $0x4;
	[sflag:s15] =	ssyncadd.s32 $0xFFFFF000  }
0x2ce: {  	_ =	swait.ge @!p1 [sflag:s24], $0x1000  }
0x2cf: {  	[sflag:s24] =	ssyncset.done @!p1 $0x0  }
0x2d0: {  	[sflag:s24] =	ssyncadd.s32 @!p1 $0xFFFFF000  }
0x2d1: {  	v36 =	vor.u32 v1, v33;
	v35 =	vld.idx.msk [tilespmem:v35+s16+$0x0], $0xffff  }
0x2d2: {  	v37 =	vor.u32 v2, v34;
	_ =	sdelay $0x3  }
0x2d3: {  	[tilespmem:v36+s17+$0x0] =	vst.idx.msk $0xffff, v35  }
0x2d4: {  	v41 =	vor.u32 v3, v33;
	v35 =	vld.idx.msk [tilespmem:v37+s16+$0x0], $0xffff  }
0x2d5: {  	v42 =	vor.u32 v4, v34;
	_ =	sdelay $0x3  }
0x2d6: {  	[tilespmem:v41+s17+$0x0] =	vst.idx.msk $0xffff, v35  }
0x2d7: {  	v43 =	vor.u32 v5, v33;
	v35 =	vld.idx.msk [tilespmem:v42+s16+$0x0], $0xffff  }
0x2d8: {  	v44 =	vor.u32 v6, v34;
	_ =	sdelay $0x3  }
0x2d9: {  	[tilespmem:v43+s17+$0x0] =	vst.idx.msk $0xffff, v35  }
0x2da: {  	v45 =	vor.u32 v7, v33;
	v35 =	vld.idx.msk [tilespmem:v44+s16+$0x0], $0xffff  }
0x2db: {  	v46 =	vor.u32 v8, v34;
	_ =	sdelay $0x3  }
0x2dc: {  	[tilespmem:v45+s17+$0x0] =	vst.idx.msk $0xffff, v35  }
0x2dd: {  	v47 =	vor.u32 v9, v33;
	v35 =	vld.idx.msk [tilespmem:v46+s16+$0x0], $0xffff  }
0x2de: {  	v48 =	vor.u32 v10, v34;
	_ =	sdelay $0x3  }
0x2df: {  	[tilespmem:v47+s17+$0x0] =	vst.idx.msk $0xffff, v35  }
0x2e0: {  	v49 =	vor.u32 v11, v33;
	v35 =	vld.idx.msk [tilespmem:v48+s16+$0x0], $0xffff  }
0x2e1: {  	v50 =	vor.u32 v12, v34;
	_ =	sdelay $0x3  }
0x2e2: {  	[tilespmem:v49+s17+$0x0] =	vst.idx.msk $0xffff, v35  }
0x2e3: {  	v51 =	vor.u32 v13, v33;
	v35 =	vld.idx.msk [tilespmem:v50+s16+$0x0], $0xffff  }
0x2e4: {  	v52 =	vor.u32 v14, v34;
	_ =	sdelay $0x3  }
0x2e5: {  	[tilespmem:v51+s17+$0x0] =	vst.idx.msk $0xffff, v35  }
0x2e6: {  	v33 =	vor.u32 v15, v33;
	v35 =	vld.idx.msk [tilespmem:v52+s16+$0x0], $0xffff  }
0x2e7: {  	v53 =	vor.u32 v16, v34;
	_ =	sdelay $0x3  }
0x2e8: {  	[tilespmem:v33+s17+$0x0] =	vst.idx.msk $0xffff, v35  }
0x2e9: {  	v54 =	vor.u32 v17, v32;
	v33 =	vld.idx.msk [tilespmem:v53+s16+$0x0], $0xffff  }
0x2ea: {  	v55 =	vor.u32 v18, v34;
	_ =	sdelay $0x3  }
0x2eb: {  	[tilespmem:v54+s17+$0x0] =	vst.idx.msk $0xffff, v33  }
0x2ec: {  	v56 =	vor.u32 v19, v32;
	v33 =	vld.idx.msk [tilespmem:v55+s16+$0x0], $0xffff  }
0x2ed: {  	v57 =	vor.u32 v20, v34;
	_ =	sdelay $0x3  }
0x2ee: {  	[tilespmem:v56+s17+$0x0] =	vst.idx.msk $0xffff, v33  }
0x2ef: {  	v58 =	vor.u32 v21, v32;
	v33 =	vld.idx.msk [tilespmem:v57+s16+$0x0], $0xffff  }
0x2f0: {  	v59 =	vor.u32 v22, v34;
	_ =	sdelay $0x3  }
0x2f1: {  	[tilespmem:v58+s17+$0x0] =	vst.idx.msk $0xffff, v33  }
0x2f2: {  	v60 =	vor.u32 v23, v32;
	v33 =	vld.idx.msk [tilespmem:v59+s16+$0x0], $0xffff  }
0x2f3: {  	v61 =	vor.u32 v24, v34;
	_ =	sdelay $0x3  }
0x2f4: {  	[tilespmem:v60+s17+$0x0] =	vst.idx.msk $0xffff, v33  }
0x2f5: {  	v62 =	vor.u32 v25, v32;
	v33 =	vld.idx.msk [tilespmem:v61+s16+$0x0], $0xffff  }
0x2f6: {  	v63 =	vor.u32 v26, v34;
	_ =	sdelay $0x3  }
0x2f7: {  	[tilespmem:v62+s17+$0x0] =	vst.idx.msk $0xffff, v33  }
0x2f8: {  	v40 =	vor.u32 v27, v32;
	v33 =	vld.idx.msk [tilespmem:v63+s16+$0x0], $0xffff  }
0x2f9: {  	v41 =	vor.u32 v28, v34;
	_ =	sdelay $0x3  }
0x2fa: {  	[tilespmem:v40+s17+$0x0] =	vst.idx.msk $0xffff, v33  }
0x2fb: {  	v42 =	vor.u32 v29, v32;
	v33 =	vld.idx.msk [tilespmem:v41+s16+$0x0], $0xffff  }
0x2fc: {  	v34 =	vor.u32 v30, v34;
	_ =	sdelay $0x1  }
0x2fd: {  	s29 =	simm.s32 $0x1  }
0x2fe: {  	v43 =	vadd.s32 s29, v0  }
0x2ff: {  	[tilespmem:v42+s17+$0x0] =	vst.idx.msk $0xffff, v33;
	v33 =	vand.u32 $0xF, v43  }
0x300: {  	v32 =	vor.u32 v31, v32;
	v34 =	vld.idx.msk [tilespmem:v34+s16+$0x0], $0xffff;
	v35 =	vshll.u32 v33, $0x7  }
0x301: {  	v44 =	vor.u32 v0, v35;
	_ =	sdelay $0x3  }
0x302: {  	[tilespmem:v32+s17+$0x0] =	vst.idx.msk $0xffff, v34  }
0x303: {  	v45 =	vor.u32 v1, v33;
	v32 =	vld.idx.msk [tilespmem:v44+s16+$0x0], $0xffff  }
0x304: {  	v46 =	vor.u32 v2, v35;
	_ =	sdelay $0x3  }
0x305: {  	[tilespmem:v45+s17+$0x0] =	vst.idx.msk $0xffff, v32  }
0x306: {  	v47 =	vor.u32 v3, v33;
	v32 =	vld.idx.msk [tilespmem:v46+s16+$0x0], $0xffff  }
0x307: {  	v48 =	vor.u32 v4, v35;
	_ =	sdelay $0x3  }
0x308: {  	[tilespmem:v47+s17+$0x0] =	vst.idx.msk $0xffff, v32  }
0x309: {  	v49 =	vor.u32 v5, v33;
	v32 =	vld.idx.msk [tilespmem:v48+s16+$0x0], $0xffff  }
0x30a: {  	v50 =	vor.u32 v6, v35;
	_ =	sdelay $0x3  }
0x30b: {  	[tilespmem:v49+s17+$0x0] =	vst.idx.msk $0xffff, v32  }
0x30c: {  	v51 =	vor.u32 v7, v33;
	v32 =	vld.idx.msk [tilespmem:v50+s16+$0x0], $0xffff  }
0x30d: {  	v52 =	vor.u32 v8, v35;
	_ =	sdelay $0x3  }
0x30e: {  	[tilespmem:v51+s17+$0x0] =	vst.idx.msk $0xffff, v32  }
0x30f: {  	v53 =	vor.u32 v9, v33;
	v32 =	vld.idx.msk [tilespmem:v52+s16+$0x0], $0xffff  }
0x310: {  	v54 =	vor.u32 v10, v35;
	_ =	sdelay $0x3  }
0x311: {  	[tilespmem:v53+s17+$0x0] =	vst.idx.msk $0xffff, v32  }
0x312: {  	v55 =	vor.u32 v11, v33;
	v32 =	vld.idx.msk [tilespmem:v54+s16+$0x0], $0xffff  }
0x313: {  	v56 =	vor.u32 v12, v35;
	_ =	sdelay $0x3  }
0x314: {  	[tilespmem:v55+s17+$0x0] =	vst.idx.msk $0xffff, v32  }
0x315: {  	v57 =	vor.u32 v13, v33;
	v32 =	vld.idx.msk [tilespmem:v56+s16+$0x0], $0xffff  }
0x316: {  	v58 =	vor.u32 v14, v35;
	_ =	sdelay $0x3  }
0x317: {  	[tilespmem:v57+s17+$0x0] =	vst.idx.msk $0xffff, v32  }
0x318: {  	v59 =	vor.u32 v15, v33;
	v32 =	vld.idx.msk [tilespmem:v58+s16+$0x0], $0xffff  }
0x319: {  	v60 =	vor.u32 v16, v35;
	_ =	sdelay $0x3  }
0x31a: {  	[tilespmem:v59+s17+$0x0] =	vst.idx.msk $0xffff, v32  }
0x31b: {  	v61 =	vor.u32 v17, v33;
	v32 =	vld.idx.msk [tilespmem:v60+s16+$0x0], $0xffff  }
0x31c: {  	v62 =	vor.u32 v18, v35;
	_ =	sdelay $0x3  }
0x31d: {  	[tilespmem:v61+s17+$0x0] =	vst.idx.msk $0xffff, v32  }
0x31e: {  	v63 =	vor.u32 v19, v33;
	v32 =	vld.idx.msk [tilespmem:v62+s16+$0x0], $0xffff  }
0x31f: {  	v40 =	vor.u32 v20, v35;
	_ =	sdelay $0x3  }
0x320: {  	[tilespmem:v63+s17+$0x0] =	vst.idx.msk $0xffff, v32  }
0x321: {  	v41 =	vor.u32 v21, v33;
	v32 =	vld.idx.msk [tilespmem:v40+s16+$0x0], $0xffff  }
0x322: {  	v42 =	vor.u32 v22, v35;
	_ =	sdelay $0x3  }
0x323: {  	[tilespmem:v41+s17+$0x0] =	vst.idx.msk $0xffff, v32  }
0x324: {  	v43 =	vor.u32 v23, v33;
	v32 =	vld.idx.msk [tilespmem:v42+s16+$0x0], $0xffff  }
0x325: {  	v44 =	vor.u32 v24, v35;
	_ =	sdelay $0x3  }
0x326: {  	[tilespmem:v43+s17+$0x0] =	vst.idx.msk $0xffff, v32  }
0x327: {  	v45 =	vor.u32 v25, v33;
	v32 =	vld.idx.msk [tilespmem:v44+s16+$0x0], $0xffff  }
0x328: {  	v46 =	vor.u32 v26, v35;
	_ =	sdelay $0x3  }
0x329: {  	[tilespmem:v45+s17+$0x0] =	vst.idx.msk $0xffff, v32  }
0x32a: {  	v47 =	vor.u32 v27, v33;
	v32 =	vld.idx.msk [tilespmem:v46+s16+$0x0], $0xffff  }
0x32b: {  	v48 =	vor.u32 v28, v35;
	_ =	sdelay $0x3  }
0x32c: {  	[tilespmem:v47+s17+$0x0] =	vst.idx.msk $0xffff, v32  }
0x32d: {  	v49 =	vor.u32 v29, v33;
	v32 =	vld.idx.msk [tilespmem:v48+s16+$0x0], $0xffff  }
0x32e: {  	v35 =	vor.u32 v30, v35;
	_ =	sdelay $0x1  }
0x32f: {  	s30 =	simm.s32 $0x2  }
0x330: {  	v50 =	vadd.s32 s30, v0  }
0x331: {  	[tilespmem:v49+s17+$0x0] =	vst.idx.msk $0xffff, v32;
	v32 =	vand.u32 $0xF, v50  }
0x332: {  	v33 =	vor.u32 v31, v33;
	v34 =	vld.idx.msk [tilespmem:v35+s16+$0x0], $0xffff;
	v35 =	vshll.u32 v32, $0x7  }
0x333: {  	v51 =	vor.u32 v0, v35;
	_ =	sdelay $0x3  }
0x334: {  	[tilespmem:v33+s17+$0x0] =	vst.idx.msk $0xffff, v34  }
0x335: {  	v52 =	vor.u32 v1, v32;
	v33 =	vld.idx.msk [tilespmem:v51+s16+$0x0], $0xffff  }
0x336: {  	v53 =	vor.u32 v2, v35;
	_ =	sdelay $0x3  }
0x337: {  	[tilespmem:v52+s17+$0x0] =	vst.idx.msk $0xffff, v33  }
0x338: {  	v54 =	vor.u32 v3, v32;
	v33 =	vld.idx.msk [tilespmem:v53+s16+$0x0], $0xffff  }
0x339: {  	v55 =	vor.u32 v4, v35;
	_ =	sdelay $0x3  }
0x33a: {  	[tilespmem:v54+s17+$0x0] =	vst.idx.msk $0xffff, v33  }
0x33b: {  	v56 =	vor.u32 v5, v32;
	v33 =	vld.idx.msk [tilespmem:v55+s16+$0x0], $0xffff  }
0x33c: {  	v57 =	vor.u32 v6, v35;
	_ =	sdelay $0x3  }
0x33d: {  	[tilespmem:v56+s17+$0x0] =	vst.idx.msk $0xffff, v33  }
0x33e: {  	v58 =	vor.u32 v7, v32;
	v33 =	vld.idx.msk [tilespmem:v57+s16+$0x0], $0xffff  }
0x33f: {  	v59 =	vor.u32 v8, v35;
	_ =	sdelay $0x3  }
0x340: {  	[tilespmem:v58+s17+$0x0] =	vst.idx.msk $0xffff, v33  }
0x341: {  	v60 =	vor.u32 v9, v32;
	v33 =	vld.idx.msk [tilespmem:v59+s16+$0x0], $0xffff  }
0x342: {  	v61 =	vor.u32 v10, v35;
	_ =	sdelay $0x3  }
0x343: {  	[tilespmem:v60+s17+$0x0] =	vst.idx.msk $0xffff, v33  }
0x344: {  	v62 =	vor.u32 v11, v32;
	v33 =	vld.idx.msk [tilespmem:v61+s16+$0x0], $0xffff  }
0x345: {  	v63 =	vor.u32 v12, v35;
	_ =	sdelay $0x3  }
0x346: {  	[tilespmem:v62+s17+$0x0] =	vst.idx.msk $0xffff, v33  }
0x347: {  	v40 =	vor.u32 v13, v32;
	v33 =	vld.idx.msk [tilespmem:v63+s16+$0x0], $0xffff  }
0x348: {  	v41 =	vor.u32 v14, v35;
	_ =	sdelay $0x3  }
0x349: {  	[tilespmem:v40+s17+$0x0] =	vst.idx.msk $0xffff, v33  }
0x34a: {  	v42 =	vor.u32 v15, v32;
	v33 =	vld.idx.msk [tilespmem:v41+s16+$0x0], $0xffff  }
0x34b: {  	v43 =	vor.u32 v16, v35;
	_ =	sdelay $0x3  }
0x34c: {  	[tilespmem:v42+s17+$0x0] =	vst.idx.msk $0xffff, v33  }
0x34d: {  	v44 =	vor.u32 v17, v32;
	v33 =	vld.idx.msk [tilespmem:v43+s16+$0x0], $0xffff  }
0x34e: {  	v45 =	vor.u32 v18, v35;
	_ =	sdelay $0x3  }
0x34f: {  	[tilespmem:v44+s17+$0x0] =	vst.idx.msk $0xffff, v33  }
0x350: {  	v46 =	vor.u32 v19, v32;
	v33 =	vld.idx.msk [tilespmem:v45+s16+$0x0], $0xffff  }
0x351: {  	v47 =	vor.u32 v20, v35;
	_ =	sdelay $0x3  }
0x352: {  	[tilespmem:v46+s17+$0x0] =	vst.idx.msk $0xffff, v33  }
0x353: {  	v48 =	vor.u32 v21, v32;
	v33 =	vld.idx.msk [tilespmem:v47+s16+$0x0], $0xffff  }
0x354: {  	v49 =	vor.u32 v22, v35;
	_ =	sdelay $0x3  }
0x355: {  	[tilespmem:v48+s17+$0x0] =	vst.idx.msk $0xffff, v33  }
0x356: {  	v50 =	vor.u32 v23, v32;
	v33 =	vld.idx.msk [tilespmem:v49+s16+$0x0], $0xffff  }
0x357: {  	v51 =	vor.u32 v24, v35;
	_ =	sdelay $0x3  }
0x358: {  	[tilespmem:v50+s17+$0x0] =	vst.idx.msk $0xffff, v33  }
0x359: {  	v52 =	vor.u32 v25, v32;
	v33 =	vld.idx.msk [tilespmem:v51+s16+$0x0], $0xffff  }
0x35a: {  	v53 =	vor.u32 v26, v35;
	_ =	sdelay $0x3  }
0x35b: {  	[tilespmem:v52+s17+$0x0] =	vst.idx.msk $0xffff, v33  }
0x35c: {  	v54 =	vor.u32 v27, v32;
	v33 =	vld.idx.msk [tilespmem:v53+s16+$0x0], $0xffff  }
0x35d: {  	v55 =	vor.u32 v28, v35;
	_ =	sdelay $0x3  }
0x35e: {  	[tilespmem:v54+s17+$0x0] =	vst.idx.msk $0xffff, v33  }
0x35f: {  	v56 =	vor.u32 v29, v32;
	v33 =	vld.idx.msk [tilespmem:v55+s16+$0x0], $0xffff  }
0x360: {  	v35 =	vor.u32 v30, v35;
	_ =	sdelay $0x1  }
0x361: {  	s31 =	simm.s32 $0x3  }
0x362: {  	v57 =	vadd.s32 s31, v0  }
0x363: {  	[tilespmem:v56+s17+$0x0] =	vst.idx.msk $0xffff, v33;
	v33 =	vand.u32 $0xF, v57  }
0x364: {  	v32 =	vor.u32 v31, v32;
	v34 =	vld.idx.msk [tilespmem:v35+s16+$0x0], $0xffff;
	v35 =	vshll.u32 v33, $0x7  }
0x365: {  	v58 =	vor.u32 v0, v35;
	_ =	sdelay $0x3  }
0x366: {  	[tilespmem:v32+s17+$0x0] =	vst.idx.msk $0xffff, v34  }
0x367: {  	v59 =	vor.u32 v1, v33;
	v32 =	vld.idx.msk [tilespmem:v58+s16+$0x0], $0xffff  }
0x368: {  	v60 =	vor.u32 v2, v35;
	_ =	sdelay $0x3  }
0x369: {  	[tilespmem:v59+s17+$0x0] =	vst.idx.msk $0xffff, v32  }
0x36a: {  	v61 =	vor.u32 v3, v33;
	v32 =	vld.idx.msk [tilespmem:v60+s16+$0x0], $0xffff  }
0x36b: {  	v62 =	vor.u32 v4, v35;
	_ =	sdelay $0x3  }
0x36c: {  	[tilespmem:v61+s17+$0x0] =	vst.idx.msk $0xffff, v32  }
0x36d: {  	v63 =	vor.u32 v5, v33;
	v32 =	vld.idx.msk [tilespmem:v62+s16+$0x0], $0xffff  }
0x36e: {  	v40 =	vor.u32 v6, v35;
	_ =	sdelay $0x3  }
0x36f: {  	[tilespmem:v63+s17+$0x0] =	vst.idx.msk $0xffff, v32  }
0x370: {  	v41 =	vor.u32 v7, v33;
	v32 =	vld.idx.msk [tilespmem:v40+s16+$0x0], $0xffff  }
0x371: {  	v42 =	vor.u32 v8, v35;
	_ =	sdelay $0x3  }
0x372: {  	[tilespmem:v41+s17+$0x0] =	vst.idx.msk $0xffff, v32  }
0x373: {  	v43 =	vor.u32 v9, v33;
	v32 =	vld.idx.msk [tilespmem:v42+s16+$0x0], $0xffff  }
0x374: {  	v44 =	vor.u32 v10, v35;
	_ =	sdelay $0x3  }
0x375: {  	[tilespmem:v43+s17+$0x0] =	vst.idx.msk $0xffff, v32  }
0x376: {  	v45 =	vor.u32 v11, v33;
	v32 =	vld.idx.msk [tilespmem:v44+s16+$0x0], $0xffff  }
0x377: {  	v46 =	vor.u32 v12, v35;
	_ =	sdelay $0x3  }
0x378: {  	[tilespmem:v45+s17+$0x0] =	vst.idx.msk $0xffff, v32  }
0x379: {  	v47 =	vor.u32 v13, v33;
	v32 =	vld.idx.msk [tilespmem:v46+s16+$0x0], $0xffff  }
0x37a: {  	v48 =	vor.u32 v14, v35;
	_ =	sdelay $0x3  }
0x37b: {  	[tilespmem:v47+s17+$0x0] =	vst.idx.msk $0xffff, v32  }
0x37c: {  	v49 =	vor.u32 v15, v33;
	v32 =	vld.idx.msk [tilespmem:v48+s16+$0x0], $0xffff  }
0x37d: {  	v50 =	vor.u32 v16, v35;
	_ =	sdelay $0x3  }
0x37e: {  	[tilespmem:v49+s17+$0x0] =	vst.idx.msk $0xffff, v32  }
0x37f: {  	v51 =	vor.u32 v17, v33;
	v32 =	vld.idx.msk [tilespmem:v50+s16+$0x0], $0xffff  }
0x380: {  	v52 =	vor.u32 v18, v35;
	_ =	sdelay $0x3  }
0x381: {  	[tilespmem:v51+s17+$0x0] =	vst.idx.msk $0xffff, v32  }
0x382: {  	v53 =	vor.u32 v19, v33;
	v32 =	vld.idx.msk [tilespmem:v52+s16+$0x0], $0xffff  }
0x383: {  	v54 =	vor.u32 v20, v35;
	_ =	sdelay $0x3  }
0x384: {  	[tilespmem:v53+s17+$0x0] =	vst.idx.msk $0xffff, v32  }
0x385: {  	v55 =	vor.u32 v21, v33;
	v32 =	vld.idx.msk [tilespmem:v54+s16+$0x0], $0xffff  }
0x386: {  	v56 =	vor.u32 v22, v35;
	_ =	sdelay $0x3  }
0x387: {  	[tilespmem:v55+s17+$0x0] =	vst.idx.msk $0xffff, v32  }
0x388: {  	v57 =	vor.u32 v23, v33;
	v32 =	vld.idx.msk [tilespmem:v56+s16+$0x0], $0xffff  }
0x389: {  	v58 =	vor.u32 v24, v35;
	_ =	sdelay $0x3  }
0x38a: {  	[tilespmem:v57+s17+$0x0] =	vst.idx.msk $0xffff, v32  }
0x38b: {  	v59 =	vor.u32 v25, v33;
	v32 =	vld.idx.msk [tilespmem:v58+s16+$0x0], $0xffff  }
0x38c: {  	v60 =	vor.u32 v26, v35;
	_ =	sdelay $0x3  }
0x38d: {  	[tilespmem:v59+s17+$0x0] =	vst.idx.msk $0xffff, v32  }
0x38e: {  	v61 =	vor.u32 v27, v33;
	v32 =	vld.idx.msk [tilespmem:v60+s16+$0x0], $0xffff  }
0x38f: {  	v62 =	vor.u32 v28, v35;
	_ =	sdelay $0x3  }
0x390: {  	[tilespmem:v61+s17+$0x0] =	vst.idx.msk $0xffff, v32  }
0x391: {  	v63 =	vor.u32 v29, v33;
	v36 =	vld.idx.msk [tilespmem:v62+s16+$0x0], $0xffff  }
0x392: {  	v34 =	vor.u32 v30, v35;
	_ =	sdelay $0x2  }
0x393: {  	s24 =	simm.s32 $0x4  }
0x394: {  	s25 =	simm.s32 $0x8;
	v32 =	vadd.s32 s24, v0;
	[tilespmem:v63+s17+$0x0] =	vst.idx.msk $0xffff, v36  }
.LBB2_7:
0x395: {  	p1 =	sne.s32 s25, $0xC;
	v35 =	vand.u32 $0xF, v32;
	v36 =	vld.idx.msk [tilespmem:v34+s16+$0x0], $0xffff  }
0x396: {  	v33 =	vor.u32 v31, v33;
	v34 =	vshll.u32 v35, $0x7  }
0x397: {  	v37 =	vor.u32 v0, v34;
	_ =	sdelay $0x3  }
0x398: {  	[tilespmem:v33+s17+$0x0] =	vst.idx.msk $0xffff, v36  }
0x399: {  	v33 =	vld.idx.msk [tilespmem:v37+s16+$0x0], $0xffff  }
0x39a: {  	v36 =	vor.u32 v1, v35  }
0x39b: {  	v37 =	vor.u32 v2, v34;
	_ =	sdelay $0x3  }
0x39c: {  	[tilespmem:v36+s17+$0x0] =	vst.idx.msk $0xffff, v33  }
0x39d: {  	v33 =	vld.idx.msk [tilespmem:v37+s16+$0x0], $0xffff  }
0x39e: {  	v36 =	vor.u32 v3, v35  }
0x39f: {  	v37 =	vor.u32 v4, v34;
	_ =	sdelay $0x3  }
0x3a0: {  	[tilespmem:v36+s17+$0x0] =	vst.idx.msk $0xffff, v33  }
0x3a1: {  	v33 =	vld.idx.msk [tilespmem:v37+s16+$0x0], $0xffff  }
0x3a2: {  	v36 =	vor.u32 v5, v35  }
0x3a3: {  	v37 =	vor.u32 v6, v34;
	_ =	sdelay $0x3  }
0x3a4: {  	[tilespmem:v36+s17+$0x0] =	vst.idx.msk $0xffff, v33  }
0x3a5: {  	v33 =	vld.idx.msk [tilespmem:v37+s16+$0x0], $0xffff  }
0x3a6: {  	v36 =	vor.u32 v7, v35  }
0x3a7: {  	v37 =	vor.u32 v8, v34;
	_ =	sdelay $0x3  }
0x3a8: {  	[tilespmem:v36+s17+$0x0] =	vst.idx.msk $0xffff, v33  }
0x3a9: {  	v33 =	vld.idx.msk [tilespmem:v37+s16+$0x0], $0xffff  }
0x3aa: {  	v36 =	vor.u32 v9, v35  }
0x3ab: {  	v37 =	vor.u32 v10, v34;
	_ =	sdelay $0x3  }
0x3ac: {  	[tilespmem:v36+s17+$0x0] =	vst.idx.msk $0xffff, v33  }
0x3ad: {  	v33 =	vld.idx.msk [tilespmem:v37+s16+$0x0], $0xffff  }
0x3ae: {  	v36 =	vor.u32 v11, v35  }
0x3af: {  	v37 =	vor.u32 v12, v34;
	_ =	sdelay $0x3  }
0x3b0: {  	[tilespmem:v36+s17+$0x0] =	vst.idx.msk $0xffff, v33  }
0x3b1: {  	v33 =	vld.idx.msk [tilespmem:v37+s16+$0x0], $0xffff  }
0x3b2: {  	v36 =	vor.u32 v13, v35  }
0x3b3: {  	v37 =	vor.u32 v14, v34;
	_ =	sdelay $0x3  }
0x3b4: {  	[tilespmem:v36+s17+$0x0] =	vst.idx.msk $0xffff, v33  }
0x3b5: {  	v33 =	vld.idx.msk [tilespmem:v37+s16+$0x0], $0xffff  }
0x3b6: {  	v35 =	vor.u32 v15, v35  }
0x3b7: {  	v36 =	vor.u32 v16, v34;
	_ =	sdelay $0x3  }
0x3b8: {  	[tilespmem:v35+s17+$0x0] =	vst.idx.msk $0xffff, v33  }
0x3b9: {  	v33 =	vld.idx.msk [tilespmem:v36+s16+$0x0], $0xffff  }
0x3ba: {  	v35 =	vor.u32 v17, v32  }
0x3bb: {  	v36 =	vor.u32 v18, v34;
	_ =	sdelay $0x3  }
0x3bc: {  	[tilespmem:v35+s17+$0x0] =	vst.idx.msk $0xffff, v33  }
0x3bd: {  	v33 =	vld.idx.msk [tilespmem:v36+s16+$0x0], $0xffff  }
0x3be: {  	v35 =	vor.u32 v19, v32  }
0x3bf: {  	v36 =	vor.u32 v20, v34;
	_ =	sdelay $0x3  }
0x3c0: {  	[tilespmem:v35+s17+$0x0] =	vst.idx.msk $0xffff, v33  }
0x3c1: {  	v33 =	vld.idx.msk [tilespmem:v36+s16+$0x0], $0xffff  }
0x3c2: {  	v35 =	vor.u32 v21, v32  }
0x3c3: {  	v36 =	vor.u32 v22, v34;
	_ =	sdelay $0x3  }
0x3c4: {  	[tilespmem:v35+s17+$0x0] =	vst.idx.msk $0xffff, v33  }
0x3c5: {  	v33 =	vld.idx.msk [tilespmem:v36+s16+$0x0], $0xffff  }
0x3c6: {  	v35 =	vor.u32 v23, v32  }
0x3c7: {  	v36 =	vor.u32 v24, v34;
	_ =	sdelay $0x3  }
0x3c8: {  	[tilespmem:v35+s17+$0x0] =	vst.idx.msk $0xffff, v33  }
0x3c9: {  	v33 =	vld.idx.msk [tilespmem:v36+s16+$0x0], $0xffff  }
0x3ca: {  	v35 =	vor.u32 v25, v32  }
0x3cb: {  	v36 =	vor.u32 v26, v34;
	_ =	sdelay $0x3  }
0x3cc: {  	[tilespmem:v35+s17+$0x0] =	vst.idx.msk $0xffff, v33  }
0x3cd: {  	v33 =	vld.idx.msk [tilespmem:v36+s16+$0x0], $0xffff  }
0x3ce: {  	v35 =	vor.u32 v27, v32  }
0x3cf: {  	v36 =	vor.u32 v28, v34;
	_ =	sdelay $0x3  }
0x3d0: {  	[tilespmem:v35+s17+$0x0] =	vst.idx.msk $0xffff, v33  }
0x3d1: {  	v33 =	vld.idx.msk [tilespmem:v36+s16+$0x0], $0xffff  }
0x3d2: {  	v35 =	vor.u32 v29, v32  }
0x3d3: {  	v34 =	vor.u32 v30, v34;
	_ =	sdelay $0x2  }
0x3d4: {  	s26 =	sadd.s32 $0x1, s24  }
0x3d5: {  	[tilespmem:v35+s17+$0x0] =	vst.idx.msk $0xffff, v33;
	v33 =	vadd.s32 s26, v0  }
0x3d6: {  	v34 =	vld.idx.msk [tilespmem:v34+s16+$0x0], $0xffff;
	v33 =	vand.u32 $0xF, v33  }
0x3d7: {  	v35 =	vor.u32 v31, v32;
	v32 =	vshll.u32 v33, $0x7  }
0x3d8: {  	v36 =	vor.u32 v0, v32;
	_ =	sdelay $0x3  }
0x3d9: {  	[tilespmem:v35+s17+$0x0] =	vst.idx.msk $0xffff, v34  }
0x3da: {  	v34 =	vld.idx.msk [tilespmem:v36+s16+$0x0], $0xffff  }
0x3db: {  	v35 =	vor.u32 v1, v33  }
0x3dc: {  	v36 =	vor.u32 v2, v32;
	_ =	sdelay $0x3  }
0x3dd: {  	[tilespmem:v35+s17+$0x0] =	vst.idx.msk $0xffff, v34  }
0x3de: {  	v34 =	vld.idx.msk [tilespmem:v36+s16+$0x0], $0xffff  }
0x3df: {  	v35 =	vor.u32 v3, v33  }
0x3e0: {  	v36 =	vor.u32 v4, v32;
	_ =	sdelay $0x3  }
0x3e1: {  	[tilespmem:v35+s17+$0x0] =	vst.idx.msk $0xffff, v34  }
0x3e2: {  	v34 =	vld.idx.msk [tilespmem:v36+s16+$0x0], $0xffff  }
0x3e3: {  	v35 =	vor.u32 v5, v33  }
0x3e4: {  	v36 =	vor.u32 v6, v32;
	_ =	sdelay $0x3  }
0x3e5: {  	[tilespmem:v35+s17+$0x0] =	vst.idx.msk $0xffff, v34  }
0x3e6: {  	v34 =	vld.idx.msk [tilespmem:v36+s16+$0x0], $0xffff  }
0x3e7: {  	v35 =	vor.u32 v7, v33  }
0x3e8: {  	v36 =	vor.u32 v8, v32;
	_ =	sdelay $0x3  }
0x3e9: {  	[tilespmem:v35+s17+$0x0] =	vst.idx.msk $0xffff, v34  }
0x3ea: {  	v34 =	vld.idx.msk [tilespmem:v36+s16+$0x0], $0xffff  }
0x3eb: {  	v35 =	vor.u32 v9, v33  }
0x3ec: {  	v36 =	vor.u32 v10, v32;
	_ =	sdelay $0x3  }
0x3ed: {  	[tilespmem:v35+s17+$0x0] =	vst.idx.msk $0xffff, v34  }
0x3ee: {  	v34 =	vld.idx.msk [tilespmem:v36+s16+$0x0], $0xffff  }
0x3ef: {  	v35 =	vor.u32 v11, v33  }
0x3f0: {  	v36 =	vor.u32 v12, v32;
	_ =	sdelay $0x3  }
0x3f1: {  	[tilespmem:v35+s17+$0x0] =	vst.idx.msk $0xffff, v34  }
0x3f2: {  	v34 =	vld.idx.msk [tilespmem:v36+s16+$0x0], $0xffff  }
0x3f3: {  	v35 =	vor.u32 v13, v33  }
0x3f4: {  	v36 =	vor.u32 v14, v32;
	_ =	sdelay $0x3  }
0x3f5: {  	[tilespmem:v35+s17+$0x0] =	vst.idx.msk $0xffff, v34  }
0x3f6: {  	v34 =	vld.idx.msk [tilespmem:v36+s16+$0x0], $0xffff  }
0x3f7: {  	v35 =	vor.u32 v15, v33  }
0x3f8: {  	v36 =	vor.u32 v16, v32;
	_ =	sdelay $0x3  }
0x3f9: {  	[tilespmem:v35+s17+$0x0] =	vst.idx.msk $0xffff, v34  }
0x3fa: {  	v34 =	vld.idx.msk [tilespmem:v36+s16+$0x0], $0xffff  }
0x3fb: {  	v35 =	vor.u32 v17, v33  }
0x3fc: {  	v36 =	vor.u32 v18, v32;
	_ =	sdelay $0x3  }
0x3fd: {  	[tilespmem:v35+s17+$0x0] =	vst.idx.msk $0xffff, v34  }
0x3fe: {  	v34 =	vld.idx.msk [tilespmem:v36+s16+$0x0], $0xffff  }
0x3ff: {  	v35 =	vor.u32 v19, v33  }
0x400: {  	v36 =	vor.u32 v20, v32;
	_ =	sdelay $0x3  }
0x401: {  	[tilespmem:v35+s17+$0x0] =	vst.idx.msk $0xffff, v34  }
0x402: {  	v34 =	vld.idx.msk [tilespmem:v36+s16+$0x0], $0xffff  }
0x403: {  	v35 =	vor.u32 v21, v33  }
0x404: {  	v36 =	vor.u32 v22, v32;
	_ =	sdelay $0x3  }
0x405: {  	[tilespmem:v35+s17+$0x0] =	vst.idx.msk $0xffff, v34  }
0x406: {  	v34 =	vld.idx.msk [tilespmem:v36+s16+$0x0], $0xffff  }
0x407: {  	v35 =	vor.u32 v23, v33  }
0x408: {  	v36 =	vor.u32 v24, v32;
	_ =	sdelay $0x3  }
0x409: {  	[tilespmem:v35+s17+$0x0] =	vst.idx.msk $0xffff, v34  }
0x40a: {  	v34 =	vld.idx.msk [tilespmem:v36+s16+$0x0], $0xffff  }
0x40b: {  	v35 =	vor.u32 v25, v33  }
0x40c: {  	v36 =	vor.u32 v26, v32;
	_ =	sdelay $0x3  }
0x40d: {  	[tilespmem:v35+s17+$0x0] =	vst.idx.msk $0xffff, v34  }
0x40e: {  	v34 =	vld.idx.msk [tilespmem:v36+s16+$0x0], $0xffff  }
0x40f: {  	v35 =	vor.u32 v27, v33  }
0x410: {  	v36 =	vor.u32 v28, v32;
	_ =	sdelay $0x3  }
0x411: {  	[tilespmem:v35+s17+$0x0] =	vst.idx.msk $0xffff, v34  }
0x412: {  	v34 =	vld.idx.msk [tilespmem:v36+s16+$0x0], $0xffff  }
0x413: {  	v35 =	vor.u32 v29, v33  }
0x414: {  	v32 =	vor.u32 v30, v32;
	_ =	sdelay $0x2  }
0x415: {  	s26 =	sadd.s32 $0x2, s24  }
0x416: {  	[tilespmem:v35+s17+$0x0] =	vst.idx.msk $0xffff, v34;
	v34 =	vadd.s32 s26, v0  }
0x417: {  	v35 =	vld.idx.msk [tilespmem:v32+s16+$0x0], $0xffff;
	v32 =	vand.u32 $0xF, v34  }
0x418: {  	v34 =	vor.u32 v31, v33;
	v33 =	vshll.u32 v32, $0x7  }
0x419: {  	v36 =	vor.u32 v0, v33;
	_ =	sdelay $0x3  }
0x41a: {  	[tilespmem:v34+s17+$0x0] =	vst.idx.msk $0xffff, v35  }
0x41b: {  	v34 =	vld.idx.msk [tilespmem:v36+s16+$0x0], $0xffff  }
0x41c: {  	v35 =	vor.u32 v1, v32  }
0x41d: {  	v36 =	vor.u32 v2, v33;
	_ =	sdelay $0x3  }
0x41e: {  	[tilespmem:v35+s17+$0x0] =	vst.idx.msk $0xffff, v34  }
0x41f: {  	v34 =	vld.idx.msk [tilespmem:v36+s16+$0x0], $0xffff  }
0x420: {  	v35 =	vor.u32 v3, v32  }
0x421: {  	v36 =	vor.u32 v4, v33;
	_ =	sdelay $0x3  }
0x422: {  	[tilespmem:v35+s17+$0x0] =	vst.idx.msk $0xffff, v34  }
0x423: {  	v34 =	vld.idx.msk [tilespmem:v36+s16+$0x0], $0xffff  }
0x424: {  	v35 =	vor.u32 v5, v32  }
0x425: {  	v36 =	vor.u32 v6, v33;
	_ =	sdelay $0x3  }
0x426: {  	[tilespmem:v35+s17+$0x0] =	vst.idx.msk $0xffff, v34  }
0x427: {  	v34 =	vld.idx.msk [tilespmem:v36+s16+$0x0], $0xffff  }
0x428: {  	v35 =	vor.u32 v7, v32  }
0x429: {  	v36 =	vor.u32 v8, v33;
	_ =	sdelay $0x3  }
0x42a: {  	[tilespmem:v35+s17+$0x0] =	vst.idx.msk $0xffff, v34  }
0x42b: {  	v34 =	vld.idx.msk [tilespmem:v36+s16+$0x0], $0xffff  }
0x42c: {  	v35 =	vor.u32 v9, v32  }
0x42d: {  	v36 =	vor.u32 v10, v33;
	_ =	sdelay $0x3  }
0x42e: {  	[tilespmem:v35+s17+$0x0] =	vst.idx.msk $0xffff, v34  }
0x42f: {  	v34 =	vld.idx.msk [tilespmem:v36+s16+$0x0], $0xffff  }
0x430: {  	v35 =	vor.u32 v11, v32  }
0x431: {  	v36 =	vor.u32 v12, v33;
	_ =	sdelay $0x3  }
0x432: {  	[tilespmem:v35+s17+$0x0] =	vst.idx.msk $0xffff, v34  }
0x433: {  	v34 =	vld.idx.msk [tilespmem:v36+s16+$0x0], $0xffff  }
0x434: {  	v35 =	vor.u32 v13, v32  }
0x435: {  	v36 =	vor.u32 v14, v33;
	_ =	sdelay $0x3  }
0x436: {  	[tilespmem:v35+s17+$0x0] =	vst.idx.msk $0xffff, v34  }
0x437: {  	v34 =	vld.idx.msk [tilespmem:v36+s16+$0x0], $0xffff  }
0x438: {  	v35 =	vor.u32 v15, v32  }
0x439: {  	v36 =	vor.u32 v16, v33;
	_ =	sdelay $0x3  }
0x43a: {  	[tilespmem:v35+s17+$0x0] =	vst.idx.msk $0xffff, v34  }
0x43b: {  	v34 =	vld.idx.msk [tilespmem:v36+s16+$0x0], $0xffff  }
0x43c: {  	v35 =	vor.u32 v17, v32  }
0x43d: {  	v36 =	vor.u32 v18, v33;
	_ =	sdelay $0x3  }
0x43e: {  	[tilespmem:v35+s17+$0x0] =	vst.idx.msk $0xffff, v34  }
0x43f: {  	v34 =	vld.idx.msk [tilespmem:v36+s16+$0x0], $0xffff  }
0x440: {  	v35 =	vor.u32 v19, v32  }
0x441: {  	v36 =	vor.u32 v20, v33;
	_ =	sdelay $0x3  }
0x442: {  	[tilespmem:v35+s17+$0x0] =	vst.idx.msk $0xffff, v34  }
0x443: {  	v34 =	vld.idx.msk [tilespmem:v36+s16+$0x0], $0xffff  }
0x444: {  	v35 =	vor.u32 v21, v32  }
0x445: {  	v36 =	vor.u32 v22, v33;
	_ =	sdelay $0x3  }
0x446: {  	[tilespmem:v35+s17+$0x0] =	vst.idx.msk $0xffff, v34  }
0x447: {  	v34 =	vld.idx.msk [tilespmem:v36+s16+$0x0], $0xffff  }
0x448: {  	v35 =	vor.u32 v23, v32  }
0x449: {  	v36 =	vor.u32 v24, v33;
	_ =	sdelay $0x3  }
0x44a: {  	[tilespmem:v35+s17+$0x0] =	vst.idx.msk $0xffff, v34  }
0x44b: {  	v34 =	vld.idx.msk [tilespmem:v36+s16+$0x0], $0xffff  }
0x44c: {  	v35 =	vor.u32 v25, v32  }
0x44d: {  	v36 =	vor.u32 v26, v33;
	_ =	sdelay $0x3  }
0x44e: {  	[tilespmem:v35+s17+$0x0] =	vst.idx.msk $0xffff, v34  }
0x44f: {  	v34 =	vld.idx.msk [tilespmem:v36+s16+$0x0], $0xffff  }
0x450: {  	v35 =	vor.u32 v27, v32  }
0x451: {  	v36 =	vor.u32 v28, v33;
	_ =	sdelay $0x3  }
0x452: {  	[tilespmem:v35+s17+$0x0] =	vst.idx.msk $0xffff, v34  }
0x453: {  	v34 =	vld.idx.msk [tilespmem:v36+s16+$0x0], $0xffff  }
0x454: {  	v35 =	vor.u32 v29, v32  }
0x455: {  	v33 =	vor.u32 v30, v33;
	_ =	sdelay $0x2  }
0x456: {  	s26 =	sadd.s32 $0x3, s24;
	s24 =	smov.u32 s25  }
0x457: {  	[tilespmem:v35+s17+$0x0] =	vst.idx.msk $0xffff, v34;
	v34 =	vadd.s32 s26, v0  }
0x458: {  	v35 =	vld.idx.msk [tilespmem:v33+s16+$0x0], $0xffff;
	v33 =	vand.u32 $0xF, v34  }
0x459: {  	v34 =	vor.u32 v31, v32;
	v32 =	vshll.u32 v33, $0x7  }
0x45a: {  	v36 =	vor.u32 v0, v32;
	_ =	sdelay $0x3  }
0x45b: {  	[tilespmem:v34+s17+$0x0] =	vst.idx.msk $0xffff, v35  }
0x45c: {  	v34 =	vld.idx.msk [tilespmem:v36+s16+$0x0], $0xffff  }
0x45d: {  	v35 =	vor.u32 v1, v33  }
0x45e: {  	v36 =	vor.u32 v2, v32;
	_ =	sdelay $0x3  }
0x45f: {  	[tilespmem:v35+s17+$0x0] =	vst.idx.msk $0xffff, v34  }
0x460: {  	v34 =	vld.idx.msk [tilespmem:v36+s16+$0x0], $0xffff  }
0x461: {  	v35 =	vor.u32 v3, v33  }
0x462: {  	v36 =	vor.u32 v4, v32;
	_ =	sdelay $0x3  }
0x463: {  	[tilespmem:v35+s17+$0x0] =	vst.idx.msk $0xffff, v34  }
0x464: {  	v34 =	vld.idx.msk [tilespmem:v36+s16+$0x0], $0xffff  }
0x465: {  	v35 =	vor.u32 v5, v33  }
0x466: {  	v36 =	vor.u32 v6, v32;
	_ =	sdelay $0x3  }
0x467: {  	[tilespmem:v35+s17+$0x0] =	vst.idx.msk $0xffff, v34  }
0x468: {  	v34 =	vld.idx.msk [tilespmem:v36+s16+$0x0], $0xffff  }
0x469: {  	v35 =	vor.u32 v7, v33  }
0x46a: {  	v36 =	vor.u32 v8, v32;
	_ =	sdelay $0x3  }
0x46b: {  	[tilespmem:v35+s17+$0x0] =	vst.idx.msk $0xffff, v34  }
0x46c: {  	v34 =	vld.idx.msk [tilespmem:v36+s16+$0x0], $0xffff  }
0x46d: {  	v35 =	vor.u32 v9, v33  }
0x46e: {  	v36 =	vor.u32 v10, v32;
	_ =	sdelay $0x3  }
0x46f: {  	[tilespmem:v35+s17+$0x0] =	vst.idx.msk $0xffff, v34  }
0x470: {  	v34 =	vld.idx.msk [tilespmem:v36+s16+$0x0], $0xffff  }
0x471: {  	v35 =	vor.u32 v11, v33  }
0x472: {  	v36 =	vor.u32 v12, v32;
	_ =	sdelay $0x3  }
0x473: {  	[tilespmem:v35+s17+$0x0] =	vst.idx.msk $0xffff, v34  }
0x474: {  	v34 =	vld.idx.msk [tilespmem:v36+s16+$0x0], $0xffff  }
0x475: {  	v35 =	vor.u32 v13, v33  }
0x476: {  	v36 =	vor.u32 v14, v32;
	_ =	sdelay $0x3  }
0x477: {  	[tilespmem:v35+s17+$0x0] =	vst.idx.msk $0xffff, v34  }
0x478: {  	v34 =	vld.idx.msk [tilespmem:v36+s16+$0x0], $0xffff  }
0x479: {  	v35 =	vor.u32 v15, v33  }
0x47a: {  	v36 =	vor.u32 v16, v32;
	_ =	sdelay $0x3  }
0x47b: {  	[tilespmem:v35+s17+$0x0] =	vst.idx.msk $0xffff, v34  }
0x47c: {  	v34 =	vld.idx.msk [tilespmem:v36+s16+$0x0], $0xffff  }
0x47d: {  	v35 =	vor.u32 v17, v33  }
0x47e: {  	v36 =	vor.u32 v18, v32;
	_ =	sdelay $0x3  }
0x47f: {  	[tilespmem:v35+s17+$0x0] =	vst.idx.msk $0xffff, v34  }
0x480: {  	v34 =	vld.idx.msk [tilespmem:v36+s16+$0x0], $0xffff  }
0x481: {  	v35 =	vor.u32 v19, v33  }
0x482: {  	v36 =	vor.u32 v20, v32;
	_ =	sdelay $0x3  }
0x483: {  	[tilespmem:v35+s17+$0x0] =	vst.idx.msk $0xffff, v34  }
0x484: {  	v34 =	vld.idx.msk [tilespmem:v36+s16+$0x0], $0xffff  }
0x485: {  	v35 =	vor.u32 v21, v33  }
0x486: {  	v36 =	vor.u32 v22, v32;
	_ =	sdelay $0x3  }
0x487: {  	[tilespmem:v35+s17+$0x0] =	vst.idx.msk $0xffff, v34  }
0x488: {  	v34 =	vld.idx.msk [tilespmem:v36+s16+$0x0], $0xffff  }
0x489: {  	v35 =	vor.u32 v23, v33  }
0x48a: {  	v36 =	vor.u32 v24, v32;
	_ =	sdelay $0x3  }
0x48b: {  	[tilespmem:v35+s17+$0x0] =	vst.idx.msk $0xffff, v34  }
0x48c: {  	v34 =	vld.idx.msk [tilespmem:v36+s16+$0x0], $0xffff  }
0x48d: {  	v35 =	vor.u32 v25, v33  }
0x48e: {  	v36 =	vor.u32 v26, v32;
	_ =	sdelay $0x3  }
0x48f: {  	[tilespmem:v35+s17+$0x0] =	vst.idx.msk $0xffff, v34  }
0x490: {  	v34 =	vld.idx.msk [tilespmem:v36+s16+$0x0], $0xffff  }
0x491: {  	v35 =	vor.u32 v27, v33  }
0x492: {  	v36 =	vor.u32 v28, v32;
	_ =	sdelay $0x3  }
0x493: {  	[tilespmem:v35+s17+$0x0] =	vst.idx.msk $0xffff, v34  }
0x494: {  	v35 =	vld.idx.msk [tilespmem:v36+s16+$0x0], $0xffff  }
0x495: {  	v36 =	vor.u32 v29, v33  }
.Ltmp8:
0x496: {  	v34 =	vor.u32 v30, v32;
	(pc) =	sbr.rel @p1 .LBB2_7-.Ltmp8, $2  }
0x497: {  	_ =	sdelay $0x2  }
0x498: {  	s25 =	sadd.s32 $0x4, s25;
	v32 =	vadd.s32 s24, v0;
	[tilespmem:v36+s17+$0x0] =	vst.idx.msk $0xffff, v35  }
0x499: {  	_ =	sdelay $0x2  }
0x49a: {  	v35 =	vand.u32 $0xF, v32  }
0x49b: {  	v34 =	vld.idx.msk [tilespmem:v34+s16+$0x0], $0xffff;
	v33 =	vor.u32 v31, v33;
	v36 =	vshll.u32 v35, $0x7  }
0x49c: {  	v37 =	vor.u32 v0, v36;
	_ =	sdelay $0x3  }
0x49d: {  	[tilespmem:v33+s17+$0x0] =	vst.idx.msk $0xffff, v34  }
0x49e: {  	v63 =	vor.u32 v1, v35;
	v33 =	vld.idx.msk [tilespmem:v37+s16+$0x0], $0xffff  }
0x49f: {  	v40 =	vor.u32 v2, v36;
	_ =	sdelay $0x3  }
0x4a0: {  	[tilespmem:v63+s17+$0x0] =	vst.idx.msk $0xffff, v33  }
0x4a1: {  	v41 =	vor.u32 v3, v35;
	v33 =	vld.idx.msk [tilespmem:v40+s16+$0x0], $0xffff  }
0x4a2: {  	v42 =	vor.u32 v4, v36;
	_ =	sdelay $0x3  }
0x4a3: {  	[tilespmem:v41+s17+$0x0] =	vst.idx.msk $0xffff, v33  }
0x4a4: {  	v43 =	vor.u32 v5, v35;
	v33 =	vld.idx.msk [tilespmem:v42+s16+$0x0], $0xffff  }
0x4a5: {  	v44 =	vor.u32 v6, v36;
	_ =	sdelay $0x3  }
0x4a6: {  	[tilespmem:v43+s17+$0x0] =	vst.idx.msk $0xffff, v33  }
0x4a7: {  	v45 =	vor.u32 v7, v35;
	v33 =	vld.idx.msk [tilespmem:v44+s16+$0x0], $0xffff  }
0x4a8: {  	v46 =	vor.u32 v8, v36;
	_ =	sdelay $0x3  }
0x4a9: {  	[tilespmem:v45+s17+$0x0] =	vst.idx.msk $0xffff, v33  }
0x4aa: {  	v47 =	vor.u32 v9, v35;
	v33 =	vld.idx.msk [tilespmem:v46+s16+$0x0], $0xffff  }
0x4ab: {  	v48 =	vor.u32 v10, v36;
	_ =	sdelay $0x3  }
0x4ac: {  	[tilespmem:v47+s17+$0x0] =	vst.idx.msk $0xffff, v33  }
0x4ad: {  	v49 =	vor.u32 v11, v35;
	v33 =	vld.idx.msk [tilespmem:v48+s16+$0x0], $0xffff  }
0x4ae: {  	v50 =	vor.u32 v12, v36;
	_ =	sdelay $0x3  }
0x4af: {  	[tilespmem:v49+s17+$0x0] =	vst.idx.msk $0xffff, v33  }
0x4b0: {  	v51 =	vor.u32 v13, v35;
	v33 =	vld.idx.msk [tilespmem:v50+s16+$0x0], $0xffff  }
0x4b1: {  	v52 =	vor.u32 v14, v36;
	_ =	sdelay $0x3  }
0x4b2: {  	[tilespmem:v51+s17+$0x0] =	vst.idx.msk $0xffff, v33  }
0x4b3: {  	v53 =	vor.u32 v15, v35;
	v33 =	vld.idx.msk [tilespmem:v52+s16+$0x0], $0xffff  }
0x4b4: {  	v54 =	vor.u32 v16, v36;
	_ =	sdelay $0x3  }
0x4b5: {  	[tilespmem:v53+s17+$0x0] =	vst.idx.msk $0xffff, v33  }
0x4b6: {  	v55 =	vor.u32 v17, v32;
	v33 =	vld.idx.msk [tilespmem:v54+s16+$0x0], $0xffff  }
0x4b7: {  	v56 =	vor.u32 v18, v36;
	_ =	sdelay $0x3  }
0x4b8: {  	[tilespmem:v55+s17+$0x0] =	vst.idx.msk $0xffff, v33  }
0x4b9: {  	v57 =	vor.u32 v19, v32;
	v33 =	vld.idx.msk [tilespmem:v56+s16+$0x0], $0xffff  }
0x4ba: {  	v58 =	vor.u32 v20, v36;
	_ =	sdelay $0x3  }
0x4bb: {  	[tilespmem:v57+s17+$0x0] =	vst.idx.msk $0xffff, v33  }
0x4bc: {  	v59 =	vor.u32 v21, v32;
	v33 =	vld.idx.msk [tilespmem:v58+s16+$0x0], $0xffff  }
0x4bd: {  	v60 =	vor.u32 v22, v36;
	_ =	sdelay $0x3  }
0x4be: {  	[tilespmem:v59+s17+$0x0] =	vst.idx.msk $0xffff, v33  }
0x4bf: {  	v61 =	vor.u32 v23, v32;
	v33 =	vld.idx.msk [tilespmem:v60+s16+$0x0], $0xffff  }
0x4c0: {  	v62 =	vor.u32 v24, v36;
	_ =	sdelay $0x3  }
0x4c1: {  	[tilespmem:v61+s17+$0x0] =	vst.idx.msk $0xffff, v33  }
0x4c2: {  	v63 =	vor.u32 v25, v32;
	v33 =	vld.idx.msk [tilespmem:v62+s16+$0x0], $0xffff  }
0x4c3: {  	v37 =	vor.u32 v26, v36;
	_ =	sdelay $0x3  }
0x4c4: {  	[tilespmem:v63+s17+$0x0] =	vst.idx.msk $0xffff, v33  }
0x4c5: {  	v38 =	vor.u32 v27, v32;
	v33 =	vld.idx.msk [tilespmem:v37+s16+$0x0], $0xffff  }
0x4c6: {  	v39 =	vor.u32 v28, v36;
	_ =	sdelay $0x3  }
0x4c7: {  	[tilespmem:v38+s17+$0x0] =	vst.idx.msk $0xffff, v33  }
0x4c8: {  	v40 =	vor.u32 v29, v32;
	v33 =	vld.idx.msk [tilespmem:v39+s16+$0x0], $0xffff  }
0x4c9: {  	v41 =	vor.u32 v30, v36;
	_ =	sdelay $0x1  }
0x4ca: {  	s25 =	sadd.s32 $0x1, s24  }
0x4cb: {  	v42 =	vadd.s32 s25, v0  }
0x4cc: {  	[tilespmem:v40+s17+$0x0] =	vst.idx.msk $0xffff, v33;
	v33 =	vand.u32 $0xF, v42  }
0x4cd: {  	v43 =	vor.u32 v31, v32;
	v34 =	vld.idx.msk [tilespmem:v41+s16+$0x0], $0xffff;
	v35 =	vshll.u32 v33, $0x7  }
0x4ce: {  	v44 =	vor.u32 v0, v35;
	_ =	sdelay $0x3  }
0x4cf: {  	[tilespmem:v43+s17+$0x0] =	vst.idx.msk $0xffff, v34  }
0x4d0: {  	v45 =	vor.u32 v1, v33;
	v32 =	vld.idx.msk [tilespmem:v44+s16+$0x0], $0xffff  }
0x4d1: {  	v46 =	vor.u32 v2, v35;
	_ =	sdelay $0x3  }
0x4d2: {  	[tilespmem:v45+s17+$0x0] =	vst.idx.msk $0xffff, v32  }
0x4d3: {  	v47 =	vor.u32 v3, v33;
	v32 =	vld.idx.msk [tilespmem:v46+s16+$0x0], $0xffff  }
0x4d4: {  	v48 =	vor.u32 v4, v35;
	_ =	sdelay $0x3  }
0x4d5: {  	[tilespmem:v47+s17+$0x0] =	vst.idx.msk $0xffff, v32  }
0x4d6: {  	v49 =	vor.u32 v5, v33;
	v32 =	vld.idx.msk [tilespmem:v48+s16+$0x0], $0xffff  }
0x4d7: {  	v50 =	vor.u32 v6, v35;
	_ =	sdelay $0x3  }
0x4d8: {  	[tilespmem:v49+s17+$0x0] =	vst.idx.msk $0xffff, v32  }
0x4d9: {  	v51 =	vor.u32 v7, v33;
	v32 =	vld.idx.msk [tilespmem:v50+s16+$0x0], $0xffff  }
0x4da: {  	v52 =	vor.u32 v8, v35;
	_ =	sdelay $0x3  }
0x4db: {  	[tilespmem:v51+s17+$0x0] =	vst.idx.msk $0xffff, v32  }
0x4dc: {  	v53 =	vor.u32 v9, v33;
	v32 =	vld.idx.msk [tilespmem:v52+s16+$0x0], $0xffff  }
0x4dd: {  	v54 =	vor.u32 v10, v35;
	_ =	sdelay $0x3  }
0x4de: {  	[tilespmem:v53+s17+$0x0] =	vst.idx.msk $0xffff, v32  }
0x4df: {  	v55 =	vor.u32 v11, v33;
	v32 =	vld.idx.msk [tilespmem:v54+s16+$0x0], $0xffff  }
0x4e0: {  	v56 =	vor.u32 v12, v35;
	_ =	sdelay $0x3  }
0x4e1: {  	[tilespmem:v55+s17+$0x0] =	vst.idx.msk $0xffff, v32  }
0x4e2: {  	v57 =	vor.u32 v13, v33;
	v32 =	vld.idx.msk [tilespmem:v56+s16+$0x0], $0xffff  }
0x4e3: {  	v58 =	vor.u32 v14, v35;
	_ =	sdelay $0x3  }
0x4e4: {  	[tilespmem:v57+s17+$0x0] =	vst.idx.msk $0xffff, v32  }
0x4e5: {  	v59 =	vor.u32 v15, v33;
	v32 =	vld.idx.msk [tilespmem:v58+s16+$0x0], $0xffff  }
0x4e6: {  	v60 =	vor.u32 v16, v35;
	_ =	sdelay $0x3  }
0x4e7: {  	[tilespmem:v59+s17+$0x0] =	vst.idx.msk $0xffff, v32  }
0x4e8: {  	v61 =	vor.u32 v17, v33;
	v32 =	vld.idx.msk [tilespmem:v60+s16+$0x0], $0xffff  }
0x4e9: {  	v62 =	vor.u32 v18, v35;
	_ =	sdelay $0x3  }
0x4ea: {  	[tilespmem:v61+s17+$0x0] =	vst.idx.msk $0xffff, v32  }
0x4eb: {  	v63 =	vor.u32 v19, v33;
	v32 =	vld.idx.msk [tilespmem:v62+s16+$0x0], $0xffff  }
0x4ec: {  	v40 =	vor.u32 v20, v35;
	_ =	sdelay $0x3  }
0x4ed: {  	[tilespmem:v63+s17+$0x0] =	vst.idx.msk $0xffff, v32  }
0x4ee: {  	v41 =	vor.u32 v21, v33;
	v32 =	vld.idx.msk [tilespmem:v40+s16+$0x0], $0xffff  }
0x4ef: {  	v42 =	vor.u32 v22, v35;
	_ =	sdelay $0x3  }
0x4f0: {  	[tilespmem:v41+s17+$0x0] =	vst.idx.msk $0xffff, v32  }
0x4f1: {  	v43 =	vor.u32 v23, v33;
	v32 =	vld.idx.msk [tilespmem:v42+s16+$0x0], $0xffff  }
0x4f2: {  	v44 =	vor.u32 v24, v35;
	_ =	sdelay $0x3  }
0x4f3: {  	[tilespmem:v43+s17+$0x0] =	vst.idx.msk $0xffff, v32  }
0x4f4: {  	v45 =	vor.u32 v25, v33;
	v32 =	vld.idx.msk [tilespmem:v44+s16+$0x0], $0xffff  }
0x4f5: {  	v46 =	vor.u32 v26, v35;
	_ =	sdelay $0x3  }
0x4f6: {  	[tilespmem:v45+s17+$0x0] =	vst.idx.msk $0xffff, v32  }
0x4f7: {  	v47 =	vor.u32 v27, v33;
	v32 =	vld.idx.msk [tilespmem:v46+s16+$0x0], $0xffff  }
0x4f8: {  	v48 =	vor.u32 v28, v35;
	_ =	sdelay $0x3  }
0x4f9: {  	[tilespmem:v47+s17+$0x0] =	vst.idx.msk $0xffff, v32  }
0x4fa: {  	v49 =	vor.u32 v29, v33;
	v32 =	vld.idx.msk [tilespmem:v48+s16+$0x0], $0xffff  }
0x4fb: {  	v35 =	vor.u32 v30, v35;
	_ =	sdelay $0x1  }
0x4fc: {  	s30 =	sadd.s32 $0x2, s24  }
0x4fd: {  	v50 =	vadd.s32 s30, v0  }
0x4fe: {  	[tilespmem:v49+s17+$0x0] =	vst.idx.msk $0xffff, v32;
	v32 =	vand.u32 $0xF, v50  }
0x4ff: {  	v33 =	vor.u32 v31, v33;
	v34 =	vld.idx.msk [tilespmem:v35+s16+$0x0], $0xffff;
	v35 =	vshll.u32 v32, $0x7  }
0x500: {  	v51 =	vor.u32 v0, v35;
	_ =	sdelay $0x3  }
0x501: {  	[tilespmem:v33+s17+$0x0] =	vst.idx.msk $0xffff, v34  }
0x502: {  	v52 =	vor.u32 v1, v32;
	v33 =	vld.idx.msk [tilespmem:v51+s16+$0x0], $0xffff  }
0x503: {  	v53 =	vor.u32 v2, v35;
	_ =	sdelay $0x3  }
0x504: {  	[tilespmem:v52+s17+$0x0] =	vst.idx.msk $0xffff, v33  }
0x505: {  	v54 =	vor.u32 v3, v32;
	v33 =	vld.idx.msk [tilespmem:v53+s16+$0x0], $0xffff  }
0x506: {  	v55 =	vor.u32 v4, v35;
	_ =	sdelay $0x3  }
0x507: {  	[tilespmem:v54+s17+$0x0] =	vst.idx.msk $0xffff, v33  }
0x508: {  	v56 =	vor.u32 v5, v32;
	v33 =	vld.idx.msk [tilespmem:v55+s16+$0x0], $0xffff  }
0x509: {  	v57 =	vor.u32 v6, v35;
	_ =	sdelay $0x3  }
0x50a: {  	[tilespmem:v56+s17+$0x0] =	vst.idx.msk $0xffff, v33  }
0x50b: {  	v58 =	vor.u32 v7, v32;
	v33 =	vld.idx.msk [tilespmem:v57+s16+$0x0], $0xffff  }
0x50c: {  	v59 =	vor.u32 v8, v35;
	_ =	sdelay $0x3  }
0x50d: {  	[tilespmem:v58+s17+$0x0] =	vst.idx.msk $0xffff, v33  }
0x50e: {  	v60 =	vor.u32 v9, v32;
	v33 =	vld.idx.msk [tilespmem:v59+s16+$0x0], $0xffff  }
0x50f: {  	v61 =	vor.u32 v10, v35;
	_ =	sdelay $0x3  }
0x510: {  	[tilespmem:v60+s17+$0x0] =	vst.idx.msk $0xffff, v33  }
0x511: {  	v62 =	vor.u32 v11, v32;
	v33 =	vld.idx.msk [tilespmem:v61+s16+$0x0], $0xffff  }
0x512: {  	v63 =	vor.u32 v12, v35;
	_ =	sdelay $0x3  }
0x513: {  	[tilespmem:v62+s17+$0x0] =	vst.idx.msk $0xffff, v33  }
0x514: {  	v40 =	vor.u32 v13, v32;
	v33 =	vld.idx.msk [tilespmem:v63+s16+$0x0], $0xffff  }
0x515: {  	v41 =	vor.u32 v14, v35;
	_ =	sdelay $0x3  }
0x516: {  	[tilespmem:v40+s17+$0x0] =	vst.idx.msk $0xffff, v33  }
0x517: {  	v42 =	vor.u32 v15, v32;
	v33 =	vld.idx.msk [tilespmem:v41+s16+$0x0], $0xffff  }
0x518: {  	v43 =	vor.u32 v16, v35;
	_ =	sdelay $0x3  }
0x519: {  	[tilespmem:v42+s17+$0x0] =	vst.idx.msk $0xffff, v33  }
0x51a: {  	v44 =	vor.u32 v17, v32;
	v33 =	vld.idx.msk [tilespmem:v43+s16+$0x0], $0xffff  }
0x51b: {  	v45 =	vor.u32 v18, v35;
	_ =	sdelay $0x3  }
0x51c: {  	[tilespmem:v44+s17+$0x0] =	vst.idx.msk $0xffff, v33  }
0x51d: {  	v46 =	vor.u32 v19, v32;
	v33 =	vld.idx.msk [tilespmem:v45+s16+$0x0], $0xffff  }
0x51e: {  	v47 =	vor.u32 v20, v35;
	_ =	sdelay $0x3  }
0x51f: {  	[tilespmem:v46+s17+$0x0] =	vst.idx.msk $0xffff, v33  }
0x520: {  	v48 =	vor.u32 v21, v32;
	v33 =	vld.idx.msk [tilespmem:v47+s16+$0x0], $0xffff  }
0x521: {  	v49 =	vor.u32 v22, v35;
	_ =	sdelay $0x3  }
0x522: {  	[tilespmem:v48+s17+$0x0] =	vst.idx.msk $0xffff, v33  }
0x523: {  	v50 =	vor.u32 v23, v32;
	v33 =	vld.idx.msk [tilespmem:v49+s16+$0x0], $0xffff  }
0x524: {  	v51 =	vor.u32 v24, v35;
	_ =	sdelay $0x3  }
0x525: {  	[tilespmem:v50+s17+$0x0] =	vst.idx.msk $0xffff, v33  }
0x526: {  	v52 =	vor.u32 v25, v32;
	v33 =	vld.idx.msk [tilespmem:v51+s16+$0x0], $0xffff  }
0x527: {  	v53 =	vor.u32 v26, v35;
	_ =	sdelay $0x3  }
0x528: {  	[tilespmem:v52+s17+$0x0] =	vst.idx.msk $0xffff, v33  }
0x529: {  	v54 =	vor.u32 v27, v32;
	v33 =	vld.idx.msk [tilespmem:v53+s16+$0x0], $0xffff  }
0x52a: {  	v55 =	vor.u32 v28, v35;
	_ =	sdelay $0x3  }
0x52b: {  	[tilespmem:v54+s17+$0x0] =	vst.idx.msk $0xffff, v33  }
0x52c: {  	v56 =	vor.u32 v29, v32;
	v33 =	vld.idx.msk [tilespmem:v55+s16+$0x0], $0xffff  }
0x52d: {  	v35 =	vor.u32 v30, v35;
	_ =	sdelay $0x1  }
0x52e: {  	s31 =	sadd.s32 $0x3, s24  }
0x52f: {  	v57 =	vadd.s32 s31, v0  }
0x530: {  	[tilespmem:v56+s17+$0x0] =	vst.idx.msk $0xffff, v33;
	v33 =	vand.u32 $0xF, v57  }
0x531: {  	v32 =	vor.u32 v31, v32;
	v34 =	vld.idx.msk [tilespmem:v35+s16+$0x0], $0xffff;
	v35 =	vshll.u32 v33, $0x7  }
0x532: {  	v58 =	vor.u32 v0, v35;
	_ =	sdelay $0x3  }
0x533: {  	[tilespmem:v32+s17+$0x0] =	vst.idx.msk $0xffff, v34  }
0x534: {  	v59 =	vor.u32 v1, v33;
	v32 =	vld.idx.msk [tilespmem:v58+s16+$0x0], $0xffff  }
0x535: {  	v60 =	vor.u32 v2, v35;
	_ =	sdelay $0x3  }
0x536: {  	[tilespmem:v59+s17+$0x0] =	vst.idx.msk $0xffff, v32  }
0x537: {  	v61 =	vor.u32 v3, v33;
	v32 =	vld.idx.msk [tilespmem:v60+s16+$0x0], $0xffff  }
0x538: {  	v62 =	vor.u32 v4, v35;
	_ =	sdelay $0x3  }
0x539: {  	[tilespmem:v61+s17+$0x0] =	vst.idx.msk $0xffff, v32  }
0x53a: {  	v63 =	vor.u32 v5, v33;
	v32 =	vld.idx.msk [tilespmem:v62+s16+$0x0], $0xffff  }
0x53b: {  	v40 =	vor.u32 v6, v35;
	_ =	sdelay $0x3  }
0x53c: {  	[tilespmem:v63+s17+$0x0] =	vst.idx.msk $0xffff, v32  }
0x53d: {  	v41 =	vor.u32 v7, v33;
	v32 =	vld.idx.msk [tilespmem:v40+s16+$0x0], $0xffff  }
0x53e: {  	v42 =	vor.u32 v8, v35;
	_ =	sdelay $0x3  }
0x53f: {  	[tilespmem:v41+s17+$0x0] =	vst.idx.msk $0xffff, v32  }
0x540: {  	v43 =	vor.u32 v9, v33;
	v32 =	vld.idx.msk [tilespmem:v42+s16+$0x0], $0xffff  }
0x541: {  	v44 =	vor.u32 v10, v35;
	_ =	sdelay $0x3  }
0x542: {  	[tilespmem:v43+s17+$0x0] =	vst.idx.msk $0xffff, v32  }
0x543: {  	v45 =	vor.u32 v11, v33;
	v32 =	vld.idx.msk [tilespmem:v44+s16+$0x0], $0xffff  }
0x544: {  	v46 =	vor.u32 v12, v35;
	_ =	sdelay $0x3  }
0x545: {  	[tilespmem:v45+s17+$0x0] =	vst.idx.msk $0xffff, v32  }
0x546: {  	v47 =	vor.u32 v13, v33;
	v32 =	vld.idx.msk [tilespmem:v46+s16+$0x0], $0xffff  }
0x547: {  	v48 =	vor.u32 v14, v35;
	_ =	sdelay $0x3  }
0x548: {  	[tilespmem:v47+s17+$0x0] =	vst.idx.msk $0xffff, v32  }
0x549: {  	v49 =	vor.u32 v15, v33;
	v32 =	vld.idx.msk [tilespmem:v48+s16+$0x0], $0xffff  }
0x54a: {  	v50 =	vor.u32 v16, v35;
	_ =	sdelay $0x3  }
0x54b: {  	[tilespmem:v49+s17+$0x0] =	vst.idx.msk $0xffff, v32  }
0x54c: {  	v51 =	vor.u32 v17, v33;
	v32 =	vld.idx.msk [tilespmem:v50+s16+$0x0], $0xffff  }
0x54d: {  	v52 =	vor.u32 v18, v35;
	_ =	sdelay $0x3  }
0x54e: {  	[tilespmem:v51+s17+$0x0] =	vst.idx.msk $0xffff, v32  }
0x54f: {  	v53 =	vor.u32 v19, v33;
	v32 =	vld.idx.msk [tilespmem:v52+s16+$0x0], $0xffff  }
0x550: {  	v54 =	vor.u32 v20, v35;
	_ =	sdelay $0x3  }
0x551: {  	[tilespmem:v53+s17+$0x0] =	vst.idx.msk $0xffff, v32  }
0x552: {  	v55 =	vor.u32 v21, v33;
	v32 =	vld.idx.msk [tilespmem:v54+s16+$0x0], $0xffff  }
0x553: {  	v56 =	vor.u32 v22, v35;
	_ =	sdelay $0x3  }
0x554: {  	[tilespmem:v55+s17+$0x0] =	vst.idx.msk $0xffff, v32  }
0x555: {  	v57 =	vor.u32 v23, v33;
	v32 =	vld.idx.msk [tilespmem:v56+s16+$0x0], $0xffff  }
0x556: {  	v58 =	vor.u32 v24, v35;
	_ =	sdelay $0x3  }
0x557: {  	[tilespmem:v57+s17+$0x0] =	vst.idx.msk $0xffff, v32  }
0x558: {  	v59 =	vor.u32 v25, v33;
	v32 =	vld.idx.msk [tilespmem:v58+s16+$0x0], $0xffff  }
0x559: {  	v60 =	vor.u32 v26, v35;
	_ =	sdelay $0x3  }
0x55a: {  	[tilespmem:v59+s17+$0x0] =	vst.idx.msk $0xffff, v32  }
0x55b: {  	v61 =	vor.u32 v27, v33;
	v32 =	vld.idx.msk [tilespmem:v60+s16+$0x0], $0xffff  }
0x55c: {  	v62 =	vor.u32 v28, v35;
	_ =	sdelay $0x3  }
0x55d: {  	[tilespmem:v61+s17+$0x0] =	vst.idx.msk $0xffff, v32  }
0x55e: {  	v63 =	vor.u32 v29, v33;
	v32 =	vld.idx.msk [tilespmem:v62+s16+$0x0], $0xffff  }
0x55f: {  	v35 =	vor.u32 v30, v35;
	_ =	sdelay $0x3  }
0x560: {  	[tilespmem:v63+s17+$0x0] =	vst.idx.msk $0xffff, v32  }
0x561: {  	v33 =	vor.u32 v31, v33;
	v32 =	vld.idx.msk [tilespmem:v35+s16+$0x0], $0xffff;
	_ =	sdelay $0x1  }
.Ltmp9:
0x562: {  	_ = 	snop;
	(pc) =	sbr.rel .LBB2_9-.Ltmp9, $4  }
0x563: {  	_ = 	snop  }
0x564: {  	s23 =	sshll.u32 s23, $0x9  }
0x565: {  	s23 =	sadd.s32 s5, s23;
	[tilespmem:v33+s17+$0x0] =	vst.idx.msk $0xffff, v32  }
0x566: {  	[hbm4b:s23+s3] =	stream.linear.scatter [tilespmem:s17], [sflag:$0x4], $0x1000, $0x38;
	[tilespmem:$0x4000] =	vst v63  }
.LBB2_11:
0x567: {  	s22 =	simm.s32 $0x0  }
0x568: {  	v32 =	vadd.s32 s22, v0  }
0x569: {  	v33 =	vand.u32 $0xF, v32  }
0x56a: {  	v34 =	vshll.u32 v33, $0x7  }
0x56b: {  	v35 =	vor.u32 v0, v34  }
0x56c: {  	[tilespmem:s22], [sflag:$0x1] =	stream.strided.gather [hbm4b:s8+s11], $0x1000, s12, s11, $0x38;
	[tilespmem:$0x4000] =	vst v63  }
0x56d: {  	_ =	swait.ge [sflag:s13], $0x1000  }
0x56e: {  	[sflag:s13] =	ssyncset.done $0x0  }
0x56f: {  	[sflag:s13] =	ssyncadd.s32 $0xFFFFF000  }
0x570: {  	v36 =	vor.u32 v1, v33;
	v35 =	vld.idx.msk [tilespmem:v35+s3+$0x0], $0xffff  }
0x571: {  	v37 =	vor.u32 v2, v34;
	_ =	sdelay $0x3  }
0x572: {  	[tilespmem:v36+s14+$0x0] =	vst.idx.msk $0xffff, v35  }
0x573: {  	v52 =	vor.u32 v3, v33;
	v35 =	vld.idx.msk [tilespmem:v37+s3+$0x0], $0xffff  }
0x574: {  	v53 =	vor.u32 v4, v34;
	_ =	sdelay $0x3  }
0x575: {  	[tilespmem:v52+s14+$0x0] =	vst.idx.msk $0xffff, v35  }
0x576: {  	v54 =	vor.u32 v5, v33;
	v35 =	vld.idx.msk [tilespmem:v53+s3+$0x0], $0xffff  }
0x577: {  	v55 =	vor.u32 v6, v34;
	_ =	sdelay $0x3  }
0x578: {  	[tilespmem:v54+s14+$0x0] =	vst.idx.msk $0xffff, v35  }
0x579: {  	v33 =	vor.u32 v7, v33;
	v35 =	vld.idx.msk [tilespmem:v55+s3+$0x0], $0xffff  }
0x57a: {  	v56 =	vor.u32 v16, v34;
	_ =	sdelay $0x3  }
0x57b: {  	[tilespmem:v33+s14+$0x0] =	vst.idx.msk $0xffff, v35  }
0x57c: {  	v57 =	vor.u32 v17, v32;
	v33 =	vld.idx.msk [tilespmem:v56+s3+$0x0], $0xffff  }
0x57d: {  	v58 =	vor.u32 v18, v34;
	_ =	sdelay $0x3  }
0x57e: {  	[tilespmem:v57+s14+$0x0] =	vst.idx.msk $0xffff, v33  }
0x57f: {  	v59 =	vor.u32 v19, v32;
	v33 =	vld.idx.msk [tilespmem:v58+s3+$0x0], $0xffff  }
0x580: {  	v60 =	vor.u32 v20, v34;
	_ =	sdelay $0x3  }
0x581: {  	[tilespmem:v59+s14+$0x0] =	vst.idx.msk $0xffff, v33  }
0x582: {  	v61 =	vor.u32 v21, v32;
	v33 =	vld.idx.msk [tilespmem:v60+s3+$0x0], $0xffff  }
0x583: {  	v34 =	vor.u32 v22, v34;
	_ =	sdelay $0x1  }
0x584: {  	s29 =	simm.s32 $0x1  }
0x585: {  	v62 =	vadd.s32 s29, v0  }
0x586: {  	v63 =	vand.u32 $0xF, v62;
	[tilespmem:v61+s14+$0x0] =	vst.idx.msk $0xffff, v33  }
0x587: {  	v32 =	vor.u32 v23, v32;
	v40 =	vshll.u32 v63, $0x7;
	v34 =	vld.idx.msk [tilespmem:v34+s3+$0x0], $0xffff  }
0x588: {  	v41 =	vor.u32 v0, v40;
	_ =	sdelay $0x3  }
0x589: {  	[tilespmem:v32+s14+$0x0] =	vst.idx.msk $0xffff, v34  }
0x58a: {  	v42 =	vor.u32 v1, v63;
	v32 =	vld.idx.msk [tilespmem:v41+s3+$0x0], $0xffff  }
0x58b: {  	v43 =	vor.u32 v2, v40;
	_ =	sdelay $0x3  }
0x58c: {  	[tilespmem:v42+s14+$0x0] =	vst.idx.msk $0xffff, v32  }
0x58d: {  	v44 =	vor.u32 v3, v63;
	v32 =	vld.idx.msk [tilespmem:v43+s3+$0x0], $0xffff  }
0x58e: {  	v45 =	vor.u32 v4, v40;
	_ =	sdelay $0x3  }
0x58f: {  	[tilespmem:v44+s14+$0x0] =	vst.idx.msk $0xffff, v32  }
0x590: {  	v46 =	vor.u32 v5, v63;
	v32 =	vld.idx.msk [tilespmem:v45+s3+$0x0], $0xffff  }
0x591: {  	v47 =	vor.u32 v6, v40;
	_ =	sdelay $0x3  }
0x592: {  	[tilespmem:v46+s14+$0x0] =	vst.idx.msk $0xffff, v32  }
0x593: {  	v48 =	vor.u32 v7, v63;
	v32 =	vld.idx.msk [tilespmem:v47+s3+$0x0], $0xffff  }
0x594: {  	v49 =	vor.u32 v16, v40;
	_ =	sdelay $0x3  }
0x595: {  	[tilespmem:v48+s14+$0x0] =	vst.idx.msk $0xffff, v32  }
0x596: {  	v50 =	vor.u32 v17, v63;
	v32 =	vld.idx.msk [tilespmem:v49+s3+$0x0], $0xffff  }
0x597: {  	v51 =	vor.u32 v18, v40;
	_ =	sdelay $0x3  }
0x598: {  	[tilespmem:v50+s14+$0x0] =	vst.idx.msk $0xffff, v32  }
0x599: {  	v52 =	vor.u32 v19, v63;
	v32 =	vld.idx.msk [tilespmem:v51+s3+$0x0], $0xffff  }
0x59a: {  	v53 =	vor.u32 v20, v40;
	_ =	sdelay $0x3  }
0x59b: {  	[tilespmem:v52+s14+$0x0] =	vst.idx.msk $0xffff, v32  }
0x59c: {  	v54 =	vor.u32 v21, v63;
	v32 =	vld.idx.msk [tilespmem:v53+s3+$0x0], $0xffff  }
0x59d: {  	v35 =	vor.u32 v22, v40;
	_ =	sdelay $0x1  }
0x59e: {  	s30 =	simm.s32 $0x2  }
0x59f: {  	v55 =	vadd.s32 s30, v0  }
0x5a0: {  	v56 =	vand.u32 $0xF, v55;
	[tilespmem:v54+s14+$0x0] =	vst.idx.msk $0xffff, v32  }
0x5a1: {  	v57 =	vshll.u32 v56, $0x7;
	v33 =	vor.u32 v23, v63;
	v34 =	vld.idx.msk [tilespmem:v35+s3+$0x0], $0xffff  }
0x5a2: {  	v58 =	vor.u32 v0, v57;
	_ =	sdelay $0x3  }
0x5a3: {  	[tilespmem:v33+s14+$0x0] =	vst.idx.msk $0xffff, v34  }
0x5a4: {  	v59 =	vor.u32 v1, v56;
	v33 =	vld.idx.msk [tilespmem:v58+s3+$0x0], $0xffff  }
0x5a5: {  	v60 =	vor.u32 v2, v57;
	_ =	sdelay $0x3  }
0x5a6: {  	[tilespmem:v59+s14+$0x0] =	vst.idx.msk $0xffff, v33  }
0x5a7: {  	v61 =	vor.u32 v3, v56;
	v33 =	vld.idx.msk [tilespmem:v60+s3+$0x0], $0xffff  }
0x5a8: {  	v62 =	vor.u32 v4, v57;
	_ =	sdelay $0x3  }
0x5a9: {  	[tilespmem:v61+s14+$0x0] =	vst.idx.msk $0xffff, v33  }
0x5aa: {  	v63 =	vor.u32 v5, v56;
	v33 =	vld.idx.msk [tilespmem:v62+s3+$0x0], $0xffff  }
0x5ab: {  	v40 =	vor.u32 v6, v57;
	_ =	sdelay $0x3  }
0x5ac: {  	[tilespmem:v63+s14+$0x0] =	vst.idx.msk $0xffff, v33  }
0x5ad: {  	v41 =	vor.u32 v7, v56;
	v33 =	vld.idx.msk [tilespmem:v40+s3+$0x0], $0xffff  }
0x5ae: {  	v42 =	vor.u32 v16, v57;
	_ =	sdelay $0x3  }
0x5af: {  	[tilespmem:v41+s14+$0x0] =	vst.idx.msk $0xffff, v33  }
0x5b0: {  	v43 =	vor.u32 v17, v56;
	v33 =	vld.idx.msk [tilespmem:v42+s3+$0x0], $0xffff  }
0x5b1: {  	v44 =	vor.u32 v18, v57;
	_ =	sdelay $0x3  }
0x5b2: {  	[tilespmem:v43+s14+$0x0] =	vst.idx.msk $0xffff, v33  }
0x5b3: {  	v45 =	vor.u32 v19, v56;
	v33 =	vld.idx.msk [tilespmem:v44+s3+$0x0], $0xffff  }
0x5b4: {  	v46 =	vor.u32 v20, v57;
	_ =	sdelay $0x3  }
0x5b5: {  	[tilespmem:v45+s14+$0x0] =	vst.idx.msk $0xffff, v33  }
0x5b6: {  	v47 =	vor.u32 v21, v56;
	v33 =	vld.idx.msk [tilespmem:v46+s3+$0x0], $0xffff  }
0x5b7: {  	v35 =	vor.u32 v22, v57;
	_ =	sdelay $0x1  }
0x5b8: {  	s31 =	simm.s32 $0x3  }
0x5b9: {  	v48 =	vadd.s32 s31, v0  }
0x5ba: {  	[tilespmem:v47+s14+$0x0] =	vst.idx.msk $0xffff, v33;
	v33 =	vand.u32 $0xF, v48  }
0x5bb: {  	v32 =	vor.u32 v23, v56;
	v34 =	vld.idx.msk [tilespmem:v35+s3+$0x0], $0xffff;
	v49 =	vshll.u32 v33, $0x7  }
0x5bc: {  	v50 =	vor.u32 v0, v49;
	_ =	sdelay $0x3  }
0x5bd: {  	[tilespmem:v32+s14+$0x0] =	vst.idx.msk $0xffff, v34  }
0x5be: {  	v51 =	vor.u32 v1, v33;
	v32 =	vld.idx.msk [tilespmem:v50+s3+$0x0], $0xffff  }
0x5bf: {  	v52 =	vor.u32 v2, v49;
	_ =	sdelay $0x3  }
0x5c0: {  	[tilespmem:v51+s14+$0x0] =	vst.idx.msk $0xffff, v32  }
0x5c1: {  	v53 =	vor.u32 v3, v33;
	v32 =	vld.idx.msk [tilespmem:v52+s3+$0x0], $0xffff  }
0x5c2: {  	v54 =	vor.u32 v4, v49;
	_ =	sdelay $0x3  }
0x5c3: {  	[tilespmem:v53+s14+$0x0] =	vst.idx.msk $0xffff, v32  }
0x5c4: {  	v55 =	vor.u32 v5, v33;
	v32 =	vld.idx.msk [tilespmem:v54+s3+$0x0], $0xffff  }
0x5c5: {  	v56 =	vor.u32 v6, v49;
	_ =	sdelay $0x3  }
0x5c6: {  	[tilespmem:v55+s14+$0x0] =	vst.idx.msk $0xffff, v32  }
0x5c7: {  	v57 =	vor.u32 v7, v33;
	v32 =	vld.idx.msk [tilespmem:v56+s3+$0x0], $0xffff  }
0x5c8: {  	v58 =	vor.u32 v16, v49;
	_ =	sdelay $0x3  }
0x5c9: {  	[tilespmem:v57+s14+$0x0] =	vst.idx.msk $0xffff, v32  }
0x5ca: {  	v59 =	vor.u32 v17, v33;
	v32 =	vld.idx.msk [tilespmem:v58+s3+$0x0], $0xffff  }
0x5cb: {  	v60 =	vor.u32 v18, v49;
	_ =	sdelay $0x3  }
0x5cc: {  	[tilespmem:v59+s14+$0x0] =	vst.idx.msk $0xffff, v32  }
0x5cd: {  	v61 =	vor.u32 v19, v33;
	v32 =	vld.idx.msk [tilespmem:v60+s3+$0x0], $0xffff  }
0x5ce: {  	v62 =	vor.u32 v20, v49;
	_ =	sdelay $0x3  }
0x5cf: {  	[tilespmem:v61+s14+$0x0] =	vst.idx.msk $0xffff, v32  }
0x5d0: {  	v63 =	vor.u32 v21, v33;
	v36 =	vld.idx.msk [tilespmem:v62+s3+$0x0], $0xffff  }
0x5d1: {  	v34 =	vor.u32 v22, v49;
	_ =	sdelay $0x2  }
0x5d2: {  	s22 =	simm.s32 $0x4  }
0x5d3: {  	s23 =	simm.s32 $0x8;
	v32 =	vadd.s32 s22, v0;
	[tilespmem:v63+s14+$0x0] =	vst.idx.msk $0xffff, v36  }
.LBB2_12:
0x5d4: {  	p1 =	sne.s32 s23, $0xC;
	v35 =	vand.u32 $0xF, v32;
	v34 =	vld.idx.msk [tilespmem:v34+s3+$0x0], $0xffff  }
0x5d5: {  	v33 =	vor.u32 v23, v33;
	v36 =	vshll.u32 v35, $0x7  }
0x5d6: {  	v37 =	vor.u32 v0, v36;
	_ =	sdelay $0x3  }
0x5d7: {  	[tilespmem:v33+s14+$0x0] =	vst.idx.msk $0xffff, v34  }
0x5d8: {  	v33 =	vld.idx.msk [tilespmem:v37+s3+$0x0], $0xffff  }
0x5d9: {  	v34 =	vor.u32 v1, v35  }
0x5da: {  	v37 =	vor.u32 v2, v36;
	_ =	sdelay $0x3  }
0x5db: {  	[tilespmem:v34+s14+$0x0] =	vst.idx.msk $0xffff, v33  }
0x5dc: {  	v33 =	vld.idx.msk [tilespmem:v37+s3+$0x0], $0xffff  }
0x5dd: {  	v34 =	vor.u32 v3, v35  }
0x5de: {  	v37 =	vor.u32 v4, v36;
	_ =	sdelay $0x3  }
0x5df: {  	[tilespmem:v34+s14+$0x0] =	vst.idx.msk $0xffff, v33  }
0x5e0: {  	v33 =	vld.idx.msk [tilespmem:v37+s3+$0x0], $0xffff  }
0x5e1: {  	v34 =	vor.u32 v5, v35  }
0x5e2: {  	v37 =	vor.u32 v6, v36;
	_ =	sdelay $0x3  }
0x5e3: {  	[tilespmem:v34+s14+$0x0] =	vst.idx.msk $0xffff, v33  }
0x5e4: {  	v33 =	vld.idx.msk [tilespmem:v37+s3+$0x0], $0xffff  }
0x5e5: {  	v34 =	vor.u32 v7, v35  }
0x5e6: {  	v35 =	vor.u32 v16, v36;
	_ =	sdelay $0x3  }
0x5e7: {  	[tilespmem:v34+s14+$0x0] =	vst.idx.msk $0xffff, v33  }
0x5e8: {  	v33 =	vld.idx.msk [tilespmem:v35+s3+$0x0], $0xffff  }
0x5e9: {  	v34 =	vor.u32 v17, v32  }
0x5ea: {  	v35 =	vor.u32 v18, v36;
	_ =	sdelay $0x3  }
0x5eb: {  	[tilespmem:v34+s14+$0x0] =	vst.idx.msk $0xffff, v33  }
0x5ec: {  	v33 =	vld.idx.msk [tilespmem:v35+s3+$0x0], $0xffff  }
0x5ed: {  	v34 =	vor.u32 v19, v32  }
0x5ee: {  	v35 =	vor.u32 v20, v36;
	_ =	sdelay $0x3  }
0x5ef: {  	[tilespmem:v34+s14+$0x0] =	vst.idx.msk $0xffff, v33  }
0x5f0: {  	v33 =	vld.idx.msk [tilespmem:v35+s3+$0x0], $0xffff  }
0x5f1: {  	v34 =	vor.u32 v21, v32  }
0x5f2: {  	v35 =	vor.u32 v22, v36;
	_ =	sdelay $0x2  }
0x5f3: {  	s24 =	sadd.s32 $0x1, s22  }
0x5f4: {  	[tilespmem:v34+s14+$0x0] =	vst.idx.msk $0xffff, v33;
	v33 =	vadd.s32 s24, v0  }
0x5f5: {  	v34 =	vld.idx.msk [tilespmem:v35+s3+$0x0], $0xffff;
	v33 =	vand.u32 $0xF, v33  }
0x5f6: {  	v32 =	vor.u32 v23, v32;
	v35 =	vshll.u32 v33, $0x7  }
0x5f7: {  	v36 =	vor.u32 v0, v35;
	_ =	sdelay $0x3  }
0x5f8: {  	[tilespmem:v32+s14+$0x0] =	vst.idx.msk $0xffff, v34  }
0x5f9: {  	v32 =	vld.idx.msk [tilespmem:v36+s3+$0x0], $0xffff  }
0x5fa: {  	v34 =	vor.u32 v1, v33  }
0x5fb: {  	v36 =	vor.u32 v2, v35;
	_ =	sdelay $0x3  }
0x5fc: {  	[tilespmem:v34+s14+$0x0] =	vst.idx.msk $0xffff, v32  }
0x5fd: {  	v32 =	vld.idx.msk [tilespmem:v36+s3+$0x0], $0xffff  }
0x5fe: {  	v34 =	vor.u32 v3, v33  }
0x5ff: {  	v36 =	vor.u32 v4, v35;
	_ =	sdelay $0x3  }
0x600: {  	[tilespmem:v34+s14+$0x0] =	vst.idx.msk $0xffff, v32  }
0x601: {  	v32 =	vld.idx.msk [tilespmem:v36+s3+$0x0], $0xffff  }
0x602: {  	v34 =	vor.u32 v5, v33  }
0x603: {  	v36 =	vor.u32 v6, v35;
	_ =	sdelay $0x3  }
0x604: {  	[tilespmem:v34+s14+$0x0] =	vst.idx.msk $0xffff, v32  }
0x605: {  	v32 =	vld.idx.msk [tilespmem:v36+s3+$0x0], $0xffff  }
0x606: {  	v34 =	vor.u32 v7, v33  }
0x607: {  	v36 =	vor.u32 v16, v35;
	_ =	sdelay $0x3  }
0x608: {  	[tilespmem:v34+s14+$0x0] =	vst.idx.msk $0xffff, v32  }
0x609: {  	v32 =	vld.idx.msk [tilespmem:v36+s3+$0x0], $0xffff  }
0x60a: {  	v34 =	vor.u32 v17, v33  }
0x60b: {  	v36 =	vor.u32 v18, v35;
	_ =	sdelay $0x3  }
0x60c: {  	[tilespmem:v34+s14+$0x0] =	vst.idx.msk $0xffff, v32  }
0x60d: {  	v32 =	vld.idx.msk [tilespmem:v36+s3+$0x0], $0xffff  }
0x60e: {  	v34 =	vor.u32 v19, v33  }
0x60f: {  	v36 =	vor.u32 v20, v35;
	_ =	sdelay $0x3  }
0x610: {  	[tilespmem:v34+s14+$0x0] =	vst.idx.msk $0xffff, v32  }
0x611: {  	v32 =	vld.idx.msk [tilespmem:v36+s3+$0x0], $0xffff  }
0x612: {  	v34 =	vor.u32 v21, v33  }
0x613: {  	v35 =	vor.u32 v22, v35;
	_ =	sdelay $0x2  }
0x614: {  	s24 =	sadd.s32 $0x2, s22  }
0x615: {  	[tilespmem:v34+s14+$0x0] =	vst.idx.msk $0xffff, v32;
	v32 =	vadd.s32 s24, v0  }
0x616: {  	v34 =	vld.idx.msk [tilespmem:v35+s3+$0x0], $0xffff;
	v32 =	vand.u32 $0xF, v32  }
0x617: {  	v33 =	vor.u32 v23, v33;
	v35 =	vshll.u32 v32, $0x7  }
0x618: {  	v36 =	vor.u32 v0, v35;
	_ =	sdelay $0x3  }
0x619: {  	[tilespmem:v33+s14+$0x0] =	vst.idx.msk $0xffff, v34  }
0x61a: {  	v33 =	vld.idx.msk [tilespmem:v36+s3+$0x0], $0xffff  }
0x61b: {  	v34 =	vor.u32 v1, v32  }
0x61c: {  	v36 =	vor.u32 v2, v35;
	_ =	sdelay $0x3  }
0x61d: {  	[tilespmem:v34+s14+$0x0] =	vst.idx.msk $0xffff, v33  }
0x61e: {  	v33 =	vld.idx.msk [tilespmem:v36+s3+$0x0], $0xffff  }
0x61f: {  	v34 =	vor.u32 v3, v32  }
0x620: {  	v36 =	vor.u32 v4, v35;
	_ =	sdelay $0x3  }
0x621: {  	[tilespmem:v34+s14+$0x0] =	vst.idx.msk $0xffff, v33  }
0x622: {  	v33 =	vld.idx.msk [tilespmem:v36+s3+$0x0], $0xffff  }
0x623: {  	v34 =	vor.u32 v5, v32  }
0x624: {  	v36 =	vor.u32 v6, v35;
	_ =	sdelay $0x3  }
0x625: {  	[tilespmem:v34+s14+$0x0] =	vst.idx.msk $0xffff, v33  }
0x626: {  	v33 =	vld.idx.msk [tilespmem:v36+s3+$0x0], $0xffff  }
0x627: {  	v34 =	vor.u32 v7, v32  }
0x628: {  	v36 =	vor.u32 v16, v35;
	_ =	sdelay $0x3  }
0x629: {  	[tilespmem:v34+s14+$0x0] =	vst.idx.msk $0xffff, v33  }
0x62a: {  	v33 =	vld.idx.msk [tilespmem:v36+s3+$0x0], $0xffff  }
0x62b: {  	v34 =	vor.u32 v17, v32  }
0x62c: {  	v36 =	vor.u32 v18, v35;
	_ =	sdelay $0x3  }
0x62d: {  	[tilespmem:v34+s14+$0x0] =	vst.idx.msk $0xffff, v33  }
0x62e: {  	v33 =	vld.idx.msk [tilespmem:v36+s3+$0x0], $0xffff  }
0x62f: {  	v34 =	vor.u32 v19, v32  }
0x630: {  	v36 =	vor.u32 v20, v35;
	_ =	sdelay $0x3  }
0x631: {  	[tilespmem:v34+s14+$0x0] =	vst.idx.msk $0xffff, v33  }
0x632: {  	v33 =	vld.idx.msk [tilespmem:v36+s3+$0x0], $0xffff  }
0x633: {  	v34 =	vor.u32 v21, v32  }
0x634: {  	v35 =	vor.u32 v22, v35;
	_ =	sdelay $0x2  }
0x635: {  	s24 =	sadd.s32 $0x3, s22;
	s22 =	smov.u32 s23  }
0x636: {  	[tilespmem:v34+s14+$0x0] =	vst.idx.msk $0xffff, v33;
	v33 =	vadd.s32 s24, v0  }
0x637: {  	v34 =	vld.idx.msk [tilespmem:v35+s3+$0x0], $0xffff;
	v33 =	vand.u32 $0xF, v33  }
0x638: {  	v32 =	vor.u32 v23, v32;
	v35 =	vshll.u32 v33, $0x7  }
0x639: {  	v36 =	vor.u32 v0, v35;
	_ =	sdelay $0x3  }
0x63a: {  	[tilespmem:v32+s14+$0x0] =	vst.idx.msk $0xffff, v34  }
0x63b: {  	v32 =	vld.idx.msk [tilespmem:v36+s3+$0x0], $0xffff  }
0x63c: {  	v34 =	vor.u32 v1, v33  }
0x63d: {  	v36 =	vor.u32 v2, v35;
	_ =	sdelay $0x3  }
0x63e: {  	[tilespmem:v34+s14+$0x0] =	vst.idx.msk $0xffff, v32  }
0x63f: {  	v32 =	vld.idx.msk [tilespmem:v36+s3+$0x0], $0xffff  }
0x640: {  	v34 =	vor.u32 v3, v33  }
0x641: {  	v36 =	vor.u32 v4, v35;
	_ =	sdelay $0x3  }
0x642: {  	[tilespmem:v34+s14+$0x0] =	vst.idx.msk $0xffff, v32  }
0x643: {  	v32 =	vld.idx.msk [tilespmem:v36+s3+$0x0], $0xffff  }
0x644: {  	v34 =	vor.u32 v5, v33  }
0x645: {  	v36 =	vor.u32 v6, v35;
	_ =	sdelay $0x3  }
0x646: {  	[tilespmem:v34+s14+$0x0] =	vst.idx.msk $0xffff, v32  }
0x647: {  	v32 =	vld.idx.msk [tilespmem:v36+s3+$0x0], $0xffff  }
0x648: {  	v34 =	vor.u32 v7, v33  }
0x649: {  	v36 =	vor.u32 v16, v35;
	_ =	sdelay $0x3  }
0x64a: {  	[tilespmem:v34+s14+$0x0] =	vst.idx.msk $0xffff, v32  }
0x64b: {  	v32 =	vld.idx.msk [tilespmem:v36+s3+$0x0], $0xffff  }
0x64c: {  	v34 =	vor.u32 v17, v33  }
0x64d: {  	v36 =	vor.u32 v18, v35;
	_ =	sdelay $0x3  }
0x64e: {  	[tilespmem:v34+s14+$0x0] =	vst.idx.msk $0xffff, v32  }
0x64f: {  	v32 =	vld.idx.msk [tilespmem:v36+s3+$0x0], $0xffff  }
0x650: {  	v34 =	vor.u32 v19, v33  }
0x651: {  	v36 =	vor.u32 v20, v35;
	_ =	sdelay $0x3  }
0x652: {  	[tilespmem:v34+s14+$0x0] =	vst.idx.msk $0xffff, v32  }
0x653: {  	v36 =	vld.idx.msk [tilespmem:v36+s3+$0x0], $0xffff  }
0x654: {  	v37 =	vor.u32 v21, v33  }
.Ltmp10:
0x655: {  	v34 =	vor.u32 v22, v35;
	(pc) =	sbr.rel @p1 .LBB2_12-.Ltmp10, $2  }
0x656: {  	_ =	sdelay $0x2  }
0x657: {  	s23 =	sadd.s32 $0x4, s23;
	v32 =	vadd.s32 s22, v0;
	[tilespmem:v37+s14+$0x0] =	vst.idx.msk $0xffff, v36  }
0x658: {  	_ =	sdelay $0x2  }
0x659: {  	v35 =	vand.u32 $0xF, v32  }
0x65a: {  	v34 =	vld.idx.msk [tilespmem:v34+s3+$0x0], $0xffff;
	v33 =	vor.u32 v23, v33;
	v36 =	vshll.u32 v35, $0x7  }
0x65b: {  	v37 =	vor.u32 v0, v36;
	_ =	sdelay $0x3  }
0x65c: {  	[tilespmem:v33+s14+$0x0] =	vst.idx.msk $0xffff, v34  }
0x65d: {  	v46 =	vor.u32 v1, v35;
	v33 =	vld.idx.msk [tilespmem:v37+s3+$0x0], $0xffff  }
0x65e: {  	v47 =	vor.u32 v2, v36;
	_ =	sdelay $0x3  }
0x65f: {  	[tilespmem:v46+s14+$0x0] =	vst.idx.msk $0xffff, v33  }
0x660: {  	v48 =	vor.u32 v3, v35;
	v33 =	vld.idx.msk [tilespmem:v47+s3+$0x0], $0xffff  }
0x661: {  	v49 =	vor.u32 v4, v36;
	_ =	sdelay $0x3  }
0x662: {  	[tilespmem:v48+s14+$0x0] =	vst.idx.msk $0xffff, v33  }
0x663: {  	v50 =	vor.u32 v5, v35;
	v33 =	vld.idx.msk [tilespmem:v49+s3+$0x0], $0xffff  }
0x664: {  	v51 =	vor.u32 v6, v36;
	_ =	sdelay $0x3  }
0x665: {  	[tilespmem:v50+s14+$0x0] =	vst.idx.msk $0xffff, v33  }
0x666: {  	v52 =	vor.u32 v7, v35;
	v33 =	vld.idx.msk [tilespmem:v51+s3+$0x0], $0xffff  }
0x667: {  	v53 =	vor.u32 v16, v36;
	_ =	sdelay $0x3  }
0x668: {  	[tilespmem:v52+s14+$0x0] =	vst.idx.msk $0xffff, v33  }
0x669: {  	v54 =	vor.u32 v17, v32;
	v33 =	vld.idx.msk [tilespmem:v53+s3+$0x0], $0xffff  }
0x66a: {  	v55 =	vor.u32 v18, v36;
	_ =	sdelay $0x3  }
0x66b: {  	[tilespmem:v54+s14+$0x0] =	vst.idx.msk $0xffff, v33  }
0x66c: {  	v56 =	vor.u32 v19, v32;
	v33 =	vld.idx.msk [tilespmem:v55+s3+$0x0], $0xffff  }
0x66d: {  	v57 =	vor.u32 v20, v36;
	_ =	sdelay $0x3  }
0x66e: {  	[tilespmem:v56+s14+$0x0] =	vst.idx.msk $0xffff, v33  }
0x66f: {  	v58 =	vor.u32 v21, v32;
	v33 =	vld.idx.msk [tilespmem:v57+s3+$0x0], $0xffff  }
0x670: {  	v59 =	vor.u32 v22, v36;
	_ =	sdelay $0x1  }
0x671: {  	s23 =	sadd.s32 $0x1, s22  }
0x672: {  	v60 =	vadd.s32 s23, v0  }
0x673: {  	v61 =	vand.u32 $0xF, v60;
	[tilespmem:v58+s14+$0x0] =	vst.idx.msk $0xffff, v33  }
0x674: {  	v62 =	vor.u32 v23, v32;
	v63 =	vshll.u32 v61, $0x7;
	v34 =	vld.idx.msk [tilespmem:v59+s3+$0x0], $0xffff  }
0x675: {  	v40 =	vor.u32 v0, v63;
	_ =	sdelay $0x3  }
0x676: {  	[tilespmem:v62+s14+$0x0] =	vst.idx.msk $0xffff, v34  }
0x677: {  	v41 =	vor.u32 v1, v61;
	v32 =	vld.idx.msk [tilespmem:v40+s3+$0x0], $0xffff  }
0x678: {  	v42 =	vor.u32 v2, v63;
	_ =	sdelay $0x3  }
0x679: {  	[tilespmem:v41+s14+$0x0] =	vst.idx.msk $0xffff, v32  }
0x67a: {  	v43 =	vor.u32 v3, v61;
	v32 =	vld.idx.msk [tilespmem:v42+s3+$0x0], $0xffff  }
0x67b: {  	v44 =	vor.u32 v4, v63;
	_ =	sdelay $0x3  }
0x67c: {  	[tilespmem:v43+s14+$0x0] =	vst.idx.msk $0xffff, v32  }
0x67d: {  	v45 =	vor.u32 v5, v61;
	v32 =	vld.idx.msk [tilespmem:v44+s3+$0x0], $0xffff  }
0x67e: {  	v46 =	vor.u32 v6, v63;
	_ =	sdelay $0x3  }
0x67f: {  	[tilespmem:v45+s14+$0x0] =	vst.idx.msk $0xffff, v32  }
0x680: {  	v47 =	vor.u32 v7, v61;
	v32 =	vld.idx.msk [tilespmem:v46+s3+$0x0], $0xffff  }
0x681: {  	v48 =	vor.u32 v16, v63;
	_ =	sdelay $0x3  }
0x682: {  	[tilespmem:v47+s14+$0x0] =	vst.idx.msk $0xffff, v32  }
0x683: {  	v49 =	vor.u32 v17, v61;
	v32 =	vld.idx.msk [tilespmem:v48+s3+$0x0], $0xffff  }
0x684: {  	v50 =	vor.u32 v18, v63;
	_ =	sdelay $0x3  }
0x685: {  	[tilespmem:v49+s14+$0x0] =	vst.idx.msk $0xffff, v32  }
0x686: {  	v51 =	vor.u32 v19, v61;
	v32 =	vld.idx.msk [tilespmem:v50+s3+$0x0], $0xffff  }
0x687: {  	v52 =	vor.u32 v20, v63;
	_ =	sdelay $0x3  }
0x688: {  	[tilespmem:v51+s14+$0x0] =	vst.idx.msk $0xffff, v32  }
0x689: {  	v53 =	vor.u32 v21, v61;
	v32 =	vld.idx.msk [tilespmem:v52+s3+$0x0], $0xffff  }
0x68a: {  	v35 =	vor.u32 v22, v63;
	_ =	sdelay $0x1  }
0x68b: {  	s30 =	sadd.s32 $0x2, s22  }
0x68c: {  	v54 =	vadd.s32 s30, v0  }
0x68d: {  	v55 =	vand.u32 $0xF, v54;
	[tilespmem:v53+s14+$0x0] =	vst.idx.msk $0xffff, v32  }
0x68e: {  	v56 =	vshll.u32 v55, $0x7;
	v33 =	vor.u32 v23, v61;
	v34 =	vld.idx.msk [tilespmem:v35+s3+$0x0], $0xffff  }
0x68f: {  	v57 =	vor.u32 v0, v56;
	_ =	sdelay $0x3  }
0x690: {  	[tilespmem:v33+s14+$0x0] =	vst.idx.msk $0xffff, v34  }
0x691: {  	v58 =	vor.u32 v1, v55;
	v33 =	vld.idx.msk [tilespmem:v57+s3+$0x0], $0xffff  }
0x692: {  	v59 =	vor.u32 v2, v56;
	_ =	sdelay $0x3  }
0x693: {  	[tilespmem:v58+s14+$0x0] =	vst.idx.msk $0xffff, v33  }
0x694: {  	v60 =	vor.u32 v3, v55;
	v33 =	vld.idx.msk [tilespmem:v59+s3+$0x0], $0xffff  }
0x695: {  	v61 =	vor.u32 v4, v56;
	_ =	sdelay $0x3  }
0x696: {  	[tilespmem:v60+s14+$0x0] =	vst.idx.msk $0xffff, v33  }
0x697: {  	v62 =	vor.u32 v5, v55;
	v33 =	vld.idx.msk [tilespmem:v61+s3+$0x0], $0xffff  }
0x698: {  	v63 =	vor.u32 v6, v56;
	_ =	sdelay $0x3  }
0x699: {  	[tilespmem:v62+s14+$0x0] =	vst.idx.msk $0xffff, v33  }
0x69a: {  	v40 =	vor.u32 v7, v55;
	v33 =	vld.idx.msk [tilespmem:v63+s3+$0x0], $0xffff  }
0x69b: {  	v41 =	vor.u32 v16, v56;
	_ =	sdelay $0x3  }
0x69c: {  	[tilespmem:v40+s14+$0x0] =	vst.idx.msk $0xffff, v33  }
0x69d: {  	v42 =	vor.u32 v17, v55;
	v33 =	vld.idx.msk [tilespmem:v41+s3+$0x0], $0xffff  }
0x69e: {  	v43 =	vor.u32 v18, v56;
	_ =	sdelay $0x3  }
0x69f: {  	[tilespmem:v42+s14+$0x0] =	vst.idx.msk $0xffff, v33  }
0x6a0: {  	v44 =	vor.u32 v19, v55;
	v33 =	vld.idx.msk [tilespmem:v43+s3+$0x0], $0xffff  }
0x6a1: {  	v45 =	vor.u32 v20, v56;
	_ =	sdelay $0x3  }
0x6a2: {  	[tilespmem:v44+s14+$0x0] =	vst.idx.msk $0xffff, v33  }
0x6a3: {  	v46 =	vor.u32 v21, v55;
	v33 =	vld.idx.msk [tilespmem:v45+s3+$0x0], $0xffff  }
0x6a4: {  	v35 =	vor.u32 v22, v56;
	_ =	sdelay $0x1  }
0x6a5: {  	s31 =	sadd.s32 $0x3, s22  }
0x6a6: {  	v47 =	vadd.s32 s31, v0  }
0x6a7: {  	v48 =	vand.u32 $0xF, v47;
	[tilespmem:v46+s14+$0x0] =	vst.idx.msk $0xffff, v33  }
0x6a8: {  	v49 =	vshll.u32 v48, $0x7;
	v32 =	vor.u32 v23, v55;
	v34 =	vld.idx.msk [tilespmem:v35+s3+$0x0], $0xffff  }
0x6a9: {  	v50 =	vor.u32 v0, v49;
	_ =	sdelay $0x3  }
0x6aa: {  	[tilespmem:v32+s14+$0x0] =	vst.idx.msk $0xffff, v34  }
0x6ab: {  	v51 =	vor.u32 v1, v48;
	v32 =	vld.idx.msk [tilespmem:v50+s3+$0x0], $0xffff  }
0x6ac: {  	v52 =	vor.u32 v2, v49;
	_ =	sdelay $0x3  }
0x6ad: {  	[tilespmem:v51+s14+$0x0] =	vst.idx.msk $0xffff, v32  }
0x6ae: {  	v53 =	vor.u32 v3, v48;
	v32 =	vld.idx.msk [tilespmem:v52+s3+$0x0], $0xffff  }
0x6af: {  	v54 =	vor.u32 v4, v49;
	_ =	sdelay $0x3  }
0x6b0: {  	[tilespmem:v53+s14+$0x0] =	vst.idx.msk $0xffff, v32  }
0x6b1: {  	v55 =	vor.u32 v5, v48;
	v32 =	vld.idx.msk [tilespmem:v54+s3+$0x0], $0xffff  }
0x6b2: {  	v56 =	vor.u32 v6, v49;
	_ =	sdelay $0x3  }
0x6b3: {  	[tilespmem:v55+s14+$0x0] =	vst.idx.msk $0xffff, v32  }
0x6b4: {  	v57 =	vor.u32 v7, v48;
	v32 =	vld.idx.msk [tilespmem:v56+s3+$0x0], $0xffff  }
0x6b5: {  	v58 =	vor.u32 v16, v49;
	_ =	sdelay $0x3  }
0x6b6: {  	[tilespmem:v57+s14+$0x0] =	vst.idx.msk $0xffff, v32  }
0x6b7: {  	v59 =	vor.u32 v17, v48;
	v32 =	vld.idx.msk [tilespmem:v58+s3+$0x0], $0xffff  }
0x6b8: {  	v60 =	vor.u32 v18, v49;
	_ =	sdelay $0x3  }
0x6b9: {  	[tilespmem:v59+s14+$0x0] =	vst.idx.msk $0xffff, v32  }
0x6ba: {  	v61 =	vor.u32 v19, v48;
	v32 =	vld.idx.msk [tilespmem:v60+s3+$0x0], $0xffff  }
0x6bb: {  	v62 =	vor.u32 v20, v49;
	_ =	sdelay $0x3  }
0x6bc: {  	[tilespmem:v61+s14+$0x0] =	vst.idx.msk $0xffff, v32  }
0x6bd: {  	v63 =	vor.u32 v21, v48;
	v32 =	vld.idx.msk [tilespmem:v62+s3+$0x0], $0xffff  }
0x6be: {  	v35 =	vor.u32 v22, v49;
	_ =	sdelay $0x3  }
0x6bf: {  	[tilespmem:v63+s14+$0x0] =	vst.idx.msk $0xffff, v32  }
0x6c0: {  	v33 =	vor.u32 v23, v48;
	v32 =	vld.idx.msk [tilespmem:v35+s3+$0x0], $0xffff;
	_ =	sdelay $0x4  }
.Ltmp11:
0x6c1: {  	[tilespmem:v33+s14+$0x0] =	vst.idx.msk $0xffff, v32;
	(pc) =	sbr.rel .LBB2_14-.Ltmp11, $4  }
0x6c2: {  	[hbm4b:s9+s3] =	stream.linear.scatter [tilespmem:s14], [sflag:$0x5], $0x800, $0x38;
	[tilespmem:$0x4000] =	vst v63  }
0x6c3: {  	_ =	swait.ge [sflag:s20], $0x800  }
0x6c4: {  	[sflag:s20] =	ssyncset.done $0x0  }
0x6c5: {  	[sflag:s20] =	ssyncadd.s32 $0xFFFFF800  }
.LBB2_15:
0x6c6: {  	_ =	sfence.sel $0x180000  }
0x6c7: {  	[bflag:$0x0] =	sbarrier.arrive $0xFFFF  }
0x6c8: {  	p0 =	sne.s32 s2, $0x0;
	_ =	strace $0x90000047  }
0x6c9: {  	s0 =	sadd.s32 @!p0 $0x100000, s0;
	[bflag:$0x2] =	sbarrier.arrive $0xFFFF  }
0x6ca: {  	[sflag:s0] =	ssyncadd.tile.s32 @!p0 $0x1;
	_ =	shalt  }
.Lfunc_end2:
_tile_overlayer_lowered:
.L_overlay_start_2:
0x6cb: {  	(tag) =	ssettag $0x2  }
0x6cc: {  	s0 =	rddreg [dreg:$0x0];
	s2 =	stileid.u32  }
0x6cd: {  	s1 =	rddreg [dreg:$0x1];
	p0 =	sne.s32 s2, $0x0  }
0x6ce: {  	s3 =	rddreg [dreg:$0x2];
	[bflag:$0x3] =	sbarrier.arrive $0xFFFF;
	s2 =	simm.s32 @!p0 $0x1C05  }
0x6cf: {  	[timem:s3], [sflag:s2] =	dma.local @!p0 [hbm:s0], s1  }
0x6d0: {  	s0 =	simm.s32 @!p0 $0x5  }
0x6d1: {  	_ =	swait.ge @!p0 [sflag:s0], s1  }
0x6d2: {  	s1 =	ssub.s32 @!p0 $0x0, s1;
	[sflag:s0] =	ssyncset.done @!p0 $0x0  }
0x6d3: {  	[sflag:s0] =	ssyncadd.s32 @!p0 s1  }
0x6d4: {  	[bflag:$0x3] =	sbarrier.arrive $0xFFFF  }
0x6d5: {  	_ =	shalt  }

// kernel: _run.7.cloned.1.call-start
scs
__scs_entry_jumppad:
0x0: {  	(pc) =	sbr.rel $0x88, $3  }
0x1: {  	(tag) =	ssettag $0x0;
	lr =	simm.s32 $0x1  }
0x2: {  	[smem:$0x3F9F] =	sst lr;
	_ =	strace $0xD0000000  }
0x3: {  	_ = 	snop  }
0x4: {  	_ = 	snop  }
0x5: {  	_ = 	snop  }
0x6: {  	_ = 	snop  }
0x7: {  	_ = 	snop  }
__scs_overlays_trampoline_lowered:
0x8: {  	[smem:$0x3FAE] =	sst s0  }
0x9: {  	[smem:$0x3FAF] =	sst s1  }
0xa: {  	[smem:$0x3FB0] =	sst s2  }
0xb: {  	[smem:$0x3FB1] =	sst s3  }
0xc: {  	[smem:$0x3FB2] =	sst s4  }
0xd: {  	[smem:$0x3FB3] =	sst s5  }
0xe: {  	[smem:$0x3FB4] =	sst s6  }
0xf: {  	[smem:$0x3FB5] =	sst s7  }
0x10: {  	[smem:$0x3FB6] =	sst s8  }
0x11: {  	[smem:$0x3FB7] =	sst s9;
	s0 =	simm.s32 @!p0 $0x0  }
0x12: {  	s1 =	sld [smem:$0x3F9D];
	s0 =	simm.s32 @p0 $0x1  }
0x13: {  	[smem:$0x3FB8] =	sst s0;
	s0 =	simm.s32 @!p1 $0x0  }
0x14: {  	s2 =	sld [smem:$0x3F9C];
	s0 =	simm.s32 @p1 $0x1  }
0x15: {  	[smem:$0x3FB9] =	sst s0;
	s0 =	simm.s32 @!p2 $0x0  }
0x16: {  	s3 =	sld [smem:$0x3FDB];
	s0 =	simm.s32 @p2 $0x1  }
0x17: {  	s4 =	simm.s32 $0x1BF5;
	[smem:$0x3FBB] =	sst s0  }
0x18: {  	s0 =	sld [smem:$0x3F9E];
	_ =	swait.ge [sflag:s4], $0x0  }
0x19: {  	s7 =	sld [smem:$0x3F9F]  }
0x1a: {  	s8 =	sadd.s32 $0xFFFFE003, lr  }
0x1b: {  	s9 =	sadd.s32 $0xFFFFFEF7, lr;
	s5 =	simm.s32 $0xFFFFFFFF;
	p2 =	slt.u32 s8, $0xFFFFF086  }
0x1c: {  	p1 =	slt.u32 s9, $0xF7A;
	s5 =	simm.s32 @!p2 $0x0  }
0x1d: {  	s5 =	simm.s32 @p1 $0x1;
	p0 =	seq.s32 s7, s2  }
0x1e: {  	s7 =	smul.u32 @!p0 $0xF7A, s2;
	p2 =	seq.s32 @!p0 s5, $0x0  }
0x1f: {  	s9 =	smul.u32 $0xF7A, s1;
	s8 =	simm.s32 @!p0 $0x1BF5;
	p2 =	por !p2, p0  }
0x20: {  	[sflag:s8] =	ssyncset.s32 @!p0 $0xFFFFF086;
	s6 =	sadd.s32 @!p0 s3, s7;
	s7 =	simm.s32 @!p0 $0x108  }
0x21: {  	s3 =	sadd.s32 s3, s9;
	s6 =	sadd.s32 @!p0 $0x88, s6;
	s7 =	simm.s32 @p2 $0x1082  }
0x22: {  	[simem:s7], [sflag:s8] =	dma.local @!p0 [hbm:s6], $0xF7A  }
0x23: {  	s9 =	sor.u32 $0xD0000000, s2;
	s6 =	simm.s32 $0x108;
	_ =	swait.ge @!p0 [sflag:s8], $0x0  }
0x24: {  	s3 =	sadd.s32 $0x88, s3;
	s6 =	simm.s32 @!p1 $0x1082;
	[sflag:s4] =	ssyncset.s32 $0xFFFFF086  }
0x25: {  	[simem:s6], [sflag:s4] =	dma.local [hbm:s3], $0xF7A  }
0x26: {  	[smem:$0x3F9F] =	sst s1;
	(tag) =	ssettag s2;
	_ =	strace s9  }
0x27: {  	s1 =	sld [smem:$0x3FAF]  }
0x28: {  	s2 =	sld [smem:$0x3FB0]  }
0x29: {  	s4 =	sld [smem:$0x3FB2]  }
0x2a: {  	p0 =	seq.s32 s5, $0x0;
	s5 =	sld [smem:$0x3FB3]  }
0x2b: {  	s6 =	sld [smem:$0x3FB4]  }
0x2c: {  	s7 =	sld [smem:$0x3FB5]  }
0x2d: {  	s3 =	simm.s32 $0x108;
	s8 =	sld [smem:$0x3FB6]  }
0x2e: {  	s3 =	simm.s32 @!p0 $0x1082;
	s9 =	sld [smem:$0x3FB7]  }
0x2f: {  	lr =	sadd.s32 s0, s3;
	s0 =	sld [smem:$0x3FAE]  }
0x30: {  	s3 =	sld [smem:$0x3FB1]  }
0x31: {  	[smem:$0x3FBA] =	sst s10  }
0x32: {  	s10 =	sld [smem:$0x3FB8];
	_ =	sdelay $0x3  }
0x33: {  	p0 =	seq.s32 s10, $0x1;
	s10 =	sld [smem:$0x3FBA];
	_ =	sdelay $0x3  }
0x34: {  	[smem:$0x3FBA] =	sst s10  }
0x35: {  	s10 =	sld [smem:$0x3FB9];
	_ =	sdelay $0x3  }
0x36: {  	p1 =	seq.s32 s10, $0x1;
	s10 =	sld [smem:$0x3FBA];
	_ =	sdelay $0x3  }
0x37: {  	[smem:$0x3FBA] =	sst s10  }
0x38: {  	s10 =	sld [smem:$0x3FBB]  }
0x39: {  	_ = 	snop;
	(pc) =	sbr.ind lr, $3  }
0x3a: {  	_ = 	snop  }
0x3b: {  	_ = 	snop  }
0x3c: {  	p2 =	seq.s32 s10, $0x1;
	s10 =	sld [smem:$0x3FBA]  }
0x3d: {  	_ =	shalt  }
0x3e: {  	_ =	shalt  }
0x3f: {  	_ =	shalt  }
0x40: {  	_ =	shalt  }
0x41: {  	_ =	shalt  }
0x42: {  	_ =	shalt  }
0x43: {  	_ =	shalt  }
0x44: {  	_ =	shalt  }
0x45: {  	_ =	shalt  }
0x46: {  	_ =	shalt  }
0x47: {  	_ =	shalt  }
0x48: {  	_ =	shalt  }
0x49: {  	_ =	shalt  }
0x4a: {  	_ =	shalt  }
0x4b: {  	_ =	shalt  }
0x4c: {  	_ =	shalt  }
0x4d: {  	_ =	shalt  }
0x4e: {  	_ =	shalt  }
0x4f: {  	_ =	shalt  }
0x50: {  	_ =	shalt  }
0x51: {  	_ =	shalt  }
0x52: {  	_ =	shalt  }
0x53: {  	_ =	shalt  }
0x54: {  	_ =	shalt  }
0x55: {  	_ =	shalt  }
0x56: {  	_ =	shalt  }
0x57: {  	_ =	shalt  }
0x58: {  	_ =	shalt  }
0x59: {  	_ =	shalt  }
0x5a: {  	_ =	shalt  }
0x5b: {  	_ =	shalt  }
0x5c: {  	_ =	shalt  }
0x5d: {  	_ =	shalt  }
0x5e: {  	_ =	shalt  }
0x5f: {  	_ =	shalt  }
0x60: {  	_ =	shalt  }
0x61: {  	_ =	shalt  }
0x62: {  	_ =	shalt  }
0x63: {  	_ =	shalt  }
0x64: {  	_ =	shalt  }
0x65: {  	_ =	shalt  }
0x66: {  	_ =	shalt  }
0x67: {  	_ =	shalt  }
0x68: {  	_ =	shalt  }
0x69: {  	_ =	shalt  }
0x6a: {  	_ =	shalt  }
0x6b: {  	_ =	shalt  }
0x6c: {  	_ =	shalt  }
0x6d: {  	_ =	shalt  }
0x6e: {  	_ =	shalt  }
0x6f: {  	_ =	shalt  }
0x70: {  	_ =	shalt  }
0x71: {  	_ =	shalt  }
0x72: {  	_ =	shalt  }
0x73: {  	_ =	shalt  }
0x74: {  	_ =	shalt  }
0x75: {  	_ =	shalt  }
0x76: {  	_ =	shalt  }
0x77: {  	_ =	shalt  }
0x78: {  	_ =	shalt  }
0x79: {  	_ =	shalt  }
0x7a: {  	_ =	shalt  }
0x7b: {  	_ =	shalt  }
0x7c: {  	_ =	shalt  }
0x7d: {  	_ =	shalt  }
0x7e: {  	_ =	shalt  }
0x7f: {  	_ =	shalt  }
0x80: {  	_ =	shalt  }
0x81: {  	_ =	shalt  }
0x82: {  	_ =	shalt  }
0x83: {  	_ =	shalt  }
0x84: {  	_ =	shalt  }
0x85: {  	_ =	shalt  }
0x86: {  	_ =	shalt  }
0x87: {  	_ =	shalt  }
.Lfunc_end0:
.L_simem_size_0:
called_computation.1_lowered:
.L_overlay_start_0:
0x88: {  	s2 =	sld [smem:$0x3FD9]  }
0x89: {  	s3 =	sld [smem:$0x3FFE];
	_ =	sdelay $0x1  }
0x8a: {  	s1 =	srdreg.scid  }
0x8b: {  	s0 =	sand.u32 $0x1, s1  }
0x8c: {  	s17 =	sshll.u32 s0, $0xA;
	s2 =	sadd.s32 s3, s2  }
0x8d: {  	s2 =	sadd.s32 s2, s17  }
0x8e: {  	[smem:$0x3FC6] =	sst s2  }
0x8f: {  	_ = 	snop  }
0x90: {  	s2 =	sld [smem:$0x3FC8]  }
0x91: {  	s18 =	sld [smem:$0x3FD0];
	(tm) =	ssettm $0x1  }
0x92: {  	s4 =	sld [smem:$0x3FFB];
	_ =	sdelay $0x3  }
0x93: {  	_ =	strace s4  }
0x94: {  	s4 =	sld [smem:$0x3FFC];
	_ =	sdelay $0x3  }
0x95: {  	_ =	strace s4  }
0x96: {  	s4 =	sld [smem:$0x3FFD];
	_ =	sdelay $0x3  }
0x97: {  	_ =	strace s4  }
0x98: {  	_ =	strace $0x8FFFFFFF  }
0x99: {  	s19 =	sld [smem:$0x3FDB];
	_ =	sdelay $0x1  }
0x9a: {  	s5 =	simm.s32 $_scs_section_size  }
0x9b: {  	s6 =	simm.s32 $_size__tile_overlayer_lowered;
	s7 =	simm.s32 $_tile_overlayer_lowered  }
0x9c: {  	s22 =	simm.s32 $0x1BFF;
	s21 =	sshll.u32 s7, $0x1;
	s4 =	sadd.s32 s5, s19  }
0x9d: {  	s8 =	simm.s32 $0x0;
	s20 =	sshll.u32 s6, $0x1;
	s6 =	sadd.s32 s21, s4  }
0x9e: {  	[timem:s8], [sflag:s22] =	dma.local [hbm:s6], s20  }
0x9f: {  	_ =	swait.ge [sflag:s22], s20  }
0xa0: {  	s5 =	ssub.s32 $0x0, s20;
	[sflag:s22] =	ssyncset.done $0x0  }
0xa1: {  	[sflag:s22] =	ssyncadd.s32 s5;
	_ =	sdelay $0x1  }
0xa2: {  	s23 =	simm.s32 $0x1B8B  }
0xa3: {  	_ =	swait.ge [sflag:s23], $0x1  }
0xa4: {  	[sflag:s23] =	ssyncset.done $0x0  }
0xa5: {  	s25 =	simm.s32 $0x1B8E;
	s24 =	sld [smem:$0x3FFE];
	[sflag:s23] =	ssyncadd.s32 $0xFFFFFFFF  }
0xa6: {  	s26 =	simm.s32 $execute0_lowered;
	[smem:$0x3FD2] =	sst s25  }
0xa7: {  	s6 =	sshll.u32 s26, $0x1;
	_ =	strace $0x80000049;
	[dreg:$0x1] =	wrdreg $0xFFFFFFFF  }
0xa8: {  	s28 =	simm.s32 $_size_execute0_lowered;
	s4 =	sadd.s32 s4, s6;
	[dreg:$0x0] =	wrdreg $0x0  }
0xa9: {  	s6 =	sshll.u32 s28, $0x1;
	[dreg:$0x2] =	wrdreg s4  }
0xaa: {  	[dreg:$0x3] =	wrdreg s6  }
0xab: {  	[dreg:$0x4] =	wrdreg $0xC0  }
0xac: {  	_ =	task [dreg:s8], $0x5FFFF  }
0xad: {  	[dreg:$0x1] =	wrdreg $0xFFFFFFFF  }
0xae: {  	[dreg:$0x0] =	wrdreg $0x60  }
0xaf: {  	[dreg:$0x2] =	wrdreg s24  }
0xb0: {  	[dreg:$0x3] =	wrdreg s2  }
0xb1: {  	[dreg:$0x4] =	wrdreg s18  }
0xb2: {  	[dreg:$0x5] =	wrdreg $0x9  }
0xb3: {  	_ =	task.clear_ibuf [dreg:s8], $0x6FFFF;
	_ =	strace $0x90000049  }
0xb4: {  	s29 =	simm.s32 $0x9;
	_ =	strace $0x8000004B  }
0xb5: {  	_ =	swait.ge [sflag:s29], $0x1  }
0xb6: {  	[sflag:s29] =	ssyncadd.s32 $0xFFFFFFFF  }
0xb7: {  	_ =	strace $0x9000004B  }
0xb8: {  	_ =	sfence  }
0xb9: {  	s30 =	sld [smem:$0x0];
	_ =	sdelay $0x2  }
0xba: {  	s31 =	sshll.u32 s1, $0xD;
	s1 =	sshrl.u32 s1, $0x2  }
0xbb: {  	s3 =	sand.u32 $0x4000, s31;
	s1 =	sadd.s32 s1, s30  }
0xbc: {  	s0 =	sor.u32 s3, s0;
	s1 =	sshll.u32 s1, $0x11  }
0xbd: {  	s0 =	sor.u32 s1, s0  }
0xbe: {  	s0 =	sadd.s32 $0x8F2B, s0  }
0xbf: {  	[sflag:s0] =	ssyncadd.remote.s32 $0x1  }
0xc0: {  	_ =	sfence.sel $0xFFFF  }
0xc1: {  	[dreg:$0x0] =	wrdreg $0xFFFFFFFF;
	(pc) =	sbr.abs _section_cstart, $3  }
0xc2: {  	[dreg:$0x1] =	wrdreg $0xFFFFFFFF  }
0xc3: {  	_ =	task.clear_ibuf [dreg:s8], $0x2FFFF;
	_ =	strace $0x9FFFFFFF  }
0xc4: {  	(tm) =	ssettm $0x7FFFFFFF  }
0xc5: {  	_ =	shalt  }
tec
execute0_lowered:
.L_overlay_start_1:
0x0: {  	(tag) =	ssettag $0x1  }
0x1: {  	s5 =	rddreg [dreg:$0x0]  }
0x2: {  	s6 =	rddreg [dreg:$0x1]  }
0x3: {  	s2 =	rddreg [dreg:$0x2]  }
0x4: {  	s0 =	rddreg [dreg:$0x3];
	s4 =	srdreg.scid  }
0x5: {  	s3 =	simm.s32 $0x0;
	s1 =	stileid.u32;
	s10 =	simm.s32 $0x5  }
0x6: {  	s11 =	simm.s32 $0x80;
	s12 =	simm.s32 $0x10400;
	s13 =	simm.s32 $0x6400  }
0x7: {  	s14 =	simm.s32 $0x10480;
	s15 =	simm.s32 $0xA400;
	s16 =	simm.s32 $0x1  }
0x8: {  	s17 =	simm.s32 $0xE400;
	s18 =	simm.s32 $0x2;
	s19 =	simm.s32 $0xF400  }
0x9: {  	v0 =	vlaneseq.u32;
	s20 =	simm.s32 $0x3;
	s21 =	simm.s32 $0x4;
	s22 =	simm.s32 $0x0  }
0xa: {  	s4 =	sand.u32 $0x1, s4;
	s8 =	sshll.u32 s1, $0xB;
	[smem:$0x7FF] =	sst s3;
	v1 =	vmul.u32 $0x80, v0;
	v9 =	vor.u32 $0x10, v0;
	v10 =	vor.u32 $0x20, v0  }
0xb: {  	s5 =	sadd.s32 $0x800, s5;
	v11 =	vor.u32 $0x30, v0;
	v12 =	vor.u32 $0x40, v0;
	v13 =	vor.u32 $0x50, v0;
	s7 =	ssub.s32 $0x2, s4;
	s4 =	sshll.u32 s4, $0xA  }
0xc: {  	v14 =	vor.u32 $0x60, v0;
	v15 =	vor.u32 $0x70, v0;
	_ =	strace $0x8000004A;
	s9 =	sshrl.u32 s7, $0x1;
	s4 =	sor.u32 s4, s8;
	v2 =	vor.u32 $0x800, v1  }
0xd: {  	v3 =	vor.u32 $0x1000, v1;
	v4 =	vor.u32 $0x1800, v1;
	v5 =	vor.u32 $0x2000, v1;
	s7 =	ssub.s32 s7, s9;
	s8 =	sshrl.u32 s4, $0x3;
	s9 =	simm.s32 $0x8000  }
0xe: {  	v6 =	vor.u32 $0x2800, v1;
	v7 =	vor.u32 $0x3000, v1;
	v8 =	vor.u32 $0x3800, v1;
	s6 =	sadd.s32 s6, s8;
	s7 =	smax.u32 s7, $0x1;
	s8 =	simm.s32 $0x400  }
.LBB2_1:
0xf: {  	[tilespmem:s3], [sflag:$0x5] =	stream.strided.gather [hbm4b:s6+s8], $0x6400, s9, s8, $0x38;
	[tilespmem:$0x10500] =	vst v63  }
0x10: {  	_ =	swait.ge [sflag:s10], $0x6400  }
0x11: {  	[sflag:s10] =	ssyncset.done $0x0  }
0x12: {  	[sflag:s10] =	ssyncadd.s32 $0xFFFF9C00  }
0x13: {  	v16 =	vld [tilespmem:$0x0]  }
0x14: {  	v17 =	vld [tilespmem:$0x10]  }
0x15: {  	v18 =	vld [tilespmem:$0x20]  }
0x16: {  	v19 =	vld [tilespmem:$0x30]  }
0x17: {  	v20 =	vld [tilespmem:$0x40]  }
0x18: {  	v21 =	vld [tilespmem:$0x50];
	v16 =	vshrl.u32 v16, $0x2  }
0x19: {  	[tilespmem:$0x10400] =	vst v16;
	v16 =	vshrl.u32 v17, $0x2;
	v17 =	vld [tilespmem:$0x60]  }
0x1a: {  	v58 =	vld [tilespmem:$0x70];
	[tilespmem:$0x10410] =	vst v16;
	v16 =	vshrl.u32 v18, $0x2  }
0x1b: {  	[tilespmem:$0x10420] =	vst v16;
	v16 =	vshrl.u32 v19, $0x2  }
0x1c: {  	[tilespmem:$0x10430] =	vst v16;
	v16 =	vshrl.u32 v20, $0x2  }
0x1d: {  	[tilespmem:$0x10440] =	vst v16;
	v16 =	vshrl.u32 v21, $0x2  }
0x1e: {  	[tilespmem:$0x10450] =	vst v16;
	v16 =	vshrl.u32 v17, $0x2  }
0x1f: {  	[tilespmem:$0x10460] =	vst v16;
	v16 =	vshrl.u32 v58, $0x2  }
0x20: {  	[tilespmem:$0x10470] =	vst v16  }
0x21: {  	[tilespmem:s13], [sflag:$0x1] =	stream.indirect.gather [hbm4b:s5+s11], $0x80, s12, s11, $0xb8;
	[tilespmem:$0x10500] =	vst v63  }
0x22: {  	v16 =	vld [tilespmem:$0x80]  }
0x23: {  	v17 =	vld [tilespmem:$0x90]  }
0x24: {  	v59 =	vld [tilespmem:$0xA0]  }
0x25: {  	v60 =	vld [tilespmem:$0xB0]  }
0x26: {  	v61 =	vld [tilespmem:$0xC0]  }
0x27: {  	v62 =	vld [tilespmem:$0xD0];
	v16 =	vshrl.u32 v16, $0x2  }
0x28: {  	[tilespmem:$0x10480] =	vst v16;
	v16 =	vshrl.u32 v17, $0x2;
	v17 =	vld [tilespmem:$0xE0]  }
0x29: {  	v63 =	vld [tilespmem:$0xF0];
	[tilespmem:$0x10490] =	vst v16;
	v16 =	vshrl.u32 v59, $0x2  }
0x2a: {  	[tilespmem:$0x104A0] =	vst v16;
	v16 =	vshrl.u32 v60, $0x2  }
0x2b: {  	[tilespmem:$0x104B0] =	vst v16;
	v16 =	vshrl.u32 v61, $0x2  }
0x2c: {  	[tilespmem:$0x104C0] =	vst v16;
	v16 =	vshrl.u32 v62, $0x2  }
0x2d: {  	[tilespmem:$0x104D0] =	vst v16;
	v16 =	vshrl.u32 v17, $0x2  }
0x2e: {  	[tilespmem:$0x104E0] =	vst v16;
	v16 =	vshrl.u32 v63, $0x2  }
0x2f: {  	s23 =	simm.s32 $0x0;
	[tilespmem:$0x104F0] =	vst v16  }
0x30: {  	[tilespmem:s15], [sflag:$0x2] =	stream.indirect.gather [hbm4b:s5+s11], $0x80, s14, s11, $0xb8;
	[tilespmem:$0x10500] =	vst v63  }
.LBB2_2:
0x31: {  	_ =	swait.ge [sflag:s16], $0x4000  }
0x32: {  	p1 =	seq.s32 s23, $0x0;
	[sflag:s16] =	ssyncset.done $0x0  }
0x33: {  	s24 =	simm.s32 @!p1 $0x3;
	[sflag:s16] =	ssyncadd.s32 $0xFFFFC000  }
0x34: {  	_ =	swait.ge @!p1 [sflag:s24], $0x1000  }
0x35: {  	s25 =	sshll.u32 s23, $0xA;
	[sflag:s24] =	ssyncset.done @!p1 $0x0  }
0x36: {  	[sflag:s24] =	ssyncadd.s32 @!p1 $0xFFFFF000;
	s24 =	sshra.s32 s25, $0x2  }
0x37: {  	v16 =	vld [tilespmem:s24+$0x0];
	_ =	sdelay $0x4  }
0x38: {  	s31 =	simm.s32 $0x0;
	v16 =	vshll.u32 v16, $0x5  }
0x39: {  	v24 =	vadd.s32 s31, v0;
	v17 =	vld [tilespmem:s24+$0x10];
	v16 =	vand.u32 $0x60, v16  }
0x3a: {  	v25 =	vand.u32 $0xF, v24;
	v16 =	vor.u32 v1, v16  }
0x3b: {  	v18 =	vor.u32 v25, v16;
	_ =	sdelay $0x2  }
0x3c: {  	v17 =	vshll.u32 v17, $0x5  }
0x3d: {  	v26 =	vshll.u32 v25, $0x7;
	v19 =	vld [tilespmem:s24+$0x20];
	v17 =	vand.u32 $0x60, v17  }
0x3e: {  	v21 =	vor.u32 v0, v26;
	v17 =	vor.u32 v2, v17;
	v18 =	vld.idx.msk [tilespmem:v18+s13+$0x0], $0xffff  }
0x3f: {  	v20 =	vld [tilespmem:s24+$0x30];
	v23 =	vor.u32 v25, v17  }
0x40: {  	v22 =	vld [tilespmem:s24+$0x40]  }
0x41: {  	v27 =	vld [tilespmem:s24+$0x50]  }
0x42: {  	v28 =	vld [tilespmem:s24+$0x60];
	v19 =	vshll.u32 v19, $0x5  }
0x43: {  	v29 =	vld [tilespmem:s24+$0x70];
	v19 =	vand.u32 $0x60, v19;
	[tilespmem:v21+s17+$0x0] =	vst.idx.msk $0xffff, v18  }
0x44: {  	v18 =	vor.u32 v3, v19;
	v21 =	vor.u32 v9, v26;
	v19 =	vld.idx.msk [tilespmem:v23+s13+$0x0], $0xffff  }
0x45: {  	v23 =	vor.u32 v25, v18;
	_ =	sdelay $0x2  }
0x46: {  	v20 =	vshll.u32 v20, $0x5  }
0x47: {  	v20 =	vand.u32 $0x60, v20;
	[tilespmem:v21+s17+$0x0] =	vst.idx.msk $0xffff, v19  }
0x48: {  	v19 =	vor.u32 v4, v20;
	v21 =	vor.u32 v10, v26;
	v20 =	vld.idx.msk [tilespmem:v23+s13+$0x0], $0xffff  }
0x49: {  	v23 =	vor.u32 v25, v19;
	_ =	sdelay $0x2  }
0x4a: {  	v22 =	vshll.u32 v22, $0x5  }
0x4b: {  	v22 =	vand.u32 $0x60, v22;
	[tilespmem:v21+s17+$0x0] =	vst.idx.msk $0xffff, v20  }
0x4c: {  	v20 =	vor.u32 v5, v22;
	v22 =	vor.u32 v11, v26;
	v21 =	vld.idx.msk [tilespmem:v23+s13+$0x0], $0xffff  }
0x4d: {  	v23 =	vor.u32 v25, v20;
	_ =	sdelay $0x2  }
0x4e: {  	v27 =	vshll.u32 v27, $0x5  }
0x4f: {  	v27 =	vand.u32 $0x60, v27;
	[tilespmem:v22+s17+$0x0] =	vst.idx.msk $0xffff, v21  }
0x50: {  	v21 =	vor.u32 v6, v27;
	v22 =	vld.idx.msk [tilespmem:v23+s13+$0x0], $0xffff;
	v23 =	vor.u32 v12, v26  }
0x51: {  	v27 =	vor.u32 v25, v21;
	_ =	sdelay $0x2  }
0x52: {  	v28 =	vshll.u32 v28, $0x5  }
0x53: {  	v28 =	vand.u32 $0x60, v28;
	[tilespmem:v23+s17+$0x0] =	vst.idx.msk $0xffff, v22  }
0x54: {  	v22 =	vor.u32 v7, v28;
	v23 =	vld.idx.msk [tilespmem:v27+s13+$0x0], $0xffff;
	v27 =	vor.u32 v13, v26  }
0x55: {  	v28 =	vor.u32 v25, v22;
	_ =	sdelay $0x2  }
0x56: {  	v29 =	vshll.u32 v29, $0x5  }
0x57: {  	v29 =	vand.u32 $0x60, v29;
	[tilespmem:v27+s17+$0x0] =	vst.idx.msk $0xffff, v23  }
0x58: {  	v56 =	vor.u32 v14, v26;
	v23 =	vor.u32 v8, v29;
	v27 =	vld.idx.msk [tilespmem:v28+s13+$0x0], $0xffff  }
0x59: {  	v25 =	vor.u32 v25, v23;
	_ =	sdelay $0x3  }
0x5a: {  	[tilespmem:v56+s17+$0x0] =	vst.idx.msk $0xffff, v27  }
0x5b: {  	v24 =	vor.u32 $0x10, v24;
	v26 =	vor.u32 v15, v26;
	v25 =	vld.idx.msk [tilespmem:v25+s13+$0x0], $0xffff  }
0x5c: {  	v27 =	vor.u32 v24, v16;
	_ =	sdelay $0x3  }
0x5d: {  	[tilespmem:v26+s17+$0x0] =	vst.idx.msk $0xffff, v25;
	v25 =	vshll.u32 v24, $0x7  }
0x5e: {  	v26 =	vld.idx.msk [tilespmem:v27+s13+$0x0], $0xffff;
	v27 =	vor.u32 v0, v25  }
0x5f: {  	v57 =	vor.u32 v24, v17;
	_ =	sdelay $0x3  }
0x60: {  	[tilespmem:v27+s17+$0x0] =	vst.idx.msk $0xffff, v26  }
0x61: {  	v27 =	vor.u32 v9, v25;
	v26 =	vld.idx.msk [tilespmem:v57+s13+$0x0], $0xffff  }
0x62: {  	v58 =	vor.u32 v24, v18;
	_ =	sdelay $0x3  }
0x63: {  	[tilespmem:v27+s17+$0x0] =	vst.idx.msk $0xffff, v26  }
0x64: {  	v27 =	vor.u32 v10, v25;
	v26 =	vld.idx.msk [tilespmem:v58+s13+$0x0], $0xffff  }
0x65: {  	v59 =	vor.u32 v24, v19;
	_ =	sdelay $0x3  }
0x66: {  	[tilespmem:v27+s17+$0x0] =	vst.idx.msk $0xffff, v26  }
0x67: {  	v27 =	vor.u32 v11, v25;
	v26 =	vld.idx.msk [tilespmem:v59+s13+$0x0], $0xffff  }
0x68: {  	v60 =	vor.u32 v24, v20;
	_ =	sdelay $0x3  }
0x69: {  	[tilespmem:v27+s17+$0x0] =	vst.idx.msk $0xffff, v26  }
0x6a: {  	v27 =	vor.u32 v12, v25;
	v26 =	vld.idx.msk [tilespmem:v60+s13+$0x0], $0xffff  }
0x6b: {  	v61 =	vor.u32 v24, v21;
	_ =	sdelay $0x3  }
0x6c: {  	[tilespmem:v27+s17+$0x0] =	vst.idx.msk $0xffff, v26  }
0x6d: {  	v27 =	vor.u32 v13, v25;
	v26 =	vld.idx.msk [tilespmem:v61+s13+$0x0], $0xffff  }
0x6e: {  	v62 =	vor.u32 v24, v22;
	_ =	sdelay $0x3  }
0x6f: {  	[tilespmem:v27+s17+$0x0] =	vst.idx.msk $0xffff, v26  }
0x70: {  	v27 =	vor.u32 v14, v25;
	v26 =	vld.idx.msk [tilespmem:v62+s13+$0x0], $0xffff  }
0x71: {  	v63 =	vor.u32 v24, v23;
	_ =	sdelay $0x3  }
0x72: {  	s26 =	simm.s32 $0x1;
	[tilespmem:v27+s17+$0x0] =	vst.idx.msk $0xffff, v26  }
0x73: {  	s25 =	sshll.u32 s23, $0x1;
	v24 =	vadd.s32 s26, v0;
	s26 =	simm.s32 $0x2;
	v26 =	vld.idx.msk [tilespmem:v63+s13+$0x0], $0xffff  }
.LBB2_3:
0x74: {  	p0 =	sne.s32 s26, $0xF;
	v27 =	vand.u32 $0xF, v24;
	v25 =	vor.u32 v15, v25  }
0x75: {  	v28 =	vor.u32 v27, v16;
	_ =	sdelay $0x3  }
0x76: {  	[tilespmem:v25+s17+$0x0] =	vst.idx.msk $0xffff, v26  }
0x77: {  	v26 =	vshll.u32 v27, $0x7;
	v25 =	vld.idx.msk [tilespmem:v28+s13+$0x0], $0xffff  }
0x78: {  	v28 =	vor.u32 v0, v26  }
0x79: {  	v29 =	vor.u32 v27, v17;
	_ =	sdelay $0x3  }
0x7a: {  	[tilespmem:v28+s17+$0x0] =	vst.idx.msk $0xffff, v25  }
0x7b: {  	v25 =	vld.idx.msk [tilespmem:v29+s13+$0x0], $0xffff  }
0x7c: {  	v28 =	vor.u32 v9, v26  }
0x7d: {  	v29 =	vor.u32 v27, v18;
	_ =	sdelay $0x3  }
0x7e: {  	[tilespmem:v28+s17+$0x0] =	vst.idx.msk $0xffff, v25  }
0x7f: {  	v25 =	vld.idx.msk [tilespmem:v29+s13+$0x0], $0xffff  }
0x80: {  	v28 =	vor.u32 v10, v26  }
0x81: {  	v29 =	vor.u32 v27, v19;
	_ =	sdelay $0x3  }
0x82: {  	[tilespmem:v28+s17+$0x0] =	vst.idx.msk $0xffff, v25  }
0x83: {  	v25 =	vld.idx.msk [tilespmem:v29+s13+$0x0], $0xffff  }
0x84: {  	v28 =	vor.u32 v11, v26  }
0x85: {  	v29 =	vor.u32 v27, v20;
	_ =	sdelay $0x3  }
0x86: {  	[tilespmem:v28+s17+$0x0] =	vst.idx.msk $0xffff, v25  }
0x87: {  	v25 =	vld.idx.msk [tilespmem:v29+s13+$0x0], $0xffff  }
0x88: {  	v28 =	vor.u32 v12, v26  }
0x89: {  	v29 =	vor.u32 v27, v21;
	_ =	sdelay $0x3  }
0x8a: {  	[tilespmem:v28+s17+$0x0] =	vst.idx.msk $0xffff, v25  }
0x8b: {  	v25 =	vld.idx.msk [tilespmem:v29+s13+$0x0], $0xffff  }
0x8c: {  	v28 =	vor.u32 v13, v26  }
0x8d: {  	v29 =	vor.u32 v27, v22;
	_ =	sdelay $0x3  }
0x8e: {  	[tilespmem:v28+s17+$0x0] =	vst.idx.msk $0xffff, v25  }
0x8f: {  	v25 =	vld.idx.msk [tilespmem:v29+s13+$0x0], $0xffff  }
0x90: {  	v28 =	vor.u32 v14, v26  }
0x91: {  	v27 =	vor.u32 v27, v23;
	_ =	sdelay $0x3  }
0x92: {  	[tilespmem:v28+s17+$0x0] =	vst.idx.msk $0xffff, v25  }
0x93: {  	v25 =	vld.idx.msk [tilespmem:v27+s13+$0x0], $0xffff  }
0x94: {  	v24 =	vor.u32 $0x10, v24;
	v26 =	vor.u32 v15, v26  }
0x95: {  	v27 =	vor.u32 v24, v16;
	_ =	sdelay $0x3  }
0x96: {  	[tilespmem:v26+s17+$0x0] =	vst.idx.msk $0xffff, v25  }
0x97: {  	v25 =	vshll.u32 v24, $0x7;
	v26 =	vld.idx.msk [tilespmem:v27+s13+$0x0], $0xffff  }
0x98: {  	v27 =	vor.u32 v0, v25  }
0x99: {  	v28 =	vor.u32 v24, v17;
	_ =	sdelay $0x3  }
0x9a: {  	[tilespmem:v27+s17+$0x0] =	vst.idx.msk $0xffff, v26  }
0x9b: {  	v26 =	vld.idx.msk [tilespmem:v28+s13+$0x0], $0xffff  }
0x9c: {  	v27 =	vor.u32 v9, v25  }
0x9d: {  	v28 =	vor.u32 v24, v18;
	_ =	sdelay $0x3  }
0x9e: {  	[tilespmem:v27+s17+$0x0] =	vst.idx.msk $0xffff, v26  }
0x9f: {  	v26 =	vld.idx.msk [tilespmem:v28+s13+$0x0], $0xffff  }
0xa0: {  	v27 =	vor.u32 v10, v25  }
0xa1: {  	v28 =	vor.u32 v24, v19;
	_ =	sdelay $0x3  }
0xa2: {  	[tilespmem:v27+s17+$0x0] =	vst.idx.msk $0xffff, v26  }
0xa3: {  	v26 =	vld.idx.msk [tilespmem:v28+s13+$0x0], $0xffff  }
0xa4: {  	v27 =	vor.u32 v11, v25  }
0xa5: {  	v28 =	vor.u32 v24, v20;
	_ =	sdelay $0x3  }
0xa6: {  	[tilespmem:v27+s17+$0x0] =	vst.idx.msk $0xffff, v26  }
0xa7: {  	v26 =	vld.idx.msk [tilespmem:v28+s13+$0x0], $0xffff  }
0xa8: {  	v27 =	vor.u32 v12, v25  }
0xa9: {  	v28 =	vor.u32 v24, v21;
	_ =	sdelay $0x3  }
0xaa: {  	[tilespmem:v27+s17+$0x0] =	vst.idx.msk $0xffff, v26  }
0xab: {  	v26 =	vld.idx.msk [tilespmem:v28+s13+$0x0], $0xffff  }
0xac: {  	v27 =	vor.u32 v13, v25  }
0xad: {  	v28 =	vor.u32 v24, v22;
	_ =	sdelay $0x3  }
0xae: {  	[tilespmem:v27+s17+$0x0] =	vst.idx.msk $0xffff, v26  }
0xaf: {  	v26 =	vld.idx.msk [tilespmem:v28+s13+$0x0], $0xffff  }
0xb0: {  	v27 =	vor.u32 v14, v25  }
0xb1: {  	v28 =	vor.u32 v24, v23  }
.Ltmp0:
0xb2: {  	(pc) =	sbr.rel @p0 .LBB2_3-.Ltmp0, $3  }
0xb3: {  	_ =	sdelay $0x1  }
0xb4: {  	[tilespmem:v27+s17+$0x0] =	vst.idx.msk $0xffff, v26  }
0xb5: {  	v24 =	vadd.s32 s26, v0;
	s26 =	sadd.s32 $0x1, s26;
	v26 =	vld.idx.msk [tilespmem:v28+s13+$0x0], $0xffff  }
0xb6: {  	v27 =	vand.u32 $0xF, v24;
	v25 =	vor.u32 v15, v25  }
0xb7: {  	v28 =	vor.u32 v27, v16;
	_ =	sdelay $0x3  }
0xb8: {  	[tilespmem:v25+s17+$0x0] =	vst.idx.msk $0xffff, v26;
	v25 =	vshll.u32 v27, $0x7  }
0xb9: {  	v26 =	vld.idx.msk [tilespmem:v28+s13+$0x0], $0xffff;
	v42 =	vor.u32 v0, v25  }
0xba: {  	v29 =	vor.u32 v27, v17;
	_ =	sdelay $0x3  }
0xbb: {  	[tilespmem:v42+s17+$0x0] =	vst.idx.msk $0xffff, v26  }
0xbc: {  	v43 =	vor.u32 v9, v25;
	v26 =	vld.idx.msk [tilespmem:v29+s13+$0x0], $0xffff  }
0xbd: {  	v44 =	vor.u32 v27, v18;
	_ =	sdelay $0x3  }
0xbe: {  	[tilespmem:v43+s17+$0x0] =	vst.idx.msk $0xffff, v26  }
0xbf: {  	v45 =	vor.u32 v10, v25;
	v26 =	vld.idx.msk [tilespmem:v44+s13+$0x0], $0xffff  }
0xc0: {  	v46 =	vor.u32 v27, v19;
	_ =	sdelay $0x3  }
0xc1: {  	[tilespmem:v45+s17+$0x0] =	vst.idx.msk $0xffff, v26  }
0xc2: {  	v47 =	vor.u32 v11, v25;
	v26 =	vld.idx.msk [tilespmem:v46+s13+$0x0], $0xffff  }
0xc3: {  	v48 =	vor.u32 v27, v20;
	_ =	sdelay $0x3  }
0xc4: {  	[tilespmem:v47+s17+$0x0] =	vst.idx.msk $0xffff, v26  }
0xc5: {  	v49 =	vor.u32 v12, v25;
	v26 =	vld.idx.msk [tilespmem:v48+s13+$0x0], $0xffff  }
0xc6: {  	v50 =	vor.u32 v27, v21;
	_ =	sdelay $0x3  }
0xc7: {  	[tilespmem:v49+s17+$0x0] =	vst.idx.msk $0xffff, v26  }
0xc8: {  	v51 =	vor.u32 v13, v25;
	v26 =	vld.idx.msk [tilespmem:v50+s13+$0x0], $0xffff  }
0xc9: {  	v52 =	vor.u32 v27, v22;
	_ =	sdelay $0x3  }
0xca: {  	[tilespmem:v51+s17+$0x0] =	vst.idx.msk $0xffff, v26  }
0xcb: {  	v53 =	vor.u32 v14, v25;
	v26 =	vld.idx.msk [tilespmem:v52+s13+$0x0], $0xffff  }
0xcc: {  	v27 =	vor.u32 v27, v23;
	_ =	sdelay $0x3  }
0xcd: {  	[tilespmem:v53+s17+$0x0] =	vst.idx.msk $0xffff, v26  }
0xce: {  	v24 =	vor.u32 $0x10, v24;
	v25 =	vor.u32 v15, v25;
	v26 =	vld.idx.msk [tilespmem:v27+s13+$0x0], $0xffff  }
0xcf: {  	v16 =	vor.u32 v24, v16;
	_ =	sdelay $0x3  }
0xd0: {  	[tilespmem:v25+s17+$0x0] =	vst.idx.msk $0xffff, v26;
	v25 =	vshll.u32 v24, $0x7  }
0xd1: {  	v16 =	vld.idx.msk [tilespmem:v16+s13+$0x0], $0xffff;
	v26 =	vor.u32 v0, v25  }
0xd2: {  	v17 =	vor.u32 v24, v17;
	_ =	sdelay $0x3  }
0xd3: {  	[tilespmem:v26+s17+$0x0] =	vst.idx.msk $0xffff, v16  }
0xd4: {  	v16 =	vld.idx.msk [tilespmem:v17+s13+$0x0], $0xffff;
	v17 =	vor.u32 v9, v25  }
0xd5: {  	v18 =	vor.u32 v24, v18;
	_ =	sdelay $0x3  }
0xd6: {  	[tilespmem:v17+s17+$0x0] =	vst.idx.msk $0xffff, v16  }
0xd7: {  	v17 =	vor.u32 v10, v25;
	v16 =	vld.idx.msk [tilespmem:v18+s13+$0x0], $0xffff  }
0xd8: {  	v18 =	vor.u32 v24, v19;
	_ =	sdelay $0x3  }
0xd9: {  	[tilespmem:v17+s17+$0x0] =	vst.idx.msk $0xffff, v16  }
0xda: {  	v17 =	vor.u32 v11, v25;
	v16 =	vld.idx.msk [tilespmem:v18+s13+$0x0], $0xffff  }
0xdb: {  	v18 =	vor.u32 v24, v20;
	_ =	sdelay $0x3  }
0xdc: {  	[tilespmem:v17+s17+$0x0] =	vst.idx.msk $0xffff, v16  }
0xdd: {  	v17 =	vor.u32 v12, v25;
	v16 =	vld.idx.msk [tilespmem:v18+s13+$0x0], $0xffff  }
0xde: {  	v18 =	vor.u32 v24, v21;
	_ =	sdelay $0x3  }
0xdf: {  	[tilespmem:v17+s17+$0x0] =	vst.idx.msk $0xffff, v16  }
0xe0: {  	v17 =	vor.u32 v13, v25;
	v16 =	vld.idx.msk [tilespmem:v18+s13+$0x0], $0xffff  }
0xe1: {  	v18 =	vor.u32 v24, v22;
	_ =	sdelay $0x3  }
0xe2: {  	[tilespmem:v17+s17+$0x0] =	vst.idx.msk $0xffff, v16  }
0xe3: {  	v17 =	vor.u32 v14, v25;
	v16 =	vld.idx.msk [tilespmem:v18+s13+$0x0], $0xffff  }
0xe4: {  	v18 =	vor.u32 v24, v23;
	_ =	sdelay $0x3  }
0xe5: {  	[tilespmem:v17+s17+$0x0] =	vst.idx.msk $0xffff, v16  }
0xe6: {  	v17 =	vor.u32 v15, v25;
	v16 =	vld.idx.msk [tilespmem:v18+s13+$0x0], $0xffff;
	_ =	sdelay $0x4  }
0xe7: {  	p0 =	seq.s32 s23, $0x63;
	[tilespmem:v17+s17+$0x0] =	vst.idx.msk $0xffff, v16  }
0xe8: {  	v16 =	vld @!p0 [tilespmem:s24+$0x100];
	_ =	sdelay $0x4  }
0xe9: {  	v16 =	vshrl.u32 @!p0 v16, $0x2  }
0xea: {  	[tilespmem:$0x10400] =	vst @!p0 v16  }
0xeb: {  	v16 =	vld @!p0 [tilespmem:s24+$0x110];
	_ =	sdelay $0x4  }
0xec: {  	v16 =	vshrl.u32 @!p0 v16, $0x2  }
0xed: {  	[tilespmem:$0x10410] =	vst @!p0 v16  }
0xee: {  	v16 =	vld @!p0 [tilespmem:s24+$0x120];
	_ =	sdelay $0x4  }
0xef: {  	v16 =	vshrl.u32 @!p0 v16, $0x2  }
0xf0: {  	[tilespmem:$0x10420] =	vst @!p0 v16  }
0xf1: {  	v16 =	vld @!p0 [tilespmem:s24+$0x130];
	_ =	sdelay $0x4  }
0xf2: {  	v16 =	vshrl.u32 @!p0 v16, $0x2  }
0xf3: {  	[tilespmem:$0x10430] =	vst @!p0 v16  }
0xf4: {  	v16 =	vld @!p0 [tilespmem:s24+$0x140];
	_ =	sdelay $0x4  }
0xf5: {  	v16 =	vshrl.u32 @!p0 v16, $0x2  }
0xf6: {  	[tilespmem:$0x10440] =	vst @!p0 v16  }
0xf7: {  	v16 =	vld @!p0 [tilespmem:s24+$0x150];
	_ =	sdelay $0x4  }
0xf8: {  	v16 =	vshrl.u32 @!p0 v16, $0x2  }
0xf9: {  	[tilespmem:$0x10450] =	vst @!p0 v16  }
0xfa: {  	v16 =	vld @!p0 [tilespmem:s24+$0x160];
	_ =	sdelay $0x4  }
0xfb: {  	v16 =	vshrl.u32 @!p0 v16, $0x2  }
0xfc: {  	[tilespmem:$0x10460] =	vst @!p0 v16  }
0xfd: {  	v16 =	vld @!p0 [tilespmem:s24+$0x170];
	_ =	sdelay $0x4  }
0xfe: {  	s30 =	sshll.u32 s23, $0x12;
	v16 =	vshrl.u32 @!p0 v16, $0x2  }
0xff: {  	s26 =	simm.s32 @!p0 $0x80;
	s28 =	simm.s32 @!p0 $0x10400;
	s29 =	simm.s32 @!p0 $0x6400;
	[tilespmem:$0x10470] =	vst @!p0 v16  }
0x100: {  	[tilespmem:s29], [sflag:$0x1] =	stream.indirect.gather @!p0 [hbm4b:s5+s26], $0x80, s28, s26, $0xb8;
	[tilespmem:$0x10500] =	vst v63  }
0x101: {  	s26 =	sor.u32 s4, s30  }
0x102: {  	s26 =	sshrl.u32 s26, $0x3  }
0x103: {  	s26 =	sadd.s32 s2, s26  }
0x104: {  	[hbm4b:s26+s8] =	stream.strided.scatter [tilespmem:s17], [sflag:$0x3], $0x1000, s9, s8, $0x38;
	[tilespmem:$0x10500] =	vst v63  }
0x105: {  	_ =	swait.ge [sflag:s18], $0x4000  }
0x106: {  	[sflag:s18] =	ssyncset.done $0x0  }
0x107: {  	s26 =	simm.s32 @!p1 $0x4;
	[sflag:s18] =	ssyncadd.s32 $0xFFFFC000  }
0x108: {  	s25 =	sor.u32 $0x1, s25;
	_ =	swait.ge @!p1 [sflag:s26], $0x1000  }
0x109: {  	s31 =	sshll.u32 s25, $0x7;
	[sflag:s26] =	ssyncset.done @!p1 $0x0  }
0x10a: {  	s29 =	sand.u32 $0x3FFFFF80, s31;
	[sflag:s26] =	ssyncadd.s32 @!p1 $0xFFFFF000  }
0x10b: {  	v16 =	vld [tilespmem:s29+$0x0];
	_ =	sdelay $0x4  }
0x10c: {  	s30 =	simm.s32 $0x0;
	v16 =	vshll.u32 v16, $0x5  }
0x10d: {  	v24 =	vadd.s32 s30, v0;
	v17 =	vld [tilespmem:s29+$0x10];
	v16 =	vand.u32 $0x60, v16  }
0x10e: {  	v25 =	vand.u32 $0xF, v24;
	v16 =	vor.u32 v1, v16  }
0x10f: {  	v18 =	vor.u32 v25, v16;
	_ =	sdelay $0x2  }
0x110: {  	v17 =	vshll.u32 v17, $0x5  }
0x111: {  	v26 =	vshll.u32 v25, $0x7;
	v19 =	vld [tilespmem:s29+$0x20];
	v17 =	vand.u32 $0x60, v17  }
0x112: {  	v21 =	vor.u32 v0, v26;
	v17 =	vor.u32 v2, v17;
	v18 =	vld.idx.msk [tilespmem:v18+s15+$0x0], $0xffff  }
0x113: {  	v20 =	vld [tilespmem:s29+$0x30];
	v23 =	vor.u32 v25, v17  }
0x114: {  	v22 =	vld [tilespmem:s29+$0x40]  }
0x115: {  	v27 =	vld [tilespmem:s29+$0x50]  }
0x116: {  	v54 =	vld [tilespmem:s29+$0x60];
	v19 =	vshll.u32 v19, $0x5  }
0x117: {  	v55 =	vld [tilespmem:s29+$0x70];
	v19 =	vand.u32 $0x60, v19;
	[tilespmem:v21+s19+$0x0] =	vst.idx.msk $0xffff, v18  }
0x118: {  	v18 =	vor.u32 v3, v19;
	v21 =	vor.u32 v9, v26;
	v19 =	vld.idx.msk [tilespmem:v23+s15+$0x0], $0xffff  }
0x119: {  	v23 =	vor.u32 v25, v18;
	_ =	sdelay $0x2  }
0x11a: {  	v20 =	vshll.u32 v20, $0x5  }
0x11b: {  	v20 =	vand.u32 $0x60, v20;
	[tilespmem:v21+s19+$0x0] =	vst.idx.msk $0xffff, v19  }
0x11c: {  	v19 =	vor.u32 v4, v20;
	v21 =	vor.u32 v10, v26;
	v20 =	vld.idx.msk [tilespmem:v23+s15+$0x0], $0xffff  }
0x11d: {  	v23 =	vor.u32 v25, v19;
	_ =	sdelay $0x2  }
0x11e: {  	v22 =	vshll.u32 v22, $0x5  }
0x11f: {  	v22 =	vand.u32 $0x60, v22;
	[tilespmem:v21+s19+$0x0] =	vst.idx.msk $0xffff, v20  }
0x120: {  	v20 =	vor.u32 v5, v22;
	v22 =	vor.u32 v11, v26;
	v21 =	vld.idx.msk [tilespmem:v23+s15+$0x0], $0xffff  }
0x121: {  	v23 =	vor.u32 v25, v20;
	_ =	sdelay $0x2  }
0x122: {  	v27 =	vshll.u32 v27, $0x5  }
0x123: {  	v27 =	vand.u32 $0x60, v27;
	[tilespmem:v22+s19+$0x0] =	vst.idx.msk $0xffff, v21  }
0x124: {  	v21 =	vor.u32 v6, v27;
	v22 =	vld.idx.msk [tilespmem:v23+s15+$0x0], $0xffff;
	v23 =	vor.u32 v12, v26  }
0x125: {  	v27 =	vor.u32 v25, v21;
	_ =	sdelay $0x2  }
0x126: {  	v28 =	vshll.u32 v54, $0x5  }
0x127: {  	v28 =	vand.u32 $0x60, v28;
	[tilespmem:v23+s19+$0x0] =	vst.idx.msk $0xffff, v22  }
0x128: {  	v22 =	vor.u32 v7, v28;
	v23 =	vld.idx.msk [tilespmem:v27+s15+$0x0], $0xffff;
	v27 =	vor.u32 v13, v26  }
0x129: {  	v28 =	vor.u32 v25, v22;
	_ =	sdelay $0x2  }
0x12a: {  	v29 =	vshll.u32 v55, $0x5  }
0x12b: {  	v29 =	vand.u32 $0x60, v29;
	[tilespmem:v27+s19+$0x0] =	vst.idx.msk $0xffff, v23  }
0x12c: {  	v56 =	vor.u32 v14, v26;
	v23 =	vor.u32 v8, v29;
	v27 =	vld.idx.msk [tilespmem:v28+s15+$0x0], $0xffff  }
0x12d: {  	v25 =	vor.u32 v25, v23;
	_ =	sdelay $0x3  }
0x12e: {  	[tilespmem:v56+s19+$0x0] =	vst.idx.msk $0xffff, v27  }
0x12f: {  	v24 =	vor.u32 $0x10, v24;
	v26 =	vor.u32 v15, v26;
	v25 =	vld.idx.msk [tilespmem:v25+s15+$0x0], $0xffff  }
0x130: {  	v27 =	vor.u32 v24, v16;
	_ =	sdelay $0x3  }
0x131: {  	[tilespmem:v26+s19+$0x0] =	vst.idx.msk $0xffff, v25;
	v25 =	vshll.u32 v24, $0x7  }
0x132: {  	v26 =	vld.idx.msk [tilespmem:v27+s15+$0x0], $0xffff;
	v27 =	vor.u32 v0, v25  }
0x133: {  	v57 =	vor.u32 v24, v17;
	_ =	sdelay $0x3  }
0x134: {  	[tilespmem:v27+s19+$0x0] =	vst.idx.msk $0xffff, v26  }
0x135: {  	v27 =	vor.u32 v9, v25;
	v26 =	vld.idx.msk [tilespmem:v57+s15+$0x0], $0xffff  }
0x136: {  	v58 =	vor.u32 v24, v18;
	_ =	sdelay $0x3  }
0x137: {  	[tilespmem:v27+s19+$0x0] =	vst.idx.msk $0xffff, v26  }
0x138: {  	v27 =	vor.u32 v10, v25;
	v26 =	vld.idx.msk [tilespmem:v58+s15+$0x0], $0xffff  }
0x139: {  	v59 =	vor.u32 v24, v19;
	_ =	sdelay $0x3  }
0x13a: {  	[tilespmem:v27+s19+$0x0] =	vst.idx.msk $0xffff, v26  }
0x13b: {  	v27 =	vor.u32 v11, v25;
	v26 =	vld.idx.msk [tilespmem:v59+s15+$0x0], $0xffff  }
0x13c: {  	v60 =	vor.u32 v24, v20;
	_ =	sdelay $0x3  }
0x13d: {  	[tilespmem:v27+s19+$0x0] =	vst.idx.msk $0xffff, v26  }
0x13e: {  	v27 =	vor.u32 v12, v25;
	v26 =	vld.idx.msk [tilespmem:v60+s15+$0x0], $0xffff  }
0x13f: {  	v61 =	vor.u32 v24, v21;
	_ =	sdelay $0x3  }
0x140: {  	[tilespmem:v27+s19+$0x0] =	vst.idx.msk $0xffff, v26  }
0x141: {  	v27 =	vor.u32 v13, v25;
	v26 =	vld.idx.msk [tilespmem:v61+s15+$0x0], $0xffff  }
0x142: {  	v62 =	vor.u32 v24, v22;
	_ =	sdelay $0x3  }
0x143: {  	[tilespmem:v27+s19+$0x0] =	vst.idx.msk $0xffff, v26  }
0x144: {  	v27 =	vor.u32 v14, v25;
	v26 =	vld.idx.msk [tilespmem:v62+s15+$0x0], $0xffff  }
0x145: {  	v63 =	vor.u32 v24, v23;
	_ =	sdelay $0x3  }
0x146: {  	s31 =	simm.s32 $0x1;
	[tilespmem:v27+s19+$0x0] =	vst.idx.msk $0xffff, v26  }
0x147: {  	s26 =	simm.s32 $0x2;
	v24 =	vadd.s32 s31, v0;
	v26 =	vld.idx.msk [tilespmem:v63+s15+$0x0], $0xffff  }
.LBB2_5:
0x148: {  	p1 =	sne.s32 s26, $0xF;
	v27 =	vand.u32 $0xF, v24;
	v25 =	vor.u32 v15, v25  }
0x149: {  	v28 =	vor.u32 v27, v16;
	_ =	sdelay $0x3  }
0x14a: {  	[tilespmem:v25+s19+$0x0] =	vst.idx.msk $0xffff, v26  }
0x14b: {  	v26 =	vshll.u32 v27, $0x7;
	v25 =	vld.idx.msk [tilespmem:v28+s15+$0x0], $0xffff  }
0x14c: {  	v28 =	vor.u32 v0, v26  }
0x14d: {  	v29 =	vor.u32 v27, v17;
	_ =	sdelay $0x3  }
0x14e: {  	[tilespmem:v28+s19+$0x0] =	vst.idx.msk $0xffff, v25  }
0x14f: {  	v25 =	vld.idx.msk [tilespmem:v29+s15+$0x0], $0xffff  }
0x150: {  	v28 =	vor.u32 v9, v26  }
0x151: {  	v29 =	vor.u32 v27, v18;
	_ =	sdelay $0x3  }
0x152: {  	[tilespmem:v28+s19+$0x0] =	vst.idx.msk $0xffff, v25  }
0x153: {  	v25 =	vld.idx.msk [tilespmem:v29+s15+$0x0], $0xffff  }
0x154: {  	v28 =	vor.u32 v10, v26  }
0x155: {  	v29 =	vor.u32 v27, v19;
	_ =	sdelay $0x3  }
0x156: {  	[tilespmem:v28+s19+$0x0] =	vst.idx.msk $0xffff, v25  }
0x157: {  	v25 =	vld.idx.msk [tilespmem:v29+s15+$0x0], $0xffff  }
0x158: {  	v28 =	vor.u32 v11, v26  }
0x159: {  	v29 =	vor.u32 v27, v20;
	_ =	sdelay $0x3  }
0x15a: {  	[tilespmem:v28+s19+$0x0] =	vst.idx.msk $0xffff, v25  }
0x15b: {  	v25 =	vld.idx.msk [tilespmem:v29+s15+$0x0], $0xffff  }
0x15c: {  	v28 =	vor.u32 v12, v26  }
0x15d: {  	v29 =	vor.u32 v27, v21;
	_ =	sdelay $0x3  }
0x15e: {  	[tilespmem:v28+s19+$0x0] =	vst.idx.msk $0xffff, v25  }
0x15f: {  	v25 =	vld.idx.msk [tilespmem:v29+s15+$0x0], $0xffff  }
0x160: {  	v28 =	vor.u32 v13, v26  }
0x161: {  	v29 =	vor.u32 v27, v22;
	_ =	sdelay $0x3  }
0x162: {  	[tilespmem:v28+s19+$0x0] =	vst.idx.msk $0xffff, v25  }
0x163: {  	v25 =	vld.idx.msk [tilespmem:v29+s15+$0x0], $0xffff  }
0x164: {  	v28 =	vor.u32 v14, v26  }
0x165: {  	v27 =	vor.u32 v27, v23;
	_ =	sdelay $0x3  }
0x166: {  	[tilespmem:v28+s19+$0x0] =	vst.idx.msk $0xffff, v25  }
0x167: {  	v25 =	vld.idx.msk [tilespmem:v27+s15+$0x0], $0xffff  }
0x168: {  	v24 =	vor.u32 $0x10, v24;
	v26 =	vor.u32 v15, v26  }
0x169: {  	v27 =	vor.u32 v24, v16;
	_ =	sdelay $0x3  }
0x16a: {  	[tilespmem:v26+s19+$0x0] =	vst.idx.msk $0xffff, v25  }
0x16b: {  	v25 =	vshll.u32 v24, $0x7;
	v26 =	vld.idx.msk [tilespmem:v27+s15+$0x0], $0xffff  }
0x16c: {  	v27 =	vor.u32 v0, v25  }
0x16d: {  	v28 =	vor.u32 v24, v17;
	_ =	sdelay $0x3  }
0x16e: {  	[tilespmem:v27+s19+$0x0] =	vst.idx.msk $0xffff, v26  }
0x16f: {  	v26 =	vld.idx.msk [tilespmem:v28+s15+$0x0], $0xffff  }
0x170: {  	v27 =	vor.u32 v9, v25  }
0x171: {  	v28 =	vor.u32 v24, v18;
	_ =	sdelay $0x3  }
0x172: {  	[tilespmem:v27+s19+$0x0] =	vst.idx.msk $0xffff, v26  }
0x173: {  	v26 =	vld.idx.msk [tilespmem:v28+s15+$0x0], $0xffff  }
0x174: {  	v27 =	vor.u32 v10, v25  }
0x175: {  	v28 =	vor.u32 v24, v19;
	_ =	sdelay $0x3  }
0x176: {  	[tilespmem:v27+s19+$0x0] =	vst.idx.msk $0xffff, v26  }
0x177: {  	v26 =	vld.idx.msk [tilespmem:v28+s15+$0x0], $0xffff  }
0x178: {  	v27 =	vor.u32 v11, v25  }
0x179: {  	v28 =	vor.u32 v24, v20;
	_ =	sdelay $0x3  }
0x17a: {  	[tilespmem:v27+s19+$0x0] =	vst.idx.msk $0xffff, v26  }
0x17b: {  	v26 =	vld.idx.msk [tilespmem:v28+s15+$0x0], $0xffff  }
0x17c: {  	v27 =	vor.u32 v12, v25  }
0x17d: {  	v28 =	vor.u32 v24, v21;
	_ =	sdelay $0x3  }
0x17e: {  	[tilespmem:v27+s19+$0x0] =	vst.idx.msk $0xffff, v26  }
0x17f: {  	v26 =	vld.idx.msk [tilespmem:v28+s15+$0x0], $0xffff  }
0x180: {  	v27 =	vor.u32 v13, v25  }
0x181: {  	v28 =	vor.u32 v24, v22;
	_ =	sdelay $0x3  }
0x182: {  	[tilespmem:v27+s19+$0x0] =	vst.idx.msk $0xffff, v26  }
0x183: {  	v26 =	vld.idx.msk [tilespmem:v28+s15+$0x0], $0xffff  }
0x184: {  	v27 =	vor.u32 v14, v25  }
0x185: {  	v28 =	vor.u32 v24, v23  }
.Ltmp1:
0x186: {  	(pc) =	sbr.rel @p1 .LBB2_5-.Ltmp1, $3  }
0x187: {  	_ =	sdelay $0x1  }
0x188: {  	[tilespmem:v27+s19+$0x0] =	vst.idx.msk $0xffff, v26  }
0x189: {  	v24 =	vadd.s32 s26, v0;
	s26 =	sadd.s32 $0x1, s26;
	v26 =	vld.idx.msk [tilespmem:v28+s15+$0x0], $0xffff  }
0x18a: {  	v27 =	vand.u32 $0xF, v24;
	v25 =	vor.u32 v15, v25  }
0x18b: {  	v28 =	vor.u32 v27, v16;
	_ =	sdelay $0x3  }
0x18c: {  	v42 =	vshll.u32 v27, $0x7;
	[tilespmem:v25+s19+$0x0] =	vst.idx.msk $0xffff, v26  }
0x18d: {  	v43 =	vor.u32 v0, v42;
	v26 =	vld.idx.msk [tilespmem:v28+s15+$0x0], $0xffff  }
0x18e: {  	v29 =	vor.u32 v27, v17;
	_ =	sdelay $0x3  }
0x18f: {  	[tilespmem:v43+s19+$0x0] =	vst.idx.msk $0xffff, v26  }
0x190: {  	v44 =	vor.u32 v9, v42;
	v26 =	vld.idx.msk [tilespmem:v29+s15+$0x0], $0xffff  }
0x191: {  	v45 =	vor.u32 v27, v18;
	_ =	sdelay $0x3  }
0x192: {  	[tilespmem:v44+s19+$0x0] =	vst.idx.msk $0xffff, v26  }
0x193: {  	v46 =	vor.u32 v10, v42;
	v26 =	vld.idx.msk [tilespmem:v45+s15+$0x0], $0xffff  }
0x194: {  	v47 =	vor.u32 v27, v19;
	_ =	sdelay $0x3  }
0x195: {  	[tilespmem:v46+s19+$0x0] =	vst.idx.msk $0xffff, v26  }
0x196: {  	v48 =	vor.u32 v11, v42;
	v26 =	vld.idx.msk [tilespmem:v47+s15+$0x0], $0xffff  }
0x197: {  	v49 =	vor.u32 v27, v20;
	_ =	sdelay $0x3  }
0x198: {  	[tilespmem:v48+s19+$0x0] =	vst.idx.msk $0xffff, v26  }
0x199: {  	v50 =	vor.u32 v12, v42;
	v26 =	vld.idx.msk [tilespmem:v49+s15+$0x0], $0xffff  }
0x19a: {  	v51 =	vor.u32 v27, v21;
	_ =	sdelay $0x3  }
0x19b: {  	[tilespmem:v50+s19+$0x0] =	vst.idx.msk $0xffff, v26  }
0x19c: {  	v52 =	vor.u32 v13, v42;
	v26 =	vld.idx.msk [tilespmem:v51+s15+$0x0], $0xffff  }
0x19d: {  	v53 =	vor.u32 v27, v22;
	_ =	sdelay $0x3  }
0x19e: {  	[tilespmem:v52+s19+$0x0] =	vst.idx.msk $0xffff, v26  }
0x19f: {  	v54 =	vor.u32 v14, v42;
	v26 =	vld.idx.msk [tilespmem:v53+s15+$0x0], $0xffff  }
0x1a0: {  	v27 =	vor.u32 v27, v23;
	_ =	sdelay $0x3  }
0x1a1: {  	[tilespmem:v54+s19+$0x0] =	vst.idx.msk $0xffff, v26  }
0x1a2: {  	v55 =	vor.u32 $0x10, v24;
	v25 =	vor.u32 v15, v42;
	v26 =	vld.idx.msk [tilespmem:v27+s15+$0x0], $0xffff  }
0x1a3: {  	v16 =	vor.u32 v55, v16;
	_ =	sdelay $0x3  }
0x1a4: {  	v56 =	vshll.u32 v55, $0x7;
	[tilespmem:v25+s19+$0x0] =	vst.idx.msk $0xffff, v26  }
0x1a5: {  	v57 =	vor.u32 v0, v56;
	v16 =	vld.idx.msk [tilespmem:v16+s15+$0x0], $0xffff  }
0x1a6: {  	v17 =	vor.u32 v55, v17;
	_ =	sdelay $0x3  }
0x1a7: {  	[tilespmem:v57+s19+$0x0] =	vst.idx.msk $0xffff, v16  }
0x1a8: {  	v16 =	vld.idx.msk [tilespmem:v17+s15+$0x0], $0xffff;
	v17 =	vor.u32 v9, v56  }
0x1a9: {  	v58 =	vor.u32 v55, v18;
	_ =	sdelay $0x3  }
0x1aa: {  	[tilespmem:v17+s19+$0x0] =	vst.idx.msk $0xffff, v16  }
0x1ab: {  	v17 =	vor.u32 v10, v56;
	v16 =	vld.idx.msk [tilespmem:v58+s15+$0x0], $0xffff  }
0x1ac: {  	v59 =	vor.u32 v55, v19;
	_ =	sdelay $0x3  }
0x1ad: {  	[tilespmem:v17+s19+$0x0] =	vst.idx.msk $0xffff, v16  }
0x1ae: {  	v17 =	vor.u32 v11, v56;
	v16 =	vld.idx.msk [tilespmem:v59+s15+$0x0], $0xffff  }
0x1af: {  	v60 =	vor.u32 v55, v20;
	_ =	sdelay $0x3  }
0x1b0: {  	[tilespmem:v17+s19+$0x0] =	vst.idx.msk $0xffff, v16  }
0x1b1: {  	v17 =	vor.u32 v12, v56;
	v16 =	vld.idx.msk [tilespmem:v60+s15+$0x0], $0xffff  }
0x1b2: {  	v61 =	vor.u32 v55, v21;
	_ =	sdelay $0x3  }
0x1b3: {  	[tilespmem:v17+s19+$0x0] =	vst.idx.msk $0xffff, v16  }
0x1b4: {  	v17 =	vor.u32 v13, v56;
	v16 =	vld.idx.msk [tilespmem:v61+s15+$0x0], $0xffff  }
0x1b5: {  	v62 =	vor.u32 v55, v22;
	_ =	sdelay $0x3  }
0x1b6: {  	[tilespmem:v17+s19+$0x0] =	vst.idx.msk $0xffff, v16  }
0x1b7: {  	v17 =	vor.u32 v14, v56;
	v16 =	vld.idx.msk [tilespmem:v62+s15+$0x0], $0xffff  }
0x1b8: {  	v63 =	vor.u32 v55, v23;
	_ =	sdelay $0x3  }
0x1b9: {  	[tilespmem:v17+s19+$0x0] =	vst.idx.msk $0xffff, v16  }
0x1ba: {  	v17 =	vor.u32 v15, v56;
	v16 =	vld.idx.msk [tilespmem:v63+s15+$0x0], $0xffff;
	_ =	sdelay $0x4  }
0x1bb: {  	[tilespmem:v17+s19+$0x0] =	vst.idx.msk $0xffff, v16  }
0x1bc: {  	v16 =	vld @!p0 [tilespmem:s24+$0x180];
	_ =	sdelay $0x4  }
0x1bd: {  	v16 =	vshrl.u32 @!p0 v16, $0x2  }
0x1be: {  	[tilespmem:$0x10480] =	vst @!p0 v16  }
0x1bf: {  	v16 =	vld @!p0 [tilespmem:s24+$0x190];
	_ =	sdelay $0x4  }
0x1c0: {  	v16 =	vshrl.u32 @!p0 v16, $0x2  }
0x1c1: {  	[tilespmem:$0x10490] =	vst @!p0 v16  }
0x1c2: {  	v16 =	vld @!p0 [tilespmem:s24+$0x1A0];
	_ =	sdelay $0x4  }
0x1c3: {  	v16 =	vshrl.u32 @!p0 v16, $0x2  }
0x1c4: {  	[tilespmem:$0x104A0] =	vst @!p0 v16  }
0x1c5: {  	v16 =	vld @!p0 [tilespmem:s24+$0x1B0];
	_ =	sdelay $0x4  }
0x1c6: {  	v16 =	vshrl.u32 @!p0 v16, $0x2  }
0x1c7: {  	[tilespmem:$0x104B0] =	vst @!p0 v16  }
0x1c8: {  	v16 =	vld @!p0 [tilespmem:s24+$0x1C0];
	_ =	sdelay $0x4  }
0x1c9: {  	v16 =	vshrl.u32 @!p0 v16, $0x2  }
0x1ca: {  	[tilespmem:$0x104C0] =	vst @!p0 v16  }
0x1cb: {  	v16 =	vld @!p0 [tilespmem:s24+$0x1D0];
	_ =	sdelay $0x4  }
0x1cc: {  	v16 =	vshrl.u32 @!p0 v16, $0x2  }
0x1cd: {  	[tilespmem:$0x104D0] =	vst @!p0 v16  }
0x1ce: {  	v16 =	vld @!p0 [tilespmem:s24+$0x1E0];
	_ =	sdelay $0x4  }
0x1cf: {  	v16 =	vshrl.u32 @!p0 v16, $0x2  }
0x1d0: {  	[tilespmem:$0x104E0] =	vst @!p0 v16  }
0x1d1: {  	v16 =	vld @!p0 [tilespmem:s24+$0x1F0];
	_ =	sdelay $0x4  }
0x1d2: {  	s26 =	simm.s32 @!p0 $0x10480;
	v16 =	vshrl.u32 @!p0 v16, $0x2  }
0x1d3: {  	s28 =	simm.s32 @!p0 $0xA400;
	s23 =	sadd.s32 $0x1, s23;
	s24 =	simm.s32 @!p0 $0x80;
	[tilespmem:$0x104F0] =	vst @!p0 v16  }
0x1d4: {  	[tilespmem:s28], [sflag:$0x2] =	stream.indirect.gather @!p0 [hbm4b:s5+s24], $0x80, s26, s24, $0xb8;
	[tilespmem:$0x10500] =	vst v63  }
0x1d5: {  	p0 =	sne.s32 s23, $0x64  }
.Ltmp2:
0x1d6: {  	s31 =	sshll.u32 s25, $0x11;
	(pc) =	sbr.rel @p0 .LBB2_2-.Ltmp2, $4  }
0x1d7: {  	s24 =	sor.u32 s4, s31  }
0x1d8: {  	s24 =	sshrl.u32 s24, $0x3  }
0x1d9: {  	s24 =	sadd.s32 s2, s24  }
0x1da: {  	[hbm4b:s24+s8] =	stream.strided.scatter [tilespmem:s19], [sflag:$0x4], $0x1000, s9, s8, $0x38;
	[tilespmem:$0x10500] =	vst v63  }
0x1db: {  	s22 =	sadd.s32 $0x1, s22  }
0x1dc: {  	_ =	swait.ge [sflag:s20], $0x1000;
	p0 =	sne.s32 s22, s7  }
.Ltmp3:
0x1dd: {  	[sflag:s20] =	ssyncset.done $0x0;
	(pc) =	sbr.rel @p0 .LBB2_1-.Ltmp3, $4  }
0x1de: {  	[sflag:s20] =	ssyncadd.s32 $0xFFFFF000  }
0x1df: {  	_ =	swait.ge [sflag:s21], $0x1000  }
0x1e0: {  	[sflag:s21] =	ssyncset.done $0x0  }
0x1e1: {  	[sflag:s21] =	ssyncadd.s32 $0xFFFFF000  }
0x1e2: {  	_ =	sfence.sel $0x180000  }
0x1e3: {  	[bflag:$0x0] =	sbarrier.arrive $0xFFFF  }
0x1e4: {  	p0 =	sne.s32 s1, $0x0;
	_ =	strace $0x9000004A  }
0x1e5: {  	s0 =	sadd.s32 @!p0 $0x100000, s0;
	[bflag:$0x2] =	sbarrier.arrive $0xFFFF  }
0x1e6: {  	[sflag:s0] =	ssyncadd.tile.s32 @!p0 $0x1;
	_ =	shalt  }
.Lfunc_end2:
_tile_overlayer_lowered:
.L_overlay_start_2:
0x1e7: {  	(tag) =	ssettag $0x2  }
0x1e8: {  	s0 =	rddreg [dreg:$0x0];
	s2 =	stileid.u32  }
0x1e9: {  	s1 =	rddreg [dreg:$0x1];
	p0 =	sne.s32 s2, $0x0  }
0x1ea: {  	s3 =	rddreg [dreg:$0x2];
	[bflag:$0x3] =	sbarrier.arrive $0xFFFF;
	s2 =	simm.s32 @!p0 $0x1C05  }
0x1eb: {  	[timem:s3], [sflag:s2] =	dma.local @!p0 [hbm:s0], s1  }
0x1ec: {  	s0 =	simm.s32 @!p0 $0x5  }
0x1ed: {  	_ =	swait.ge @!p0 [sflag:s0], s1  }
0x1ee: {  	s1 =	ssub.s32 @!p0 $0x0, s1;
	[sflag:s0] =	ssyncset.done @!p0 $0x0  }
0x1ef: {  	[sflag:s0] =	ssyncadd.s32 @!p0 s1  }
0x1f0: {  	[bflag:$0x3] =	sbarrier.arrive $0xFFFF  }
0x1f1: {  	_ =	shalt  }

</sc_bundles>
